<compile_context>
chip_gen: v7x
topology: tpu7x:2x2x1
jax: 0.10.2.dev20260603
libtpu: 0.0.44.dev20260713+nightly
codegen_flags: <defaults>
</compile_context>

<pallas_src>
import jax
import jax.numpy as jnp
from jax import lax
from jax.experimental import pallas as pl
from jax.experimental.pallas import tpu as pltpu
from jax.experimental.pallas import tpu_sc as plsc

VOCAB = 1000000
EMBED = 64
CTX = 20
NLAB = 5
BATCH = 4096

NC = 2
NS = 16
NW = NC * NS
ROWS_PER_W = BATCH // NW
R = 4
NCHUNK = ROWS_PER_W // R
CL = CTX * NLAB
LANES = 16
NK = EMBED // LANES


def _rsqrt_newton(d):
    i = lax.bitcast_convert_type(d, jnp.int32)
    i = jnp.int32(0x5F3759DF) - lax.shift_right_arithmetic(i, 1)
    y = lax.bitcast_convert_type(i, jnp.float32)
    for _ in range(3):
        y = y * (jnp.float32(1.5) - jnp.float32(0.5) * d * y * y)
    return y


def _sc_kernel(w_hbm, b2_hbm, c2_hbm, nb2_hbm, nc2_hbm, wb_hbm, out_hbm,
               idx_b0, idx_nb0, idx_c0, idx_nc0,
               idx_b1, idx_nb1, idx_c1, idx_nc1,
               buf_b0, buf_nb0, buf_c0, buf_nc0,
               buf_b1, buf_nb1, buf_c1, buf_nc1,
               wb_v, out_v, semi0, semi1, semd0, semd1):
    wid = lax.axis_index("s") * NC + lax.axis_index("c")
    wbase = wid * ROWS_PER_W

    pltpu.sync_copy(wb_hbm, wb_v)

    sets = (
        (idx_b0, idx_nb0, idx_c0, idx_nc0, buf_b0, buf_nb0, buf_c0, buf_nc0,
         semi0, semd0),
        (idx_b1, idx_nb1, idx_c1, idx_nc1, buf_b1, buf_nb1, buf_c1, buf_nc1,
         semi1, semd1),
    )

    def idx_copies(p, ch):
        ib, inb, ic, inc, _, _, _, _, semi, _ = sets[p]
        base = wbase + ch * R
        return [
            (b2_hbm.at[pl.ds(base, R)], ib, semi),
            (nb2_hbm.at[pl.ds(base, R)], inb, semi),
            (c2_hbm.at[pl.ds(base, R)], ic, semi),
            (nc2_hbm.at[pl.ds(base, R)], inc, semi),
        ]

    def data_copies(p):
        ib, inb, ic, inc, bb, bnb, bc, bnc, _, semd = sets[p]
        out = []
        for r in range(R):
            out.append((w_hbm.at[ic.at[r]], bc.at[pl.ds(r * CL, CL)], semd))
            out.append((w_hbm.at[inc.at[r]], bnc.at[pl.ds(r * CL, CL)], semd))
            out.append((w_hbm.at[ib.at[r]], bb.at[pl.ds(r * NLAB, NLAB)], semd))
            out.append((w_hbm.at[inb.at[r]], bnb.at[pl.ds(r * NLAB, NLAB)], semd))
        return out

    def stage(p, ch):
        for s, d, sem in idx_copies(p, ch):
            pltpu.async_copy(s, d, sem)

    def fire(p, ch):
        for s, d, sem in idx_copies(p, ch):
            pltpu.make_async_copy(s, d, sem).wait()
        for s, d, sem in data_copies(p):
            pltpu.async_copy(s, d, sem)

    iota = lax.iota(jnp.int32, LANES)
    lane0 = iota == 0
    lane1 = iota == 1
    lane2 = iota == 2
    zeros = jnp.zeros((LANES,), jnp.float32)
    ones = jnp.ones((LANES,), jnp.float32)

    def compute(p, lvec):
        _, _, _, _, bb, bnb, bc, bnc, _, _ = sets[p]
        for s, d, sem in data_copies(p):
            pltpu.make_async_copy(s, d, sem).wait()

        def row_body(r, lvec):
            be = [zeros] * NK
            nbe = [zeros] * NK
            for l in range(NLAB):
                for k in range(NK):
                    be[k] = be[k] + bb[r * NLAB + l, pl.ds(k * LANES, LANES)]
                    nbe[k] = nbe[k] + bnb[r * NLAB + l, pl.ds(k * LANES, LANES)]

            def ctx_body(c, carry):
                acc = list(carry)
                wv = wb_v[c, :]
                row0 = r * CL + c * NLAB
                for k in range(NK):
                    q = bc[row0, pl.ds(k * LANES, LANES)]
                    for l in range(1, NLAB):
                        q = q + bc[row0 + l, pl.ds(k * LANES, LANES)]
                    acc[k] = acc[k] + wv * q
                for k in range(NK):
                    q = bnc[row0, pl.ds(k * LANES, LANES)]
                    for l in range(1, NLAB):
                        q = q + bnc[row0 + l, pl.ds(k * LANES, LANES)]
                    acc[NK + k] = acc[NK + k] + wv * q
                return tuple(acc)

            hs = lax.fori_loop(0, CTX, ctx_body, (zeros,) * (2 * NK))
            h = hs[:NK]
            nh = hs[NK:]

            def dot(a, b):
                v = a[0] * b[0]
                for k in range(1, NK):
                    v = v + a[k] * b[k]
                return jnp.sum(v)

            d_bh = dot(be, h)
            d_nbh = dot(nbe, h)
            d_bnh = dot(be, nh)
            q_b = dot(be, be)
            q_h = dot(h, h)
            q_nb = dot(nbe, nbe)
            q_nh = dot(nh, nh)

            num = jnp.where(lane0, -d_bh,
                            jnp.where(lane1, jnp.float32(0.5) * d_nbh,
                                      jnp.where(lane2, jnp.float32(0.5) * d_bnh,
                                                zeros)))
            den = jnp.where(lane0, q_b * q_h,
                            jnp.where(lane1, q_nb * q_h,
                                      jnp.where(lane2, q_b * q_nh, ones)))
            den = jnp.maximum(den, jnp.float32(1e-30))
            return lvec + num * _rsqrt_newton(den)

        return lax.fori_loop(0, R, row_body, lvec)

    stage(0, 0)
    fire(0, 0)
    stage(1, 1)

    def pipe_body(g, lvec):
        fire(1, 2 * g + 1)
        lvec = compute(0, lvec)

        @pl.when(g < NCHUNK // 2 - 1)
        def _():
            stage(0, 2 * g + 2)
            fire(0, 2 * g + 2)
            stage(1, 2 * g + 3)

        return compute(1, lvec)

    lvec = lax.fori_loop(0, NCHUNK // 2, pipe_body, zeros)
    out_v[...] = lvec * jnp.float32(1.0 / BATCH)
    pltpu.sync_copy(out_v, out_hbm.at[wid])


@jax.jit
def kernel(b, C, nb, nC, W, context_weights):
    c2 = C.reshape(BATCH, CL)
    nc2 = nC.reshape(BATCH, CL)
    wb = jnp.broadcast_to(context_weights[:, None], (CTX, LANES))

    mesh = plsc.VectorSubcoreMesh(core_axis_name="c", subcore_axis_name="s",
                                  num_cores=NC, num_subcores=NS)
    run = pl.kernel(
        _sc_kernel,
        out_type=jax.ShapeDtypeStruct((NW, LANES), jnp.float32),
        mesh=mesh,
        compiler_params=pltpu.CompilerParams(needs_layout_passes=False,
                                             use_tc_tiling_on_sc=False),
        scratch_types=[
            pltpu.VMEM((R, NLAB), jnp.int32),
            pltpu.VMEM((R, NLAB), jnp.int32),
            pltpu.VMEM((R, CL), jnp.int32),
            pltpu.VMEM((R, CL), jnp.int32),
            pltpu.VMEM((R, NLAB), jnp.int32),
            pltpu.VMEM((R, NLAB), jnp.int32),
            pltpu.VMEM((R, CL), jnp.int32),
            pltpu.VMEM((R, CL), jnp.int32),
            pltpu.VMEM((R * NLAB, EMBED), jnp.float32),
            pltpu.VMEM((R * NLAB, EMBED), jnp.float32),
            pltpu.VMEM((R * CL, EMBED), jnp.float32),
            pltpu.VMEM((R * CL, EMBED), jnp.float32),
            pltpu.VMEM((R * NLAB, EMBED), jnp.float32),
            pltpu.VMEM((R * NLAB, EMBED), jnp.float32),
            pltpu.VMEM((R * CL, EMBED), jnp.float32),
            pltpu.VMEM((R * CL, EMBED), jnp.float32),
            pltpu.VMEM((CTX, LANES), jnp.float32),
            pltpu.VMEM((LANES,), jnp.float32),
            pltpu.SemaphoreType.DMA,
            pltpu.SemaphoreType.DMA,
            pltpu.SemaphoreType.DMA,
            pltpu.SemaphoreType.DMA,
        ],
    )
    partials = run(W, b, c2, nb, nc2, wb)
    return jnp.sum(partials)

# --- scband reference (transcript-rebuilt; emitter-appended) ---
"""Pipeline reference for scband-simi-loss-76879914598606 (READ-ONLY COPY).

The authoritative reference and input builder live on the scoring server;
editing this copy changes nothing except your own understanding.
"""

import jax, jax.numpy as jnp
import numpy as np

VOCAB = 1000000
EMBED = 64
CTX = 20
BATCH = 4096
NLAB = 5


def _multilabel_embed(W, idx):
    # tml.MultiLabelEmbedding: gather rows and average over the label axis
    return jnp.take(W, idx, axis=0).mean(axis=-2)


def _cossim(a, b, tol=1e-08):
    # torch.nn.functional.normalize(p=2, dim=1) uses eps=1e-12
    a = a / jnp.maximum(jnp.linalg.norm(a, axis=1, keepdims=True), 1e-12)
    b = b / jnp.maximum(jnp.linalg.norm(b, axis=1, keepdims=True), 1e-12)
    n = jnp.sum(a * b, axis=1)
    da = jnp.sqrt(jnp.sum(a ** 2, axis=1))
    db = jnp.sqrt(jnp.sum(b ** 2, axis=1))
    return n / jnp.maximum(da * db, tol)


def _similarity_score(b, C, context_weights):
    # context_trainable=False -> use context_weights directly (no softmax)
    h = jnp.einsum('c,bce->be', context_weights, C)
    return _cossim(b, h)


def setup_inputs(seed: int = 0) -> dict:
    key = jax.random.key(seed)
    k1, k2, k3, k4, k5 = jax.random.split(key, 5)
    b = jax.random.randint(k1, (BATCH, NLAB), 0, VOCAB, dtype=jnp.int64 if jax.config.jax_enable_x64 else jnp.int32).astype(jnp.int32)
    C = jax.random.randint(k2, (BATCH, CTX, NLAB), 0, VOCAB).astype(jnp.int32)
    nb = jax.random.randint(k3, (BATCH, NLAB), 0, VOCAB).astype(jnp.int32)
    nC = jax.random.randint(k4, (BATCH, CTX, NLAB), 0, VOCAB).astype(jnp.int32)
    W = jax.random.normal(k5, (VOCAB, EMBED), dtype=jnp.float32) * 0.2745960056781769
    context_weights = jnp.full((CTX,), 1.0 / CTX, dtype=jnp.float32)
    return {'b': b, 'C': C, 'nb': nb, 'nC': nC, 'W': W, 'context_weights': context_weights}


def reference(b, C, nb, nC, W, context_weights):
    be = _multilabel_embed(W, b)
    Ce = _multilabel_embed(W, C)
    nbe = _multilabel_embed(W, nb)
    nCe = _multilabel_embed(W, nC)
    po = _similarity_score(be, Ce, context_weights)
    n1 = _similarity_score(nbe, Ce, context_weights)
    n2 = _similarity_score(be, nCe, context_weights)
    loss = (-po + 0.5 * n1 + 0.5 * n2).mean()
    return loss

if __name__ == "__main__":
    import jax
    _d = setup_inputs()
    print(jax.jit(kernel)(*tuple(_d.values())))

</pallas_src>

<mosaic_0001>
#map = affine_map<(d0, d1) -> (0, 0)>
module attributes {stable_mosaic.version = 14 : i64} {
  func.func @_sc_kernel(%arg0: i32, %arg1: i32, %arg2: memref<1000000x64xf32, #tpu.memory_space<hbm>>, %arg3: memref<4096x5xi32, #tpu.memory_space<hbm>>, %arg4: memref<4096x100xi32, #tpu.memory_space<hbm>>, %arg5: memref<4096x5xi32, #tpu.memory_space<hbm>>, %arg6: memref<4096x100xi32, #tpu.memory_space<hbm>>, %arg7: memref<20x16xf32, #tpu.memory_space<hbm>>, %arg8: memref<32x16xf32, #tpu.memory_space<hbm>>, %arg9: memref<4x5xi32, #tpu.memory_space<vmem>>, %arg10: memref<4x5xi32, #tpu.memory_space<vmem>>, %arg11: memref<4x100xi32, #tpu.memory_space<vmem>>, %arg12: memref<4x100xi32, #tpu.memory_space<vmem>>, %arg13: memref<4x5xi32, #tpu.memory_space<vmem>>, %arg14: memref<4x5xi32, #tpu.memory_space<vmem>>, %arg15: memref<4x100xi32, #tpu.memory_space<vmem>>, %arg16: memref<4x100xi32, #tpu.memory_space<vmem>>, %arg17: memref<20x64xf32, #tpu.memory_space<vmem>>, %arg18: memref<20x64xf32, #tpu.memory_space<vmem>>, %arg19: memref<400x64xf32, #tpu.memory_space<vmem>>, %arg20: memref<400x64xf32, #tpu.memory_space<vmem>>, %arg21: memref<20x64xf32, #tpu.memory_space<vmem>>, %arg22: memref<20x64xf32, #tpu.memory_space<vmem>>, %arg23: memref<400x64xf32, #tpu.memory_space<vmem>>, %arg24: memref<400x64xf32, #tpu.memory_space<vmem>>, %arg25: memref<20x16xf32, #tpu.memory_space<vmem>>, %arg26: memref<16xf32, #tpu.memory_space<vmem>>, %arg27: memref<!tpu.dma_semaphore, #tpu.memory_space<semaphore_mem>>, %arg28: memref<!tpu.dma_semaphore, #tpu.memory_space<semaphore_mem>>, %arg29: memref<!tpu.dma_semaphore, #tpu.memory_space<semaphore_mem>>, %arg30: memref<!tpu.dma_semaphore, #tpu.memory_space<semaphore_mem>>) attributes {dimension_semantics = [#tpu.dimension_semantics<core_parallel>, #tpu.dimension_semantics<subcore_parallel>], iteration_bounds = array<i64: 2, 16>, scalar_prefetch = 0 : i64, scratch_operands = 22 : i64, tpu.core_type = #tpu.core_type<sc_vector_subcore>, window_params = [{transform_indices = #map}, {transform_indices = #map}, {transform_indices = #map}, {transform_indices = #map}, {transform_indices = #map}, {transform_indices = #map}, {transform_indices = #map}]} {
    %mul3A = arith.constant 2 : i32
    %mul3A_0 = arith.muli %arg1, %mul3A : i32
    %add3A = arith.addi %mul3A_0, %arg0 : i32
    %mul3A_1 = arith.constant 128 : i32
    %mul3A_2 = arith.muli %add3A, %mul3A_1 : i32
    "tpu.region"() ({
      %run_scoped3A = tpu.sem_alloc : memref<!tpu.dma_semaphore, #tpu.memory_space<semaphore_mem>>
      tpu.enqueue_dma source(%arg7 : memref<20x16xf32, #tpu.memory_space<hbm>>) target(%arg25 : memref<20x16xf32, #tpu.memory_space<vmem>>) target_semaphore(%run_scoped3A : memref<!tpu.dma_semaphore, #tpu.memory_space<semaphore_mem>>)
      tpu.wait_dma2 semaphore(%run_scoped3A : memref<!tpu.dma_semaphore, #tpu.memory_space<semaphore_mem>>) src(%arg7 : memref<20x16xf32, #tpu.memory_space<hbm>>) dst(%arg25 : memref<20x16xf32, #tpu.memory_space<vmem>>)
      tpu.yield
    }) : () -> ()
    %iota3A = tpu.iota {dimensions = array<i32: 0>} : vector<16xi32>
    %eq3A = arith.constant 0 : i32
    %eq3A_3 = vector.broadcast %eq3A : i32 to vector<16xi32>
    %eq3A_4 = arith.cmpi eq, %iota3A, %eq3A_3 : vector<16xi32>
    %eq3A_5 = arith.constant 1 : i32
    %eq3A_6 = vector.broadcast %eq3A_5 : i32 to vector<16xi32>
    %eq3A_7 = arith.cmpi eq, %iota3A, %eq3A_6 : vector<16xi32>
    %eq3A_8 = arith.constant 2 : i32
    %eq3A_9 = vector.broadcast %eq3A_8 : i32 to vector<16xi32>
    %eq3A_10 = arith.cmpi eq, %iota3A, %eq3A_9 : vector<16xi32>
    %broadcast_in_dim3A = arith.constant 0.000000e+00 : f32
    %broadcast_in_dim3A_11 = vector.broadcast %broadcast_in_dim3A : f32 to vector<16xf32>
    %broadcast_in_dim3A_12 = arith.constant 1.000000e+00 : f32
    %broadcast_in_dim3A_13 = vector.broadcast %broadcast_in_dim3A_12 : f32 to vector<16xf32>
    %add3A_14 = arith.constant 0 : i32
    %add3A_15 = arith.addi %mul3A_2, %add3A_14 : i32
    %dma_start3A = arith.constant 0 : i32
    %dma_start3A_16 = tpu.memref_slice %arg3[%add3A_15, %dma_start3A] : memref<4096x5xi32, #tpu.memory_space<hbm>> -> memref<4x5xi32, #tpu.memory_space<hbm>>
    %dma_start3A_17 = arith.constant 0 : i32
    %dma_start3A_18 = tpu.memref_slice %arg3[%add3A_15, %dma_start3A_17] : memref<4096x5xi32, #tpu.memory_space<hbm>> -> memref<4x5xi32, #tpu.memory_space<hbm>>
    tpu.enqueue_dma source(%dma_start3A_18 : memref<4x5xi32, #tpu.memory_space<hbm>>) target(%arg9 : memref<4x5xi32, #tpu.memory_space<vmem>>) target_semaphore(%arg27 : memref<!tpu.dma_semaphore, #tpu.memory_space<semaphore_mem>>)
    %dma_start3A_19 = arith.constant 0 : i32
    %dma_start3A_20 = tpu.memref_slice %arg5[%add3A_15, %dma_start3A_19] : memref<4096x5xi32, #tpu.memory_space<hbm>> -> memref<4x5xi32, #tpu.memory_space<hbm>>
    %dma_start3A_21 = arith.constant 0 : i32
    %dma_start3A_22 = tpu.memref_slice %arg5[%add3A_15, %dma_start3A_21] : memref<4096x5xi32, #tpu.memory_space<hbm>> -> memref<4x5xi32, #tpu.memory_space<hbm>>
    tpu.enqueue_dma source(%dma_start3A_22 : memref<4x5xi32, #tpu.memory_space<hbm>>) target(%arg10 : memref<4x5xi32, #tpu.memory_space<vmem>>) target_semaphore(%arg27 : memref<!tpu.dma_semaphore, #tpu.memory_space<semaphore_mem>>)
    %dma_start3A_23 = arith.constant 0 : i32
    %dma_start3A_24 = tpu.memref_slice %arg4[%add3A_15, %dma_start3A_23] : memref<4096x100xi32, #tpu.memory_space<hbm>> -> memref<4x100xi32, #tpu.memory_space<hbm>>
    %dma_start3A_25 = arith.constant 0 : i32
    %dma_start3A_26 = tpu.memref_slice %arg4[%add3A_15, %dma_start3A_25] : memref<4096x100xi32, #tpu.memory_space<hbm>> -> memref<4x100xi32, #tpu.memory_space<hbm>>
    tpu.enqueue_dma source(%dma_start3A_26 : memref<4x100xi32, #tpu.memory_space<hbm>>) target(%arg11 : memref<4x100xi32, #tpu.memory_space<vmem>>) target_semaphore(%arg27 : memref<!tpu.dma_semaphore, #tpu.memory_space<semaphore_mem>>)
    %dma_start3A_27 = arith.constant 0 : i32
    %dma_start3A_28 = tpu.memref_slice %arg6[%add3A_15, %dma_start3A_27] : memref<4096x100xi32, #tpu.memory_space<hbm>> -> memref<4x100xi32, #tpu.memory_space<hbm>>
    %dma_start3A_29 = arith.constant 0 : i32
    %dma_start3A_30 = tpu.memref_slice %arg6[%add3A_15, %dma_start3A_29] : memref<4096x100xi32, #tpu.memory_space<hbm>> -> memref<4x100xi32, #tpu.memory_space<hbm>>
    tpu.enqueue_dma source(%dma_start3A_30 : memref<4x100xi32, #tpu.memory_space<hbm>>) target(%arg12 : memref<4x100xi32, #tpu.memory_space<vmem>>) target_semaphore(%arg27 : memref<!tpu.dma_semaphore, #tpu.memory_space<semaphore_mem>>)
    %add3A_31 = arith.constant 0 : i32
    %add3A_32 = arith.addi %mul3A_2, %add3A_31 : i32
    %dma_wait3A = arith.constant 0 : i32
    %dma_wait3A_33 = tpu.memref_slice %arg3[%add3A_32, %dma_wait3A] : memref<4096x5xi32, #tpu.memory_space<hbm>> -> memref<4x5xi32, #tpu.memory_space<hbm>>
    %dma_wait3A_34 = arith.constant 0 : i32
    %dma_wait3A_35 = tpu.memref_slice %arg3[%add3A_32, %dma_wait3A_34] : memref<4096x5xi32, #tpu.memory_space<hbm>> -> memref<4x5xi32, #tpu.memory_space<hbm>>
    tpu.wait_dma2 semaphore(%arg27 : memref<!tpu.dma_semaphore, #tpu.memory_space<semaphore_mem>>) src(%dma_wait3A_35 : memref<4x5xi32, #tpu.memory_space<hbm>>) dst(%arg9 : memref<4x5xi32, #tpu.memory_space<vmem>>)
    %dma_wait3A_36 = arith.constant 0 : i32
    %dma_wait3A_37 = tpu.memref_slice %arg5[%add3A_32, %dma_wait3A_36] : memref<4096x5xi32, #tpu.memory_space<hbm>> -> memref<4x5xi32, #tpu.memory_space<hbm>>
    %dma_wait3A_38 = arith.constant 0 : i32
    %dma_wait3A_39 = tpu.memref_slice %arg5[%add3A_32, %dma_wait3A_38] : memref<4096x5xi32, #tpu.memory_space<hbm>> -> memref<4x5xi32, #tpu.memory_space<hbm>>
    tpu.wait_dma2 semaphore(%arg27 : memref<!tpu.dma_semaphore, #tpu.memory_space<semaphore_mem>>) src(%dma_wait3A_39 : memref<4x5xi32, #tpu.memory_space<hbm>>) dst(%arg10 : memref<4x5xi32, #tpu.memory_space<vmem>>)
    %dma_wait3A_40 = arith.constant 0 : i32
    %dma_wait3A_41 = tpu.memref_slice %arg4[%add3A_32, %dma_wait3A_40] : memref<4096x100xi32, #tpu.memory_space<hbm>> -> memref<4x100xi32, #tpu.memory_space<hbm>>
    %dma_wait3A_42 = arith.constant 0 : i32
    %dma_wait3A_43 = tpu.memref_slice %arg4[%add3A_32, %dma_wait3A_42] : memref<4096x100xi32, #tpu.memory_space<hbm>> -> memref<4x100xi32, #tpu.memory_space<hbm>>
    tpu.wait_dma2 semaphore(%arg27 : memref<!tpu.dma_semaphore, #tpu.memory_space<semaphore_mem>>) src(%dma_wait3A_43 : memref<4x100xi32, #tpu.memory_space<hbm>>) dst(%arg11 : memref<4x100xi32, #tpu.memory_space<vmem>>)
    %dma_wait3A_44 = arith.constant 0 : i32
    %dma_wait3A_45 = tpu.memref_slice %arg6[%add3A_32, %dma_wait3A_44] : memref<4096x100xi32, #tpu.memory_space<hbm>> -> memref<4x100xi32, #tpu.memory_space<hbm>>
    %dma_wait3A_46 = arith.constant 0 : i32
    %dma_wait3A_47 = tpu.memref_slice %arg6[%add3A_32, %dma_wait3A_46] : memref<4096x100xi32, #tpu.memory_space<hbm>> -> memref<4x100xi32, #tpu.memory_space<hbm>>
    tpu.wait_dma2 semaphore(%arg27 : memref<!tpu.dma_semaphore, #tpu.memory_space<semaphore_mem>>) src(%dma_wait3A_47 : memref<4x100xi32, #tpu.memory_space<hbm>>) dst(%arg12 : memref<4x100xi32, #tpu.memory_space<vmem>>)
    %dma_start3A_48 = arith.constant 0 : i32
    %dma_start3A_49 = arith.constant 0 : i32
    %dma_start3A_50 = arith.constant 0 : i32
    %dma_start3A_51 = tpu.memref_slice %arg19[%dma_start3A_49, %dma_start3A_50] : memref<400x64xf32, #tpu.memory_space<vmem>> -> memref<100x64xf32, #tpu.memory_space<vmem>>
    %dma_start3A_52 = arith.constant 0 : i32
    %dma_start3A_53 = tpu.memref_slice %arg11[%dma_start3A_48, %dma_start3A_52] : memref<4x100xi32, #tpu.memory_space<vmem>> -> memref<1x100xi32, #tpu.memory_space<vmem>>
    %dma_start3A_54 = tpu.memref_squeeze %dma_start3A_53 : memref<1x100xi32, #tpu.memory_space<vmem>> -> memref<100xi32, #tpu.memory_space<vmem>>
    %dma_start3A_55 = arith.constant 0 : i32
    %dma_start3A_56 = arith.constant 0 : i32
    %dma_start3A_57 = tpu.memref_slice %arg2[%dma_start3A_55, %dma_start3A_56] : memref<1000000x64xf32, #tpu.memory_space<hbm>> -> memref<1000000x64xf32, #tpu.memory_space<hbm>>
    tpu.enqueue_indirect_dma source(%dma_start3A_57 : memref<1000000x64xf32, #tpu.memory_space<hbm>>) target(%dma_start3A_51 : memref<100x64xf32, #tpu.memory_space<vmem>>) offsets(%dma_start3A_54 : memref<100xi32, #tpu.memory_space<vmem>>) semaphore(%arg29 : memref<!tpu.dma_semaphore, #tpu.memory_space<semaphore_mem>>)
    %dma_start3A_58 = arith.constant 0 : i32
    %dma_start3A_59 = arith.constant 0 : i32
    %dma_start3A_60 = arith.constant 0 : i32
    %dma_start3A_61 = tpu.memref_slice %arg20[%dma_start3A_59, %dma_start3A_60] : memref<400x64xf32, #tpu.memory_space<vmem>> -> memref<100x64xf32, #tpu.memory_space<vmem>>
    %dma_start3A_62 = arith.constant 0 : i32
    %dma_start3A_63 = tpu.memref_slice %arg12[%dma_start3A_58, %dma_start3A_62] : memref<4x100xi32, #tpu.memory_space<vmem>> -> memref<1x100xi32, #tpu.memory_space<vmem>>
    %dma_start3A_64 = tpu.memref_squeeze %dma_start3A_63 : memref<1x100xi32, #tpu.memory_space<vmem>> -> memref<100xi32, #tpu.memory_space<vmem>>
    %dma_start3A_65 = arith.constant 0 : i32
    %dma_start3A_66 = arith.constant 0 : i32
    %dma_start3A_67 = tpu.memref_slice %arg2[%dma_start3A_65, %dma_start3A_66] : memref<1000000x64xf32, #tpu.memory_space<hbm>> -> memref<1000000x64xf32, #tpu.memory_space<hbm>>
    tpu.enqueue_indirect_dma source(%dma_start3A_67 : memref<1000000x64xf32, #tpu.memory_space<hbm>>) target(%dma_start3A_61 : memref<100x64xf32, #tpu.memory_space<vmem>>) offsets(%dma_start3A_64 : memref<100xi32, #tpu.memory_space<vmem>>) semaphore(%arg29 : memref<!tpu.dma_semaphore, #tpu.memory_space<semaphore_mem>>)
    %dma_start3A_68 = arith.constant 0 : i32
    %dma_start3A_69 = arith.constant 0 : i32
    %dma_start3A_70 = arith.constant 0 : i32
    %dma_start3A_71 = tpu.memref_slice %arg17[%dma_start3A_69, %dma_start3A_70] : memref<20x64xf32, #tpu.memory_space<vmem>> -> memref<5x64xf32, #tpu.memory_space<vmem>>
    %dma_start3A_72 = arith.constant 0 : i32
    %dma_start3A_73 = tpu.memref_slice %arg9[%dma_start3A_68, %dma_start3A_72] : memref<4x5xi32, #tpu.memory_space<vmem>> -> memref<1x5xi32, #tpu.memory_space<vmem>>
    %dma_start3A_74 = tpu.memref_squeeze %dma_start3A_73 : memref<1x5xi32, #tpu.memory_space<vmem>> -> memref<5xi32, #tpu.memory_space<vmem>>
    %dma_start3A_75 = arith.constant 0 : i32
    %dma_start3A_76 = arith.constant 0 : i32
    %dma_start3A_77 = tpu.memref_slice %arg2[%dma_start3A_75, %dma_start3A_76] : memref<1000000x64xf32, #tpu.memory_space<hbm>> -> memref<1000000x64xf32, #tpu.memory_space<hbm>>
    tpu.enqueue_indirect_dma source(%dma_start3A_77 : memref<1000000x64xf32, #tpu.memory_space<hbm>>) target(%dma_start3A_71 : memref<5x64xf32, #tpu.memory_space<vmem>>) offsets(%dma_start3A_74 : memref<5xi32, #tpu.memory_space<vmem>>) semaphore(%arg29 : memref<!tpu.dma_semaphore, #tpu.memory_space<semaphore_mem>>)
    %dma_start3A_78 = arith.constant 0 : i32
    %dma_start3A_79 = arith.constant 0 : i32
    %dma_start3A_80 = arith.constant 0 : i32
    %dma_start3A_81 = tpu.memref_slice %arg18[%dma_start3A_79, %dma_start3A_80] : memref<20x64xf32, #tpu.memory_space<vmem>> -> memref<5x64xf32, #tpu.memory_space<vmem>>
    %dma_start3A_82 = arith.constant 0 : i32
    %dma_start3A_83 = tpu.memref_slice %arg10[%dma_start3A_78, %dma_start3A_82] : memref<4x5xi32, #tpu.memory_space<vmem>> -> memref<1x5xi32, #tpu.memory_space<vmem>>
    %dma_start3A_84 = tpu.memref_squeeze %dma_start3A_83 : memref<1x5xi32, #tpu.memory_space<vmem>> -> memref<5xi32, #tpu.memory_space<vmem>>
    %dma_start3A_85 = arith.constant 0 : i32
    %dma_start3A_86 = arith.constant 0 : i32
    %dma_start3A_87 = tpu.memref_slice %arg2[%dma_start3A_85, %dma_start3A_86] : memref<1000000x64xf32, #tpu.memory_space<hbm>> -> memref<1000000x64xf32, #tpu.memory_space<hbm>>
    tpu.enqueue_indirect_dma source(%dma_start3A_87 : memref<1000000x64xf32, #tpu.memory_space<hbm>>) target(%dma_start3A_81 : memref<5x64xf32, #tpu.memory_space<vmem>>) offsets(%dma_start3A_84 : memref<5xi32, #tpu.memory_space<vmem>>) semaphore(%arg29 : memref<!tpu.dma_semaphore, #tpu.memory_space<semaphore_mem>>)
    %dma_start3A_88 = arith.constant 1 : i32
    %dma_start3A_89 = arith.constant 100 : i32
    %dma_start3A_90 = arith.constant 0 : i32
    %dma_start3A_91 = tpu.memref_slice %arg19[%dma_start3A_89, %dma_start3A_90] : memref<400x64xf32, #tpu.memory_space<vmem>> -> memref<100x64xf32, #tpu.memory_space<vmem>>
    %dma_start3A_92 = arith.constant 0 : i32
    %dma_start3A_93 = tpu.memref_slice %arg11[%dma_start3A_88, %dma_start3A_92] : memref<4x100xi32, #tpu.memory_space<vmem>> -> memref<1x100xi32, #tpu.memory_space<vmem>>
    %dma_start3A_94 = tpu.memref_squeeze %dma_start3A_93 : memref<1x100xi32, #tpu.memory_space<vmem>> -> memref<100xi32, #tpu.memory_space<vmem>>
    %dma_start3A_95 = arith.constant 0 : i32
    %dma_start3A_96 = arith.constant 0 : i32
    %dma_start3A_97 = tpu.memref_slice %arg2[%dma_start3A_95, %dma_start3A_96] : memref<1000000x64xf32, #tpu.memory_space<hbm>> -> memref<1000000x64xf32, #tpu.memory_space<hbm>>
    tpu.enqueue_indirect_dma source(%dma_start3A_97 : memref<1000000x64xf32, #tpu.memory_space<hbm>>) target(%dma_start3A_91 : memref<100x64xf32, #tpu.memory_space<vmem>>) offsets(%dma_start3A_94 : memref<100xi32, #tpu.memory_space<vmem>>) semaphore(%arg29 : memref<!tpu.dma_semaphore, #tpu.memory_space<semaphore_mem>>)
    %dma_start3A_98 = arith.constant 1 : i32
    %dma_start3A_99 = arith.constant 100 : i32
    %dma_start3A_100 = arith.constant 0 : i32
    %dma_start3A_101 = tpu.memref_slice %arg20[%dma_start3A_99, %dma_start3A_100] : memref<400x64xf32, #tpu.memory_space<vmem>> -> memref<100x64xf32, #tpu.memory_space<vmem>>
    %dma_start3A_102 = arith.constant 0 : i32
    %dma_start3A_103 = tpu.memref_slice %arg12[%dma_start3A_98, %dma_start3A_102] : memref<4x100xi32, #tpu.memory_space<vmem>> -> memref<1x100xi32, #tpu.memory_space<vmem>>
    %dma_start3A_104 = tpu.memref_squeeze %dma_start3A_103 : memref<1x100xi32, #tpu.memory_space<vmem>> -> memref<100xi32, #tpu.memory_space<vmem>>
    %dma_start3A_105 = arith.constant 0 : i32
    %dma_start3A_106 = arith.constant 0 : i32
    %dma_start3A_107 = tpu.memref_slice %arg2[%dma_start3A_105, %dma_start3A_106] : memref<1000000x64xf32, #tpu.memory_space<hbm>> -> memref<1000000x64xf32, #tpu.memory_space<hbm>>
    tpu.enqueue_indirect_dma source(%dma_start3A_107 : memref<1000000x64xf32, #tpu.memory_space<hbm>>) target(%dma_start3A_101 : memref<100x64xf32, #tpu.memory_space<vmem>>) offsets(%dma_start3A_104 : memref<100xi32, #tpu.memory_space<vmem>>) semaphore(%arg29 : memref<!tpu.dma_semaphore, #tpu.memory_space<semaphore_mem>>)
    %dma_start3A_108 = arith.constant 1 : i32
    %dma_start3A_109 = arith.constant 5 : i32
    %dma_start3A_110 = arith.constant 0 : i32
    %dma_start3A_111 = tpu.memref_slice %arg17[%dma_start3A_109, %dma_start3A_110] : memref<20x64xf32, #tpu.memory_space<vmem>> -> memref<5x64xf32, #tpu.memory_space<vmem>>
    %dma_start3A_112 = arith.constant 0 : i32
    %dma_start3A_113 = tpu.memref_slice %arg9[%dma_start3A_108, %dma_start3A_112] : memref<4x5xi32, #tpu.memory_space<vmem>> -> memref<1x5xi32, #tpu.memory_space<vmem>>
    %dma_start3A_114 = tpu.memref_squeeze %dma_start3A_113 : memref<1x5xi32, #tpu.memory_space<vmem>> -> memref<5xi32, #tpu.memory_space<vmem>>
    %dma_start3A_115 = arith.constant 0 : i32
    %dma_start3A_116 = arith.constant 0 : i32
    %dma_start3A_117 = tpu.memref_slice %arg2[%dma_start3A_115, %dma_start3A_116] : memref<1000000x64xf32, #tpu.memory_space<hbm>> -> memref<1000000x64xf32, #tpu.memory_space<hbm>>
    tpu.enqueue_indirect_dma source(%dma_start3A_117 : memref<1000000x64xf32, #tpu.memory_space<hbm>>) target(%dma_start3A_111 : memref<5x64xf32, #tpu.memory_space<vmem>>) offsets(%dma_start3A_114 : memref<5xi32, #tpu.memory_space<vmem>>) semaphore(%arg29 : memref<!tpu.dma_semaphore, #tpu.memory_space<semaphore_mem>>)
    %dma_start3A_118 = arith.constant 1 : i32
    %dma_start3A_119 = arith.constant 5 : i32
    %dma_start3A_120 = arith.constant 0 : i32
    %dma_start3A_121 = tpu.memref_slice %arg18[%dma_start3A_119, %dma_start3A_120] : memref<20x64xf32, #tpu.memory_space<vmem>> -> memref<5x64xf32, #tpu.memory_space<vmem>>
    %dma_start3A_122 = arith.constant 0 : i32
    %dma_start3A_123 = tpu.memref_slice %arg10[%dma_start3A_118, %dma_start3A_122] : memref<4x5xi32, #tpu.memory_space<vmem>> -> memref<1x5xi32, #tpu.memory_space<vmem>>
    %dma_start3A_124 = tpu.memref_squeeze %dma_start3A_123 : memref<1x5xi32, #tpu.memory_space<vmem>> -> memref<5xi32, #tpu.memory_space<vmem>>
    %dma_start3A_125 = arith.constant 0 : i32
    %dma_start3A_126 = arith.constant 0 : i32
    %dma_start3A_127 = tpu.memref_slice %arg2[%dma_start3A_125, %dma_start3A_126] : memref<1000000x64xf32, #tpu.memory_space<hbm>> -> memref<1000000x64xf32, #tpu.memory_space<hbm>>
    tpu.enqueue_indirect_dma source(%dma_start3A_127 : memref<1000000x64xf32, #tpu.memory_space<hbm>>) target(%dma_start3A_121 : memref<5x64xf32, #tpu.memory_space<vmem>>) offsets(%dma_start3A_124 : memref<5xi32, #tpu.memory_space<vmem>>) semaphore(%arg29 : memref<!tpu.dma_semaphore, #tpu.memory_space<semaphore_mem>>)
    %dma_start3A_128 = arith.constant 2 : i32
    %dma_start3A_129 = arith.constant 200 : i32
    %dma_start3A_130 = arith.constant 0 : i32
    %dma_start3A_131 = tpu.memref_slice %arg19[%dma_start3A_129, %dma_start3A_130] : memref<400x64xf32, #tpu.memory_space<vmem>> -> memref<100x64xf32, #tpu.memory_space<vmem>>
    %dma_start3A_132 = arith.constant 0 : i32
    %dma_start3A_133 = tpu.memref_slice %arg11[%dma_start3A_128, %dma_start3A_132] : memref<4x100xi32, #tpu.memory_space<vmem>> -> memref<1x100xi32, #tpu.memory_space<vmem>>
    %dma_start3A_134 = tpu.memref_squeeze %dma_start3A_133 : memref<1x100xi32, #tpu.memory_space<vmem>> -> memref<100xi32, #tpu.memory_space<vmem>>
    %dma_start3A_135 = arith.constant 0 : i32
    %dma_start3A_136 = arith.constant 0 : i32
    %dma_start3A_137 = tpu.memref_slice %arg2[%dma_start3A_135, %dma_start3A_136] : memref<1000000x64xf32, #tpu.memory_space<hbm>> -> memref<1000000x64xf32, #tpu.memory_space<hbm>>
    tpu.enqueue_indirect_dma source(%dma_start3A_137 : memref<1000000x64xf32, #tpu.memory_space<hbm>>) target(%dma_start3A_131 : memref<100x64xf32, #tpu.memory_space<vmem>>) offsets(%dma_start3A_134 : memref<100xi32, #tpu.memory_space<vmem>>) semaphore(%arg29 : memref<!tpu.dma_semaphore, #tpu.memory_space<semaphore_mem>>)
    %dma_start3A_138 = arith.constant 2 : i32
    %dma_start3A_139 = arith.constant 200 : i32
    %dma_start3A_140 = arith.constant 0 : i32
    %dma_start3A_141 = tpu.memref_slice %arg20[%dma_start3A_139, %dma_start3A_140] : memref<400x64xf32, #tpu.memory_space<vmem>> -> memref<100x64xf32, #tpu.memory_space<vmem>>
    %dma_start3A_142 = arith.constant 0 : i32
    %dma_start3A_143 = tpu.memref_slice %arg12[%dma_start3A_138, %dma_start3A_142] : memref<4x100xi32, #tpu.memory_space<vmem>> -> memref<1x100xi32, #tpu.memory_space<vmem>>
    %dma_start3A_144 = tpu.memref_squeeze %dma_start3A_143 : memref<1x100xi32, #tpu.memory_space<vmem>> -> memref<100xi32, #tpu.memory_space<vmem>>
    %dma_start3A_145 = arith.constant 0 : i32
    %dma_start3A_146 = arith.constant 0 : i32
    %dma_start3A_147 = tpu.memref_slice %arg2[%dma_start3A_145, %dma_start3A_146] : memref<1000000x64xf32, #tpu.memory_space<hbm>> -> memref<1000000x64xf32, #tpu.memory_space<hbm>>
    tpu.enqueue_indirect_dma source(%dma_start3A_147 : memref<1000000x64xf32, #tpu.memory_space<hbm>>) target(%dma_start3A_141 : memref<100x64xf32, #tpu.memory_space<vmem>>) offsets(%dma_start3A_144 : memref<100xi32, #tpu.memory_space<vmem>>) semaphore(%arg29 : memref<!tpu.dma_semaphore, #tpu.memory_space<semaphore_mem>>)
    %dma_start3A_148 = arith.constant 2 : i32
    %dma_start3A_149 = arith.constant 10 : i32
    %dma_start3A_150 = arith.constant 0 : i32
    %dma_start3A_151 = tpu.memref_slice %arg17[%dma_start3A_149, %dma_start3A_150] : memref<20x64xf32, #tpu.memory_space<vmem>> -> memref<5x64xf32, #tpu.memory_space<vmem>>
    %dma_start3A_152 = arith.constant 0 : i32
    %dma_start3A_153 = tpu.memref_slice %arg9[%dma_start3A_148, %dma_start3A_152] : memref<4x5xi32, #tpu.memory_space<vmem>> -> memref<1x5xi32, #tpu.memory_space<vmem>>
    %dma_start3A_154 = tpu.memref_squeeze %dma_start3A_153 : memref<1x5xi32, #tpu.memory_space<vmem>> -> memref<5xi32, #tpu.memory_space<vmem>>
    %dma_start3A_155 = arith.constant 0 : i32
    %dma_start3A_156 = arith.constant 0 : i32
    %dma_start3A_157 = tpu.memref_slice %arg2[%dma_start3A_155, %dma_start3A_156] : memref<1000000x64xf32, #tpu.memory_space<hbm>> -> memref<1000000x64xf32, #tpu.memory_space<hbm>>
    tpu.enqueue_indirect_dma source(%dma_start3A_157 : memref<1000000x64xf32, #tpu.memory_space<hbm>>) target(%dma_start3A_151 : memref<5x64xf32, #tpu.memory_space<vmem>>) offsets(%dma_start3A_154 : memref<5xi32, #tpu.memory_space<vmem>>) semaphore(%arg29 : memref<!tpu.dma_semaphore, #tpu.memory_space<semaphore_mem>>)
    %dma_start3A_158 = arith.constant 2 : i32
    %dma_start3A_159 = arith.constant 10 : i32
    %dma_start3A_160 = arith.constant 0 : i32
    %dma_start3A_161 = tpu.memref_slice %arg18[%dma_start3A_159, %dma_start3A_160] : memref<20x64xf32, #tpu.memory_space<vmem>> -> memref<5x64xf32, #tpu.memory_space<vmem>>
    %dma_start3A_162 = arith.constant 0 : i32
    %dma_start3A_163 = tpu.memref_slice %arg10[%dma_start3A_158, %dma_start3A_162] : memref<4x5xi32, #tpu.memory_space<vmem>> -> memref<1x5xi32, #tpu.memory_space<vmem>>
    %dma_start3A_164 = tpu.memref_squeeze %dma_start3A_163 : memref<1x5xi32, #tpu.memory_space<vmem>> -> memref<5xi32, #tpu.memory_space<vmem>>
    %dma_start3A_165 = arith.constant 0 : i32
    %dma_start3A_166 = arith.constant 0 : i32
    %dma_start3A_167 = tpu.memref_slice %arg2[%dma_start3A_165, %dma_start3A_166] : memref<1000000x64xf32, #tpu.memory_space<hbm>> -> memref<1000000x64xf32, #tpu.memory_space<hbm>>
    tpu.enqueue_indirect_dma source(%dma_start3A_167 : memref<1000000x64xf32, #tpu.memory_space<hbm>>) target(%dma_start3A_161 : memref<5x64xf32, #tpu.memory_space<vmem>>) offsets(%dma_start3A_164 : memref<5xi32, #tpu.memory_space<vmem>>) semaphore(%arg29 : memref<!tpu.dma_semaphore, #tpu.memory_space<semaphore_mem>>)
    %dma_start3A_168 = arith.constant 3 : i32
    %dma_start3A_169 = arith.constant 300 : i32
    %dma_start3A_170 = arith.constant 0 : i32
    %dma_start3A_171 = tpu.memref_slice %arg19[%dma_start3A_169, %dma_start3A_170] : memref<400x64xf32, #tpu.memory_space<vmem>> -> memref<100x64xf32, #tpu.memory_space<vmem>>
    %dma_start3A_172 = arith.constant 0 : i32
    %dma_start3A_173 = tpu.memref_slice %arg11[%dma_start3A_168, %dma_start3A_172] : memref<4x100xi32, #tpu.memory_space<vmem>> -> memref<1x100xi32, #tpu.memory_space<vmem>>
    %dma_start3A_174 = tpu.memref_squeeze %dma_start3A_173 : memref<1x100xi32, #tpu.memory_space<vmem>> -> memref<100xi32, #tpu.memory_space<vmem>>
    %dma_start3A_175 = arith.constant 0 : i32
    %dma_start3A_176 = arith.constant 0 : i32
    %dma_start3A_177 = tpu.memref_slice %arg2[%dma_start3A_175, %dma_start3A_176] : memref<1000000x64xf32, #tpu.memory_space<hbm>> -> memref<1000000x64xf32, #tpu.memory_space<hbm>>
    tpu.enqueue_indirect_dma source(%dma_start3A_177 : memref<1000000x64xf32, #tpu.memory_space<hbm>>) target(%dma_start3A_171 : memref<100x64xf32, #tpu.memory_space<vmem>>) offsets(%dma_start3A_174 : memref<100xi32, #tpu.memory_space<vmem>>) semaphore(%arg29 : memref<!tpu.dma_semaphore, #tpu.memory_space<semaphore_mem>>)
    %dma_start3A_178 = arith.constant 3 : i32
    %dma_start3A_179 = arith.constant 300 : i32
    %dma_start3A_180 = arith.constant 0 : i32
    %dma_start3A_181 = tpu.memref_slice %arg20[%dma_start3A_179, %dma_start3A_180] : memref<400x64xf32, #tpu.memory_space<vmem>> -> memref<100x64xf32, #tpu.memory_space<vmem>>
    %dma_start3A_182 = arith.constant 0 : i32
    %dma_start3A_183 = tpu.memref_slice %arg12[%dma_start3A_178, %dma_start3A_182] : memref<4x100xi32, #tpu.memory_space<vmem>> -> memref<1x100xi32, #tpu.memory_space<vmem>>
    %dma_start3A_184 = tpu.memref_squeeze %dma_start3A_183 : memref<1x100xi32, #tpu.memory_space<vmem>> -> memref<100xi32, #tpu.memory_space<vmem>>
    %dma_start3A_185 = arith.constant 0 : i32
    %dma_start3A_186 = arith.constant 0 : i32
    %dma_start3A_187 = tpu.memref_slice %arg2[%dma_start3A_185, %dma_start3A_186] : memref<1000000x64xf32, #tpu.memory_space<hbm>> -> memref<1000000x64xf32, #tpu.memory_space<hbm>>
    tpu.enqueue_indirect_dma source(%dma_start3A_187 : memref<1000000x64xf32, #tpu.memory_space<hbm>>) target(%dma_start3A_181 : memref<100x64xf32, #tpu.memory_space<vmem>>) offsets(%dma_start3A_184 : memref<100xi32, #tpu.memory_space<vmem>>) semaphore(%arg29 : memref<!tpu.dma_semaphore, #tpu.memory_space<semaphore_mem>>)
    %dma_start3A_188 = arith.constant 3 : i32
    %dma_start3A_189 = arith.constant 15 : i32
    %dma_start3A_190 = arith.constant 0 : i32
    %dma_start3A_191 = tpu.memref_slice %arg17[%dma_start3A_189, %dma_start3A_190] : memref<20x64xf32, #tpu.memory_space<vmem>> -> memref<5x64xf32, #tpu.memory_space<vmem>>
    %dma_start3A_192 = arith.constant 0 : i32
    %dma_start3A_193 = tpu.memref_slice %arg9[%dma_start3A_188, %dma_start3A_192] : memref<4x5xi32, #tpu.memory_space<vmem>> -> memref<1x5xi32, #tpu.memory_space<vmem>>
    %dma_start3A_194 = tpu.memref_squeeze %dma_start3A_193 : memref<1x5xi32, #tpu.memory_space<vmem>> -> memref<5xi32, #tpu.memory_space<vmem>>
    %dma_start3A_195 = arith.constant 0 : i32
    %dma_start3A_196 = arith.constant 0 : i32
    %dma_start3A_197 = tpu.memref_slice %arg2[%dma_start3A_195, %dma_start3A_196] : memref<1000000x64xf32, #tpu.memory_space<hbm>> -> memref<1000000x64xf32, #tpu.memory_space<hbm>>
    tpu.enqueue_indirect_dma source(%dma_start3A_197 : memref<1000000x64xf32, #tpu.memory_space<hbm>>) target(%dma_start3A_191 : memref<5x64xf32, #tpu.memory_space<vmem>>) offsets(%dma_start3A_194 : memref<5xi32, #tpu.memory_space<vmem>>) semaphore(%arg29 : memref<!tpu.dma_semaphore, #tpu.memory_space<semaphore_mem>>)
    %dma_start3A_198 = arith.constant 3 : i32
    %dma_start3A_199 = arith.constant 15 : i32
    %dma_start3A_200 = arith.constant 0 : i32
    %dma_start3A_201 = tpu.memref_slice %arg18[%dma_start3A_199, %dma_start3A_200] : memref<20x64xf32, #tpu.memory_space<vmem>> -> memref<5x64xf32, #tpu.memory_space<vmem>>
    %dma_start3A_202 = arith.constant 0 : i32
    %dma_start3A_203 = tpu.memref_slice %arg10[%dma_start3A_198, %dma_start3A_202] : memref<4x5xi32, #tpu.memory_space<vmem>> -> memref<1x5xi32, #tpu.memory_space<vmem>>
    %dma_start3A_204 = tpu.memref_squeeze %dma_start3A_203 : memref<1x5xi32, #tpu.memory_space<vmem>> -> memref<5xi32, #tpu.memory_space<vmem>>
    %dma_start3A_205 = arith.constant 0 : i32
    %dma_start3A_206 = arith.constant 0 : i32
    %dma_start3A_207 = tpu.memref_slice %arg2[%dma_start3A_205, %dma_start3A_206] : memref<1000000x64xf32, #tpu.memory_space<hbm>> -> memref<1000000x64xf32, #tpu.memory_space<hbm>>
    tpu.enqueue_indirect_dma source(%dma_start3A_207 : memref<1000000x64xf32, #tpu.memory_space<hbm>>) target(%dma_start3A_201 : memref<5x64xf32, #tpu.memory_space<vmem>>) offsets(%dma_start3A_204 : memref<5xi32, #tpu.memory_space<vmem>>) semaphore(%arg29 : memref<!tpu.dma_semaphore, #tpu.memory_space<semaphore_mem>>)
    %add3A_208 = arith.constant 4 : i32
    %add3A_209 = arith.addi %mul3A_2, %add3A_208 : i32
    %dma_start3A_210 = arith.constant 0 : i32
    %dma_start3A_211 = tpu.memref_slice %arg3[%add3A_209, %dma_start3A_210] : memref<4096x5xi32, #tpu.memory_space<hbm>> -> memref<4x5xi32, #tpu.memory_space<hbm>>
    %dma_start3A_212 = arith.constant 0 : i32
    %dma_start3A_213 = tpu.memref_slice %arg3[%add3A_209, %dma_start3A_212] : memref<4096x5xi32, #tpu.memory_space<hbm>> -> memref<4x5xi32, #tpu.memory_space<hbm>>
    tpu.enqueue_dma source(%dma_start3A_213 : memref<4x5xi32, #tpu.memory_space<hbm>>) target(%arg13 : memref<4x5xi32, #tpu.memory_space<vmem>>) target_semaphore(%arg28 : memref<!tpu.dma_semaphore, #tpu.memory_space<semaphore_mem>>)
    %dma_start3A_214 = arith.constant 0 : i32
    %dma_start3A_215 = tpu.memref_slice %arg5[%add3A_209, %dma_start3A_214] : memref<4096x5xi32, #tpu.memory_space<hbm>> -> memref<4x5xi32, #tpu.memory_space<hbm>>
    %dma_start3A_216 = arith.constant 0 : i32
    %dma_start3A_217 = tpu.memref_slice %arg5[%add3A_209, %dma_start3A_216] : memref<4096x5xi32, #tpu.memory_space<hbm>> -> memref<4x5xi32, #tpu.memory_space<hbm>>
    tpu.enqueue_dma source(%dma_start3A_217 : memref<4x5xi32, #tpu.memory_space<hbm>>) target(%arg14 : memref<4x5xi32, #tpu.memory_space<vmem>>) target_semaphore(%arg28 : memref<!tpu.dma_semaphore, #tpu.memory_space<semaphore_mem>>)
    %dma_start3A_218 = arith.constant 0 : i32
    %dma_start3A_219 = tpu.memref_slice %arg4[%add3A_209, %dma_start3A_218] : memref<4096x100xi32, #tpu.memory_space<hbm>> -> memref<4x100xi32, #tpu.memory_space<hbm>>
    %dma_start3A_220 = arith.constant 0 : i32
    %dma_start3A_221 = tpu.memref_slice %arg4[%add3A_209, %dma_start3A_220] : memref<4096x100xi32, #tpu.memory_space<hbm>> -> memref<4x100xi32, #tpu.memory_space<hbm>>
    tpu.enqueue_dma source(%dma_start3A_221 : memref<4x100xi32, #tpu.memory_space<hbm>>) target(%arg15 : memref<4x100xi32, #tpu.memory_space<vmem>>) target_semaphore(%arg28 : memref<!tpu.dma_semaphore, #tpu.memory_space<semaphore_mem>>)
    %dma_start3A_222 = arith.constant 0 : i32
    %dma_start3A_223 = tpu.memref_slice %arg6[%add3A_209, %dma_start3A_222] : memref<4096x100xi32, #tpu.memory_space<hbm>> -> memref<4x100xi32, #tpu.memory_space<hbm>>
    %dma_start3A_224 = arith.constant 0 : i32
    %dma_start3A_225 = tpu.memref_slice %arg6[%add3A_209, %dma_start3A_224] : memref<4096x100xi32, #tpu.memory_space<hbm>> -> memref<4x100xi32, #tpu.memory_space<hbm>>
    tpu.enqueue_dma source(%dma_start3A_225 : memref<4x100xi32, #tpu.memory_space<hbm>>) target(%arg16 : memref<4x100xi32, #tpu.memory_space<vmem>>) target_semaphore(%arg28 : memref<!tpu.dma_semaphore, #tpu.memory_space<semaphore_mem>>)
    %scan3A = arith.constant 0 : i32
    %scan3A_226 = arith.constant 16 : i32
    %scan3A_227 = arith.addi %scan3A, %scan3A_226 : i32
    %scan3A_228 = arith.constant 1 : i32
    %scan3A_229 = scf.for %scan3A_235 = %scan3A to %scan3A_227 step %scan3A_228 iter_args(%scan3A_236 = %broadcast_in_dim3A_11) -> (vector<16xf32>)  : i32 {
      %mul3A_237 = arith.constant 2 : i32
      %mul3A_238 = arith.muli %mul3A_237, %scan3A_235 : i32
      %add3A_239 = arith.constant 1 : i32
      %add3A_240 = arith.addi %mul3A_238, %add3A_239 : i32
      %mul3A_241 = arith.constant 4 : i32
      %mul3A_242 = arith.muli %add3A_240, %mul3A_241 : i32
      %add3A_243 = arith.addi %mul3A_2, %mul3A_242 : i32
      %dma_wait3A_244 = arith.constant 0 : i32
      %dma_wait3A_245 = tpu.memref_slice %arg3[%add3A_243, %dma_wait3A_244] : memref<4096x5xi32, #tpu.memory_space<hbm>> -> memref<4x5xi32, #tpu.memory_space<hbm>>
      %dma_wait3A_246 = arith.constant 0 : i32
      %dma_wait3A_247 = tpu.memref_slice %arg3[%add3A_243, %dma_wait3A_246] : memref<4096x5xi32, #tpu.memory_space<hbm>> -> memref<4x5xi32, #tpu.memory_space<hbm>>
      tpu.wait_dma2 semaphore(%arg28 : memref<!tpu.dma_semaphore, #tpu.memory_space<semaphore_mem>>) src(%dma_wait3A_247 : memref<4x5xi32, #tpu.memory_space<hbm>>) dst(%arg13 : memref<4x5xi32, #tpu.memory_space<vmem>>)
      %dma_wait3A_248 = arith.constant 0 : i32
      %dma_wait3A_249 = tpu.memref_slice %arg5[%add3A_243, %dma_wait3A_248] : memref<4096x5xi32, #tpu.memory_space<hbm>> -> memref<4x5xi32, #tpu.memory_space<hbm>>
      %dma_wait3A_250 = arith.constant 0 : i32
      %dma_wait3A_251 = tpu.memref_slice %arg5[%add3A_243, %dma_wait3A_250] : memref<4096x5xi32, #tpu.memory_space<hbm>> -> memref<4x5xi32, #tpu.memory_space<hbm>>
      tpu.wait_dma2 semaphore(%arg28 : memref<!tpu.dma_semaphore, #tpu.memory_space<semaphore_mem>>) src(%dma_wait3A_251 : memref<4x5xi32, #tpu.memory_space<hbm>>) dst(%arg14 : memref<4x5xi32, #tpu.memory_space<vmem>>)
      %dma_wait3A_252 = arith.constant 0 : i32
      %dma_wait3A_253 = tpu.memref_slice %arg4[%add3A_243, %dma_wait3A_252] : memref<4096x100xi32, #tpu.memory_space<hbm>> -> memref<4x100xi32, #tpu.memory_space<hbm>>
      %dma_wait3A_254 = arith.constant 0 : i32
      %dma_wait3A_255 = tpu.memref_slice %arg4[%add3A_243, %dma_wait3A_254] : memref<4096x100xi32, #tpu.memory_space<hbm>> -> memref<4x100xi32, #tpu.memory_space<hbm>>
      tpu.wait_dma2 semaphore(%arg28 : memref<!tpu.dma_semaphore, #tpu.memory_space<semaphore_mem>>) src(%dma_wait3A_255 : memref<4x100xi32, #tpu.memory_space<hbm>>) dst(%arg15 : memref<4x100xi32, #tpu.memory_space<vmem>>)
      %dma_wait3A_256 = arith.constant 0 : i32
      %dma_wait3A_257 = tpu.memref_slice %arg6[%add3A_243, %dma_wait3A_256] : memref<4096x100xi32, #tpu.memory_space<hbm>> -> memref<4x100xi32, #tpu.memory_space<hbm>>
      %dma_wait3A_258 = arith.constant 0 : i32
      %dma_wait3A_259 = tpu.memref_slice %arg6[%add3A_243, %dma_wait3A_258] : memref<4096x100xi32, #tpu.memory_space<hbm>> -> memref<4x100xi32, #tpu.memory_space<hbm>>
      tpu.wait_dma2 semaphore(%arg28 : memref<!tpu.dma_semaphore, #tpu.memory_space<semaphore_mem>>) src(%dma_wait3A_259 : memref<4x100xi32, #tpu.memory_space<hbm>>) dst(%arg16 : memref<4x100xi32, #tpu.memory_space<vmem>>)
      %dma_start3A_260 = arith.constant 0 : i32
      %dma_start3A_261 = arith.constant 0 : i32
      %dma_start3A_262 = arith.constant 0 : i32
      %dma_start3A_263 = tpu.memref_slice %arg23[%dma_start3A_261, %dma_start3A_262] : memref<400x64xf32, #tpu.memory_space<vmem>> -> memref<100x64xf32, #tpu.memory_space<vmem>>
      %dma_start3A_264 = arith.constant 0 : i32
      %dma_start3A_265 = tpu.memref_slice %arg15[%dma_start3A_260, %dma_start3A_264] : memref<4x100xi32, #tpu.memory_space<vmem>> -> memref<1x100xi32, #tpu.memory_space<vmem>>
      %dma_start3A_266 = tpu.memref_squeeze %dma_start3A_265 : memref<1x100xi32, #tpu.memory_space<vmem>> -> memref<100xi32, #tpu.memory_space<vmem>>
      %dma_start3A_267 = arith.constant 0 : i32
      %dma_start3A_268 = arith.constant 0 : i32
      %dma_start3A_269 = tpu.memref_slice %arg2[%dma_start3A_267, %dma_start3A_268] : memref<1000000x64xf32, #tpu.memory_space<hbm>> -> memref<1000000x64xf32, #tpu.memory_space<hbm>>
      tpu.enqueue_indirect_dma source(%dma_start3A_269 : memref<1000000x64xf32, #tpu.memory_space<hbm>>) target(%dma_start3A_263 : memref<100x64xf32, #tpu.memory_space<vmem>>) offsets(%dma_start3A_266 : memref<100xi32, #tpu.memory_space<vmem>>) semaphore(%arg30 : memref<!tpu.dma_semaphore, #tpu.memory_space<semaphore_mem>>)
      %dma_start3A_270 = arith.constant 0 : i32
      %dma_start3A_271 = arith.constant 0 : i32
      %dma_start3A_272 = arith.constant 0 : i32
      %dma_start3A_273 = tpu.memref_slice %arg24[%dma_start3A_271, %dma_start3A_272] : memref<400x64xf32, #tpu.memory_space<vmem>> -> memref<100x64xf32, #tpu.memory_space<vmem>>
      %dma_start3A_274 = arith.constant 0 : i32
      %dma_start3A_275 = tpu.memref_slice %arg16[%dma_start3A_270, %dma_start3A_274] : memref<4x100xi32, #tpu.memory_space<vmem>> -> memref<1x100xi32, #tpu.memory_space<vmem>>
      %dma_start3A_276 = tpu.memref_squeeze %dma_start3A_275 : memref<1x100xi32, #tpu.memory_space<vmem>> -> memref<100xi32, #tpu.memory_space<vmem>>
      %dma_start3A_277 = arith.constant 0 : i32
      %dma_start3A_278 = arith.constant 0 : i32
      %dma_start3A_279 = tpu.memref_slice %arg2[%dma_start3A_277, %dma_start3A_278] : memref<1000000x64xf32, #tpu.memory_space<hbm>> -> memref<1000000x64xf32, #tpu.memory_space<hbm>>
      tpu.enqueue_indirect_dma source(%dma_start3A_279 : memref<1000000x64xf32, #tpu.memory_space<hbm>>) target(%dma_start3A_273 : memref<100x64xf32, #tpu.memory_space<vmem>>) offsets(%dma_start3A_276 : memref<100xi32, #tpu.memory_space<vmem>>) semaphore(%arg30 : memref<!tpu.dma_semaphore, #tpu.memory_space<semaphore_mem>>)
      %dma_start3A_280 = arith.constant 0 : i32
      %dma_start3A_281 = arith.constant 0 : i32
      %dma_start3A_282 = arith.constant 0 : i32
      %dma_start3A_283 = tpu.memref_slice %arg21[%dma_start3A_281, %dma_start3A_282] : memref<20x64xf32, #tpu.memory_space<vmem>> -> memref<5x64xf32, #tpu.memory_space<vmem>>
      %dma_start3A_284 = arith.constant 0 : i32
      %dma_start3A_285 = tpu.memref_slice %arg13[%dma_start3A_280, %dma_start3A_284] : memref<4x5xi32, #tpu.memory_space<vmem>> -> memref<1x5xi32, #tpu.memory_space<vmem>>
      %dma_start3A_286 = tpu.memref_squeeze %dma_start3A_285 : memref<1x5xi32, #tpu.memory_space<vmem>> -> memref<5xi32, #tpu.memory_space<vmem>>
      %dma_start3A_287 = arith.constant 0 : i32
      %dma_start3A_288 = arith.constant 0 : i32
      %dma_start3A_289 = tpu.memref_slice %arg2[%dma_start3A_287, %dma_start3A_288] : memref<1000000x64xf32, #tpu.memory_space<hbm>> -> memref<1000000x64xf32, #tpu.memory_space<hbm>>
      tpu.enqueue_indirect_dma source(%dma_start3A_289 : memref<1000000x64xf32, #tpu.memory_space<hbm>>) target(%dma_start3A_283 : memref<5x64xf32, #tpu.memory_space<vmem>>) offsets(%dma_start3A_286 : memref<5xi32, #tpu.memory_space<vmem>>) semaphore(%arg30 : memref<!tpu.dma_semaphore, #tpu.memory_space<semaphore_mem>>)
      %dma_start3A_290 = arith.constant 0 : i32
      %dma_start3A_291 = arith.constant 0 : i32
      %dma_start3A_292 = arith.constant 0 : i32
      %dma_start3A_293 = tpu.memref_slice %arg22[%dma_start3A_291, %dma_start3A_292] : memref<20x64xf32, #tpu.memory_space<vmem>> -> memref<5x64xf32, #tpu.memory_space<vmem>>
      %dma_start3A_294 = arith.constant 0 : i32
      %dma_start3A_295 = tpu.memref_slice %arg14[%dma_start3A_290, %dma_start3A_294] : memref<4x5xi32, #tpu.memory_space<vmem>> -> memref<1x5xi32, #tpu.memory_space<vmem>>
      %dma_start3A_296 = tpu.memref_squeeze %dma_start3A_295 : memref<1x5xi32, #tpu.memory_space<vmem>> -> memref<5xi32, #tpu.memory_space<vmem>>
      %dma_start3A_297 = arith.constant 0 : i32
      %dma_start3A_298 = arith.constant 0 : i32
      %dma_start3A_299 = tpu.memref_slice %arg2[%dma_start3A_297, %dma_start3A_298] : memref<1000000x64xf32, #tpu.memory_space<hbm>> -> memref<1000000x64xf32, #tpu.memory_space<hbm>>
      tpu.enqueue_indirect_dma source(%dma_start3A_299 : memref<1000000x64xf32, #tpu.memory_space<hbm>>) target(%dma_start3A_293 : memref<5x64xf32, #tpu.memory_space<vmem>>) offsets(%dma_start3A_296 : memref<5xi32, #tpu.memory_space<vmem>>) semaphore(%arg30 : memref<!tpu.dma_semaphore, #tpu.memory_space<semaphore_mem>>)
      %dma_start3A_300 = arith.constant 1 : i32
      %dma_start3A_301 = arith.constant 100 : i32
      %dma_start3A_302 = arith.constant 0 : i32
      %dma_start3A_303 = tpu.memref_slice %arg23[%dma_start3A_301, %dma_start3A_302] : memref<400x64xf32, #tpu.memory_space<vmem>> -> memref<100x64xf32, #tpu.memory_space<vmem>>
      %dma_start3A_304 = arith.constant 0 : i32
      %dma_start3A_305 = tpu.memref_slice %arg15[%dma_start3A_300, %dma_start3A_304] : memref<4x100xi32, #tpu.memory_space<vmem>> -> memref<1x100xi32, #tpu.memory_space<vmem>>
      %dma_start3A_306 = tpu.memref_squeeze %dma_start3A_305 : memref<1x100xi32, #tpu.memory_space<vmem>> -> memref<100xi32, #tpu.memory_space<vmem>>
      %dma_start3A_307 = arith.constant 0 : i32
      %dma_start3A_308 = arith.constant 0 : i32
      %dma_start3A_309 = tpu.memref_slice %arg2[%dma_start3A_307, %dma_start3A_308] : memref<1000000x64xf32, #tpu.memory_space<hbm>> -> memref<1000000x64xf32, #tpu.memory_space<hbm>>
      tpu.enqueue_indirect_dma source(%dma_start3A_309 : memref<1000000x64xf32, #tpu.memory_space<hbm>>) target(%dma_start3A_303 : memref<100x64xf32, #tpu.memory_space<vmem>>) offsets(%dma_start3A_306 : memref<100xi32, #tpu.memory_space<vmem>>) semaphore(%arg30 : memref<!tpu.dma_semaphore, #tpu.memory_space<semaphore_mem>>)
      %dma_start3A_310 = arith.constant 1 : i32
      %dma_start3A_311 = arith.constant 100 : i32
      %dma_start3A_312 = arith.constant 0 : i32
      %dma_start3A_313 = tpu.memref_slice %arg24[%dma_start3A_311, %dma_start3A_312] : memref<400x64xf32, #tpu.memory_space<vmem>> -> memref<100x64xf32, #tpu.memory_space<vmem>>
      %dma_start3A_314 = arith.constant 0 : i32
      %dma_start3A_315 = tpu.memref_slice %arg16[%dma_start3A_310, %dma_start3A_314] : memref<4x100xi32, #tpu.memory_space<vmem>> -> memref<1x100xi32, #tpu.memory_space<vmem>>
      %dma_start3A_316 = tpu.memref_squeeze %dma_start3A_315 : memref<1x100xi32, #tpu.memory_space<vmem>> -> memref<100xi32, #tpu.memory_space<vmem>>
      %dma_start3A_317 = arith.constant 0 : i32
      %dma_start3A_318 = arith.constant 0 : i32
      %dma_start3A_319 = tpu.memref_slice %arg2[%dma_start3A_317, %dma_start3A_318] : memref<1000000x64xf32, #tpu.memory_space<hbm>> -> memref<1000000x64xf32, #tpu.memory_space<hbm>>
      tpu.enqueue_indirect_dma source(%dma_start3A_319 : memref<1000000x64xf32, #tpu.memory_space<hbm>>) target(%dma_start3A_313 : memref<100x64xf32, #tpu.memory_space<vmem>>) offsets(%dma_start3A_316 : memref<100xi32, #tpu.memory_space<vmem>>) semaphore(%arg30 : memref<!tpu.dma_semaphore, #tpu.memory_space<semaphore_mem>>)
      %dma_start3A_320 = arith.constant 1 : i32
      %dma_start3A_321 = arith.constant 5 : i32
      %dma_start3A_322 = arith.constant 0 : i32
      %dma_start3A_323 = tpu.memref_slice %arg21[%dma_start3A_321, %dma_start3A_322] : memref<20x64xf32, #tpu.memory_space<vmem>> -> memref<5x64xf32, #tpu.memory_space<vmem>>
      %dma_start3A_324 = arith.constant 0 : i32
      %dma_start3A_325 = tpu.memref_slice %arg13[%dma_start3A_320, %dma_start3A_324] : memref<4x5xi32, #tpu.memory_space<vmem>> -> memref<1x5xi32, #tpu.memory_space<vmem>>
      %dma_start3A_326 = tpu.memref_squeeze %dma_start3A_325 : memref<1x5xi32, #tpu.memory_space<vmem>> -> memref<5xi32, #tpu.memory_space<vmem>>
      %dma_start3A_327 = arith.constant 0 : i32
      %dma_start3A_328 = arith.constant 0 : i32
      %dma_start3A_329 = tpu.memref_slice %arg2[%dma_start3A_327, %dma_start3A_328] : memref<1000000x64xf32, #tpu.memory_space<hbm>> -> memref<1000000x64xf32, #tpu.memory_space<hbm>>
      tpu.enqueue_indirect_dma source(%dma_start3A_329 : memref<1000000x64xf32, #tpu.memory_space<hbm>>) target(%dma_start3A_323 : memref<5x64xf32, #tpu.memory_space<vmem>>) offsets(%dma_start3A_326 : memref<5xi32, #tpu.memory_space<vmem>>) semaphore(%arg30 : memref<!tpu.dma_semaphore, #tpu.memory_space<semaphore_mem>>)
      %dma_start3A_330 = arith.constant 1 : i32
      %dma_start3A_331 = arith.constant 5 : i32
      %dma_start3A_332 = arith.constant 0 : i32
      %dma_start3A_333 = tpu.memref_slice %arg22[%dma_start3A_331, %dma_start3A_332] : memref<20x64xf32, #tpu.memory_space<vmem>> -> memref<5x64xf32, #tpu.memory_space<vmem>>
      %dma_start3A_334 = arith.constant 0 : i32
      %dma_start3A_335 = tpu.memref_slice %arg14[%dma_start3A_330, %dma_start3A_334] : memref<4x5xi32, #tpu.memory_space<vmem>> -> memref<1x5xi32, #tpu.memory_space<vmem>>
      %dma_start3A_336 = tpu.memref_squeeze %dma_start3A_335 : memref<1x5xi32, #tpu.memory_space<vmem>> -> memref<5xi32, #tpu.memory_space<vmem>>
      %dma_start3A_337 = arith.constant 0 : i32
      %dma_start3A_338 = arith.constant 0 : i32
      %dma_start3A_339 = tpu.memref_slice %arg2[%dma_start3A_337, %dma_start3A_338] : memref<1000000x64xf32, #tpu.memory_space<hbm>> -> memref<1000000x64xf32, #tpu.memory_space<hbm>>
      tpu.enqueue_indirect_dma source(%dma_start3A_339 : memref<1000000x64xf32, #tpu.memory_space<hbm>>) target(%dma_start3A_333 : memref<5x64xf32, #tpu.memory_space<vmem>>) offsets(%dma_start3A_336 : memref<5xi32, #tpu.memory_space<vmem>>) semaphore(%arg30 : memref<!tpu.dma_semaphore, #tpu.memory_space<semaphore_mem>>)
      %dma_start3A_340 = arith.constant 2 : i32
      %dma_start3A_341 = arith.constant 200 : i32
      %dma_start3A_342 = arith.constant 0 : i32
      %dma_start3A_343 = tpu.memref_slice %arg23[%dma_start3A_341, %dma_start3A_342] : memref<400x64xf32, #tpu.memory_space<vmem>> -> memref<100x64xf32, #tpu.memory_space<vmem>>
      %dma_start3A_344 = arith.constant 0 : i32
      %dma_start3A_345 = tpu.memref_slice %arg15[%dma_start3A_340, %dma_start3A_344] : memref<4x100xi32, #tpu.memory_space<vmem>> -> memref<1x100xi32, #tpu.memory_space<vmem>>
      %dma_start3A_346 = tpu.memref_squeeze %dma_start3A_345 : memref<1x100xi32, #tpu.memory_space<vmem>> -> memref<100xi32, #tpu.memory_space<vmem>>
      %dma_start3A_347 = arith.constant 0 : i32
      %dma_start3A_348 = arith.constant 0 : i32
      %dma_start3A_349 = tpu.memref_slice %arg2[%dma_start3A_347, %dma_start3A_348] : memref<1000000x64xf32, #tpu.memory_space<hbm>> -> memref<1000000x64xf32, #tpu.memory_space<hbm>>
      tpu.enqueue_indirect_dma source(%dma_start3A_349 : memref<1000000x64xf32, #tpu.memory_space<hbm>>) target(%dma_start3A_343 : memref<100x64xf32, #tpu.memory_space<vmem>>) offsets(%dma_start3A_346 : memref<100xi32, #tpu.memory_space<vmem>>) semaphore(%arg30 : memref<!tpu.dma_semaphore, #tpu.memory_space<semaphore_mem>>)
      %dma_start3A_350 = arith.constant 2 : i32
      %dma_start3A_351 = arith.constant 200 : i32
      %dma_start3A_352 = arith.constant 0 : i32
      %dma_start3A_353 = tpu.memref_slice %arg24[%dma_start3A_351, %dma_start3A_352] : memref<400x64xf32, #tpu.memory_space<vmem>> -> memref<100x64xf32, #tpu.memory_space<vmem>>
      %dma_start3A_354 = arith.constant 0 : i32
      %dma_start3A_355 = tpu.memref_slice %arg16[%dma_start3A_350, %dma_start3A_354] : memref<4x100xi32, #tpu.memory_space<vmem>> -> memref<1x100xi32, #tpu.memory_space<vmem>>
      %dma_start3A_356 = tpu.memref_squeeze %dma_start3A_355 : memref<1x100xi32, #tpu.memory_space<vmem>> -> memref<100xi32, #tpu.memory_space<vmem>>
      %dma_start3A_357 = arith.constant 0 : i32
      %dma_start3A_358 = arith.constant 0 : i32
      %dma_start3A_359 = tpu.memref_slice %arg2[%dma_start3A_357, %dma_start3A_358] : memref<1000000x64xf32, #tpu.memory_space<hbm>> -> memref<1000000x64xf32, #tpu.memory_space<hbm>>
      tpu.enqueue_indirect_dma source(%dma_start3A_359 : memref<1000000x64xf32, #tpu.memory_space<hbm>>) target(%dma_start3A_353 : memref<100x64xf32, #tpu.memory_space<vmem>>) offsets(%dma_start3A_356 : memref<100xi32, #tpu.memory_space<vmem>>) semaphore(%arg30 : memref<!tpu.dma_semaphore, #tpu.memory_space<semaphore_mem>>)
      %dma_start3A_360 = arith.constant 2 : i32
      %dma_start3A_361 = arith.constant 10 : i32
      %dma_start3A_362 = arith.constant 0 : i32
      %dma_start3A_363 = tpu.memref_slice %arg21[%dma_start3A_361, %dma_start3A_362] : memref<20x64xf32, #tpu.memory_space<vmem>> -> memref<5x64xf32, #tpu.memory_space<vmem>>
      %dma_start3A_364 = arith.constant 0 : i32
      %dma_start3A_365 = tpu.memref_slice %arg13[%dma_start3A_360, %dma_start3A_364] : memref<4x5xi32, #tpu.memory_space<vmem>> -> memref<1x5xi32, #tpu.memory_space<vmem>>
      %dma_start3A_366 = tpu.memref_squeeze %dma_start3A_365 : memref<1x5xi32, #tpu.memory_space<vmem>> -> memref<5xi32, #tpu.memory_space<vmem>>
      %dma_start3A_367 = arith.constant 0 : i32
      %dma_start3A_368 = arith.constant 0 : i32
      %dma_start3A_369 = tpu.memref_slice %arg2[%dma_start3A_367, %dma_start3A_368] : memref<1000000x64xf32, #tpu.memory_space<hbm>> -> memref<1000000x64xf32, #tpu.memory_space<hbm>>
      tpu.enqueue_indirect_dma source(%dma_start3A_369 : memref<1000000x64xf32, #tpu.memory_space<hbm>>) target(%dma_start3A_363 : memref<5x64xf32, #tpu.memory_space<vmem>>) offsets(%dma_start3A_366 : memref<5xi32, #tpu.memory_space<vmem>>) semaphore(%arg30 : memref<!tpu.dma_semaphore, #tpu.memory_space<semaphore_mem>>)
      %dma_start3A_370 = arith.constant 2 : i32
      %dma_start3A_371 = arith.constant 10 : i32
      %dma_start3A_372 = arith.constant 0 : i32
      %dma_start3A_373 = tpu.memref_slice %arg22[%dma_start3A_371, %dma_start3A_372] : memref<20x64xf32, #tpu.memory_space<vmem>> -> memref<5x64xf32, #tpu.memory_space<vmem>>
      %dma_start3A_374 = arith.constant 0 : i32
      %dma_start3A_375 = tpu.memref_slice %arg14[%dma_start3A_370, %dma_start3A_374] : memref<4x5xi32, #tpu.memory_space<vmem>> -> memref<1x5xi32, #tpu.memory_space<vmem>>
      %dma_start3A_376 = tpu.memref_squeeze %dma_start3A_375 : memref<1x5xi32, #tpu.memory_space<vmem>> -> memref<5xi32, #tpu.memory_space<vmem>>
      %dma_start3A_377 = arith.constant 0 : i32
      %dma_start3A_378 = arith.constant 0 : i32
      %dma_start3A_379 = tpu.memref_slice %arg2[%dma_start3A_377, %dma_start3A_378] : memref<1000000x64xf32, #tpu.memory_space<hbm>> -> memref<1000000x64xf32, #tpu.memory_space<hbm>>
      tpu.enqueue_indirect_dma source(%dma_start3A_379 : memref<1000000x64xf32, #tpu.memory_space<hbm>>) target(%dma_start3A_373 : memref<5x64xf32, #tpu.memory_space<vmem>>) offsets(%dma_start3A_376 : memref<5xi32, #tpu.memory_space<vmem>>) semaphore(%arg30 : memref<!tpu.dma_semaphore, #tpu.memory_space<semaphore_mem>>)
      %dma_start3A_380 = arith.constant 3 : i32
      %dma_start3A_381 = arith.constant 300 : i32
      %dma_start3A_382 = arith.constant 0 : i32
      %dma_start3A_383 = tpu.memref_slice %arg23[%dma_start3A_381, %dma_start3A_382] : memref<400x64xf32, #tpu.memory_space<vmem>> -> memref<100x64xf32, #tpu.memory_space<vmem>>
      %dma_start3A_384 = arith.constant 0 : i32
      %dma_start3A_385 = tpu.memref_slice %arg15[%dma_start3A_380, %dma_start3A_384] : memref<4x100xi32, #tpu.memory_space<vmem>> -> memref<1x100xi32, #tpu.memory_space<vmem>>
      %dma_start3A_386 = tpu.memref_squeeze %dma_start3A_385 : memref<1x100xi32, #tpu.memory_space<vmem>> -> memref<100xi32, #tpu.memory_space<vmem>>
      %dma_start3A_387 = arith.constant 0 : i32
      %dma_start3A_388 = arith.constant 0 : i32
      %dma_start3A_389 = tpu.memref_slice %arg2[%dma_start3A_387, %dma_start3A_388] : memref<1000000x64xf32, #tpu.memory_space<hbm>> -> memref<1000000x64xf32, #tpu.memory_space<hbm>>
      tpu.enqueue_indirect_dma source(%dma_start3A_389 : memref<1000000x64xf32, #tpu.memory_space<hbm>>) target(%dma_start3A_383 : memref<100x64xf32, #tpu.memory_space<vmem>>) offsets(%dma_start3A_386 : memref<100xi32, #tpu.memory_space<vmem>>) semaphore(%arg30 : memref<!tpu.dma_semaphore, #tpu.memory_space<semaphore_mem>>)
      %dma_start3A_390 = arith.constant 3 : i32
      %dma_start3A_391 = arith.constant 300 : i32
      %dma_start3A_392 = arith.constant 0 : i32
      %dma_start3A_393 = tpu.memref_slice %arg24[%dma_start3A_391, %dma_start3A_392] : memref<400x64xf32, #tpu.memory_space<vmem>> -> memref<100x64xf32, #tpu.memory_space<vmem>>
      %dma_start3A_394 = arith.constant 0 : i32
      %dma_start3A_395 = tpu.memref_slice %arg16[%dma_start3A_390, %dma_start3A_394] : memref<4x100xi32, #tpu.memory_space<vmem>> -> memref<1x100xi32, #tpu.memory_space<vmem>>
      %dma_start3A_396 = tpu.memref_squeeze %dma_start3A_395 : memref<1x100xi32, #tpu.memory_space<vmem>> -> memref<100xi32, #tpu.memory_space<vmem>>
      %dma_start3A_397 = arith.constant 0 : i32
      %dma_start3A_398 = arith.constant 0 : i32
      %dma_start3A_399 = tpu.memref_slice %arg2[%dma_start3A_397, %dma_start3A_398] : memref<1000000x64xf32, #tpu.memory_space<hbm>> -> memref<1000000x64xf32, #tpu.memory_space<hbm>>
      tpu.enqueue_indirect_dma source(%dma_start3A_399 : memref<1000000x64xf32, #tpu.memory_space<hbm>>) target(%dma_start3A_393 : memref<100x64xf32, #tpu.memory_space<vmem>>) offsets(%dma_start3A_396 : memref<100xi32, #tpu.memory_space<vmem>>) semaphore(%arg30 : memref<!tpu.dma_semaphore, #tpu.memory_space<semaphore_mem>>)
      %dma_start3A_400 = arith.constant 3 : i32
      %dma_start3A_401 = arith.constant 15 : i32
      %dma_start3A_402 = arith.constant 0 : i32
      %dma_start3A_403 = tpu.memref_slice %arg21[%dma_start3A_401, %dma_start3A_402] : memref<20x64xf32, #tpu.memory_space<vmem>> -> memref<5x64xf32, #tpu.memory_space<vmem>>
      %dma_start3A_404 = arith.constant 0 : i32
      %dma_start3A_405 = tpu.memref_slice %arg13[%dma_start3A_400, %dma_start3A_404] : memref<4x5xi32, #tpu.memory_space<vmem>> -> memref<1x5xi32, #tpu.memory_space<vmem>>
      %dma_start3A_406 = tpu.memref_squeeze %dma_start3A_405 : memref<1x5xi32, #tpu.memory_space<vmem>> -> memref<5xi32, #tpu.memory_space<vmem>>
      %dma_start3A_407 = arith.constant 0 : i32
      %dma_start3A_408 = arith.constant 0 : i32
      %dma_start3A_409 = tpu.memref_slice %arg2[%dma_start3A_407, %dma_start3A_408] : memref<1000000x64xf32, #tpu.memory_space<hbm>> -> memref<1000000x64xf32, #tpu.memory_space<hbm>>
      tpu.enqueue_indirect_dma source(%dma_start3A_409 : memref<1000000x64xf32, #tpu.memory_space<hbm>>) target(%dma_start3A_403 : memref<5x64xf32, #tpu.memory_space<vmem>>) offsets(%dma_start3A_406 : memref<5xi32, #tpu.memory_space<vmem>>) semaphore(%arg30 : memref<!tpu.dma_semaphore, #tpu.memory_space<semaphore_mem>>)
      %dma_start3A_410 = arith.constant 3 : i32
      %dma_start3A_411 = arith.constant 15 : i32
      %dma_start3A_412 = arith.constant 0 : i32
      %dma_start3A_413 = tpu.memref_slice %arg22[%dma_start3A_411, %dma_start3A_412] : memref<20x64xf32, #tpu.memory_space<vmem>> -> memref<5x64xf32, #tpu.memory_space<vmem>>
      %dma_start3A_414 = arith.constant 0 : i32
      %dma_start3A_415 = tpu.memref_slice %arg14[%dma_start3A_410, %dma_start3A_414] : memref<4x5xi32, #tpu.memory_space<vmem>> -> memref<1x5xi32, #tpu.memory_space<vmem>>
      %dma_start3A_416 = tpu.memref_squeeze %dma_start3A_415 : memref<1x5xi32, #tpu.memory_space<vmem>> -> memref<5xi32, #tpu.memory_space<vmem>>
      %dma_start3A_417 = arith.constant 0 : i32
      %dma_start3A_418 = arith.constant 0 : i32
      %dma_start3A_419 = tpu.memref_slice %arg2[%dma_start3A_417, %dma_start3A_418] : memref<1000000x64xf32, #tpu.memory_space<hbm>> -> memref<1000000x64xf32, #tpu.memory_space<hbm>>
      tpu.enqueue_indirect_dma source(%dma_start3A_419 : memref<1000000x64xf32, #tpu.memory_space<hbm>>) target(%dma_start3A_413 : memref<5x64xf32, #tpu.memory_space<vmem>>) offsets(%dma_start3A_416 : memref<5xi32, #tpu.memory_space<vmem>>) semaphore(%arg30 : memref<!tpu.dma_semaphore, #tpu.memory_space<semaphore_mem>>)
      %dma_wait3A_420 = arith.constant 0 : i32
      %dma_wait3A_421 = arith.constant 0 : i32
      %dma_wait3A_422 = arith.constant 0 : i32
      %dma_wait3A_423 = tpu.memref_slice %arg19[%dma_wait3A_421, %dma_wait3A_422] : memref<400x64xf32, #tpu.memory_space<vmem>> -> memref<100x64xf32, #tpu.memory_space<vmem>>
      %dma_wait3A_424 = arith.constant 0 : i32
      %dma_wait3A_425 = tpu.memref_slice %arg11[%dma_wait3A_420, %dma_wait3A_424] : memref<4x100xi32, #tpu.memory_space<vmem>> -> memref<1x100xi32, #tpu.memory_space<vmem>>
      %dma_wait3A_426 = tpu.memref_squeeze %dma_wait3A_425 : memref<1x100xi32, #tpu.memory_space<vmem>> -> memref<100xi32, #tpu.memory_space<vmem>>
      %dma_wait3A_427 = arith.constant 0 : i32
      %dma_wait3A_428 = arith.constant 0 : i32
      %dma_wait3A_429 = tpu.memref_slice %arg2[%dma_wait3A_427, %dma_wait3A_428] : memref<1000000x64xf32, #tpu.memory_space<hbm>> -> memref<1000000x64xf32, #tpu.memory_space<hbm>>
      tpu.wait_indirect_dma semaphore(%arg29 : memref<!tpu.dma_semaphore, #tpu.memory_space<semaphore_mem>>) src(%dma_wait3A_429 : memref<1000000x64xf32, #tpu.memory_space<hbm>>) dst(%dma_wait3A_423 : memref<100x64xf32, #tpu.memory_space<vmem>>)
      %dma_wait3A_430 = arith.constant 0 : i32
      %dma_wait3A_431 = arith.constant 0 : i32
      %dma_wait3A_432 = arith.constant 0 : i32
      %dma_wait3A_433 = tpu.memref_slice %arg20[%dma_wait3A_431, %dma_wait3A_432] : memref<400x64xf32, #tpu.memory_space<vmem>> -> memref<100x64xf32, #tpu.memory_space<vmem>>
      %dma_wait3A_434 = arith.constant 0 : i32
      %dma_wait3A_435 = tpu.memref_slice %arg12[%dma_wait3A_430, %dma_wait3A_434] : memref<4x100xi32, #tpu.memory_space<vmem>> -> memref<1x100xi32, #tpu.memory_space<vmem>>
      %dma_wait3A_436 = tpu.memref_squeeze %dma_wait3A_435 : memref<1x100xi32, #tpu.memory_space<vmem>> -> memref<100xi32, #tpu.memory_space<vmem>>
      %dma_wait3A_437 = arith.constant 0 : i32
      %dma_wait3A_438 = arith.constant 0 : i32
      %dma_wait3A_439 = tpu.memref_slice %arg2[%dma_wait3A_437, %dma_wait3A_438] : memref<1000000x64xf32, #tpu.memory_space<hbm>> -> memref<1000000x64xf32, #tpu.memory_space<hbm>>
      tpu.wait_indirect_dma semaphore(%arg29 : memref<!tpu.dma_semaphore, #tpu.memory_space<semaphore_mem>>) src(%dma_wait3A_439 : memref<1000000x64xf32, #tpu.memory_space<hbm>>) dst(%dma_wait3A_433 : memref<100x64xf32, #tpu.memory_space<vmem>>)
      %dma_wait3A_440 = arith.constant 0 : i32
      %dma_wait3A_441 = arith.constant 0 : i32
      %dma_wait3A_442 = arith.constant 0 : i32
      %dma_wait3A_443 = tpu.memref_slice %arg17[%dma_wait3A_441, %dma_wait3A_442] : memref<20x64xf32, #tpu.memory_space<vmem>> -> memref<5x64xf32, #tpu.memory_space<vmem>>
      %dma_wait3A_444 = arith.constant 0 : i32
      %dma_wait3A_445 = tpu.memref_slice %arg9[%dma_wait3A_440, %dma_wait3A_444] : memref<4x5xi32, #tpu.memory_space<vmem>> -> memref<1x5xi32, #tpu.memory_space<vmem>>
      %dma_wait3A_446 = tpu.memref_squeeze %dma_wait3A_445 : memref<1x5xi32, #tpu.memory_space<vmem>> -> memref<5xi32, #tpu.memory_space<vmem>>
      %dma_wait3A_447 = arith.constant 0 : i32
      %dma_wait3A_448 = arith.constant 0 : i32
      %dma_wait3A_449 = tpu.memref_slice %arg2[%dma_wait3A_447, %dma_wait3A_448] : memref<1000000x64xf32, #tpu.memory_space<hbm>> -> memref<1000000x64xf32, #tpu.memory_space<hbm>>
      tpu.wait_indirect_dma semaphore(%arg29 : memref<!tpu.dma_semaphore, #tpu.memory_space<semaphore_mem>>) src(%dma_wait3A_449 : memref<1000000x64xf32, #tpu.memory_space<hbm>>) dst(%dma_wait3A_443 : memref<5x64xf32, #tpu.memory_space<vmem>>)
      %dma_wait3A_450 = arith.constant 0 : i32
      %dma_wait3A_451 = arith.constant 0 : i32
      %dma_wait3A_452 = arith.constant 0 : i32
      %dma_wait3A_453 = tpu.memref_slice %arg18[%dma_wait3A_451, %dma_wait3A_452] : memref<20x64xf32, #tpu.memory_space<vmem>> -> memref<5x64xf32, #tpu.memory_space<vmem>>
      %dma_wait3A_454 = arith.constant 0 : i32
      %dma_wait3A_455 = tpu.memref_slice %arg10[%dma_wait3A_450, %dma_wait3A_454] : memref<4x5xi32, #tpu.memory_space<vmem>> -> memref<1x5xi32, #tpu.memory_space<vmem>>
      %dma_wait3A_456 = tpu.memref_squeeze %dma_wait3A_455 : memref<1x5xi32, #tpu.memory_space<vmem>> -> memref<5xi32, #tpu.memory_space<vmem>>
      %dma_wait3A_457 = arith.constant 0 : i32
      %dma_wait3A_458 = arith.constant 0 : i32
      %dma_wait3A_459 = tpu.memref_slice %arg2[%dma_wait3A_457, %dma_wait3A_458] : memref<1000000x64xf32, #tpu.memory_space<hbm>> -> memref<1000000x64xf32, #tpu.memory_space<hbm>>
      tpu.wait_indirect_dma semaphore(%arg29 : memref<!tpu.dma_semaphore, #tpu.memory_space<semaphore_mem>>) src(%dma_wait3A_459 : memref<1000000x64xf32, #tpu.memory_space<hbm>>) dst(%dma_wait3A_453 : memref<5x64xf32, #tpu.memory_space<vmem>>)
      %dma_wait3A_460 = arith.constant 1 : i32
      %dma_wait3A_461 = arith.constant 100 : i32
      %dma_wait3A_462 = arith.constant 0 : i32
      %dma_wait3A_463 = tpu.memref_slice %arg19[%dma_wait3A_461, %dma_wait3A_462] : memref<400x64xf32, #tpu.memory_space<vmem>> -> memref<100x64xf32, #tpu.memory_space<vmem>>
      %dma_wait3A_464 = arith.constant 0 : i32
      %dma_wait3A_465 = tpu.memref_slice %arg11[%dma_wait3A_460, %dma_wait3A_464] : memref<4x100xi32, #tpu.memory_space<vmem>> -> memref<1x100xi32, #tpu.memory_space<vmem>>
      %dma_wait3A_466 = tpu.memref_squeeze %dma_wait3A_465 : memref<1x100xi32, #tpu.memory_space<vmem>> -> memref<100xi32, #tpu.memory_space<vmem>>
      %dma_wait3A_467 = arith.constant 0 : i32
      %dma_wait3A_468 = arith.constant 0 : i32
      %dma_wait3A_469 = tpu.memref_slice %arg2[%dma_wait3A_467, %dma_wait3A_468] : memref<1000000x64xf32, #tpu.memory_space<hbm>> -> memref<1000000x64xf32, #tpu.memory_space<hbm>>
      tpu.wait_indirect_dma semaphore(%arg29 : memref<!tpu.dma_semaphore, #tpu.memory_space<semaphore_mem>>) src(%dma_wait3A_469 : memref<1000000x64xf32, #tpu.memory_space<hbm>>) dst(%dma_wait3A_463 : memref<100x64xf32, #tpu.memory_space<vmem>>)
      %dma_wait3A_470 = arith.constant 1 : i32
      %dma_wait3A_471 = arith.constant 100 : i32
      %dma_wait3A_472 = arith.constant 0 : i32
      %dma_wait3A_473 = tpu.memref_slice %arg20[%dma_wait3A_471, %dma_wait3A_472] : memref<400x64xf32, #tpu.memory_space<vmem>> -> memref<100x64xf32, #tpu.memory_space<vmem>>
      %dma_wait3A_474 = arith.constant 0 : i32
      %dma_wait3A_475 = tpu.memref_slice %arg12[%dma_wait3A_470, %dma_wait3A_474] : memref<4x100xi32, #tpu.memory_space<vmem>> -> memref<1x100xi32, #tpu.memory_space<vmem>>
      %dma_wait3A_476 = tpu.memref_squeeze %dma_wait3A_475 : memref<1x100xi32, #tpu.memory_space<vmem>> -> memref<100xi32, #tpu.memory_space<vmem>>
      %dma_wait3A_477 = arith.constant 0 : i32
      %dma_wait3A_478 = arith.constant 0 : i32
      %dma_wait3A_479 = tpu.memref_slice %arg2[%dma_wait3A_477, %dma_wait3A_478] : memref<1000000x64xf32, #tpu.memory_space<hbm>> -> memref<1000000x64xf32, #tpu.memory_space<hbm>>
      tpu.wait_indirect_dma semaphore(%arg29 : memref<!tpu.dma_semaphore, #tpu.memory_space<semaphore_mem>>) src(%dma_wait3A_479 : memref<1000000x64xf32, #tpu.memory_space<hbm>>) dst(%dma_wait3A_473 : memref<100x64xf32, #tpu.memory_space<vmem>>)
      %dma_wait3A_480 = arith.constant 1 : i32
      %dma_wait3A_481 = arith.constant 5 : i32
      %dma_wait3A_482 = arith.constant 0 : i32
      %dma_wait3A_483 = tpu.memref_slice %arg17[%dma_wait3A_481, %dma_wait3A_482] : memref<20x64xf32, #tpu.memory_space<vmem>> -> memref<5x64xf32, #tpu.memory_space<vmem>>
      %dma_wait3A_484 = arith.constant 0 : i32
      %dma_wait3A_485 = tpu.memref_slice %arg9[%dma_wait3A_480, %dma_wait3A_484] : memref<4x5xi32, #tpu.memory_space<vmem>> -> memref<1x5xi32, #tpu.memory_space<vmem>>
      %dma_wait3A_486 = tpu.memref_squeeze %dma_wait3A_485 : memref<1x5xi32, #tpu.memory_space<vmem>> -> memref<5xi32, #tpu.memory_space<vmem>>
      %dma_wait3A_487 = arith.constant 0 : i32
      %dma_wait3A_488 = arith.constant 0 : i32
      %dma_wait3A_489 = tpu.memref_slice %arg2[%dma_wait3A_487, %dma_wait3A_488] : memref<1000000x64xf32, #tpu.memory_space<hbm>> -> memref<1000000x64xf32, #tpu.memory_space<hbm>>
      tpu.wait_indirect_dma semaphore(%arg29 : memref<!tpu.dma_semaphore, #tpu.memory_space<semaphore_mem>>) src(%dma_wait3A_489 : memref<1000000x64xf32, #tpu.memory_space<hbm>>) dst(%dma_wait3A_483 : memref<5x64xf32, #tpu.memory_space<vmem>>)
      %dma_wait3A_490 = arith.constant 1 : i32
      %dma_wait3A_491 = arith.constant 5 : i32
      %dma_wait3A_492 = arith.constant 0 : i32
      %dma_wait3A_493 = tpu.memref_slice %arg18[%dma_wait3A_491, %dma_wait3A_492] : memref<20x64xf32, #tpu.memory_space<vmem>> -> memref<5x64xf32, #tpu.memory_space<vmem>>
      %dma_wait3A_494 = arith.constant 0 : i32
      %dma_wait3A_495 = tpu.memref_slice %arg10[%dma_wait3A_490, %dma_wait3A_494] : memref<4x5xi32, #tpu.memory_space<vmem>> -> memref<1x5xi32, #tpu.memory_space<vmem>>
      %dma_wait3A_496 = tpu.memref_squeeze %dma_wait3A_495 : memref<1x5xi32, #tpu.memory_space<vmem>> -> memref<5xi32, #tpu.memory_space<vmem>>
      %dma_wait3A_497 = arith.constant 0 : i32
      %dma_wait3A_498 = arith.constant 0 : i32
      %dma_wait3A_499 = tpu.memref_slice %arg2[%dma_wait3A_497, %dma_wait3A_498] : memref<1000000x64xf32, #tpu.memory_space<hbm>> -> memref<1000000x64xf32, #tpu.memory_space<hbm>>
      tpu.wait_indirect_dma semaphore(%arg29 : memref<!tpu.dma_semaphore, #tpu.memory_space<semaphore_mem>>) src(%dma_wait3A_499 : memref<1000000x64xf32, #tpu.memory_space<hbm>>) dst(%dma_wait3A_493 : memref<5x64xf32, #tpu.memory_space<vmem>>)
      %dma_wait3A_500 = arith.constant 2 : i32
      %dma_wait3A_501 = arith.constant 200 : i32
      %dma_wait3A_502 = arith.constant 0 : i32
      %dma_wait3A_503 = tpu.memref_slice %arg19[%dma_wait3A_501, %dma_wait3A_502] : memref<400x64xf32, #tpu.memory_space<vmem>> -> memref<100x64xf32, #tpu.memory_space<vmem>>
      %dma_wait3A_504 = arith.constant 0 : i32
      %dma_wait3A_505 = tpu.memref_slice %arg11[%dma_wait3A_500, %dma_wait3A_504] : memref<4x100xi32, #tpu.memory_space<vmem>> -> memref<1x100xi32, #tpu.memory_space<vmem>>
      %dma_wait3A_506 = tpu.memref_squeeze %dma_wait3A_505 : memref<1x100xi32, #tpu.memory_space<vmem>> -> memref<100xi32, #tpu.memory_space<vmem>>
      %dma_wait3A_507 = arith.constant 0 : i32
      %dma_wait3A_508 = arith.constant 0 : i32
      %dma_wait3A_509 = tpu.memref_slice %arg2[%dma_wait3A_507, %dma_wait3A_508] : memref<1000000x64xf32, #tpu.memory_space<hbm>> -> memref<1000000x64xf32, #tpu.memory_space<hbm>>
      tpu.wait_indirect_dma semaphore(%arg29 : memref<!tpu.dma_semaphore, #tpu.memory_space<semaphore_mem>>) src(%dma_wait3A_509 : memref<1000000x64xf32, #tpu.memory_space<hbm>>) dst(%dma_wait3A_503 : memref<100x64xf32, #tpu.memory_space<vmem>>)
      %dma_wait3A_510 = arith.constant 2 : i32
      %dma_wait3A_511 = arith.constant 200 : i32
      %dma_wait3A_512 = arith.constant 0 : i32
      %dma_wait3A_513 = tpu.memref_slice %arg20[%dma_wait3A_511, %dma_wait3A_512] : memref<400x64xf32, #tpu.memory_space<vmem>> -> memref<100x64xf32, #tpu.memory_space<vmem>>
      %dma_wait3A_514 = arith.constant 0 : i32
      %dma_wait3A_515 = tpu.memref_slice %arg12[%dma_wait3A_510, %dma_wait3A_514] : memref<4x100xi32, #tpu.memory_space<vmem>> -> memref<1x100xi32, #tpu.memory_space<vmem>>
      %dma_wait3A_516 = tpu.memref_squeeze %dma_wait3A_515 : memref<1x100xi32, #tpu.memory_space<vmem>> -> memref<100xi32, #tpu.memory_space<vmem>>
      %dma_wait3A_517 = arith.constant 0 : i32
      %dma_wait3A_518 = arith.constant 0 : i32
      %dma_wait3A_519 = tpu.memref_slice %arg2[%dma_wait3A_517, %dma_wait3A_518] : memref<1000000x64xf32, #tpu.memory_space<hbm>> -> memref<1000000x64xf32, #tpu.memory_space<hbm>>
      tpu.wait_indirect_dma semaphore(%arg29 : memref<!tpu.dma_semaphore, #tpu.memory_space<semaphore_mem>>) src(%dma_wait3A_519 : memref<1000000x64xf32, #tpu.memory_space<hbm>>) dst(%dma_wait3A_513 : memref<100x64xf32, #tpu.memory_space<vmem>>)
      %dma_wait3A_520 = arith.constant 2 : i32
      %dma_wait3A_521 = arith.constant 10 : i32
      %dma_wait3A_522 = arith.constant 0 : i32
      %dma_wait3A_523 = tpu.memref_slice %arg17[%dma_wait3A_521, %dma_wait3A_522] : memref<20x64xf32, #tpu.memory_space<vmem>> -> memref<5x64xf32, #tpu.memory_space<vmem>>
      %dma_wait3A_524 = arith.constant 0 : i32
      %dma_wait3A_525 = tpu.memref_slice %arg9[%dma_wait3A_520, %dma_wait3A_524] : memref<4x5xi32, #tpu.memory_space<vmem>> -> memref<1x5xi32, #tpu.memory_space<vmem>>
      %dma_wait3A_526 = tpu.memref_squeeze %dma_wait3A_525 : memref<1x5xi32, #tpu.memory_space<vmem>> -> memref<5xi32, #tpu.memory_space<vmem>>
      %dma_wait3A_527 = arith.constant 0 : i32
      %dma_wait3A_528 = arith.constant 0 : i32
      %dma_wait3A_529 = tpu.memref_slice %arg2[%dma_wait3A_527, %dma_wait3A_528] : memref<1000000x64xf32, #tpu.memory_space<hbm>> -> memref<1000000x64xf32, #tpu.memory_space<hbm>>
      tpu.wait_indirect_dma semaphore(%arg29 : memref<!tpu.dma_semaphore, #tpu.memory_space<semaphore_mem>>) src(%dma_wait3A_529 : memref<1000000x64xf32, #tpu.memory_space<hbm>>) dst(%dma_wait3A_523 : memref<5x64xf32, #tpu.memory_space<vmem>>)
      %dma_wait3A_530 = arith.constant 2 : i32
      %dma_wait3A_531 = arith.constant 10 : i32
      %dma_wait3A_532 = arith.constant 0 : i32
      %dma_wait3A_533 = tpu.memref_slice %arg18[%dma_wait3A_531, %dma_wait3A_532] : memref<20x64xf32, #tpu.memory_space<vmem>> -> memref<5x64xf32, #tpu.memory_space<vmem>>
      %dma_wait3A_534 = arith.constant 0 : i32
      %dma_wait3A_535 = tpu.memref_slice %arg10[%dma_wait3A_530, %dma_wait3A_534] : memref<4x5xi32, #tpu.memory_space<vmem>> -> memref<1x5xi32, #tpu.memory_space<vmem>>
      %dma_wait3A_536 = tpu.memref_squeeze %dma_wait3A_535 : memref<1x5xi32, #tpu.memory_space<vmem>> -> memref<5xi32, #tpu.memory_space<vmem>>
      %dma_wait3A_537 = arith.constant 0 : i32
      %dma_wait3A_538 = arith.constant 0 : i32
      %dma_wait3A_539 = tpu.memref_slice %arg2[%dma_wait3A_537, %dma_wait3A_538] : memref<1000000x64xf32, #tpu.memory_space<hbm>> -> memref<1000000x64xf32, #tpu.memory_space<hbm>>
      tpu.wait_indirect_dma semaphore(%arg29 : memref<!tpu.dma_semaphore, #tpu.memory_space<semaphore_mem>>) src(%dma_wait3A_539 : memref<1000000x64xf32, #tpu.memory_space<hbm>>) dst(%dma_wait3A_533 : memref<5x64xf32, #tpu.memory_space<vmem>>)
      %dma_wait3A_540 = arith.constant 3 : i32
      %dma_wait3A_541 = arith.constant 300 : i32
      %dma_wait3A_542 = arith.constant 0 : i32
      %dma_wait3A_543 = tpu.memref_slice %arg19[%dma_wait3A_541, %dma_wait3A_542] : memref<400x64xf32, #tpu.memory_space<vmem>> -> memref<100x64xf32, #tpu.memory_space<vmem>>
      %dma_wait3A_544 = arith.constant 0 : i32
      %dma_wait3A_545 = tpu.memref_slice %arg11[%dma_wait3A_540, %dma_wait3A_544] : memref<4x100xi32, #tpu.memory_space<vmem>> -> memref<1x100xi32, #tpu.memory_space<vmem>>
      %dma_wait3A_546 = tpu.memref_squeeze %dma_wait3A_545 : memref<1x100xi32, #tpu.memory_space<vmem>> -> memref<100xi32, #tpu.memory_space<vmem>>
      %dma_wait3A_547 = arith.constant 0 : i32
      %dma_wait3A_548 = arith.constant 0 : i32
      %dma_wait3A_549 = tpu.memref_slice %arg2[%dma_wait3A_547, %dma_wait3A_548] : memref<1000000x64xf32, #tpu.memory_space<hbm>> -> memref<1000000x64xf32, #tpu.memory_space<hbm>>
      tpu.wait_indirect_dma semaphore(%arg29 : memref<!tpu.dma_semaphore, #tpu.memory_space<semaphore_mem>>) src(%dma_wait3A_549 : memref<1000000x64xf32, #tpu.memory_space<hbm>>) dst(%dma_wait3A_543 : memref<100x64xf32, #tpu.memory_space<vmem>>)
      %dma_wait3A_550 = arith.constant 3 : i32
      %dma_wait3A_551 = arith.constant 300 : i32
      %dma_wait3A_552 = arith.constant 0 : i32
      %dma_wait3A_553 = tpu.memref_slice %arg20[%dma_wait3A_551, %dma_wait3A_552] : memref<400x64xf32, #tpu.memory_space<vmem>> -> memref<100x64xf32, #tpu.memory_space<vmem>>
      %dma_wait3A_554 = arith.constant 0 : i32
      %dma_wait3A_555 = tpu.memref_slice %arg12[%dma_wait3A_550, %dma_wait3A_554] : memref<4x100xi32, #tpu.memory_space<vmem>> -> memref<1x100xi32, #tpu.memory_space<vmem>>
      %dma_wait3A_556 = tpu.memref_squeeze %dma_wait3A_555 : memref<1x100xi32, #tpu.memory_space<vmem>> -> memref<100xi32, #tpu.memory_space<vmem>>
      %dma_wait3A_557 = arith.constant 0 : i32
      %dma_wait3A_558 = arith.constant 0 : i32
      %dma_wait3A_559 = tpu.memref_slice %arg2[%dma_wait3A_557, %dma_wait3A_558] : memref<1000000x64xf32, #tpu.memory_space<hbm>> -> memref<1000000x64xf32, #tpu.memory_space<hbm>>
      tpu.wait_indirect_dma semaphore(%arg29 : memref<!tpu.dma_semaphore, #tpu.memory_space<semaphore_mem>>) src(%dma_wait3A_559 : memref<1000000x64xf32, #tpu.memory_space<hbm>>) dst(%dma_wait3A_553 : memref<100x64xf32, #tpu.memory_space<vmem>>)
      %dma_wait3A_560 = arith.constant 3 : i32
      %dma_wait3A_561 = arith.constant 15 : i32
      %dma_wait3A_562 = arith.constant 0 : i32
      %dma_wait3A_563 = tpu.memref_slice %arg17[%dma_wait3A_561, %dma_wait3A_562] : memref<20x64xf32, #tpu.memory_space<vmem>> -> memref<5x64xf32, #tpu.memory_space<vmem>>
      %dma_wait3A_564 = arith.constant 0 : i32
      %dma_wait3A_565 = tpu.memref_slice %arg9[%dma_wait3A_560, %dma_wait3A_564] : memref<4x5xi32, #tpu.memory_space<vmem>> -> memref<1x5xi32, #tpu.memory_space<vmem>>
      %dma_wait3A_566 = tpu.memref_squeeze %dma_wait3A_565 : memref<1x5xi32, #tpu.memory_space<vmem>> -> memref<5xi32, #tpu.memory_space<vmem>>
      %dma_wait3A_567 = arith.constant 0 : i32
      %dma_wait3A_568 = arith.constant 0 : i32
      %dma_wait3A_569 = tpu.memref_slice %arg2[%dma_wait3A_567, %dma_wait3A_568] : memref<1000000x64xf32, #tpu.memory_space<hbm>> -> memref<1000000x64xf32, #tpu.memory_space<hbm>>
      tpu.wait_indirect_dma semaphore(%arg29 : memref<!tpu.dma_semaphore, #tpu.memory_space<semaphore_mem>>) src(%dma_wait3A_569 : memref<1000000x64xf32, #tpu.memory_space<hbm>>) dst(%dma_wait3A_563 : memref<5x64xf32, #tpu.memory_space<vmem>>)
      %dma_wait3A_570 = arith.constant 3 : i32
      %dma_wait3A_571 = arith.constant 15 : i32
      %dma_wait3A_572 = arith.constant 0 : i32
      %dma_wait3A_573 = tpu.memref_slice %arg18[%dma_wait3A_571, %dma_wait3A_572] : memref<20x64xf32, #tpu.memory_space<vmem>> -> memref<5x64xf32, #tpu.memory_space<vmem>>
      %dma_wait3A_574 = arith.constant 0 : i32
      %dma_wait3A_575 = tpu.memref_slice %arg10[%dma_wait3A_570, %dma_wait3A_574] : memref<4x5xi32, #tpu.memory_space<vmem>> -> memref<1x5xi32, #tpu.memory_space<vmem>>
      %dma_wait3A_576 = tpu.memref_squeeze %dma_wait3A_575 : memref<1x5xi32, #tpu.memory_space<vmem>> -> memref<5xi32, #tpu.memory_space<vmem>>
      %dma_wait3A_577 = arith.constant 0 : i32
      %dma_wait3A_578 = arith.constant 0 : i32
      %dma_wait3A_579 = tpu.memref_slice %arg2[%dma_wait3A_577, %dma_wait3A_578] : memref<1000000x64xf32, #tpu.memory_space<hbm>> -> memref<1000000x64xf32, #tpu.memory_space<hbm>>
      tpu.wait_indirect_dma semaphore(%arg29 : memref<!tpu.dma_semaphore, #tpu.memory_space<semaphore_mem>>) src(%dma_wait3A_579 : memref<1000000x64xf32, #tpu.memory_space<hbm>>) dst(%dma_wait3A_573 : memref<5x64xf32, #tpu.memory_space<vmem>>)
      %scan3A_580 = arith.constant 0 : i32
      %scan3A_581 = arith.constant 4 : i32
      %scan3A_582 = arith.addi %scan3A_580, %scan3A_581 : i32
      %scan3A_583 = arith.constant 1 : i32
      %scan3A_584 = scf.for %scan3A_754 = %scan3A_580 to %scan3A_582 step %scan3A_583 iter_args(%scan3A_755 = %scan3A_236) -> (vector<16xf32>)  : i32 {
        %mul3A_756 = arith.constant 5 : i32
        %mul3A_757 = arith.muli %scan3A_754, %mul3A_756 : i32
        %add3A_758 = arith.constant 0 : i32
        %add3A_759 = arith.addi %mul3A_757, %add3A_758 : i32
        %get3A = arith.index_cast %add3A_759 : i32 to index
        %get3A_760 = arith.constant 0 : index
        %get3A_761 = tpu.vector_load %arg17[%get3A, %get3A_760] {strides = array<i32>} : memref<20x64xf32, #tpu.memory_space<vmem>>, vector<16xf32>,
        %add3A_762 = arith.addf %broadcast_in_dim3A_11, %get3A_761 : vector<16xf32>
        %mul3A_763 = arith.constant 5 : i32
        %mul3A_764 = arith.muli %scan3A_754, %mul3A_763 : i32
        %add3A_765 = arith.constant 0 : i32
        %add3A_766 = arith.addi %mul3A_764, %add3A_765 : i32
        %get3A_767 = arith.index_cast %add3A_766 : i32 to index
        %get3A_768 = arith.constant 0 : index
        %get3A_769 = tpu.vector_load %arg18[%get3A_767, %get3A_768] {strides = array<i32>} : memref<20x64xf32, #tpu.memory_space<vmem>>, vector<16xf32>,
        %add3A_770 = arith.addf %broadcast_in_dim3A_11, %get3A_769 : vector<16xf32>
        %mul3A_771 = arith.constant 5 : i32
        %mul3A_772 = arith.muli %scan3A_754, %mul3A_771 : i32
        %add3A_773 = arith.constant 0 : i32
        %add3A_774 = arith.addi %mul3A_772, %add3A_773 : i32
        %get3A_775 = arith.index_cast %add3A_774 : i32 to index
        %get3A_776 = arith.constant 16 : index
        %get3A_777 = tpu.vector_load %arg17[%get3A_775, %get3A_776] {strides = array<i32>} : memref<20x64xf32, #tpu.memory_space<vmem>>, vector<16xf32>,
        %add3A_778 = arith.addf %broadcast_in_dim3A_11, %get3A_777 : vector<16xf32>
        %mul3A_779 = arith.constant 5 : i32
        %mul3A_780 = arith.muli %scan3A_754, %mul3A_779 : i32
        %add3A_781 = arith.constant 0 : i32
        %add3A_782 = arith.addi %mul3A_780, %add3A_781 : i32
        %get3A_783 = arith.index_cast %add3A_782 : i32 to index
        %get3A_784 = arith.constant 16 : index
        %get3A_785 = tpu.vector_load %arg18[%get3A_783, %get3A_784] {strides = array<i32>} : memref<20x64xf32, #tpu.memory_space<vmem>>, vector<16xf32>,
        %add3A_786 = arith.addf %broadcast_in_dim3A_11, %get3A_785 : vector<16xf32>
        %mul3A_787 = arith.constant 5 : i32
        %mul3A_788 = arith.muli %scan3A_754, %mul3A_787 : i32
        %add3A_789 = arith.constant 0 : i32
        %add3A_790 = arith.addi %mul3A_788, %add3A_789 : i32
        %get3A_791 = arith.index_cast %add3A_790 : i32 to index
        %get3A_792 = arith.constant 32 : index
        %get3A_793 = tpu.vector_load %arg17[%get3A_791, %get3A_792] {strides = array<i32>} : memref<20x64xf32, #tpu.memory_space<vmem>>, vector<16xf32>,
        %add3A_794 = arith.addf %broadcast_in_dim3A_11, %get3A_793 : vector<16xf32>
        %mul3A_795 = arith.constant 5 : i32
        %mul3A_796 = arith.muli %scan3A_754, %mul3A_795 : i32
        %add3A_797 = arith.constant 0 : i32
        %add3A_798 = arith.addi %mul3A_796, %add3A_797 : i32
        %get3A_799 = arith.index_cast %add3A_798 : i32 to index
        %get3A_800 = arith.constant 32 : index
        %get3A_801 = tpu.vector_load %arg18[%get3A_799, %get3A_800] {strides = array<i32>} : memref<20x64xf32, #tpu.memory_space<vmem>>, vector<16xf32>,
        %add3A_802 = arith.addf %broadcast_in_dim3A_11, %get3A_801 : vector<16xf32>
        %mul3A_803 = arith.constant 5 : i32
        %mul3A_804 = arith.muli %scan3A_754, %mul3A_803 : i32
        %add3A_805 = arith.constant 0 : i32
        %add3A_806 = arith.addi %mul3A_804, %add3A_805 : i32
        %get3A_807 = arith.index_cast %add3A_806 : i32 to index
        %get3A_808 = arith.constant 48 : index
        %get3A_809 = tpu.vector_load %arg17[%get3A_807, %get3A_808] {strides = array<i32>} : memref<20x64xf32, #tpu.memory_space<vmem>>, vector<16xf32>,
        %add3A_810 = arith.addf %broadcast_in_dim3A_11, %get3A_809 : vector<16xf32>
        %mul3A_811 = arith.constant 5 : i32
        %mul3A_812 = arith.muli %scan3A_754, %mul3A_811 : i32
        %add3A_813 = arith.constant 0 : i32
        %add3A_814 = arith.addi %mul3A_812, %add3A_813 : i32
        %get3A_815 = arith.index_cast %add3A_814 : i32 to index
        %get3A_816 = arith.constant 48 : index
        %get3A_817 = tpu.vector_load %arg18[%get3A_815, %get3A_816] {strides = array<i32>} : memref<20x64xf32, #tpu.memory_space<vmem>>, vector<16xf32>,
        %add3A_818 = arith.addf %broadcast_in_dim3A_11, %get3A_817 : vector<16xf32>
        %mul3A_819 = arith.constant 5 : i32
        %mul3A_820 = arith.muli %scan3A_754, %mul3A_819 : i32
        %add3A_821 = arith.constant 1 : i32
        %add3A_822 = arith.addi %mul3A_820, %add3A_821 : i32
        %get3A_823 = arith.index_cast %add3A_822 : i32 to index
        %get3A_824 = arith.constant 0 : index
        %get3A_825 = tpu.vector_load %arg17[%get3A_823, %get3A_824] {strides = array<i32>} : memref<20x64xf32, #tpu.memory_space<vmem>>, vector<16xf32>,
        %add3A_826 = arith.addf %add3A_762, %get3A_825 : vector<16xf32>
        %mul3A_827 = arith.constant 5 : i32
        %mul3A_828 = arith.muli %scan3A_754, %mul3A_827 : i32
        %add3A_829 = arith.constant 1 : i32
        %add3A_830 = arith.addi %mul3A_828, %add3A_829 : i32
        %get3A_831 = arith.index_cast %add3A_830 : i32 to index
        %get3A_832 = arith.constant 0 : index
        %get3A_833 = tpu.vector_load %arg18[%get3A_831, %get3A_832] {strides = array<i32>} : memref<20x64xf32, #tpu.memory_space<vmem>>, vector<16xf32>,
        %add3A_834 = arith.addf %add3A_770, %get3A_833 : vector<16xf32>
        %mul3A_835 = arith.constant 5 : i32
        %mul3A_836 = arith.muli %scan3A_754, %mul3A_835 : i32
        %add3A_837 = arith.constant 1 : i32
        %add3A_838 = arith.addi %mul3A_836, %add3A_837 : i32
        %get3A_839 = arith.index_cast %add3A_838 : i32 to index
        %get3A_840 = arith.constant 16 : index
        %get3A_841 = tpu.vector_load %arg17[%get3A_839, %get3A_840] {strides = array<i32>} : memref<20x64xf32, #tpu.memory_space<vmem>>, vector<16xf32>,
        %add3A_842 = arith.addf %add3A_778, %get3A_841 : vector<16xf32>
        %mul3A_843 = arith.constant 5 : i32
        %mul3A_844 = arith.muli %scan3A_754, %mul3A_843 : i32
        %add3A_845 = arith.constant 1 : i32
        %add3A_846 = arith.addi %mul3A_844, %add3A_845 : i32
        %get3A_847 = arith.index_cast %add3A_846 : i32 to index
        %get3A_848 = arith.constant 16 : index
        %get3A_849 = tpu.vector_load %arg18[%get3A_847, %get3A_848] {strides = array<i32>} : memref<20x64xf32, #tpu.memory_space<vmem>>, vector<16xf32>,
        %add3A_850 = arith.addf %add3A_786, %get3A_849 : vector<16xf32>
        %mul3A_851 = arith.constant 5 : i32
        %mul3A_852 = arith.muli %scan3A_754, %mul3A_851 : i32
        %add3A_853 = arith.constant 1 : i32
        %add3A_854 = arith.addi %mul3A_852, %add3A_853 : i32
        %get3A_855 = arith.index_cast %add3A_854 : i32 to index
        %get3A_856 = arith.constant 32 : index
        %get3A_857 = tpu.vector_load %arg17[%get3A_855, %get3A_856] {strides = array<i32>} : memref<20x64xf32, #tpu.memory_space<vmem>>, vector<16xf32>,
        %add3A_858 = arith.addf %add3A_794, %get3A_857 : vector<16xf32>
        %mul3A_859 = arith.constant 5 : i32
        %mul3A_860 = arith.muli %scan3A_754, %mul3A_859 : i32
        %add3A_861 = arith.constant 1 : i32
        %add3A_862 = arith.addi %mul3A_860, %add3A_861 : i32
        %get3A_863 = arith.index_cast %add3A_862 : i32 to index
        %get3A_864 = arith.constant 32 : index
        %get3A_865 = tpu.vector_load %arg18[%get3A_863, %get3A_864] {strides = array<i32>} : memref<20x64xf32, #tpu.memory_space<vmem>>, vector<16xf32>,
        %add3A_866 = arith.addf %add3A_802, %get3A_865 : vector<16xf32>
        %mul3A_867 = arith.constant 5 : i32
        %mul3A_868 = arith.muli %scan3A_754, %mul3A_867 : i32
        %add3A_869 = arith.constant 1 : i32
        %add3A_870 = arith.addi %mul3A_868, %add3A_869 : i32
        %get3A_871 = arith.index_cast %add3A_870 : i32 to index
        %get3A_872 = arith.constant 48 : index
        %get3A_873 = tpu.vector_load %arg17[%get3A_871, %get3A_872] {strides = array<i32>} : memref<20x64xf32, #tpu.memory_space<vmem>>, vector<16xf32>,
        %add3A_874 = arith.addf %add3A_810, %get3A_873 : vector<16xf32>
        %mul3A_875 = arith.constant 5 : i32
        %mul3A_876 = arith.muli %scan3A_754, %mul3A_875 : i32
        %add3A_877 = arith.constant 1 : i32
        %add3A_878 = arith.addi %mul3A_876, %add3A_877 : i32
        %get3A_879 = arith.index_cast %add3A_878 : i32 to index
        %get3A_880 = arith.constant 48 : index
        %get3A_881 = tpu.vector_load %arg18[%get3A_879, %get3A_880] {strides = array<i32>} : memref<20x64xf32, #tpu.memory_space<vmem>>, vector<16xf32>,
        %add3A_882 = arith.addf %add3A_818, %get3A_881 : vector<16xf32>
        %mul3A_883 = arith.constant 5 : i32
        %mul3A_884 = arith.muli %scan3A_754, %mul3A_883 : i32
        %add3A_885 = arith.constant 2 : i32
        %add3A_886 = arith.addi %mul3A_884, %add3A_885 : i32
        %get3A_887 = arith.index_cast %add3A_886 : i32 to index
        %get3A_888 = arith.constant 0 : index
        %get3A_889 = tpu.vector_load %arg17[%get3A_887, %get3A_888] {strides = array<i32>} : memref<20x64xf32, #tpu.memory_space<vmem>>, vector<16xf32>,
        %add3A_890 = arith.addf %add3A_826, %get3A_889 : vector<16xf32>
        %mul3A_891 = arith.constant 5 : i32
        %mul3A_892 = arith.muli %scan3A_754, %mul3A_891 : i32
        %add3A_893 = arith.constant 2 : i32
        %add3A_894 = arith.addi %mul3A_892, %add3A_893 : i32
        %get3A_895 = arith.index_cast %add3A_894 : i32 to index
        %get3A_896 = arith.constant 0 : index
        %get3A_897 = tpu.vector_load %arg18[%get3A_895, %get3A_896] {strides = array<i32>} : memref<20x64xf32, #tpu.memory_space<vmem>>, vector<16xf32>,
        %add3A_898 = arith.addf %add3A_834, %get3A_897 : vector<16xf32>
        %mul3A_899 = arith.constant 5 : i32
        %mul3A_900 = arith.muli %scan3A_754, %mul3A_899 : i32
        %add3A_901 = arith.constant 2 : i32
        %add3A_902 = arith.addi %mul3A_900, %add3A_901 : i32
        %get3A_903 = arith.index_cast %add3A_902 : i32 to index
        %get3A_904 = arith.constant 16 : index
        %get3A_905 = tpu.vector_load %arg17[%get3A_903, %get3A_904] {strides = array<i32>} : memref<20x64xf32, #tpu.memory_space<vmem>>, vector<16xf32>,
        %add3A_906 = arith.addf %add3A_842, %get3A_905 : vector<16xf32>
        %mul3A_907 = arith.constant 5 : i32
        %mul3A_908 = arith.muli %scan3A_754, %mul3A_907 : i32
        %add3A_909 = arith.constant 2 : i32
        %add3A_910 = arith.addi %mul3A_908, %add3A_909 : i32
        %get3A_911 = arith.index_cast %add3A_910 : i32 to index
        %get3A_912 = arith.constant 16 : index
        %get3A_913 = tpu.vector_load %arg18[%get3A_911, %get3A_912] {strides = array<i32>} : memref<20x64xf32, #tpu.memory_space<vmem>>, vector<16xf32>,
        %add3A_914 = arith.addf %add3A_850, %get3A_913 : vector<16xf32>
        %mul3A_915 = arith.constant 5 : i32
        %mul3A_916 = arith.muli %scan3A_754, %mul3A_915 : i32
        %add3A_917 = arith.constant 2 : i32
        %add3A_918 = arith.addi %mul3A_916, %add3A_917 : i32
        %get3A_919 = arith.index_cast %add3A_918 : i32 to index
        %get3A_920 = arith.constant 32 : index
        %get3A_921 = tpu.vector_load %arg17[%get3A_919, %get3A_920] {strides = array<i32>} : memref<20x64xf32, #tpu.memory_space<vmem>>, vector<16xf32>,
        %add3A_922 = arith.addf %add3A_858, %get3A_921 : vector<16xf32>
        %mul3A_923 = arith.constant 5 : i32
        %mul3A_924 = arith.muli %scan3A_754, %mul3A_923 : i32
        %add3A_925 = arith.constant 2 : i32
        %add3A_926 = arith.addi %mul3A_924, %add3A_925 : i32
        %get3A_927 = arith.index_cast %add3A_926 : i32 to index
        %get3A_928 = arith.constant 32 : index
        %get3A_929 = tpu.vector_load %arg18[%get3A_927, %get3A_928] {strides = array<i32>} : memref<20x64xf32, #tpu.memory_space<vmem>>, vector<16xf32>,
        %add3A_930 = arith.addf %add3A_866, %get3A_929 : vector<16xf32>
        %mul3A_931 = arith.constant 5 : i32
        %mul3A_932 = arith.muli %scan3A_754, %mul3A_931 : i32
        %add3A_933 = arith.constant 2 : i32
        %add3A_934 = arith.addi %mul3A_932, %add3A_933 : i32
        %get3A_935 = arith.index_cast %add3A_934 : i32 to index
        %get3A_936 = arith.constant 48 : index
        %get3A_937 = tpu.vector_load %arg17[%get3A_935, %get3A_936] {strides = array<i32>} : memref<20x64xf32, #tpu.memory_space<vmem>>, vector<16xf32>,
        %add3A_938 = arith.addf %add3A_874, %get3A_937 : vector<16xf32>
        %mul3A_939 = arith.constant 5 : i32
        %mul3A_940 = arith.muli %scan3A_754, %mul3A_939 : i32
        %add3A_941 = arith.constant 2 : i32
        %add3A_942 = arith.addi %mul3A_940, %add3A_941 : i32
        %get3A_943 = arith.index_cast %add3A_942 : i32 to index
        %get3A_944 = arith.constant 48 : index
        %get3A_945 = tpu.vector_load %arg18[%get3A_943, %get3A_944] {strides = array<i32>} : memref<20x64xf32, #tpu.memory_space<vmem>>, vector<16xf32>,
        %add3A_946 = arith.addf %add3A_882, %get3A_945 : vector<16xf32>
        %mul3A_947 = arith.constant 5 : i32
        %mul3A_948 = arith.muli %scan3A_754, %mul3A_947 : i32
        %add3A_949 = arith.constant 3 : i32
        %add3A_950 = arith.addi %mul3A_948, %add3A_949 : i32
        %get3A_951 = arith.index_cast %add3A_950 : i32 to index
        %get3A_952 = arith.constant 0 : index
        %get3A_953 = tpu.vector_load %arg17[%get3A_951, %get3A_952] {strides = array<i32>} : memref<20x64xf32, #tpu.memory_space<vmem>>, vector<16xf32>,
        %add3A_954 = arith.addf %add3A_890, %get3A_953 : vector<16xf32>
        %mul3A_955 = arith.constant 5 : i32
        %mul3A_956 = arith.muli %scan3A_754, %mul3A_955 : i32
        %add3A_957 = arith.constant 3 : i32
        %add3A_958 = arith.addi %mul3A_956, %add3A_957 : i32
        %get3A_959 = arith.index_cast %add3A_958 : i32 to index
        %get3A_960 = arith.constant 0 : index
        %get3A_961 = tpu.vector_load %arg18[%get3A_959, %get3A_960] {strides = array<i32>} : memref<20x64xf32, #tpu.memory_space<vmem>>, vector<16xf32>,
        %add3A_962 = arith.addf %add3A_898, %get3A_961 : vector<16xf32>
        %mul3A_963 = arith.constant 5 : i32
        %mul3A_964 = arith.muli %scan3A_754, %mul3A_963 : i32
        %add3A_965 = arith.constant 3 : i32
        %add3A_966 = arith.addi %mul3A_964, %add3A_965 : i32
        %get3A_967 = arith.index_cast %add3A_966 : i32 to index
        %get3A_968 = arith.constant 16 : index
        %get3A_969 = tpu.vector_load %arg17[%get3A_967, %get3A_968] {strides = array<i32>} : memref<20x64xf32, #tpu.memory_space<vmem>>, vector<16xf32>,
        %add3A_970 = arith.addf %add3A_906, %get3A_969 : vector<16xf32>
        %mul3A_971 = arith.constant 5 : i32
        %mul3A_972 = arith.muli %scan3A_754, %mul3A_971 : i32
        %add3A_973 = arith.constant 3 : i32
        %add3A_974 = arith.addi %mul3A_972, %add3A_973 : i32
        %get3A_975 = arith.index_cast %add3A_974 : i32 to index
        %get3A_976 = arith.constant 16 : index
        %get3A_977 = tpu.vector_load %arg18[%get3A_975, %get3A_976] {strides = array<i32>} : memref<20x64xf32, #tpu.memory_space<vmem>>, vector<16xf32>,
        %add3A_978 = arith.addf %add3A_914, %get3A_977 : vector<16xf32>
        %mul3A_979 = arith.constant 5 : i32
        %mul3A_980 = arith.muli %scan3A_754, %mul3A_979 : i32
        %add3A_981 = arith.constant 3 : i32
        %add3A_982 = arith.addi %mul3A_980, %add3A_981 : i32
        %get3A_983 = arith.index_cast %add3A_982 : i32 to index
        %get3A_984 = arith.constant 32 : index
        %get3A_985 = tpu.vector_load %arg17[%get3A_983, %get3A_984] {strides = array<i32>} : memref<20x64xf32, #tpu.memory_space<vmem>>, vector<16xf32>,
        %add3A_986 = arith.addf %add3A_922, %get3A_985 : vector<16xf32>
        %mul3A_987 = arith.constant 5 : i32
        %mul3A_988 = arith.muli %scan3A_754, %mul3A_987 : i32
        %add3A_989 = arith.constant 3 : i32
        %add3A_990 = arith.addi %mul3A_988, %add3A_989 : i32
        %get3A_991 = arith.index_cast %add3A_990 : i32 to index
        %get3A_992 = arith.constant 32 : index
        %get3A_993 = tpu.vector_load %arg18[%get3A_991, %get3A_992] {strides = array<i32>} : memref<20x64xf32, #tpu.memory_space<vmem>>, vector<16xf32>,
        %add3A_994 = arith.addf %add3A_930, %get3A_993 : vector<16xf32>
        %mul3A_995 = arith.constant 5 : i32
        %mul3A_996 = arith.muli %scan3A_754, %mul3A_995 : i32
        %add3A_997 = arith.constant 3 : i32
        %add3A_998 = arith.addi %mul3A_996, %add3A_997 : i32
        %get3A_999 = arith.index_cast %add3A_998 : i32 to index
        %get3A_1000 = arith.constant 48 : index
        %get3A_1001 = tpu.vector_load %arg17[%get3A_999, %get3A_1000] {strides = array<i32>} : memref<20x64xf32, #tpu.memory_space<vmem>>, vector<16xf32>,
        %add3A_1002 = arith.addf %add3A_938, %get3A_1001 : vector<16xf32>
        %mul3A_1003 = arith.constant 5 : i32
        %mul3A_1004 = arith.muli %scan3A_754, %mul3A_1003 : i32
        %add3A_1005 = arith.constant 3 : i32
        %add3A_1006 = arith.addi %mul3A_1004, %add3A_1005 : i32
        %get3A_1007 = arith.index_cast %add3A_1006 : i32 to index
        %get3A_1008 = arith.constant 48 : index
        %get3A_1009 = tpu.vector_load %arg18[%get3A_1007, %get3A_1008] {strides = array<i32>} : memref<20x64xf32, #tpu.memory_space<vmem>>, vector<16xf32>,
        %add3A_1010 = arith.addf %add3A_946, %get3A_1009 : vector<16xf32>
        %mul3A_1011 = arith.constant 5 : i32
        %mul3A_1012 = arith.muli %scan3A_754, %mul3A_1011 : i32
        %add3A_1013 = arith.constant 4 : i32
        %add3A_1014 = arith.addi %mul3A_1012, %add3A_1013 : i32
        %get3A_1015 = arith.index_cast %add3A_1014 : i32 to index
        %get3A_1016 = arith.constant 0 : index
        %get3A_1017 = tpu.vector_load %arg17[%get3A_1015, %get3A_1016] {strides = array<i32>} : memref<20x64xf32, #tpu.memory_space<vmem>>, vector<16xf32>,
        %add3A_1018 = arith.addf %add3A_954, %get3A_1017 : vector<16xf32>
        %mul3A_1019 = arith.constant 5 : i32
        %mul3A_1020 = arith.muli %scan3A_754, %mul3A_1019 : i32
        %add3A_1021 = arith.constant 4 : i32
        %add3A_1022 = arith.addi %mul3A_1020, %add3A_1021 : i32
        %get3A_1023 = arith.index_cast %add3A_1022 : i32 to index
        %get3A_1024 = arith.constant 0 : index
        %get3A_1025 = tpu.vector_load %arg18[%get3A_1023, %get3A_1024] {strides = array<i32>} : memref<20x64xf32, #tpu.memory_space<vmem>>, vector<16xf32>,
        %add3A_1026 = arith.addf %add3A_962, %get3A_1025 : vector<16xf32>
        %mul3A_1027 = arith.constant 5 : i32
        %mul3A_1028 = arith.muli %scan3A_754, %mul3A_1027 : i32
        %add3A_1029 = arith.constant 4 : i32
        %add3A_1030 = arith.addi %mul3A_1028, %add3A_1029 : i32
        %get3A_1031 = arith.index_cast %add3A_1030 : i32 to index
        %get3A_1032 = arith.constant 16 : index
        %get3A_1033 = tpu.vector_load %arg17[%get3A_1031, %get3A_1032] {strides = array<i32>} : memref<20x64xf32, #tpu.memory_space<vmem>>, vector<16xf32>,
        %add3A_1034 = arith.addf %add3A_970, %get3A_1033 : vector<16xf32>
        %mul3A_1035 = arith.constant 5 : i32
        %mul3A_1036 = arith.muli %scan3A_754, %mul3A_1035 : i32
        %add3A_1037 = arith.constant 4 : i32
        %add3A_1038 = arith.addi %mul3A_1036, %add3A_1037 : i32
        %get3A_1039 = arith.index_cast %add3A_1038 : i32 to index
        %get3A_1040 = arith.constant 16 : index
        %get3A_1041 = tpu.vector_load %arg18[%get3A_1039, %get3A_1040] {strides = array<i32>} : memref<20x64xf32, #tpu.memory_space<vmem>>, vector<16xf32>,
        %add3A_1042 = arith.addf %add3A_978, %get3A_1041 : vector<16xf32>
        %mul3A_1043 = arith.constant 5 : i32
        %mul3A_1044 = arith.muli %scan3A_754, %mul3A_1043 : i32
        %add3A_1045 = arith.constant 4 : i32
        %add3A_1046 = arith.addi %mul3A_1044, %add3A_1045 : i32
        %get3A_1047 = arith.index_cast %add3A_1046 : i32 to index
        %get3A_1048 = arith.constant 32 : index
        %get3A_1049 = tpu.vector_load %arg17[%get3A_1047, %get3A_1048] {strides = array<i32>} : memref<20x64xf32, #tpu.memory_space<vmem>>, vector<16xf32>,
        %add3A_1050 = arith.addf %add3A_986, %get3A_1049 : vector<16xf32>
        %mul3A_1051 = arith.constant 5 : i32
        %mul3A_1052 = arith.muli %scan3A_754, %mul3A_1051 : i32
        %add3A_1053 = arith.constant 4 : i32
        %add3A_1054 = arith.addi %mul3A_1052, %add3A_1053 : i32
        %get3A_1055 = arith.index_cast %add3A_1054 : i32 to index
        %get3A_1056 = arith.constant 32 : index
        %get3A_1057 = tpu.vector_load %arg18[%get3A_1055, %get3A_1056] {strides = array<i32>} : memref<20x64xf32, #tpu.memory_space<vmem>>, vector<16xf32>,
        %add3A_1058 = arith.addf %add3A_994, %get3A_1057 : vector<16xf32>
        %mul3A_1059 = arith.constant 5 : i32
        %mul3A_1060 = arith.muli %scan3A_754, %mul3A_1059 : i32
        %add3A_1061 = arith.constant 4 : i32
        %add3A_1062 = arith.addi %mul3A_1060, %add3A_1061 : i32
        %get3A_1063 = arith.index_cast %add3A_1062 : i32 to index
        %get3A_1064 = arith.constant 48 : index
        %get3A_1065 = tpu.vector_load %arg17[%get3A_1063, %get3A_1064] {strides = array<i32>} : memref<20x64xf32, #tpu.memory_space<vmem>>, vector<16xf32>,
        %add3A_1066 = arith.addf %add3A_1002, %get3A_1065 : vector<16xf32>
        %mul3A_1067 = arith.constant 5 : i32
        %mul3A_1068 = arith.muli %scan3A_754, %mul3A_1067 : i32
        %add3A_1069 = arith.constant 4 : i32
        %add3A_1070 = arith.addi %mul3A_1068, %add3A_1069 : i32
        %get3A_1071 = arith.index_cast %add3A_1070 : i32 to index
        %get3A_1072 = arith.constant 48 : index
        %get3A_1073 = tpu.vector_load %arg18[%get3A_1071, %get3A_1072] {strides = array<i32>} : memref<20x64xf32, #tpu.memory_space<vmem>>, vector<16xf32>,
        %add3A_1074 = arith.addf %add3A_1010, %get3A_1073 : vector<16xf32>
        %scan3A_1075 = arith.constant 0 : i32
        %scan3A_1076 = arith.constant 20 : i32
        %scan3A_1077 = arith.addi %scan3A_1075, %scan3A_1076 : i32
        %scan3A_1078 = arith.constant 1 : i32
        %scan3A_1079:8 = scf.for %scan3A_1212 = %scan3A_1075 to %scan3A_1077 step %scan3A_1078 iter_args(%scan3A_1213 = %broadcast_in_dim3A_11, %scan3A_1214 = %broadcast_in_dim3A_11, %scan3A_1215 = %broadcast_in_dim3A_11, %scan3A_1216 = %broadcast_in_dim3A_11, %scan3A_1217 = %broadcast_in_dim3A_11, %scan3A_1218 = %broadcast_in_dim3A_11, %scan3A_1219 = %broadcast_in_dim3A_11, %scan3A_1220 = %broadcast_in_dim3A_11) -> (vector<16xf32>, vector<16xf32>, vector<16xf32>, vector<16xf32>, vector<16xf32>, vector<16xf32>, vector<16xf32>, vector<16xf32>)  : i32 {
          %get3A_1221 = arith.index_cast %scan3A_1212 : i32 to index
          %get3A_1222 = arith.constant 0 : index
          %get3A_1223 = tpu.vector_load %arg25[%get3A_1221, %get3A_1222] {strides = array<i32>} : memref<20x16xf32, #tpu.memory_space<vmem>>, vector<16xf32>,
          %mul3A_1224 = arith.constant 100 : i32
          %mul3A_1225 = arith.muli %scan3A_754, %mul3A_1224 : i32
          %mul3A_1226 = arith.constant 5 : i32
          %mul3A_1227 = arith.muli %scan3A_1212, %mul3A_1226 : i32
          %add3A_1228 = arith.addi %mul3A_1225, %mul3A_1227 : i32
          %get3A_1229 = arith.index_cast %add3A_1228 : i32 to index
          %get3A_1230 = arith.constant 0 : index
          %get3A_1231 = tpu.vector_load %arg19[%get3A_1229, %get3A_1230] {strides = array<i32>} : memref<400x64xf32, #tpu.memory_space<vmem>>, vector<16xf32>,
          %add3A_1232 = arith.constant 1 : i32
          %add3A_1233 = arith.addi %add3A_1228, %add3A_1232 : i32
          %get3A_1234 = arith.index_cast %add3A_1233 : i32 to index
          %get3A_1235 = arith.constant 0 : index
          %get3A_1236 = tpu.vector_load %arg19[%get3A_1234, %get3A_1235] {strides = array<i32>} : memref<400x64xf32, #tpu.memory_space<vmem>>, vector<16xf32>,
          %add3A_1237 = arith.addf %get3A_1231, %get3A_1236 : vector<16xf32>
          %add3A_1238 = arith.constant 2 : i32
          %add3A_1239 = arith.addi %add3A_1228, %add3A_1238 : i32
          %get3A_1240 = arith.index_cast %add3A_1239 : i32 to index
          %get3A_1241 = arith.constant 0 : index
          %get3A_1242 = tpu.vector_load %arg19[%get3A_1240, %get3A_1241] {strides = array<i32>} : memref<400x64xf32, #tpu.memory_space<vmem>>, vector<16xf32>,
          %add3A_1243 = arith.addf %add3A_1237, %get3A_1242 : vector<16xf32>
          %add3A_1244 = arith.constant 3 : i32
          %add3A_1245 = arith.addi %add3A_1228, %add3A_1244 : i32
          %get3A_1246 = arith.index_cast %add3A_1245 : i32 to index
          %get3A_1247 = arith.constant 0 : index
          %get3A_1248 = tpu.vector_load %arg19[%get3A_1246, %get3A_1247] {strides = array<i32>} : memref<400x64xf32, #tpu.memory_space<vmem>>, vector<16xf32>,
          %add3A_1249 = arith.addf %add3A_1243, %get3A_1248 : vector<16xf32>
          %add3A_1250 = arith.constant 4 : i32
          %add3A_1251 = arith.addi %add3A_1228, %add3A_1250 : i32
          %get3A_1252 = arith.index_cast %add3A_1251 : i32 to index
          %get3A_1253 = arith.constant 0 : index
          %get3A_1254 = tpu.vector_load %arg19[%get3A_1252, %get3A_1253] {strides = array<i32>} : memref<400x64xf32, #tpu.memory_space<vmem>>, vector<16xf32>,
          %add3A_1255 = arith.addf %add3A_1249, %get3A_1254 : vector<16xf32>
          %mul3A_1256 = arith.mulf %get3A_1223, %add3A_1255 : vector<16xf32>
          %add3A_1257 = arith.addf %scan3A_1213, %mul3A_1256 : vector<16xf32>
          %get3A_1258 = arith.index_cast %add3A_1228 : i32 to index
          %get3A_1259 = arith.constant 16 : index
          %get3A_1260 = tpu.vector_load %arg19[%get3A_1258, %get3A_1259] {strides = array<i32>} : memref<400x64xf32, #tpu.memory_space<vmem>>, vector<16xf32>,
          %add3A_1261 = arith.constant 1 : i32
          %add3A_1262 = arith.addi %add3A_1228, %add3A_1261 : i32
          %get3A_1263 = arith.index_cast %add3A_1262 : i32 to index
          %get3A_1264 = arith.constant 16 : index
          %get3A_1265 = tpu.vector_load %arg19[%get3A_1263, %get3A_1264] {strides = array<i32>} : memref<400x64xf32, #tpu.memory_space<vmem>>, vector<16xf32>,
          %add3A_1266 = arith.addf %get3A_1260, %get3A_1265 : vector<16xf32>
          %add3A_1267 = arith.constant 2 : i32
          %add3A_1268 = arith.addi %add3A_1228, %add3A_1267 : i32
          %get3A_1269 = arith.index_cast %add3A_1268 : i32 to index
          %get3A_1270 = arith.constant 16 : index
          %get3A_1271 = tpu.vector_load %arg19[%get3A_1269, %get3A_1270] {strides = array<i32>} : memref<400x64xf32, #tpu.memory_space<vmem>>, vector<16xf32>,
          %add3A_1272 = arith.addf %add3A_1266, %get3A_1271 : vector<16xf32>
          %add3A_1273 = arith.constant 3 : i32
          %add3A_1274 = arith.addi %add3A_1228, %add3A_1273 : i32
          %get3A_1275 = arith.index_cast %add3A_1274 : i32 to index
          %get3A_1276 = arith.constant 16 : index
          %get3A_1277 = tpu.vector_load %arg19[%get3A_1275, %get3A_1276] {strides = array<i32>} : memref<400x64xf32, #tpu.memory_space<vmem>>, vector<16xf32>,
          %add3A_1278 = arith.addf %add3A_1272, %get3A_1277 : vector<16xf32>
          %add3A_1279 = arith.constant 4 : i32
          %add3A_1280 = arith.addi %add3A_1228, %add3A_1279 : i32
          %get3A_1281 = arith.index_cast %add3A_1280 : i32 to index
          %get3A_1282 = arith.constant 16 : index
          %get3A_1283 = tpu.vector_load %arg19[%get3A_1281, %get3A_1282] {strides = array<i32>} : memref<400x64xf32, #tpu.memory_space<vmem>>, vector<16xf32>,
          %add3A_1284 = arith.addf %add3A_1278, %get3A_1283 : vector<16xf32>
          %mul3A_1285 = arith.mulf %get3A_1223, %add3A_1284 : vector<16xf32>
          %add3A_1286 = arith.addf %scan3A_1214, %mul3A_1285 : vector<16xf32>
          %get3A_1287 = arith.index_cast %add3A_1228 : i32 to index
          %get3A_1288 = arith.constant 32 : index
          %get3A_1289 = tpu.vector_load %arg19[%get3A_1287, %get3A_1288] {strides = array<i32>} : memref<400x64xf32, #tpu.memory_space<vmem>>, vector<16xf32>,
          %add3A_1290 = arith.constant 1 : i32
          %add3A_1291 = arith.addi %add3A_1228, %add3A_1290 : i32
          %get3A_1292 = arith.index_cast %add3A_1291 : i32 to index
          %get3A_1293 = arith.constant 32 : index
          %get3A_1294 = tpu.vector_load %arg19[%get3A_1292, %get3A_1293] {strides = array<i32>} : memref<400x64xf32, #tpu.memory_space<vmem>>, vector<16xf32>,
          %add3A_1295 = arith.addf %get3A_1289, %get3A_1294 : vector<16xf32>
          %add3A_1296 = arith.constant 2 : i32
          %add3A_1297 = arith.addi %add3A_1228, %add3A_1296 : i32
          %get3A_1298 = arith.index_cast %add3A_1297 : i32 to index
          %get3A_1299 = arith.constant 32 : index
          %get3A_1300 = tpu.vector_load %arg19[%get3A_1298, %get3A_1299] {strides = array<i32>} : memref<400x64xf32, #tpu.memory_space<vmem>>, vector<16xf32>,
          %add3A_1301 = arith.addf %add3A_1295, %get3A_1300 : vector<16xf32>
          %add3A_1302 = arith.constant 3 : i32
          %add3A_1303 = arith.addi %add3A_1228, %add3A_1302 : i32
          %get3A_1304 = arith.index_cast %add3A_1303 : i32 to index
          %get3A_1305 = arith.constant 32 : index
          %get3A_1306 = tpu.vector_load %arg19[%get3A_1304, %get3A_1305] {strides = array<i32>} : memref<400x64xf32, #tpu.memory_space<vmem>>, vector<16xf32>,
          %add3A_1307 = arith.addf %add3A_1301, %get3A_1306 : vector<16xf32>
          %add3A_1308 = arith.constant 4 : i32
          %add3A_1309 = arith.addi %add3A_1228, %add3A_1308 : i32
          %get3A_1310 = arith.index_cast %add3A_1309 : i32 to index
          %get3A_1311 = arith.constant 32 : index
          %get3A_1312 = tpu.vector_load %arg19[%get3A_1310, %get3A_1311] {strides = array<i32>} : memref<400x64xf32, #tpu.memory_space<vmem>>, vector<16xf32>,
          %add3A_1313 = arith.addf %add3A_1307, %get3A_1312 : vector<16xf32>
          %mul3A_1314 = arith.mulf %get3A_1223, %add3A_1313 : vector<16xf32>
          %add3A_1315 = arith.addf %scan3A_1215, %mul3A_1314 : vector<16xf32>
          %get3A_1316 = arith.index_cast %add3A_1228 : i32 to index
          %get3A_1317 = arith.constant 48 : index
          %get3A_1318 = tpu.vector_load %arg19[%get3A_1316, %get3A_1317] {strides = array<i32>} : memref<400x64xf32, #tpu.memory_space<vmem>>, vector<16xf32>,
          %add3A_1319 = arith.constant 1 : i32
          %add3A_1320 = arith.addi %add3A_1228, %add3A_1319 : i32
          %get3A_1321 = arith.index_cast %add3A_1320 : i32 to index
          %get3A_1322 = arith.constant 48 : index
          %get3A_1323 = tpu.vector_load %arg19[%get3A_1321, %get3A_1322] {strides = array<i32>} : memref<400x64xf32, #tpu.memory_space<vmem>>, vector<16xf32>,
          %add3A_1324 = arith.addf %get3A_1318, %get3A_1323 : vector<16xf32>
          %add3A_1325 = arith.constant 2 : i32
          %add3A_1326 = arith.addi %add3A_1228, %add3A_1325 : i32
          %get3A_1327 = arith.index_cast %add3A_1326 : i32 to index
          %get3A_1328 = arith.constant 48 : index
          %get3A_1329 = tpu.vector_load %arg19[%get3A_1327, %get3A_1328] {strides = array<i32>} : memref<400x64xf32, #tpu.memory_space<vmem>>, vector<16xf32>,
          %add3A_1330 = arith.addf %add3A_1324, %get3A_1329 : vector<16xf32>
          %add3A_1331 = arith.constant 3 : i32
          %add3A_1332 = arith.addi %add3A_1228, %add3A_1331 : i32
          %get3A_1333 = arith.index_cast %add3A_1332 : i32 to index
          %get3A_1334 = arith.constant 48 : index
          %get3A_1335 = tpu.vector_load %arg19[%get3A_1333, %get3A_1334] {strides = array<i32>} : memref<400x64xf32, #tpu.memory_space<vmem>>, vector<16xf32>,
          %add3A_1336 = arith.addf %add3A_1330, %get3A_1335 : vector<16xf32>
          %add3A_1337 = arith.constant 4 : i32
          %add3A_1338 = arith.addi %add3A_1228, %add3A_1337 : i32
          %get3A_1339 = arith.index_cast %add3A_1338 : i32 to index
          %get3A_1340 = arith.constant 48 : index
          %get3A_1341 = tpu.vector_load %arg19[%get3A_1339, %get3A_1340] {strides = array<i32>} : memref<400x64xf32, #tpu.memory_space<vmem>>, vector<16xf32>,
          %add3A_1342 = arith.addf %add3A_1336, %get3A_1341 : vector<16xf32>
          %mul3A_1343 = arith.mulf %get3A_1223, %add3A_1342 : vector<16xf32>
          %add3A_1344 = arith.addf %scan3A_1216, %mul3A_1343 : vector<16xf32>
          %get3A_1345 = arith.index_cast %add3A_1228 : i32 to index
          %get3A_1346 = arith.constant 0 : index
          %get3A_1347 = tpu.vector_load %arg20[%get3A_1345, %get3A_1346] {strides = array<i32>} : memref<400x64xf32, #tpu.memory_space<vmem>>, vector<16xf32>,
          %add3A_1348 = arith.constant 1 : i32
          %add3A_1349 = arith.addi %add3A_1228, %add3A_1348 : i32
          %get3A_1350 = arith.index_cast %add3A_1349 : i32 to index
          %get3A_1351 = arith.constant 0 : index
          %get3A_1352 = tpu.vector_load %arg20[%get3A_1350, %get3A_1351] {strides = array<i32>} : memref<400x64xf32, #tpu.memory_space<vmem>>, vector<16xf32>,
          %add3A_1353 = arith.addf %get3A_1347, %get3A_1352 : vector<16xf32>
          %add3A_1354 = arith.constant 2 : i32
          %add3A_1355 = arith.addi %add3A_1228, %add3A_1354 : i32
          %get3A_1356 = arith.index_cast %add3A_1355 : i32 to index
          %get3A_1357 = arith.constant 0 : index
          %get3A_1358 = tpu.vector_load %arg20[%get3A_1356, %get3A_1357] {strides = array<i32>} : memref<400x64xf32, #tpu.memory_space<vmem>>, vector<16xf32>,
          %add3A_1359 = arith.addf %add3A_1353, %get3A_1358 : vector<16xf32>
          %add3A_1360 = arith.constant 3 : i32
          %add3A_1361 = arith.addi %add3A_1228, %add3A_1360 : i32
          %get3A_1362 = arith.index_cast %add3A_1361 : i32 to index
          %get3A_1363 = arith.constant 0 : index
          %get3A_1364 = tpu.vector_load %arg20[%get3A_1362, %get3A_1363] {strides = array<i32>} : memref<400x64xf32, #tpu.memory_space<vmem>>, vector<16xf32>,
          %add3A_1365 = arith.addf %add3A_1359, %get3A_1364 : vector<16xf32>
          %add3A_1366 = arith.constant 4 : i32
          %add3A_1367 = arith.addi %add3A_1228, %add3A_1366 : i32
          %get3A_1368 = arith.index_cast %add3A_1367 : i32 to index
          %get3A_1369 = arith.constant 0 : index
          %get3A_1370 = tpu.vector_load %arg20[%get3A_1368, %get3A_1369] {strides = array<i32>} : memref<400x64xf32, #tpu.memory_space<vmem>>, vector<16xf32>,
          %add3A_1371 = arith.addf %add3A_1365, %get3A_1370 : vector<16xf32>
          %mul3A_1372 = arith.mulf %get3A_1223, %add3A_1371 : vector<16xf32>
          %add3A_1373 = arith.addf %scan3A_1217, %mul3A_1372 : vector<16xf32>
          %get3A_1374 = arith.index_cast %add3A_1228 : i32 to index
          %get3A_1375 = arith.constant 16 : index
          %get3A_1376 = tpu.vector_load %arg20[%get3A_1374, %get3A_1375] {strides = array<i32>} : memref<400x64xf32, #tpu.memory_space<vmem>>, vector<16xf32>,
          %add3A_1377 = arith.constant 1 : i32
          %add3A_1378 = arith.addi %add3A_1228, %add3A_1377 : i32
          %get3A_1379 = arith.index_cast %add3A_1378 : i32 to index
          %get3A_1380 = arith.constant 16 : index
          %get3A_1381 = tpu.vector_load %arg20[%get3A_1379, %get3A_1380] {strides = array<i32>} : memref<400x64xf32, #tpu.memory_space<vmem>>, vector<16xf32>,
          %add3A_1382 = arith.addf %get3A_1376, %get3A_1381 : vector<16xf32>
          %add3A_1383 = arith.constant 2 : i32
          %add3A_1384 = arith.addi %add3A_1228, %add3A_1383 : i32
          %get3A_1385 = arith.index_cast %add3A_1384 : i32 to index
          %get3A_1386 = arith.constant 16 : index
          %get3A_1387 = tpu.vector_load %arg20[%get3A_1385, %get3A_1386] {strides = array<i32>} : memref<400x64xf32, #tpu.memory_space<vmem>>, vector<16xf32>,
          %add3A_1388 = arith.addf %add3A_1382, %get3A_1387 : vector<16xf32>
          %add3A_1389 = arith.constant 3 : i32
          %add3A_1390 = arith.addi %add3A_1228, %add3A_1389 : i32
          %get3A_1391 = arith.index_cast %add3A_1390 : i32 to index
          %get3A_1392 = arith.constant 16 : index
          %get3A_1393 = tpu.vector_load %arg20[%get3A_1391, %get3A_1392] {strides = array<i32>} : memref<400x64xf32, #tpu.memory_space<vmem>>, vector<16xf32>,
          %add3A_1394 = arith.addf %add3A_1388, %get3A_1393 : vector<16xf32>
          %add3A_1395 = arith.constant 4 : i32
          %add3A_1396 = arith.addi %add3A_1228, %add3A_1395 : i32
          %get3A_1397 = arith.index_cast %add3A_1396 : i32 to index
          %get3A_1398 = arith.constant 16 : index
          %get3A_1399 = tpu.vector_load %arg20[%get3A_1397, %get3A_1398] {strides = array<i32>} : memref<400x64xf32, #tpu.memory_space<vmem>>, vector<16xf32>,
          %add3A_1400 = arith.addf %add3A_1394, %get3A_1399 : vector<16xf32>
          %mul3A_1401 = arith.mulf %get3A_1223, %add3A_1400 : vector<16xf32>
          %add3A_1402 = arith.addf %scan3A_1218, %mul3A_1401 : vector<16xf32>
          %get3A_1403 = arith.index_cast %add3A_1228 : i32 to index
          %get3A_1404 = arith.constant 32 : index
          %get3A_1405 = tpu.vector_load %arg20[%get3A_1403, %get3A_1404] {strides = array<i32>} : memref<400x64xf32, #tpu.memory_space<vmem>>, vector<16xf32>,
          %add3A_1406 = arith.constant 1 : i32
          %add3A_1407 = arith.addi %add3A_1228, %add3A_1406 : i32
          %get3A_1408 = arith.index_cast %add3A_1407 : i32 to index
          %get3A_1409 = arith.constant 32 : index
          %get3A_1410 = tpu.vector_load %arg20[%get3A_1408, %get3A_1409] {strides = array<i32>} : memref<400x64xf32, #tpu.memory_space<vmem>>, vector<16xf32>,
          %add3A_1411 = arith.addf %get3A_1405, %get3A_1410 : vector<16xf32>
          %add3A_1412 = arith.constant 2 : i32
          %add3A_1413 = arith.addi %add3A_1228, %add3A_1412 : i32
          %get3A_1414 = arith.index_cast %add3A_1413 : i32 to index
          %get3A_1415 = arith.constant 32 : index
          %get3A_1416 = tpu.vector_load %arg20[%get3A_1414, %get3A_1415] {strides = array<i32>} : memref<400x64xf32, #tpu.memory_space<vmem>>, vector<16xf32>,
          %add3A_1417 = arith.addf %add3A_1411, %get3A_1416 : vector<16xf32>
          %add3A_1418 = arith.constant 3 : i32
          %add3A_1419 = arith.addi %add3A_1228, %add3A_1418 : i32
          %get3A_1420 = arith.index_cast %add3A_1419 : i32 to index
          %get3A_1421 = arith.constant 32 : index
          %get3A_1422 = tpu.vector_load %arg20[%get3A_1420, %get3A_1421] {strides = array<i32>} : memref<400x64xf32, #tpu.memory_space<vmem>>, vector<16xf32>,
          %add3A_1423 = arith.addf %add3A_1417, %get3A_1422 : vector<16xf32>
          %add3A_1424 = arith.constant 4 : i32
          %add3A_1425 = arith.addi %add3A_1228, %add3A_1424 : i32
          %get3A_1426 = arith.index_cast %add3A_1425 : i32 to index
          %get3A_1427 = arith.constant 32 : index
          %get3A_1428 = tpu.vector_load %arg20[%get3A_1426, %get3A_1427] {strides = array<i32>} : memref<400x64xf32, #tpu.memory_space<vmem>>, vector<16xf32>,
          %add3A_1429 = arith.addf %add3A_1423, %get3A_1428 : vector<16xf32>
          %mul3A_1430 = arith.mulf %get3A_1223, %add3A_1429 : vector<16xf32>
          %add3A_1431 = arith.addf %scan3A_1219, %mul3A_1430 : vector<16xf32>
          %get3A_1432 = arith.index_cast %add3A_1228 : i32 to index
          %get3A_1433 = arith.constant 48 : index
          %get3A_1434 = tpu.vector_load %arg20[%get3A_1432, %get3A_1433] {strides = array<i32>} : memref<400x64xf32, #tpu.memory_space<vmem>>, vector<16xf32>,
          %add3A_1435 = arith.constant 1 : i32
          %add3A_1436 = arith.addi %add3A_1228, %add3A_1435 : i32
          %get3A_1437 = arith.index_cast %add3A_1436 : i32 to index
          %get3A_1438 = arith.constant 48 : index
          %get3A_1439 = tpu.vector_load %arg20[%get3A_1437, %get3A_1438] {strides = array<i32>} : memref<400x64xf32, #tpu.memory_space<vmem>>, vector<16xf32>,
          %add3A_1440 = arith.addf %get3A_1434, %get3A_1439 : vector<16xf32>
          %add3A_1441 = arith.constant 2 : i32
          %add3A_1442 = arith.addi %add3A_1228, %add3A_1441 : i32
          %get3A_1443 = arith.index_cast %add3A_1442 : i32 to index
          %get3A_1444 = arith.constant 48 : index
          %get3A_1445 = tpu.vector_load %arg20[%get3A_1443, %get3A_1444] {strides = array<i32>} : memref<400x64xf32, #tpu.memory_space<vmem>>, vector<16xf32>,
          %add3A_1446 = arith.addf %add3A_1440, %get3A_1445 : vector<16xf32>
          %add3A_1447 = arith.constant 3 : i32
          %add3A_1448 = arith.addi %add3A_1228, %add3A_1447 : i32
          %get3A_1449 = arith.index_cast %add3A_1448 : i32 to index
          %get3A_1450 = arith.constant 48 : index
          %get3A_1451 = tpu.vector_load %arg20[%get3A_1449, %get3A_1450] {strides = array<i32>} : memref<400x64xf32, #tpu.memory_space<vmem>>, vector<16xf32>,
          %add3A_1452 = arith.addf %add3A_1446, %get3A_1451 : vector<16xf32>
          %add3A_1453 = arith.constant 4 : i32
          %add3A_1454 = arith.addi %add3A_1228, %add3A_1453 : i32
          %get3A_1455 = arith.index_cast %add3A_1454 : i32 to index
          %get3A_1456 = arith.constant 48 : index
          %get3A_1457 = tpu.vector_load %arg20[%get3A_1455, %get3A_1456] {strides = array<i32>} : memref<400x64xf32, #tpu.memory_space<vmem>>, vector<16xf32>,
          %add3A_1458 = arith.addf %add3A_1452, %get3A_1457 : vector<16xf32>
          %mul3A_1459 = arith.mulf %get3A_1223, %add3A_1458 : vector<16xf32>
          %add3A_1460 = arith.addf %scan3A_1220, %mul3A_1459 : vector<16xf32>
          scf.yield %add3A_1257, %add3A_1286, %add3A_1315, %add3A_1344, %add3A_1373, %add3A_1402, %add3A_1431, %add3A_1460 : vector<16xf32>, vector<16xf32>, vector<16xf32>, vector<16xf32>, vector<16xf32>, vector<16xf32>, vector<16xf32>, vector<16xf32>
        }
        %scan3A_1080 = arith.constant 20 : i32
        %mul3A_1081 = arith.mulf %add3A_1018, %scan3A_1079#0 : vector<16xf32>
        %mul3A_1082 = arith.mulf %add3A_1034, %scan3A_1079#1 : vector<16xf32>
        %add3A_1083 = arith.addf %mul3A_1081, %mul3A_1082 : vector<16xf32>
        %mul3A_1084 = arith.mulf %add3A_1050, %scan3A_1079#2 : vector<16xf32>
        %add3A_1085 = arith.addf %add3A_1083, %mul3A_1084 : vector<16xf32>
        %mul3A_1086 = arith.mulf %add3A_1066, %scan3A_1079#3 : vector<16xf32>
        %add3A_1087 = arith.addf %add3A_1085, %mul3A_1086 : vector<16xf32>
        %reduce_sum3A = arith.constant true
        %reduce_sum3A_1088 = vector.broadcast %reduce_sum3A : i1 to vector<16xi1>
        %reduce_sum3A_1089 = tpu.scan <sum>, %add3A_1087 masked %reduce_sum3A_1088 : vector<16xf32>, vector<16xi1> -> vector<16xf32>
        %reduce_sum3A_1090 = vector.extract %reduce_sum3A_1089[15] : f32 from vector<16xf32>
        %mul3A_1091 = arith.mulf %add3A_1026, %scan3A_1079#0 : vector<16xf32>
        %mul3A_1092 = arith.mulf %add3A_1042, %scan3A_1079#1 : vector<16xf32>
        %add3A_1093 = arith.addf %mul3A_1091, %mul3A_1092 : vector<16xf32>
        %mul3A_1094 = arith.mulf %add3A_1058, %scan3A_1079#2 : vector<16xf32>
        %add3A_1095 = arith.addf %add3A_1093, %mul3A_1094 : vector<16xf32>
        %mul3A_1096 = arith.mulf %add3A_1074, %scan3A_1079#3 : vector<16xf32>
        %add3A_1097 = arith.addf %add3A_1095, %mul3A_1096 : vector<16xf32>
        %reduce_sum3A_1098 = arith.constant true
        %reduce_sum3A_1099 = vector.broadcast %reduce_sum3A_1098 : i1 to vector<16xi1>
        %reduce_sum3A_1100 = tpu.scan <sum>, %add3A_1097 masked %reduce_sum3A_1099 : vector<16xf32>, vector<16xi1> -> vector<16xf32>
        %reduce_sum3A_1101 = vector.extract %reduce_sum3A_1100[15] : f32 from vector<16xf32>
        %mul3A_1102 = arith.mulf %add3A_1018, %scan3A_1079#4 : vector<16xf32>
        %mul3A_1103 = arith.mulf %add3A_1034, %scan3A_1079#5 : vector<16xf32>
        %add3A_1104 = arith.addf %mul3A_1102, %mul3A_1103 : vector<16xf32>
        %mul3A_1105 = arith.mulf %add3A_1050, %scan3A_1079#6 : vector<16xf32>
        %add3A_1106 = arith.addf %add3A_1104, %mul3A_1105 : vector<16xf32>
        %mul3A_1107 = arith.mulf %add3A_1066, %scan3A_1079#7 : vector<16xf32>
        %add3A_1108 = arith.addf %add3A_1106, %mul3A_1107 : vector<16xf32>
        %reduce_sum3A_1109 = arith.constant true
        %reduce_sum3A_1110 = vector.broadcast %reduce_sum3A_1109 : i1 to vector<16xi1>
        %reduce_sum3A_1111 = tpu.scan <sum>, %add3A_1108 masked %reduce_sum3A_1110 : vector<16xf32>, vector<16xi1> -> vector<16xf32>
        %reduce_sum3A_1112 = vector.extract %reduce_sum3A_1111[15] : f32 from vector<16xf32>
        %mul3A_1113 = arith.mulf %add3A_1018, %add3A_1018 : vector<16xf32>
        %mul3A_1114 = arith.mulf %add3A_1034, %add3A_1034 : vector<16xf32>
        %add3A_1115 = arith.addf %mul3A_1113, %mul3A_1114 : vector<16xf32>
        %mul3A_1116 = arith.mulf %add3A_1050, %add3A_1050 : vector<16xf32>
        %add3A_1117 = arith.addf %add3A_1115, %mul3A_1116 : vector<16xf32>
        %mul3A_1118 = arith.mulf %add3A_1066, %add3A_1066 : vector<16xf32>
        %add3A_1119 = arith.addf %add3A_1117, %mul3A_1118 : vector<16xf32>
        %reduce_sum3A_1120 = arith.constant true
        %reduce_sum3A_1121 = vector.broadcast %reduce_sum3A_1120 : i1 to vector<16xi1>
        %reduce_sum3A_1122 = tpu.scan <sum>, %add3A_1119 masked %reduce_sum3A_1121 : vector<16xf32>, vector<16xi1> -> vector<16xf32>
        %reduce_sum3A_1123 = vector.extract %reduce_sum3A_1122[15] : f32 from vector<16xf32>
        %mul3A_1124 = arith.mulf %scan3A_1079#0, %scan3A_1079#0 : vector<16xf32>
        %mul3A_1125 = arith.mulf %scan3A_1079#1, %scan3A_1079#1 : vector<16xf32>
        %add3A_1126 = arith.addf %mul3A_1124, %mul3A_1125 : vector<16xf32>
        %mul3A_1127 = arith.mulf %scan3A_1079#2, %scan3A_1079#2 : vector<16xf32>
        %add3A_1128 = arith.addf %add3A_1126, %mul3A_1127 : vector<16xf32>
        %mul3A_1129 = arith.mulf %scan3A_1079#3, %scan3A_1079#3 : vector<16xf32>
        %add3A_1130 = arith.addf %add3A_1128, %mul3A_1129 : vector<16xf32>
        %reduce_sum3A_1131 = arith.constant true
        %reduce_sum3A_1132 = vector.broadcast %reduce_sum3A_1131 : i1 to vector<16xi1>
        %reduce_sum3A_1133 = tpu.scan <sum>, %add3A_1130 masked %reduce_sum3A_1132 : vector<16xf32>, vector<16xi1> -> vector<16xf32>
        %reduce_sum3A_1134 = vector.extract %reduce_sum3A_1133[15] : f32 from vector<16xf32>
        %mul3A_1135 = arith.mulf %add3A_1026, %add3A_1026 : vector<16xf32>
        %mul3A_1136 = arith.mulf %add3A_1042, %add3A_1042 : vector<16xf32>
        %add3A_1137 = arith.addf %mul3A_1135, %mul3A_1136 : vector<16xf32>
        %mul3A_1138 = arith.mulf %add3A_1058, %add3A_1058 : vector<16xf32>
        %add3A_1139 = arith.addf %add3A_1137, %mul3A_1138 : vector<16xf32>
        %mul3A_1140 = arith.mulf %add3A_1074, %add3A_1074 : vector<16xf32>
        %add3A_1141 = arith.addf %add3A_1139, %mul3A_1140 : vector<16xf32>
        %reduce_sum3A_1142 = arith.constant true
        %reduce_sum3A_1143 = vector.broadcast %reduce_sum3A_1142 : i1 to vector<16xi1>
        %reduce_sum3A_1144 = tpu.scan <sum>, %add3A_1141 masked %reduce_sum3A_1143 : vector<16xf32>, vector<16xi1> -> vector<16xf32>
        %reduce_sum3A_1145 = vector.extract %reduce_sum3A_1144[15] : f32 from vector<16xf32>
        %mul3A_1146 = arith.mulf %scan3A_1079#4, %scan3A_1079#4 : vector<16xf32>
        %mul3A_1147 = arith.mulf %scan3A_1079#5, %scan3A_1079#5 : vector<16xf32>
        %add3A_1148 = arith.addf %mul3A_1146, %mul3A_1147 : vector<16xf32>
        %mul3A_1149 = arith.mulf %scan3A_1079#6, %scan3A_1079#6 : vector<16xf32>
        %add3A_1150 = arith.addf %add3A_1148, %mul3A_1149 : vector<16xf32>
        %mul3A_1151 = arith.mulf %scan3A_1079#7, %scan3A_1079#7 : vector<16xf32>
        %add3A_1152 = arith.addf %add3A_1150, %mul3A_1151 : vector<16xf32>
        %reduce_sum3A_1153 = arith.constant true
        %reduce_sum3A_1154 = vector.broadcast %reduce_sum3A_1153 : i1 to vector<16xi1>
        %reduce_sum3A_1155 = tpu.scan <sum>, %add3A_1152 masked %reduce_sum3A_1154 : vector<16xf32>, vector<16xi1> -> vector<16xf32>
        %reduce_sum3A_1156 = vector.extract %reduce_sum3A_1155[15] : f32 from vector<16xf32>
        %neg3A = arith.constant 0.000000e+00 : f32
        %neg3A_1157 = arith.subf %neg3A, %reduce_sum3A_1090 : f32
        %mul3A_1158 = arith.constant 5.000000e-01 : f32
        %mul3A_1159 = arith.mulf %mul3A_1158, %reduce_sum3A_1101 : f32
        %mul3A_1160 = arith.constant 5.000000e-01 : f32
        %mul3A_1161 = arith.mulf %mul3A_1160, %reduce_sum3A_1112 : f32
        %broadcast_in_dim3A_1162 = vector.broadcast %mul3A_1161 : f32 to vector<16xf32>
        %select_n3A = arith.select %eq3A_10, %broadcast_in_dim3A_1162, %broadcast_in_dim3A_11 : vector<16xi1>, vector<16xf32>
        %broadcast_in_dim3A_1163 = vector.broadcast %mul3A_1159 : f32 to vector<16xf32>
        %select_n3A_1164 = arith.select %eq3A_7, %broadcast_in_dim3A_1163, %select_n3A : vector<16xi1>, vector<16xf32>
        %broadcast_in_dim3A_1165 = vector.broadcast %neg3A_1157 : f32 to vector<16xf32>
        %select_n3A_1166 = arith.select %eq3A_4, %broadcast_in_dim3A_1165, %select_n3A_1164 : vector<16xi1>, vector<16xf32>
        %mul3A_1167 = arith.mulf %reduce_sum3A_1123, %reduce_sum3A_1134 : f32
        %mul3A_1168 = arith.mulf %reduce_sum3A_1145, %reduce_sum3A_1134 : f32
        %mul3A_1169 = arith.mulf %reduce_sum3A_1123, %reduce_sum3A_1156 : f32
        %broadcast_in_dim3A_1170 = vector.broadcast %mul3A_1169 : f32 to vector<16xf32>
        %select_n3A_1171 = arith.select %eq3A_10, %broadcast_in_dim3A_1170, %broadcast_in_dim3A_13 : vector<16xi1>, vector<16xf32>
        %broadcast_in_dim3A_1172 = vector.broadcast %mul3A_1168 : f32 to vector<16xf32>
        %select_n3A_1173 = arith.select %eq3A_7, %broadcast_in_dim3A_1172, %select_n3A_1171 : vector<16xi1>, vector<16xf32>
        %broadcast_in_dim3A_1174 = vector.broadcast %mul3A_1167 : f32 to vector<16xf32>
        %select_n3A_1175 = arith.select %eq3A_4, %broadcast_in_dim3A_1174, %select_n3A_1173 : vector<16xi1>, vector<16xf32>
        %max3A = arith.constant 1.000000e-30 : f32
        %max3A_1176 = vector.broadcast %max3A : f32 to vector<16xf32>
        %max3A_1177 = arith.maximumf %select_n3A_1175, %max3A_1176 : vector<16xf32>
        %bitcast_convert_type3A = tpu.bitcast %max3A_1177 : vector<16xf32> -> vector<16xi32>
        %shift_right_arithmetic3A = arith.constant 1 : i32
        %shift_right_arithmetic3A_1178 = vector.broadcast %shift_right_arithmetic3A : i32 to vector<16xi32>
        %shift_right_arithmetic3A_1179 = arith.shrsi %bitcast_convert_type3A, %shift_right_arithmetic3A_1178 : vector<16xi32>
        %sub3A = arith.constant 1597463007 : i32
        %sub3A_1180 = vector.broadcast %sub3A : i32 to vector<16xi32>
        %sub3A_1181 = arith.subi %sub3A_1180, %shift_right_arithmetic3A_1179 : vector<16xi32>
        %bitcast_convert_type3A_1182 = tpu.bitcast %sub3A_1181 : vector<16xi32> -> vector<16xf32>
        %mul3A_1183 = arith.constant 5.000000e-01 : f32
        %mul3A_1184 = vector.broadcast %mul3A_1183 : f32 to vector<16xf32>
        %mul3A_1185 = arith.mulf %mul3A_1184, %max3A_1177 : vector<16xf32>
        %mul3A_1186 = arith.mulf %mul3A_1185, %bitcast_convert_type3A_1182 : vector<16xf32>
        %mul3A_1187 = arith.mulf %mul3A_1186, %bitcast_convert_type3A_1182 : vector<16xf32>
        %sub3A_1188 = arith.constant 1.500000e+00 : f32
        %sub3A_1189 = vector.broadcast %sub3A_1188 : f32 to vector<16xf32>
        %sub3A_1190 = arith.subf %sub3A_1189, %mul3A_1187 : vector<16xf32>
        %mul3A_1191 = arith.mulf %bitcast_convert_type3A_1182, %sub3A_1190 : vector<16xf32>
        %mul3A_1192 = arith.constant 5.000000e-01 : f32
        %mul3A_1193 = vector.broadcast %mul3A_1192 : f32 to vector<16xf32>
        %mul3A_1194 = arith.mulf %mul3A_1193, %max3A_1177 : vector<16xf32>
        %mul3A_1195 = arith.mulf %mul3A_1194, %mul3A_1191 : vector<16xf32>
        %mul3A_1196 = arith.mulf %mul3A_1195, %mul3A_1191 : vector<16xf32>
        %sub3A_1197 = arith.constant 1.500000e+00 : f32
        %sub3A_1198 = vector.broadcast %sub3A_1197 : f32 to vector<16xf32>
        %sub3A_1199 = arith.subf %sub3A_1198, %mul3A_1196 : vector<16xf32>
        %mul3A_1200 = arith.mulf %mul3A_1191, %sub3A_1199 : vector<16xf32>
        %mul3A_1201 = arith.constant 5.000000e-01 : f32
        %mul3A_1202 = vector.broadcast %mul3A_1201 : f32 to vector<16xf32>
        %mul3A_1203 = arith.mulf %mul3A_1202, %max3A_1177 : vector<16xf32>
        %mul3A_1204 = arith.mulf %mul3A_1203, %mul3A_1200 : vector<16xf32>
        %mul3A_1205 = arith.mulf %mul3A_1204, %mul3A_1200 : vector<16xf32>
        %sub3A_1206 = arith.constant 1.500000e+00 : f32
        %sub3A_1207 = vector.broadcast %sub3A_1206 : f32 to vector<16xf32>
        %sub3A_1208 = arith.subf %sub3A_1207, %mul3A_1205 : vector<16xf32>
        %mul3A_1209 = arith.mulf %mul3A_1200, %sub3A_1208 : vector<16xf32>
        %mul3A_1210 = arith.mulf %select_n3A_1166, %mul3A_1209 : vector<16xf32>
        %add3A_1211 = arith.addf %scan3A_755, %mul3A_1210 : vector<16xf32>
        scf.yield %add3A_1211 : vector<16xf32>
      }
      %scan3A_585 = arith.constant 4 : i32
      %lt3A = arith.constant 15 : i32
      %lt3A_586 = arith.cmpi slt, %scan3A_235, %lt3A : i32
      %convert_element_type3A = arith.extui %lt3A_586 : i1 to i32
      %cond3A = arith.constant 0 : i32
      %cond3A_587 = arith.cmpi ne, %convert_element_type3A, %cond3A : i32
      scf.if %cond3A_587 {
        %mul3A_754 = arith.constant 2 : i32
        %mul3A_755 = arith.muli %mul3A_754, %scan3A_235 : i32
        %add3A_756 = arith.constant 2 : i32
        %add3A_757 = arith.addi %mul3A_755, %add3A_756 : i32
        %mul3A_758 = arith.constant 4 : i32
        %mul3A_759 = arith.muli %add3A_757, %mul3A_758 : i32
        %add3A_760 = arith.addi %mul3A_2, %mul3A_759 : i32
        %dma_start3A_761 = arith.constant 0 : i32
        %dma_start3A_762 = tpu.memref_slice %arg3[%add3A_760, %dma_start3A_761] : memref<4096x5xi32, #tpu.memory_space<hbm>> -> memref<4x5xi32, #tpu.memory_space<hbm>>
        %dma_start3A_763 = arith.constant 0 : i32
        %dma_start3A_764 = tpu.memref_slice %arg3[%add3A_760, %dma_start3A_763] : memref<4096x5xi32, #tpu.memory_space<hbm>> -> memref<4x5xi32, #tpu.memory_space<hbm>>
        tpu.enqueue_dma source(%dma_start3A_764 : memref<4x5xi32, #tpu.memory_space<hbm>>) target(%arg9 : memref<4x5xi32, #tpu.memory_space<vmem>>) target_semaphore(%arg27 : memref<!tpu.dma_semaphore, #tpu.memory_space<semaphore_mem>>)
        %dma_start3A_765 = arith.constant 0 : i32
        %dma_start3A_766 = tpu.memref_slice %arg5[%add3A_760, %dma_start3A_765] : memref<4096x5xi32, #tpu.memory_space<hbm>> -> memref<4x5xi32, #tpu.memory_space<hbm>>
        %dma_start3A_767 = arith.constant 0 : i32
        %dma_start3A_768 = tpu.memref_slice %arg5[%add3A_760, %dma_start3A_767] : memref<4096x5xi32, #tpu.memory_space<hbm>> -> memref<4x5xi32, #tpu.memory_space<hbm>>
        tpu.enqueue_dma source(%dma_start3A_768 : memref<4x5xi32, #tpu.memory_space<hbm>>) target(%arg10 : memref<4x5xi32, #tpu.memory_space<vmem>>) target_semaphore(%arg27 : memref<!tpu.dma_semaphore, #tpu.memory_space<semaphore_mem>>)
        %dma_start3A_769 = arith.constant 0 : i32
        %dma_start3A_770 = tpu.memref_slice %arg4[%add3A_760, %dma_start3A_769] : memref<4096x100xi32, #tpu.memory_space<hbm>> -> memref<4x100xi32, #tpu.memory_space<hbm>>
        %dma_start3A_771 = arith.constant 0 : i32
        %dma_start3A_772 = tpu.memref_slice %arg4[%add3A_760, %dma_start3A_771] : memref<4096x100xi32, #tpu.memory_space<hbm>> -> memref<4x100xi32, #tpu.memory_space<hbm>>
        tpu.enqueue_dma source(%dma_start3A_772 : memref<4x100xi32, #tpu.memory_space<hbm>>) target(%arg11 : memref<4x100xi32, #tpu.memory_space<vmem>>) target_semaphore(%arg27 : memref<!tpu.dma_semaphore, #tpu.memory_space<semaphore_mem>>)
        %dma_start3A_773 = arith.constant 0 : i32
        %dma_start3A_774 = tpu.memref_slice %arg6[%add3A_760, %dma_start3A_773] : memref<4096x100xi32, #tpu.memory_space<hbm>> -> memref<4x100xi32, #tpu.memory_space<hbm>>
        %dma_start3A_775 = arith.constant 0 : i32
        %dma_start3A_776 = tpu.memref_slice %arg6[%add3A_760, %dma_start3A_775] : memref<4096x100xi32, #tpu.memory_space<hbm>> -> memref<4x100xi32, #tpu.memory_space<hbm>>
        tpu.enqueue_dma source(%dma_start3A_776 : memref<4x100xi32, #tpu.memory_space<hbm>>) target(%arg12 : memref<4x100xi32, #tpu.memory_space<vmem>>) target_semaphore(%arg27 : memref<!tpu.dma_semaphore, #tpu.memory_space<semaphore_mem>>)
        %mul3A_777 = arith.constant 2 : i32
        %mul3A_778 = arith.muli %mul3A_777, %scan3A_235 : i32
        %add3A_779 = arith.constant 2 : i32
        %add3A_780 = arith.addi %mul3A_778, %add3A_779 : i32
        %mul3A_781 = arith.constant 4 : i32
        %mul3A_782 = arith.muli %add3A_780, %mul3A_781 : i32
        %add3A_783 = arith.addi %mul3A_2, %mul3A_782 : i32
        %dma_wait3A_784 = arith.constant 0 : i32
        %dma_wait3A_785 = tpu.memref_slice %arg3[%add3A_783, %dma_wait3A_784] : memref<4096x5xi32, #tpu.memory_space<hbm>> -> memref<4x5xi32, #tpu.memory_space<hbm>>
        %dma_wait3A_786 = arith.constant 0 : i32
        %dma_wait3A_787 = tpu.memref_slice %arg3[%add3A_783, %dma_wait3A_786] : memref<4096x5xi32, #tpu.memory_space<hbm>> -> memref<4x5xi32, #tpu.memory_space<hbm>>
        tpu.wait_dma2 semaphore(%arg27 : memref<!tpu.dma_semaphore, #tpu.memory_space<semaphore_mem>>) src(%dma_wait3A_787 : memref<4x5xi32, #tpu.memory_space<hbm>>) dst(%arg9 : memref<4x5xi32, #tpu.memory_space<vmem>>)
        %dma_wait3A_788 = arith.constant 0 : i32
        %dma_wait3A_789 = tpu.memref_slice %arg5[%add3A_783, %dma_wait3A_788] : memref<4096x5xi32, #tpu.memory_space<hbm>> -> memref<4x5xi32, #tpu.memory_space<hbm>>
        %dma_wait3A_790 = arith.constant 0 : i32
        %dma_wait3A_791 = tpu.memref_slice %arg5[%add3A_783, %dma_wait3A_790] : memref<4096x5xi32, #tpu.memory_space<hbm>> -> memref<4x5xi32, #tpu.memory_space<hbm>>
        tpu.wait_dma2 semaphore(%arg27 : memref<!tpu.dma_semaphore, #tpu.memory_space<semaphore_mem>>) src(%dma_wait3A_791 : memref<4x5xi32, #tpu.memory_space<hbm>>) dst(%arg10 : memref<4x5xi32, #tpu.memory_space<vmem>>)
        %dma_wait3A_792 = arith.constant 0 : i32
        %dma_wait3A_793 = tpu.memref_slice %arg4[%add3A_783, %dma_wait3A_792] : memref<4096x100xi32, #tpu.memory_space<hbm>> -> memref<4x100xi32, #tpu.memory_space<hbm>>
        %dma_wait3A_794 = arith.constant 0 : i32
        %dma_wait3A_795 = tpu.memref_slice %arg4[%add3A_783, %dma_wait3A_794] : memref<4096x100xi32, #tpu.memory_space<hbm>> -> memref<4x100xi32, #tpu.memory_space<hbm>>
        tpu.wait_dma2 semaphore(%arg27 : memref<!tpu.dma_semaphore, #tpu.memory_space<semaphore_mem>>) src(%dma_wait3A_795 : memref<4x100xi32, #tpu.memory_space<hbm>>) dst(%arg11 : memref<4x100xi32, #tpu.memory_space<vmem>>)
        %dma_wait3A_796 = arith.constant 0 : i32
        %dma_wait3A_797 = tpu.memref_slice %arg6[%add3A_783, %dma_wait3A_796] : memref<4096x100xi32, #tpu.memory_space<hbm>> -> memref<4x100xi32, #tpu.memory_space<hbm>>
        %dma_wait3A_798 = arith.constant 0 : i32
        %dma_wait3A_799 = tpu.memref_slice %arg6[%add3A_783, %dma_wait3A_798] : memref<4096x100xi32, #tpu.memory_space<hbm>> -> memref<4x100xi32, #tpu.memory_space<hbm>>
        tpu.wait_dma2 semaphore(%arg27 : memref<!tpu.dma_semaphore, #tpu.memory_space<semaphore_mem>>) src(%dma_wait3A_799 : memref<4x100xi32, #tpu.memory_space<hbm>>) dst(%arg12 : memref<4x100xi32, #tpu.memory_space<vmem>>)
        %dma_start3A_800 = arith.constant 0 : i32
        %dma_start3A_801 = arith.constant 0 : i32
        %dma_start3A_802 = arith.constant 0 : i32
        %dma_start3A_803 = tpu.memref_slice %arg19[%dma_start3A_801, %dma_start3A_802] : memref<400x64xf32, #tpu.memory_space<vmem>> -> memref<100x64xf32, #tpu.memory_space<vmem>>
        %dma_start3A_804 = arith.constant 0 : i32
        %dma_start3A_805 = tpu.memref_slice %arg11[%dma_start3A_800, %dma_start3A_804] : memref<4x100xi32, #tpu.memory_space<vmem>> -> memref<1x100xi32, #tpu.memory_space<vmem>>
        %dma_start3A_806 = tpu.memref_squeeze %dma_start3A_805 : memref<1x100xi32, #tpu.memory_space<vmem>> -> memref<100xi32, #tpu.memory_space<vmem>>
        %dma_start3A_807 = arith.constant 0 : i32
        %dma_start3A_808 = arith.constant 0 : i32
        %dma_start3A_809 = tpu.memref_slice %arg2[%dma_start3A_807, %dma_start3A_808] : memref<1000000x64xf32, #tpu.memory_space<hbm>> -> memref<1000000x64xf32, #tpu.memory_space<hbm>>
        tpu.enqueue_indirect_dma source(%dma_start3A_809 : memref<1000000x64xf32, #tpu.memory_space<hbm>>) target(%dma_start3A_803 : memref<100x64xf32, #tpu.memory_space<vmem>>) offsets(%dma_start3A_806 : memref<100xi32, #tpu.memory_space<vmem>>) semaphore(%arg29 : memref<!tpu.dma_semaphore, #tpu.memory_space<semaphore_mem>>)
        %dma_start3A_810 = arith.constant 0 : i32
        %dma_start3A_811 = arith.constant 0 : i32
        %dma_start3A_812 = arith.constant 0 : i32
        %dma_start3A_813 = tpu.memref_slice %arg20[%dma_start3A_811, %dma_start3A_812] : memref<400x64xf32, #tpu.memory_space<vmem>> -> memref<100x64xf32, #tpu.memory_space<vmem>>
        %dma_start3A_814 = arith.constant 0 : i32
        %dma_start3A_815 = tpu.memref_slice %arg12[%dma_start3A_810, %dma_start3A_814] : memref<4x100xi32, #tpu.memory_space<vmem>> -> memref<1x100xi32, #tpu.memory_space<vmem>>
        %dma_start3A_816 = tpu.memref_squeeze %dma_start3A_815 : memref<1x100xi32, #tpu.memory_space<vmem>> -> memref<100xi32, #tpu.memory_space<vmem>>
        %dma_start3A_817 = arith.constant 0 : i32
        %dma_start3A_818 = arith.constant 0 : i32
        %dma_start3A_819 = tpu.memref_slice %arg2[%dma_start3A_817, %dma_start3A_818] : memref<1000000x64xf32, #tpu.memory_space<hbm>> -> memref<1000000x64xf32, #tpu.memory_space<hbm>>
        tpu.enqueue_indirect_dma source(%dma_start3A_819 : memref<1000000x64xf32, #tpu.memory_space<hbm>>) target(%dma_start3A_813 : memref<100x64xf32, #tpu.memory_space<vmem>>) offsets(%dma_start3A_816 : memref<100xi32, #tpu.memory_space<vmem>>) semaphore(%arg29 : memref<!tpu.dma_semaphore, #tpu.memory_space<semaphore_mem>>)
        %dma_start3A_820 = arith.constant 0 : i32
        %dma_start3A_821 = arith.constant 0 : i32
        %dma_start3A_822 = arith.constant 0 : i32
        %dma_start3A_823 = tpu.memref_slice %arg17[%dma_start3A_821, %dma_start3A_822] : memref<20x64xf32, #tpu.memory_space<vmem>> -> memref<5x64xf32, #tpu.memory_space<vmem>>
        %dma_start3A_824 = arith.constant 0 : i32
        %dma_start3A_825 = tpu.memref_slice %arg9[%dma_start3A_820, %dma_start3A_824] : memref<4x5xi32, #tpu.memory_space<vmem>> -> memref<1x5xi32, #tpu.memory_space<vmem>>
        %dma_start3A_826 = tpu.memref_squeeze %dma_start3A_825 : memref<1x5xi32, #tpu.memory_space<vmem>> -> memref<5xi32, #tpu.memory_space<vmem>>
        %dma_start3A_827 = arith.constant 0 : i32
        %dma_start3A_828 = arith.constant 0 : i32
        %dma_start3A_829 = tpu.memref_slice %arg2[%dma_start3A_827, %dma_start3A_828] : memref<1000000x64xf32, #tpu.memory_space<hbm>> -> memref<1000000x64xf32, #tpu.memory_space<hbm>>
        tpu.enqueue_indirect_dma source(%dma_start3A_829 : memref<1000000x64xf32, #tpu.memory_space<hbm>>) target(%dma_start3A_823 : memref<5x64xf32, #tpu.memory_space<vmem>>) offsets(%dma_start3A_826 : memref<5xi32, #tpu.memory_space<vmem>>) semaphore(%arg29 : memref<!tpu.dma_semaphore, #tpu.memory_space<semaphore_mem>>)
        %dma_start3A_830 = arith.constant 0 : i32
        %dma_start3A_831 = arith.constant 0 : i32
        %dma_start3A_832 = arith.constant 0 : i32
        %dma_start3A_833 = tpu.memref_slice %arg18[%dma_start3A_831, %dma_start3A_832] : memref<20x64xf32, #tpu.memory_space<vmem>> -> memref<5x64xf32, #tpu.memory_space<vmem>>
        %dma_start3A_834 = arith.constant 0 : i32
        %dma_start3A_835 = tpu.memref_slice %arg10[%dma_start3A_830, %dma_start3A_834] : memref<4x5xi32, #tpu.memory_space<vmem>> -> memref<1x5xi32, #tpu.memory_space<vmem>>
        %dma_start3A_836 = tpu.memref_squeeze %dma_start3A_835 : memref<1x5xi32, #tpu.memory_space<vmem>> -> memref<5xi32, #tpu.memory_space<vmem>>
        %dma_start3A_837 = arith.constant 0 : i32
        %dma_start3A_838 = arith.constant 0 : i32
        %dma_start3A_839 = tpu.memref_slice %arg2[%dma_start3A_837, %dma_start3A_838] : memref<1000000x64xf32, #tpu.memory_space<hbm>> -> memref<1000000x64xf32, #tpu.memory_space<hbm>>
        tpu.enqueue_indirect_dma source(%dma_start3A_839 : memref<1000000x64xf32, #tpu.memory_space<hbm>>) target(%dma_start3A_833 : memref<5x64xf32, #tpu.memory_space<vmem>>) offsets(%dma_start3A_836 : memref<5xi32, #tpu.memory_space<vmem>>) semaphore(%arg29 : memref<!tpu.dma_semaphore, #tpu.memory_space<semaphore_mem>>)
        %dma_start3A_840 = arith.constant 1 : i32
        %dma_start3A_841 = arith.constant 100 : i32
        %dma_start3A_842 = arith.constant 0 : i32
        %dma_start3A_843 = tpu.memref_slice %arg19[%dma_start3A_841, %dma_start3A_842] : memref<400x64xf32, #tpu.memory_space<vmem>> -> memref<100x64xf32, #tpu.memory_space<vmem>>
        %dma_start3A_844 = arith.constant 0 : i32
        %dma_start3A_845 = tpu.memref_slice %arg11[%dma_start3A_840, %dma_start3A_844] : memref<4x100xi32, #tpu.memory_space<vmem>> -> memref<1x100xi32, #tpu.memory_space<vmem>>
        %dma_start3A_846 = tpu.memref_squeeze %dma_start3A_845 : memref<1x100xi32, #tpu.memory_space<vmem>> -> memref<100xi32, #tpu.memory_space<vmem>>
        %dma_start3A_847 = arith.constant 0 : i32
        %dma_start3A_848 = arith.constant 0 : i32
        %dma_start3A_849 = tpu.memref_slice %arg2[%dma_start3A_847, %dma_start3A_848] : memref<1000000x64xf32, #tpu.memory_space<hbm>> -> memref<1000000x64xf32, #tpu.memory_space<hbm>>
        tpu.enqueue_indirect_dma source(%dma_start3A_849 : memref<1000000x64xf32, #tpu.memory_space<hbm>>) target(%dma_start3A_843 : memref<100x64xf32, #tpu.memory_space<vmem>>) offsets(%dma_start3A_846 : memref<100xi32, #tpu.memory_space<vmem>>) semaphore(%arg29 : memref<!tpu.dma_semaphore, #tpu.memory_space<semaphore_mem>>)
        %dma_start3A_850 = arith.constant 1 : i32
        %dma_start3A_851 = arith.constant 100 : i32
        %dma_start3A_852 = arith.constant 0 : i32
        %dma_start3A_853 = tpu.memref_slice %arg20[%dma_start3A_851, %dma_start3A_852] : memref<400x64xf32, #tpu.memory_space<vmem>> -> memref<100x64xf32, #tpu.memory_space<vmem>>
        %dma_start3A_854 = arith.constant 0 : i32
        %dma_start3A_855 = tpu.memref_slice %arg12[%dma_start3A_850, %dma_start3A_854] : memref<4x100xi32, #tpu.memory_space<vmem>> -> memref<1x100xi32, #tpu.memory_space<vmem>>
        %dma_start3A_856 = tpu.memref_squeeze %dma_start3A_855 : memref<1x100xi32, #tpu.memory_space<vmem>> -> memref<100xi32, #tpu.memory_space<vmem>>
        %dma_start3A_857 = arith.constant 0 : i32
        %dma_start3A_858 = arith.constant 0 : i32
        %dma_start3A_859 = tpu.memref_slice %arg2[%dma_start3A_857, %dma_start3A_858] : memref<1000000x64xf32, #tpu.memory_space<hbm>> -> memref<1000000x64xf32, #tpu.memory_space<hbm>>
        tpu.enqueue_indirect_dma source(%dma_start3A_859 : memref<1000000x64xf32, #tpu.memory_space<hbm>>) target(%dma_start3A_853 : memref<100x64xf32, #tpu.memory_space<vmem>>) offsets(%dma_start3A_856 : memref<100xi32, #tpu.memory_space<vmem>>) semaphore(%arg29 : memref<!tpu.dma_semaphore, #tpu.memory_space<semaphore_mem>>)
        %dma_start3A_860 = arith.constant 1 : i32
        %dma_start3A_861 = arith.constant 5 : i32
        %dma_start3A_862 = arith.constant 0 : i32
        %dma_start3A_863 = tpu.memref_slice %arg17[%dma_start3A_861, %dma_start3A_862] : memref<20x64xf32, #tpu.memory_space<vmem>> -> memref<5x64xf32, #tpu.memory_space<vmem>>
        %dma_start3A_864 = arith.constant 0 : i32
        %dma_start3A_865 = tpu.memref_slice %arg9[%dma_start3A_860, %dma_start3A_864] : memref<4x5xi32, #tpu.memory_space<vmem>> -> memref<1x5xi32, #tpu.memory_space<vmem>>
        %dma_start3A_866 = tpu.memref_squeeze %dma_start3A_865 : memref<1x5xi32, #tpu.memory_space<vmem>> -> memref<5xi32, #tpu.memory_space<vmem>>
        %dma_start3A_867 = arith.constant 0 : i32
        %dma_start3A_868 = arith.constant 0 : i32
        %dma_start3A_869 = tpu.memref_slice %arg2[%dma_start3A_867, %dma_start3A_868] : memref<1000000x64xf32, #tpu.memory_space<hbm>> -> memref<1000000x64xf32, #tpu.memory_space<hbm>>
        tpu.enqueue_indirect_dma source(%dma_start3A_869 : memref<1000000x64xf32, #tpu.memory_space<hbm>>) target(%dma_start3A_863 : memref<5x64xf32, #tpu.memory_space<vmem>>) offsets(%dma_start3A_866 : memref<5xi32, #tpu.memory_space<vmem>>) semaphore(%arg29 : memref<!tpu.dma_semaphore, #tpu.memory_space<semaphore_mem>>)
        %dma_start3A_870 = arith.constant 1 : i32
        %dma_start3A_871 = arith.constant 5 : i32
        %dma_start3A_872 = arith.constant 0 : i32
        %dma_start3A_873 = tpu.memref_slice %arg18[%dma_start3A_871, %dma_start3A_872] : memref<20x64xf32, #tpu.memory_space<vmem>> -> memref<5x64xf32, #tpu.memory_space<vmem>>
        %dma_start3A_874 = arith.constant 0 : i32
        %dma_start3A_875 = tpu.memref_slice %arg10[%dma_start3A_870, %dma_start3A_874] : memref<4x5xi32, #tpu.memory_space<vmem>> -> memref<1x5xi32, #tpu.memory_space<vmem>>
        %dma_start3A_876 = tpu.memref_squeeze %dma_start3A_875 : memref<1x5xi32, #tpu.memory_space<vmem>> -> memref<5xi32, #tpu.memory_space<vmem>>
        %dma_start3A_877 = arith.constant 0 : i32
        %dma_start3A_878 = arith.constant 0 : i32
        %dma_start3A_879 = tpu.memref_slice %arg2[%dma_start3A_877, %dma_start3A_878] : memref<1000000x64xf32, #tpu.memory_space<hbm>> -> memref<1000000x64xf32, #tpu.memory_space<hbm>>
        tpu.enqueue_indirect_dma source(%dma_start3A_879 : memref<1000000x64xf32, #tpu.memory_space<hbm>>) target(%dma_start3A_873 : memref<5x64xf32, #tpu.memory_space<vmem>>) offsets(%dma_start3A_876 : memref<5xi32, #tpu.memory_space<vmem>>) semaphore(%arg29 : memref<!tpu.dma_semaphore, #tpu.memory_space<semaphore_mem>>)
        %dma_start3A_880 = arith.constant 2 : i32
        %dma_start3A_881 = arith.constant 200 : i32
        %dma_start3A_882 = arith.constant 0 : i32
        %dma_start3A_883 = tpu.memref_slice %arg19[%dma_start3A_881, %dma_start3A_882] : memref<400x64xf32, #tpu.memory_space<vmem>> -> memref<100x64xf32, #tpu.memory_space<vmem>>
        %dma_start3A_884 = arith.constant 0 : i32
        %dma_start3A_885 = tpu.memref_slice %arg11[%dma_start3A_880, %dma_start3A_884] : memref<4x100xi32, #tpu.memory_space<vmem>> -> memref<1x100xi32, #tpu.memory_space<vmem>>
        %dma_start3A_886 = tpu.memref_squeeze %dma_start3A_885 : memref<1x100xi32, #tpu.memory_space<vmem>> -> memref<100xi32, #tpu.memory_space<vmem>>
        %dma_start3A_887 = arith.constant 0 : i32
        %dma_start3A_888 = arith.constant 0 : i32
        %dma_start3A_889 = tpu.memref_slice %arg2[%dma_start3A_887, %dma_start3A_888] : memref<1000000x64xf32, #tpu.memory_space<hbm>> -> memref<1000000x64xf32, #tpu.memory_space<hbm>>
        tpu.enqueue_indirect_dma source(%dma_start3A_889 : memref<1000000x64xf32, #tpu.memory_space<hbm>>) target(%dma_start3A_883 : memref<100x64xf32, #tpu.memory_space<vmem>>) offsets(%dma_start3A_886 : memref<100xi32, #tpu.memory_space<vmem>>) semaphore(%arg29 : memref<!tpu.dma_semaphore, #tpu.memory_space<semaphore_mem>>)
        %dma_start3A_890 = arith.constant 2 : i32
        %dma_start3A_891 = arith.constant 200 : i32
        %dma_start3A_892 = arith.constant 0 : i32
        %dma_start3A_893 = tpu.memref_slice %arg20[%dma_start3A_891, %dma_start3A_892] : memref<400x64xf32, #tpu.memory_space<vmem>> -> memref<100x64xf32, #tpu.memory_space<vmem>>
        %dma_start3A_894 = arith.constant 0 : i32
        %dma_start3A_895 = tpu.memref_slice %arg12[%dma_start3A_890, %dma_start3A_894] : memref<4x100xi32, #tpu.memory_space<vmem>> -> memref<1x100xi32, #tpu.memory_space<vmem>>
        %dma_start3A_896 = tpu.memref_squeeze %dma_start3A_895 : memref<1x100xi32, #tpu.memory_space<vmem>> -> memref<100xi32, #tpu.memory_space<vmem>>
        %dma_start3A_897 = arith.constant 0 : i32
        %dma_start3A_898 = arith.constant 0 : i32
        %dma_start3A_899 = tpu.memref_slice %arg2[%dma_start3A_897, %dma_start3A_898] : memref<1000000x64xf32, #tpu.memory_space<hbm>> -> memref<1000000x64xf32, #tpu.memory_space<hbm>>
        tpu.enqueue_indirect_dma source(%dma_start3A_899 : memref<1000000x64xf32, #tpu.memory_space<hbm>>) target(%dma_start3A_893 : memref<100x64xf32, #tpu.memory_space<vmem>>) offsets(%dma_start3A_896 : memref<100xi32, #tpu.memory_space<vmem>>) semaphore(%arg29 : memref<!tpu.dma_semaphore, #tpu.memory_space<semaphore_mem>>)
        %dma_start3A_900 = arith.constant 2 : i32
        %dma_start3A_901 = arith.constant 10 : i32
        %dma_start3A_902 = arith.constant 0 : i32
        %dma_start3A_903 = tpu.memref_slice %arg17[%dma_start3A_901, %dma_start3A_902] : memref<20x64xf32, #tpu.memory_space<vmem>> -> memref<5x64xf32, #tpu.memory_space<vmem>>
        %dma_start3A_904 = arith.constant 0 : i32
        %dma_start3A_905 = tpu.memref_slice %arg9[%dma_start3A_900, %dma_start3A_904] : memref<4x5xi32, #tpu.memory_space<vmem>> -> memref<1x5xi32, #tpu.memory_space<vmem>>
        %dma_start3A_906 = tpu.memref_squeeze %dma_start3A_905 : memref<1x5xi32, #tpu.memory_space<vmem>> -> memref<5xi32, #tpu.memory_space<vmem>>
        %dma_start3A_907 = arith.constant 0 : i32
        %dma_start3A_908 = arith.constant 0 : i32
        %dma_start3A_909 = tpu.memref_slice %arg2[%dma_start3A_907, %dma_start3A_908] : memref<1000000x64xf32, #tpu.memory_space<hbm>> -> memref<1000000x64xf32, #tpu.memory_space<hbm>>
        tpu.enqueue_indirect_dma source(%dma_start3A_909 : memref<1000000x64xf32, #tpu.memory_space<hbm>>) target(%dma_start3A_903 : memref<5x64xf32, #tpu.memory_space<vmem>>) offsets(%dma_start3A_906 : memref<5xi32, #tpu.memory_space<vmem>>) semaphore(%arg29 : memref<!tpu.dma_semaphore, #tpu.memory_space<semaphore_mem>>)
        %dma_start3A_910 = arith.constant 2 : i32
        %dma_start3A_911 = arith.constant 10 : i32
        %dma_start3A_912 = arith.constant 0 : i32
        %dma_start3A_913 = tpu.memref_slice %arg18[%dma_start3A_911, %dma_start3A_912] : memref<20x64xf32, #tpu.memory_space<vmem>> -> memref<5x64xf32, #tpu.memory_space<vmem>>
        %dma_start3A_914 = arith.constant 0 : i32
        %dma_start3A_915 = tpu.memref_slice %arg10[%dma_start3A_910, %dma_start3A_914] : memref<4x5xi32, #tpu.memory_space<vmem>> -> memref<1x5xi32, #tpu.memory_space<vmem>>
        %dma_start3A_916 = tpu.memref_squeeze %dma_start3A_915 : memref<1x5xi32, #tpu.memory_space<vmem>> -> memref<5xi32, #tpu.memory_space<vmem>>
        %dma_start3A_917 = arith.constant 0 : i32
        %dma_start3A_918 = arith.constant 0 : i32
        %dma_start3A_919 = tpu.memref_slice %arg2[%dma_start3A_917, %dma_start3A_918] : memref<1000000x64xf32, #tpu.memory_space<hbm>> -> memref<1000000x64xf32, #tpu.memory_space<hbm>>
        tpu.enqueue_indirect_dma source(%dma_start3A_919 : memref<1000000x64xf32, #tpu.memory_space<hbm>>) target(%dma_start3A_913 : memref<5x64xf32, #tpu.memory_space<vmem>>) offsets(%dma_start3A_916 : memref<5xi32, #tpu.memory_space<vmem>>) semaphore(%arg29 : memref<!tpu.dma_semaphore, #tpu.memory_space<semaphore_mem>>)
        %dma_start3A_920 = arith.constant 3 : i32
        %dma_start3A_921 = arith.constant 300 : i32
        %dma_start3A_922 = arith.constant 0 : i32
        %dma_start3A_923 = tpu.memref_slice %arg19[%dma_start3A_921, %dma_start3A_922] : memref<400x64xf32, #tpu.memory_space<vmem>> -> memref<100x64xf32, #tpu.memory_space<vmem>>
        %dma_start3A_924 = arith.constant 0 : i32
        %dma_start3A_925 = tpu.memref_slice %arg11[%dma_start3A_920, %dma_start3A_924] : memref<4x100xi32, #tpu.memory_space<vmem>> -> memref<1x100xi32, #tpu.memory_space<vmem>>
        %dma_start3A_926 = tpu.memref_squeeze %dma_start3A_925 : memref<1x100xi32, #tpu.memory_space<vmem>> -> memref<100xi32, #tpu.memory_space<vmem>>
        %dma_start3A_927 = arith.constant 0 : i32
        %dma_start3A_928 = arith.constant 0 : i32
        %dma_start3A_929 = tpu.memref_slice %arg2[%dma_start3A_927, %dma_start3A_928] : memref<1000000x64xf32, #tpu.memory_space<hbm>> -> memref<1000000x64xf32, #tpu.memory_space<hbm>>
        tpu.enqueue_indirect_dma source(%dma_start3A_929 : memref<1000000x64xf32, #tpu.memory_space<hbm>>) target(%dma_start3A_923 : memref<100x64xf32, #tpu.memory_space<vmem>>) offsets(%dma_start3A_926 : memref<100xi32, #tpu.memory_space<vmem>>) semaphore(%arg29 : memref<!tpu.dma_semaphore, #tpu.memory_space<semaphore_mem>>)
        %dma_start3A_930 = arith.constant 3 : i32
        %dma_start3A_931 = arith.constant 300 : i32
        %dma_start3A_932 = arith.constant 0 : i32
        %dma_start3A_933 = tpu.memref_slice %arg20[%dma_start3A_931, %dma_start3A_932] : memref<400x64xf32, #tpu.memory_space<vmem>> -> memref<100x64xf32, #tpu.memory_space<vmem>>
        %dma_start3A_934 = arith.constant 0 : i32
        %dma_start3A_935 = tpu.memref_slice %arg12[%dma_start3A_930, %dma_start3A_934] : memref<4x100xi32, #tpu.memory_space<vmem>> -> memref<1x100xi32, #tpu.memory_space<vmem>>
        %dma_start3A_936 = tpu.memref_squeeze %dma_start3A_935 : memref<1x100xi32, #tpu.memory_space<vmem>> -> memref<100xi32, #tpu.memory_space<vmem>>
        %dma_start3A_937 = arith.constant 0 : i32
        %dma_start3A_938 = arith.constant 0 : i32
        %dma_start3A_939 = tpu.memref_slice %arg2[%dma_start3A_937, %dma_start3A_938] : memref<1000000x64xf32, #tpu.memory_space<hbm>> -> memref<1000000x64xf32, #tpu.memory_space<hbm>>
        tpu.enqueue_indirect_dma source(%dma_start3A_939 : memref<1000000x64xf32, #tpu.memory_space<hbm>>) target(%dma_start3A_933 : memref<100x64xf32, #tpu.memory_space<vmem>>) offsets(%dma_start3A_936 : memref<100xi32, #tpu.memory_space<vmem>>) semaphore(%arg29 : memref<!tpu.dma_semaphore, #tpu.memory_space<semaphore_mem>>)
        %dma_start3A_940 = arith.constant 3 : i32
        %dma_start3A_941 = arith.constant 15 : i32
        %dma_start3A_942 = arith.constant 0 : i32
        %dma_start3A_943 = tpu.memref_slice %arg17[%dma_start3A_941, %dma_start3A_942] : memref<20x64xf32, #tpu.memory_space<vmem>> -> memref<5x64xf32, #tpu.memory_space<vmem>>
        %dma_start3A_944 = arith.constant 0 : i32
        %dma_start3A_945 = tpu.memref_slice %arg9[%dma_start3A_940, %dma_start3A_944] : memref<4x5xi32, #tpu.memory_space<vmem>> -> memref<1x5xi32, #tpu.memory_space<vmem>>
        %dma_start3A_946 = tpu.memref_squeeze %dma_start3A_945 : memref<1x5xi32, #tpu.memory_space<vmem>> -> memref<5xi32, #tpu.memory_space<vmem>>
        %dma_start3A_947 = arith.constant 0 : i32
        %dma_start3A_948 = arith.constant 0 : i32
        %dma_start3A_949 = tpu.memref_slice %arg2[%dma_start3A_947, %dma_start3A_948] : memref<1000000x64xf32, #tpu.memory_space<hbm>> -> memref<1000000x64xf32, #tpu.memory_space<hbm>>
        tpu.enqueue_indirect_dma source(%dma_start3A_949 : memref<1000000x64xf32, #tpu.memory_space<hbm>>) target(%dma_start3A_943 : memref<5x64xf32, #tpu.memory_space<vmem>>) offsets(%dma_start3A_946 : memref<5xi32, #tpu.memory_space<vmem>>) semaphore(%arg29 : memref<!tpu.dma_semaphore, #tpu.memory_space<semaphore_mem>>)
        %dma_start3A_950 = arith.constant 3 : i32
        %dma_start3A_951 = arith.constant 15 : i32
        %dma_start3A_952 = arith.constant 0 : i32
        %dma_start3A_953 = tpu.memref_slice %arg18[%dma_start3A_951, %dma_start3A_952] : memref<20x64xf32, #tpu.memory_space<vmem>> -> memref<5x64xf32, #tpu.memory_space<vmem>>
        %dma_start3A_954 = arith.constant 0 : i32
        %dma_start3A_955 = tpu.memref_slice %arg10[%dma_start3A_950, %dma_start3A_954] : memref<4x5xi32, #tpu.memory_space<vmem>> -> memref<1x5xi32, #tpu.memory_space<vmem>>
        %dma_start3A_956 = tpu.memref_squeeze %dma_start3A_955 : memref<1x5xi32, #tpu.memory_space<vmem>> -> memref<5xi32, #tpu.memory_space<vmem>>
        %dma_start3A_957 = arith.constant 0 : i32
        %dma_start3A_958 = arith.constant 0 : i32
        %dma_start3A_959 = tpu.memref_slice %arg2[%dma_start3A_957, %dma_start3A_958] : memref<1000000x64xf32, #tpu.memory_space<hbm>> -> memref<1000000x64xf32, #tpu.memory_space<hbm>>
        tpu.enqueue_indirect_dma source(%dma_start3A_959 : memref<1000000x64xf32, #tpu.memory_space<hbm>>) target(%dma_start3A_953 : memref<5x64xf32, #tpu.memory_space<vmem>>) offsets(%dma_start3A_956 : memref<5xi32, #tpu.memory_space<vmem>>) semaphore(%arg29 : memref<!tpu.dma_semaphore, #tpu.memory_space<semaphore_mem>>)
        %mul3A_960 = arith.constant 2 : i32
        %mul3A_961 = arith.muli %mul3A_960, %scan3A_235 : i32
        %add3A_962 = arith.constant 3 : i32
        %add3A_963 = arith.addi %mul3A_961, %add3A_962 : i32
        %mul3A_964 = arith.constant 4 : i32
        %mul3A_965 = arith.muli %add3A_963, %mul3A_964 : i32
        %add3A_966 = arith.addi %mul3A_2, %mul3A_965 : i32
        %dma_start3A_967 = arith.constant 0 : i32
        %dma_start3A_968 = tpu.memref_slice %arg3[%add3A_966, %dma_start3A_967] : memref<4096x5xi32, #tpu.memory_space<hbm>> -> memref<4x5xi32, #tpu.memory_space<hbm>>
        %dma_start3A_969 = arith.constant 0 : i32
        %dma_start3A_970 = tpu.memref_slice %arg3[%add3A_966, %dma_start3A_969] : memref<4096x5xi32, #tpu.memory_space<hbm>> -> memref<4x5xi32, #tpu.memory_space<hbm>>
        tpu.enqueue_dma source(%dma_start3A_970 : memref<4x5xi32, #tpu.memory_space<hbm>>) target(%arg13 : memref<4x5xi32, #tpu.memory_space<vmem>>) target_semaphore(%arg28 : memref<!tpu.dma_semaphore, #tpu.memory_space<semaphore_mem>>)
        %dma_start3A_971 = arith.constant 0 : i32
        %dma_start3A_972 = tpu.memref_slice %arg5[%add3A_966, %dma_start3A_971] : memref<4096x5xi32, #tpu.memory_space<hbm>> -> memref<4x5xi32, #tpu.memory_space<hbm>>
        %dma_start3A_973 = arith.constant 0 : i32
        %dma_start3A_974 = tpu.memref_slice %arg5[%add3A_966, %dma_start3A_973] : memref<4096x5xi32, #tpu.memory_space<hbm>> -> memref<4x5xi32, #tpu.memory_space<hbm>>
        tpu.enqueue_dma source(%dma_start3A_974 : memref<4x5xi32, #tpu.memory_space<hbm>>) target(%arg14 : memref<4x5xi32, #tpu.memory_space<vmem>>) target_semaphore(%arg28 : memref<!tpu.dma_semaphore, #tpu.memory_space<semaphore_mem>>)
        %dma_start3A_975 = arith.constant 0 : i32
        %dma_start3A_976 = tpu.memref_slice %arg4[%add3A_966, %dma_start3A_975] : memref<4096x100xi32, #tpu.memory_space<hbm>> -> memref<4x100xi32, #tpu.memory_space<hbm>>
        %dma_start3A_977 = arith.constant 0 : i32
        %dma_start3A_978 = tpu.memref_slice %arg4[%add3A_966, %dma_start3A_977] : memref<4096x100xi32, #tpu.memory_space<hbm>> -> memref<4x100xi32, #tpu.memory_space<hbm>>
        tpu.enqueue_dma source(%dma_start3A_978 : memref<4x100xi32, #tpu.memory_space<hbm>>) target(%arg15 : memref<4x100xi32, #tpu.memory_space<vmem>>) target_semaphore(%arg28 : memref<!tpu.dma_semaphore, #tpu.memory_space<semaphore_mem>>)
        %dma_start3A_979 = arith.constant 0 : i32
        %dma_start3A_980 = tpu.memref_slice %arg6[%add3A_966, %dma_start3A_979] : memref<4096x100xi32, #tpu.memory_space<hbm>> -> memref<4x100xi32, #tpu.memory_space<hbm>>
        %dma_start3A_981 = arith.constant 0 : i32
        %dma_start3A_982 = tpu.memref_slice %arg6[%add3A_966, %dma_start3A_981] : memref<4096x100xi32, #tpu.memory_space<hbm>> -> memref<4x100xi32, #tpu.memory_space<hbm>>
        tpu.enqueue_dma source(%dma_start3A_982 : memref<4x100xi32, #tpu.memory_space<hbm>>) target(%arg16 : memref<4x100xi32, #tpu.memory_space<vmem>>) target_semaphore(%arg28 : memref<!tpu.dma_semaphore, #tpu.memory_space<semaphore_mem>>)
      } else {
      }
      %dma_wait3A_588 = arith.constant 0 : i32
      %dma_wait3A_589 = arith.constant 0 : i32
      %dma_wait3A_590 = arith.constant 0 : i32
      %dma_wait3A_591 = tpu.memref_slice %arg23[%dma_wait3A_589, %dma_wait3A_590] : memref<400x64xf32, #tpu.memory_space<vmem>> -> memref<100x64xf32, #tpu.memory_space<vmem>>
      %dma_wait3A_592 = arith.constant 0 : i32
      %dma_wait3A_593 = tpu.memref_slice %arg15[%dma_wait3A_588, %dma_wait3A_592] : memref<4x100xi32, #tpu.memory_space<vmem>> -> memref<1x100xi32, #tpu.memory_space<vmem>>
      %dma_wait3A_594 = tpu.memref_squeeze %dma_wait3A_593 : memref<1x100xi32, #tpu.memory_space<vmem>> -> memref<100xi32, #tpu.memory_space<vmem>>
      %dma_wait3A_595 = arith.constant 0 : i32
      %dma_wait3A_596 = arith.constant 0 : i32
      %dma_wait3A_597 = tpu.memref_slice %arg2[%dma_wait3A_595, %dma_wait3A_596] : memref<1000000x64xf32, #tpu.memory_space<hbm>> -> memref<1000000x64xf32, #tpu.memory_space<hbm>>
      tpu.wait_indirect_dma semaphore(%arg30 : memref<!tpu.dma_semaphore, #tpu.memory_space<semaphore_mem>>) src(%dma_wait3A_597 : memref<1000000x64xf32, #tpu.memory_space<hbm>>) dst(%dma_wait3A_591 : memref<100x64xf32, #tpu.memory_space<vmem>>)
      %dma_wait3A_598 = arith.constant 0 : i32
      %dma_wait3A_599 = arith.constant 0 : i32
      %dma_wait3A_600 = arith.constant 0 : i32
      %dma_wait3A_601 = tpu.memref_slice %arg24[%dma_wait3A_599, %dma_wait3A_600] : memref<400x64xf32, #tpu.memory_space<vmem>> -> memref<100x64xf32, #tpu.memory_space<vmem>>
      %dma_wait3A_602 = arith.constant 0 : i32
      %dma_wait3A_603 = tpu.memref_slice %arg16[%dma_wait3A_598, %dma_wait3A_602] : memref<4x100xi32, #tpu.memory_space<vmem>> -> memref<1x100xi32, #tpu.memory_space<vmem>>
      %dma_wait3A_604 = tpu.memref_squeeze %dma_wait3A_603 : memref<1x100xi32, #tpu.memory_space<vmem>> -> memref<100xi32, #tpu.memory_space<vmem>>
      %dma_wait3A_605 = arith.constant 0 : i32
      %dma_wait3A_606 = arith.constant 0 : i32
      %dma_wait3A_607 = tpu.memref_slice %arg2[%dma_wait3A_605, %dma_wait3A_606] : memref<1000000x64xf32, #tpu.memory_space<hbm>> -> memref<1000000x64xf32, #tpu.memory_space<hbm>>
      tpu.wait_indirect_dma semaphore(%arg30 : memref<!tpu.dma_semaphore, #tpu.memory_space<semaphore_mem>>) src(%dma_wait3A_607 : memref<1000000x64xf32, #tpu.memory_space<hbm>>) dst(%dma_wait3A_601 : memref<100x64xf32, #tpu.memory_space<vmem>>)
      %dma_wait3A_608 = arith.constant 0 : i32
      %dma_wait3A_609 = arith.constant 0 : i32
      %dma_wait3A_610 = arith.constant 0 : i32
      %dma_wait3A_611 = tpu.memref_slice %arg21[%dma_wait3A_609, %dma_wait3A_610] : memref<20x64xf32, #tpu.memory_space<vmem>> -> memref<5x64xf32, #tpu.memory_space<vmem>>
      %dma_wait3A_612 = arith.constant 0 : i32
      %dma_wait3A_613 = tpu.memref_slice %arg13[%dma_wait3A_608, %dma_wait3A_612] : memref<4x5xi32, #tpu.memory_space<vmem>> -> memref<1x5xi32, #tpu.memory_space<vmem>>
      %dma_wait3A_614 = tpu.memref_squeeze %dma_wait3A_613 : memref<1x5xi32, #tpu.memory_space<vmem>> -> memref<5xi32, #tpu.memory_space<vmem>>
      %dma_wait3A_615 = arith.constant 0 : i32
      %dma_wait3A_616 = arith.constant 0 : i32
      %dma_wait3A_617 = tpu.memref_slice %arg2[%dma_wait3A_615, %dma_wait3A_616] : memref<1000000x64xf32, #tpu.memory_space<hbm>> -> memref<1000000x64xf32, #tpu.memory_space<hbm>>
      tpu.wait_indirect_dma semaphore(%arg30 : memref<!tpu.dma_semaphore, #tpu.memory_space<semaphore_mem>>) src(%dma_wait3A_617 : memref<1000000x64xf32, #tpu.memory_space<hbm>>) dst(%dma_wait3A_611 : memref<5x64xf32, #tpu.memory_space<vmem>>)
      %dma_wait3A_618 = arith.constant 0 : i32
      %dma_wait3A_619 = arith.constant 0 : i32
      %dma_wait3A_620 = arith.constant 0 : i32
      %dma_wait3A_621 = tpu.memref_slice %arg22[%dma_wait3A_619, %dma_wait3A_620] : memref<20x64xf32, #tpu.memory_space<vmem>> -> memref<5x64xf32, #tpu.memory_space<vmem>>
      %dma_wait3A_622 = arith.constant 0 : i32
      %dma_wait3A_623 = tpu.memref_slice %arg14[%dma_wait3A_618, %dma_wait3A_622] : memref<4x5xi32, #tpu.memory_space<vmem>> -> memref<1x5xi32, #tpu.memory_space<vmem>>
      %dma_wait3A_624 = tpu.memref_squeeze %dma_wait3A_623 : memref<1x5xi32, #tpu.memory_space<vmem>> -> memref<5xi32, #tpu.memory_space<vmem>>
      %dma_wait3A_625 = arith.constant 0 : i32
      %dma_wait3A_626 = arith.constant 0 : i32
      %dma_wait3A_627 = tpu.memref_slice %arg2[%dma_wait3A_625, %dma_wait3A_626] : memref<1000000x64xf32, #tpu.memory_space<hbm>> -> memref<1000000x64xf32, #tpu.memory_space<hbm>>
      tpu.wait_indirect_dma semaphore(%arg30 : memref<!tpu.dma_semaphore, #tpu.memory_space<semaphore_mem>>) src(%dma_wait3A_627 : memref<1000000x64xf32, #tpu.memory_space<hbm>>) dst(%dma_wait3A_621 : memref<5x64xf32, #tpu.memory_space<vmem>>)
      %dma_wait3A_628 = arith.constant 1 : i32
      %dma_wait3A_629 = arith.constant 100 : i32
      %dma_wait3A_630 = arith.constant 0 : i32
      %dma_wait3A_631 = tpu.memref_slice %arg23[%dma_wait3A_629, %dma_wait3A_630] : memref<400x64xf32, #tpu.memory_space<vmem>> -> memref<100x64xf32, #tpu.memory_space<vmem>>
      %dma_wait3A_632 = arith.constant 0 : i32
      %dma_wait3A_633 = tpu.memref_slice %arg15[%dma_wait3A_628, %dma_wait3A_632] : memref<4x100xi32, #tpu.memory_space<vmem>> -> memref<1x100xi32, #tpu.memory_space<vmem>>
      %dma_wait3A_634 = tpu.memref_squeeze %dma_wait3A_633 : memref<1x100xi32, #tpu.memory_space<vmem>> -> memref<100xi32, #tpu.memory_space<vmem>>
      %dma_wait3A_635 = arith.constant 0 : i32
      %dma_wait3A_636 = arith.constant 0 : i32
      %dma_wait3A_637 = tpu.memref_slice %arg2[%dma_wait3A_635, %dma_wait3A_636] : memref<1000000x64xf32, #tpu.memory_space<hbm>> -> memref<1000000x64xf32, #tpu.memory_space<hbm>>
      tpu.wait_indirect_dma semaphore(%arg30 : memref<!tpu.dma_semaphore, #tpu.memory_space<semaphore_mem>>) src(%dma_wait3A_637 : memref<1000000x64xf32, #tpu.memory_space<hbm>>) dst(%dma_wait3A_631 : memref<100x64xf32, #tpu.memory_space<vmem>>)
      %dma_wait3A_638 = arith.constant 1 : i32
      %dma_wait3A_639 = arith.constant 100 : i32
      %dma_wait3A_640 = arith.constant 0 : i32
      %dma_wait3A_641 = tpu.memref_slice %arg24[%dma_wait3A_639, %dma_wait3A_640] : memref<400x64xf32, #tpu.memory_space<vmem>> -> memref<100x64xf32, #tpu.memory_space<vmem>>
      %dma_wait3A_642 = arith.constant 0 : i32
      %dma_wait3A_643 = tpu.memref_slice %arg16[%dma_wait3A_638, %dma_wait3A_642] : memref<4x100xi32, #tpu.memory_space<vmem>> -> memref<1x100xi32, #tpu.memory_space<vmem>>
      %dma_wait3A_644 = tpu.memref_squeeze %dma_wait3A_643 : memref<1x100xi32, #tpu.memory_space<vmem>> -> memref<100xi32, #tpu.memory_space<vmem>>
      %dma_wait3A_645 = arith.constant 0 : i32
      %dma_wait3A_646 = arith.constant 0 : i32
      %dma_wait3A_647 = tpu.memref_slice %arg2[%dma_wait3A_645, %dma_wait3A_646] : memref<1000000x64xf32, #tpu.memory_space<hbm>> -> memref<1000000x64xf32, #tpu.memory_space<hbm>>
      tpu.wait_indirect_dma semaphore(%arg30 : memref<!tpu.dma_semaphore, #tpu.memory_space<semaphore_mem>>) src(%dma_wait3A_647 : memref<1000000x64xf32, #tpu.memory_space<hbm>>) dst(%dma_wait3A_641 : memref<100x64xf32, #tpu.memory_space<vmem>>)
      %dma_wait3A_648 = arith.constant 1 : i32
      %dma_wait3A_649 = arith.constant 5 : i32
      %dma_wait3A_650 = arith.constant 0 : i32
      %dma_wait3A_651 = tpu.memref_slice %arg21[%dma_wait3A_649, %dma_wait3A_650] : memref<20x64xf32, #tpu.memory_space<vmem>> -> memref<5x64xf32, #tpu.memory_space<vmem>>
      %dma_wait3A_652 = arith.constant 0 : i32
      %dma_wait3A_653 = tpu.memref_slice %arg13[%dma_wait3A_648, %dma_wait3A_652] : memref<4x5xi32, #tpu.memory_space<vmem>> -> memref<1x5xi32, #tpu.memory_space<vmem>>
      %dma_wait3A_654 = tpu.memref_squeeze %dma_wait3A_653 : memref<1x5xi32, #tpu.memory_space<vmem>> -> memref<5xi32, #tpu.memory_space<vmem>>
      %dma_wait3A_655 = arith.constant 0 : i32
      %dma_wait3A_656 = arith.constant 0 : i32
      %dma_wait3A_657 = tpu.memref_slice %arg2[%dma_wait3A_655, %dma_wait3A_656] : memref<1000000x64xf32, #tpu.memory_space<hbm>> -> memref<1000000x64xf32, #tpu.memory_space<hbm>>
      tpu.wait_indirect_dma semaphore(%arg30 : memref<!tpu.dma_semaphore, #tpu.memory_space<semaphore_mem>>) src(%dma_wait3A_657 : memref<1000000x64xf32, #tpu.memory_space<hbm>>) dst(%dma_wait3A_651 : memref<5x64xf32, #tpu.memory_space<vmem>>)
      %dma_wait3A_658 = arith.constant 1 : i32
      %dma_wait3A_659 = arith.constant 5 : i32
      %dma_wait3A_660 = arith.constant 0 : i32
      %dma_wait3A_661 = tpu.memref_slice %arg22[%dma_wait3A_659, %dma_wait3A_660] : memref<20x64xf32, #tpu.memory_space<vmem>> -> memref<5x64xf32, #tpu.memory_space<vmem>>
      %dma_wait3A_662 = arith.constant 0 : i32
      %dma_wait3A_663 = tpu.memref_slice %arg14[%dma_wait3A_658, %dma_wait3A_662] : memref<4x5xi32, #tpu.memory_space<vmem>> -> memref<1x5xi32, #tpu.memory_space<vmem>>
      %dma_wait3A_664 = tpu.memref_squeeze %dma_wait3A_663 : memref<1x5xi32, #tpu.memory_space<vmem>> -> memref<5xi32, #tpu.memory_space<vmem>>
      %dma_wait3A_665 = arith.constant 0 : i32
      %dma_wait3A_666 = arith.constant 0 : i32
      %dma_wait3A_667 = tpu.memref_slice %arg2[%dma_wait3A_665, %dma_wait3A_666] : memref<1000000x64xf32, #tpu.memory_space<hbm>> -> memref<1000000x64xf32, #tpu.memory_space<hbm>>
      tpu.wait_indirect_dma semaphore(%arg30 : memref<!tpu.dma_semaphore, #tpu.memory_space<semaphore_mem>>) src(%dma_wait3A_667 : memref<1000000x64xf32, #tpu.memory_space<hbm>>) dst(%dma_wait3A_661 : memref<5x64xf32, #tpu.memory_space<vmem>>)
      %dma_wait3A_668 = arith.constant 2 : i32
      %dma_wait3A_669 = arith.constant 200 : i32
      %dma_wait3A_670 = arith.constant 0 : i32
      %dma_wait3A_671 = tpu.memref_slice %arg23[%dma_wait3A_669, %dma_wait3A_670] : memref<400x64xf32, #tpu.memory_space<vmem>> -> memref<100x64xf32, #tpu.memory_space<vmem>>
      %dma_wait3A_672 = arith.constant 0 : i32
      %dma_wait3A_673 = tpu.memref_slice %arg15[%dma_wait3A_668, %dma_wait3A_672] : memref<4x100xi32, #tpu.memory_space<vmem>> -> memref<1x100xi32, #tpu.memory_space<vmem>>
      %dma_wait3A_674 = tpu.memref_squeeze %dma_wait3A_673 : memref<1x100xi32, #tpu.memory_space<vmem>> -> memref<100xi32, #tpu.memory_space<vmem>>
      %dma_wait3A_675 = arith.constant 0 : i32
      %dma_wait3A_676 = arith.constant 0 : i32
      %dma_wait3A_677 = tpu.memref_slice %arg2[%dma_wait3A_675, %dma_wait3A_676] : memref<1000000x64xf32, #tpu.memory_space<hbm>> -> memref<1000000x64xf32, #tpu.memory_space<hbm>>
      tpu.wait_indirect_dma semaphore(%arg30 : memref<!tpu.dma_semaphore, #tpu.memory_space<semaphore_mem>>) src(%dma_wait3A_677 : memref<1000000x64xf32, #tpu.memory_space<hbm>>) dst(%dma_wait3A_671 : memref<100x64xf32, #tpu.memory_space<vmem>>)
      %dma_wait3A_678 = arith.constant 2 : i32
      %dma_wait3A_679 = arith.constant 200 : i32
      %dma_wait3A_680 = arith.constant 0 : i32
      %dma_wait3A_681 = tpu.memref_slice %arg24[%dma_wait3A_679, %dma_wait3A_680] : memref<400x64xf32, #tpu.memory_space<vmem>> -> memref<100x64xf32, #tpu.memory_space<vmem>>
      %dma_wait3A_682 = arith.constant 0 : i32
      %dma_wait3A_683 = tpu.memref_slice %arg16[%dma_wait3A_678, %dma_wait3A_682] : memref<4x100xi32, #tpu.memory_space<vmem>> -> memref<1x100xi32, #tpu.memory_space<vmem>>
      %dma_wait3A_684 = tpu.memref_squeeze %dma_wait3A_683 : memref<1x100xi32, #tpu.memory_space<vmem>> -> memref<100xi32, #tpu.memory_space<vmem>>
      %dma_wait3A_685 = arith.constant 0 : i32
      %dma_wait3A_686 = arith.constant 0 : i32
      %dma_wait3A_687 = tpu.memref_slice %arg2[%dma_wait3A_685, %dma_wait3A_686] : memref<1000000x64xf32, #tpu.memory_space<hbm>> -> memref<1000000x64xf32, #tpu.memory_space<hbm>>
      tpu.wait_indirect_dma semaphore(%arg30 : memref<!tpu.dma_semaphore, #tpu.memory_space<semaphore_mem>>) src(%dma_wait3A_687 : memref<1000000x64xf32, #tpu.memory_space<hbm>>) dst(%dma_wait3A_681 : memref<100x64xf32, #tpu.memory_space<vmem>>)
      %dma_wait3A_688 = arith.constant 2 : i32
      %dma_wait3A_689 = arith.constant 10 : i32
      %dma_wait3A_690 = arith.constant 0 : i32
      %dma_wait3A_691 = tpu.memref_slice %arg21[%dma_wait3A_689, %dma_wait3A_690] : memref<20x64xf32, #tpu.memory_space<vmem>> -> memref<5x64xf32, #tpu.memory_space<vmem>>
      %dma_wait3A_692 = arith.constant 0 : i32
      %dma_wait3A_693 = tpu.memref_slice %arg13[%dma_wait3A_688, %dma_wait3A_692] : memref<4x5xi32, #tpu.memory_space<vmem>> -> memref<1x5xi32, #tpu.memory_space<vmem>>
      %dma_wait3A_694 = tpu.memref_squeeze %dma_wait3A_693 : memref<1x5xi32, #tpu.memory_space<vmem>> -> memref<5xi32, #tpu.memory_space<vmem>>
      %dma_wait3A_695 = arith.constant 0 : i32
      %dma_wait3A_696 = arith.constant 0 : i32
      %dma_wait3A_697 = tpu.memref_slice %arg2[%dma_wait3A_695, %dma_wait3A_696] : memref<1000000x64xf32, #tpu.memory_space<hbm>> -> memref<1000000x64xf32, #tpu.memory_space<hbm>>
      tpu.wait_indirect_dma semaphore(%arg30 : memref<!tpu.dma_semaphore, #tpu.memory_space<semaphore_mem>>) src(%dma_wait3A_697 : memref<1000000x64xf32, #tpu.memory_space<hbm>>) dst(%dma_wait3A_691 : memref<5x64xf32, #tpu.memory_space<vmem>>)
      %dma_wait3A_698 = arith.constant 2 : i32
      %dma_wait3A_699 = arith.constant 10 : i32
      %dma_wait3A_700 = arith.constant 0 : i32
      %dma_wait3A_701 = tpu.memref_slice %arg22[%dma_wait3A_699, %dma_wait3A_700] : memref<20x64xf32, #tpu.memory_space<vmem>> -> memref<5x64xf32, #tpu.memory_space<vmem>>
      %dma_wait3A_702 = arith.constant 0 : i32
      %dma_wait3A_703 = tpu.memref_slice %arg14[%dma_wait3A_698, %dma_wait3A_702] : memref<4x5xi32, #tpu.memory_space<vmem>> -> memref<1x5xi32, #tpu.memory_space<vmem>>
      %dma_wait3A_704 = tpu.memref_squeeze %dma_wait3A_703 : memref<1x5xi32, #tpu.memory_space<vmem>> -> memref<5xi32, #tpu.memory_space<vmem>>
      %dma_wait3A_705 = arith.constant 0 : i32
      %dma_wait3A_706 = arith.constant 0 : i32
      %dma_wait3A_707 = tpu.memref_slice %arg2[%dma_wait3A_705, %dma_wait3A_706] : memref<1000000x64xf32, #tpu.memory_space<hbm>> -> memref<1000000x64xf32, #tpu.memory_space<hbm>>
      tpu.wait_indirect_dma semaphore(%arg30 : memref<!tpu.dma_semaphore, #tpu.memory_space<semaphore_mem>>) src(%dma_wait3A_707 : memref<1000000x64xf32, #tpu.memory_space<hbm>>) dst(%dma_wait3A_701 : memref<5x64xf32, #tpu.memory_space<vmem>>)
      %dma_wait3A_708 = arith.constant 3 : i32
      %dma_wait3A_709 = arith.constant 300 : i32
      %dma_wait3A_710 = arith.constant 0 : i32
      %dma_wait3A_711 = tpu.memref_slice %arg23[%dma_wait3A_709, %dma_wait3A_710] : memref<400x64xf32, #tpu.memory_space<vmem>> -> memref<100x64xf32, #tpu.memory_space<vmem>>
      %dma_wait3A_712 = arith.constant 0 : i32
      %dma_wait3A_713 = tpu.memref_slice %arg15[%dma_wait3A_708, %dma_wait3A_712] : memref<4x100xi32, #tpu.memory_space<vmem>> -> memref<1x100xi32, #tpu.memory_space<vmem>>
      %dma_wait3A_714 = tpu.memref_squeeze %dma_wait3A_713 : memref<1x100xi32, #tpu.memory_space<vmem>> -> memref<100xi32, #tpu.memory_space<vmem>>
      %dma_wait3A_715 = arith.constant 0 : i32
      %dma_wait3A_716 = arith.constant 0 : i32
      %dma_wait3A_717 = tpu.memref_slice %arg2[%dma_wait3A_715, %dma_wait3A_716] : memref<1000000x64xf32, #tpu.memory_space<hbm>> -> memref<1000000x64xf32, #tpu.memory_space<hbm>>
      tpu.wait_indirect_dma semaphore(%arg30 : memref<!tpu.dma_semaphore, #tpu.memory_space<semaphore_mem>>) src(%dma_wait3A_717 : memref<1000000x64xf32, #tpu.memory_space<hbm>>) dst(%dma_wait3A_711 : memref<100x64xf32, #tpu.memory_space<vmem>>)
      %dma_wait3A_718 = arith.constant 3 : i32
      %dma_wait3A_719 = arith.constant 300 : i32
      %dma_wait3A_720 = arith.constant 0 : i32
      %dma_wait3A_721 = tpu.memref_slice %arg24[%dma_wait3A_719, %dma_wait3A_720] : memref<400x64xf32, #tpu.memory_space<vmem>> -> memref<100x64xf32, #tpu.memory_space<vmem>>
      %dma_wait3A_722 = arith.constant 0 : i32
      %dma_wait3A_723 = tpu.memref_slice %arg16[%dma_wait3A_718, %dma_wait3A_722] : memref<4x100xi32, #tpu.memory_space<vmem>> -> memref<1x100xi32, #tpu.memory_space<vmem>>
      %dma_wait3A_724 = tpu.memref_squeeze %dma_wait3A_723 : memref<1x100xi32, #tpu.memory_space<vmem>> -> memref<100xi32, #tpu.memory_space<vmem>>
      %dma_wait3A_725 = arith.constant 0 : i32
      %dma_wait3A_726 = arith.constant 0 : i32
      %dma_wait3A_727 = tpu.memref_slice %arg2[%dma_wait3A_725, %dma_wait3A_726] : memref<1000000x64xf32, #tpu.memory_space<hbm>> -> memref<1000000x64xf32, #tpu.memory_space<hbm>>
      tpu.wait_indirect_dma semaphore(%arg30 : memref<!tpu.dma_semaphore, #tpu.memory_space<semaphore_mem>>) src(%dma_wait3A_727 : memref<1000000x64xf32, #tpu.memory_space<hbm>>) dst(%dma_wait3A_721 : memref<100x64xf32, #tpu.memory_space<vmem>>)
      %dma_wait3A_728 = arith.constant 3 : i32
      %dma_wait3A_729 = arith.constant 15 : i32
      %dma_wait3A_730 = arith.constant 0 : i32
      %dma_wait3A_731 = tpu.memref_slice %arg21[%dma_wait3A_729, %dma_wait3A_730] : memref<20x64xf32, #tpu.memory_space<vmem>> -> memref<5x64xf32, #tpu.memory_space<vmem>>
      %dma_wait3A_732 = arith.constant 0 : i32
      %dma_wait3A_733 = tpu.memref_slice %arg13[%dma_wait3A_728, %dma_wait3A_732] : memref<4x5xi32, #tpu.memory_space<vmem>> -> memref<1x5xi32, #tpu.memory_space<vmem>>
      %dma_wait3A_734 = tpu.memref_squeeze %dma_wait3A_733 : memref<1x5xi32, #tpu.memory_space<vmem>> -> memref<5xi32, #tpu.memory_space<vmem>>
      %dma_wait3A_735 = arith.constant 0 : i32
      %dma_wait3A_736 = arith.constant 0 : i32
      %dma_wait3A_737 = tpu.memref_slice %arg2[%dma_wait3A_735, %dma_wait3A_736] : memref<1000000x64xf32, #tpu.memory_space<hbm>> -> memref<1000000x64xf32, #tpu.memory_space<hbm>>
      tpu.wait_indirect_dma semaphore(%arg30 : memref<!tpu.dma_semaphore, #tpu.memory_space<semaphore_mem>>) src(%dma_wait3A_737 : memref<1000000x64xf32, #tpu.memory_space<hbm>>) dst(%dma_wait3A_731 : memref<5x64xf32, #tpu.memory_space<vmem>>)
      %dma_wait3A_738 = arith.constant 3 : i32
      %dma_wait3A_739 = arith.constant 15 : i32
      %dma_wait3A_740 = arith.constant 0 : i32
      %dma_wait3A_741 = tpu.memref_slice %arg22[%dma_wait3A_739, %dma_wait3A_740] : memref<20x64xf32, #tpu.memory_space<vmem>> -> memref<5x64xf32, #tpu.memory_space<vmem>>
      %dma_wait3A_742 = arith.constant 0 : i32
      %dma_wait3A_743 = tpu.memref_slice %arg14[%dma_wait3A_738, %dma_wait3A_742] : memref<4x5xi32, #tpu.memory_space<vmem>> -> memref<1x5xi32, #tpu.memory_space<vmem>>
      %dma_wait3A_744 = tpu.memref_squeeze %dma_wait3A_743 : memref<1x5xi32, #tpu.memory_space<vmem>> -> memref<5xi32, #tpu.memory_space<vmem>>
      %dma_wait3A_745 = arith.constant 0 : i32
      %dma_wait3A_746 = arith.constant 0 : i32
      %dma_wait3A_747 = tpu.memref_slice %arg2[%dma_wait3A_745, %dma_wait3A_746] : memref<1000000x64xf32, #tpu.memory_space<hbm>> -> memref<1000000x64xf32, #tpu.memory_space<hbm>>
      tpu.wait_indirect_dma semaphore(%arg30 : memref<!tpu.dma_semaphore, #tpu.memory_space<semaphore_mem>>) src(%dma_wait3A_747 : memref<1000000x64xf32, #tpu.memory_space<hbm>>) dst(%dma_wait3A_741 : memref<5x64xf32, #tpu.memory_space<vmem>>)
      %scan3A_748 = arith.constant 0 : i32
      %scan3A_749 = arith.constant 4 : i32
      %scan3A_750 = arith.addi %scan3A_748, %scan3A_749 : i32
      %scan3A_751 = arith.constant 1 : i32
      %scan3A_752 = scf.for %scan3A_754 = %scan3A_748 to %scan3A_750 step %scan3A_751 iter_args(%scan3A_755 = %scan3A_584) -> (vector<16xf32>)  : i32 {
        %mul3A_756 = arith.constant 5 : i32
        %mul3A_757 = arith.muli %scan3A_754, %mul3A_756 : i32
        %add3A_758 = arith.constant 0 : i32
        %add3A_759 = arith.addi %mul3A_757, %add3A_758 : i32
        %get3A = arith.index_cast %add3A_759 : i32 to index
        %get3A_760 = arith.constant 0 : index
        %get3A_761 = tpu.vector_load %arg21[%get3A, %get3A_760] {strides = array<i32>} : memref<20x64xf32, #tpu.memory_space<vmem>>, vector<16xf32>,
        %add3A_762 = arith.addf %broadcast_in_dim3A_11, %get3A_761 : vector<16xf32>
        %mul3A_763 = arith.constant 5 : i32
        %mul3A_764 = arith.muli %scan3A_754, %mul3A_763 : i32
        %add3A_765 = arith.constant 0 : i32
        %add3A_766 = arith.addi %mul3A_764, %add3A_765 : i32
        %get3A_767 = arith.index_cast %add3A_766 : i32 to index
        %get3A_768 = arith.constant 0 : index
        %get3A_769 = tpu.vector_load %arg22[%get3A_767, %get3A_768] {strides = array<i32>} : memref<20x64xf32, #tpu.memory_space<vmem>>, vector<16xf32>,
        %add3A_770 = arith.addf %broadcast_in_dim3A_11, %get3A_769 : vector<16xf32>
        %mul3A_771 = arith.constant 5 : i32
        %mul3A_772 = arith.muli %scan3A_754, %mul3A_771 : i32
        %add3A_773 = arith.constant 0 : i32
        %add3A_774 = arith.addi %mul3A_772, %add3A_773 : i32
        %get3A_775 = arith.index_cast %add3A_774 : i32 to index
        %get3A_776 = arith.constant 16 : index
        %get3A_777 = tpu.vector_load %arg21[%get3A_775, %get3A_776] {strides = array<i32>} : memref<20x64xf32, #tpu.memory_space<vmem>>, vector<16xf32>,
        %add3A_778 = arith.addf %broadcast_in_dim3A_11, %get3A_777 : vector<16xf32>
        %mul3A_779 = arith.constant 5 : i32
        %mul3A_780 = arith.muli %scan3A_754, %mul3A_779 : i32
        %add3A_781 = arith.constant 0 : i32
        %add3A_782 = arith.addi %mul3A_780, %add3A_781 : i32
        %get3A_783 = arith.index_cast %add3A_782 : i32 to index
        %get3A_784 = arith.constant 16 : index
        %get3A_785 = tpu.vector_load %arg22[%get3A_783, %get3A_784] {strides = array<i32>} : memref<20x64xf32, #tpu.memory_space<vmem>>, vector<16xf32>,
        %add3A_786 = arith.addf %broadcast_in_dim3A_11, %get3A_785 : vector<16xf32>
        %mul3A_787 = arith.constant 5 : i32
        %mul3A_788 = arith.muli %scan3A_754, %mul3A_787 : i32
        %add3A_789 = arith.constant 0 : i32
        %add3A_790 = arith.addi %mul3A_788, %add3A_789 : i32
        %get3A_791 = arith.index_cast %add3A_790 : i32 to index
        %get3A_792 = arith.constant 32 : index
        %get3A_793 = tpu.vector_load %arg21[%get3A_791, %get3A_792] {strides = array<i32>} : memref<20x64xf32, #tpu.memory_space<vmem>>, vector<16xf32>,
        %add3A_794 = arith.addf %broadcast_in_dim3A_11, %get3A_793 : vector<16xf32>
        %mul3A_795 = arith.constant 5 : i32
        %mul3A_796 = arith.muli %scan3A_754, %mul3A_795 : i32
        %add3A_797 = arith.constant 0 : i32
        %add3A_798 = arith.addi %mul3A_796, %add3A_797 : i32
        %get3A_799 = arith.index_cast %add3A_798 : i32 to index
        %get3A_800 = arith.constant 32 : index
        %get3A_801 = tpu.vector_load %arg22[%get3A_799, %get3A_800] {strides = array<i32>} : memref<20x64xf32, #tpu.memory_space<vmem>>, vector<16xf32>,
        %add3A_802 = arith.addf %broadcast_in_dim3A_11, %get3A_801 : vector<16xf32>
        %mul3A_803 = arith.constant 5 : i32
        %mul3A_804 = arith.muli %scan3A_754, %mul3A_803 : i32
        %add3A_805 = arith.constant 0 : i32
        %add3A_806 = arith.addi %mul3A_804, %add3A_805 : i32
        %get3A_807 = arith.index_cast %add3A_806 : i32 to index
        %get3A_808 = arith.constant 48 : index
        %get3A_809 = tpu.vector_load %arg21[%get3A_807, %get3A_808] {strides = array<i32>} : memref<20x64xf32, #tpu.memory_space<vmem>>, vector<16xf32>,
        %add3A_810 = arith.addf %broadcast_in_dim3A_11, %get3A_809 : vector<16xf32>
        %mul3A_811 = arith.constant 5 : i32
        %mul3A_812 = arith.muli %scan3A_754, %mul3A_811 : i32
        %add3A_813 = arith.constant 0 : i32
        %add3A_814 = arith.addi %mul3A_812, %add3A_813 : i32
        %get3A_815 = arith.index_cast %add3A_814 : i32 to index
        %get3A_816 = arith.constant 48 : index
        %get3A_817 = tpu.vector_load %arg22[%get3A_815, %get3A_816] {strides = array<i32>} : memref<20x64xf32, #tpu.memory_space<vmem>>, vector<16xf32>,
        %add3A_818 = arith.addf %broadcast_in_dim3A_11, %get3A_817 : vector<16xf32>
        %mul3A_819 = arith.constant 5 : i32
        %mul3A_820 = arith.muli %scan3A_754, %mul3A_819 : i32
        %add3A_821 = arith.constant 1 : i32
        %add3A_822 = arith.addi %mul3A_820, %add3A_821 : i32
        %get3A_823 = arith.index_cast %add3A_822 : i32 to index
        %get3A_824 = arith.constant 0 : index
        %get3A_825 = tpu.vector_load %arg21[%get3A_823, %get3A_824] {strides = array<i32>} : memref<20x64xf32, #tpu.memory_space<vmem>>, vector<16xf32>,
        %add3A_826 = arith.addf %add3A_762, %get3A_825 : vector<16xf32>
        %mul3A_827 = arith.constant 5 : i32
        %mul3A_828 = arith.muli %scan3A_754, %mul3A_827 : i32
        %add3A_829 = arith.constant 1 : i32
        %add3A_830 = arith.addi %mul3A_828, %add3A_829 : i32
        %get3A_831 = arith.index_cast %add3A_830 : i32 to index
        %get3A_832 = arith.constant 0 : index
        %get3A_833 = tpu.vector_load %arg22[%get3A_831, %get3A_832] {strides = array<i32>} : memref<20x64xf32, #tpu.memory_space<vmem>>, vector<16xf32>,
        %add3A_834 = arith.addf %add3A_770, %get3A_833 : vector<16xf32>
        %mul3A_835 = arith.constant 5 : i32
        %mul3A_836 = arith.muli %scan3A_754, %mul3A_835 : i32
        %add3A_837 = arith.constant 1 : i32
        %add3A_838 = arith.addi %mul3A_836, %add3A_837 : i32
        %get3A_839 = arith.index_cast %add3A_838 : i32 to index
        %get3A_840 = arith.constant 16 : index
        %get3A_841 = tpu.vector_load %arg21[%get3A_839, %get3A_840] {strides = array<i32>} : memref<20x64xf32, #tpu.memory_space<vmem>>, vector<16xf32>,
        %add3A_842 = arith.addf %add3A_778, %get3A_841 : vector<16xf32>
        %mul3A_843 = arith.constant 5 : i32
        %mul3A_844 = arith.muli %scan3A_754, %mul3A_843 : i32
        %add3A_845 = arith.constant 1 : i32
        %add3A_846 = arith.addi %mul3A_844, %add3A_845 : i32
        %get3A_847 = arith.index_cast %add3A_846 : i32 to index
        %get3A_848 = arith.constant 16 : index
        %get3A_849 = tpu.vector_load %arg22[%get3A_847, %get3A_848] {strides = array<i32>} : memref<20x64xf32, #tpu.memory_space<vmem>>, vector<16xf32>,
        %add3A_850 = arith.addf %add3A_786, %get3A_849 : vector<16xf32>
        %mul3A_851 = arith.constant 5 : i32
        %mul3A_852 = arith.muli %scan3A_754, %mul3A_851 : i32
        %add3A_853 = arith.constant 1 : i32
        %add3A_854 = arith.addi %mul3A_852, %add3A_853 : i32
        %get3A_855 = arith.index_cast %add3A_854 : i32 to index
        %get3A_856 = arith.constant 32 : index
        %get3A_857 = tpu.vector_load %arg21[%get3A_855, %get3A_856] {strides = array<i32>} : memref<20x64xf32, #tpu.memory_space<vmem>>, vector<16xf32>,
        %add3A_858 = arith.addf %add3A_794, %get3A_857 : vector<16xf32>
        %mul3A_859 = arith.constant 5 : i32
        %mul3A_860 = arith.muli %scan3A_754, %mul3A_859 : i32
        %add3A_861 = arith.constant 1 : i32
        %add3A_862 = arith.addi %mul3A_860, %add3A_861 : i32
        %get3A_863 = arith.index_cast %add3A_862 : i32 to index
        %get3A_864 = arith.constant 32 : index
        %get3A_865 = tpu.vector_load %arg22[%get3A_863, %get3A_864] {strides = array<i32>} : memref<20x64xf32, #tpu.memory_space<vmem>>, vector<16xf32>,
        %add3A_866 = arith.addf %add3A_802, %get3A_865 : vector<16xf32>
        %mul3A_867 = arith.constant 5 : i32
        %mul3A_868 = arith.muli %scan3A_754, %mul3A_867 : i32
        %add3A_869 = arith.constant 1 : i32
        %add3A_870 = arith.addi %mul3A_868, %add3A_869 : i32
        %get3A_871 = arith.index_cast %add3A_870 : i32 to index
        %get3A_872 = arith.constant 48 : index
        %get3A_873 = tpu.vector_load %arg21[%get3A_871, %get3A_872] {strides = array<i32>} : memref<20x64xf32, #tpu.memory_space<vmem>>, vector<16xf32>,
        %add3A_874 = arith.addf %add3A_810, %get3A_873 : vector<16xf32>
        %mul3A_875 = arith.constant 5 : i32
        %mul3A_876 = arith.muli %scan3A_754, %mul3A_875 : i32
        %add3A_877 = arith.constant 1 : i32
        %add3A_878 = arith.addi %mul3A_876, %add3A_877 : i32
        %get3A_879 = arith.index_cast %add3A_878 : i32 to index
        %get3A_880 = arith.constant 48 : index
        %get3A_881 = tpu.vector_load %arg22[%get3A_879, %get3A_880] {strides = array<i32>} : memref<20x64xf32, #tpu.memory_space<vmem>>, vector<16xf32>,
        %add3A_882 = arith.addf %add3A_818, %get3A_881 : vector<16xf32>
        %mul3A_883 = arith.constant 5 : i32
        %mul3A_884 = arith.muli %scan3A_754, %mul3A_883 : i32
        %add3A_885 = arith.constant 2 : i32
        %add3A_886 = arith.addi %mul3A_884, %add3A_885 : i32
        %get3A_887 = arith.index_cast %add3A_886 : i32 to index
        %get3A_888 = arith.constant 0 : index
        %get3A_889 = tpu.vector_load %arg21[%get3A_887, %get3A_888] {strides = array<i32>} : memref<20x64xf32, #tpu.memory_space<vmem>>, vector<16xf32>,
        %add3A_890 = arith.addf %add3A_826, %get3A_889 : vector<16xf32>
        %mul3A_891 = arith.constant 5 : i32
        %mul3A_892 = arith.muli %scan3A_754, %mul3A_891 : i32
        %add3A_893 = arith.constant 2 : i32
        %add3A_894 = arith.addi %mul3A_892, %add3A_893 : i32
        %get3A_895 = arith.index_cast %add3A_894 : i32 to index
        %get3A_896 = arith.constant 0 : index
        %get3A_897 = tpu.vector_load %arg22[%get3A_895, %get3A_896] {strides = array<i32>} : memref<20x64xf32, #tpu.memory_space<vmem>>, vector<16xf32>,
        %add3A_898 = arith.addf %add3A_834, %get3A_897 : vector<16xf32>
        %mul3A_899 = arith.constant 5 : i32
        %mul3A_900 = arith.muli %scan3A_754, %mul3A_899 : i32
        %add3A_901 = arith.constant 2 : i32
        %add3A_902 = arith.addi %mul3A_900, %add3A_901 : i32
        %get3A_903 = arith.index_cast %add3A_902 : i32 to index
        %get3A_904 = arith.constant 16 : index
        %get3A_905 = tpu.vector_load %arg21[%get3A_903, %get3A_904] {strides = array<i32>} : memref<20x64xf32, #tpu.memory_space<vmem>>, vector<16xf32>,
        %add3A_906 = arith.addf %add3A_842, %get3A_905 : vector<16xf32>
        %mul3A_907 = arith.constant 5 : i32
        %mul3A_908 = arith.muli %scan3A_754, %mul3A_907 : i32
        %add3A_909 = arith.constant 2 : i32
        %add3A_910 = arith.addi %mul3A_908, %add3A_909 : i32
        %get3A_911 = arith.index_cast %add3A_910 : i32 to index
        %get3A_912 = arith.constant 16 : index
        %get3A_913 = tpu.vector_load %arg22[%get3A_911, %get3A_912] {strides = array<i32>} : memref<20x64xf32, #tpu.memory_space<vmem>>, vector<16xf32>,
        %add3A_914 = arith.addf %add3A_850, %get3A_913 : vector<16xf32>
        %mul3A_915 = arith.constant 5 : i32
        %mul3A_916 = arith.muli %scan3A_754, %mul3A_915 : i32
        %add3A_917 = arith.constant 2 : i32
        %add3A_918 = arith.addi %mul3A_916, %add3A_917 : i32
        %get3A_919 = arith.index_cast %add3A_918 : i32 to index
        %get3A_920 = arith.constant 32 : index
        %get3A_921 = tpu.vector_load %arg21[%get3A_919, %get3A_920] {strides = array<i32>} : memref<20x64xf32, #tpu.memory_space<vmem>>, vector<16xf32>,
        %add3A_922 = arith.addf %add3A_858, %get3A_921 : vector<16xf32>
        %mul3A_923 = arith.constant 5 : i32
        %mul3A_924 = arith.muli %scan3A_754, %mul3A_923 : i32
        %add3A_925 = arith.constant 2 : i32
        %add3A_926 = arith.addi %mul3A_924, %add3A_925 : i32
        %get3A_927 = arith.index_cast %add3A_926 : i32 to index
        %get3A_928 = arith.constant 32 : index
        %get3A_929 = tpu.vector_load %arg22[%get3A_927, %get3A_928] {strides = array<i32>} : memref<20x64xf32, #tpu.memory_space<vmem>>, vector<16xf32>,
        %add3A_930 = arith.addf %add3A_866, %get3A_929 : vector<16xf32>
        %mul3A_931 = arith.constant 5 : i32
        %mul3A_932 = arith.muli %scan3A_754, %mul3A_931 : i32
        %add3A_933 = arith.constant 2 : i32
        %add3A_934 = arith.addi %mul3A_932, %add3A_933 : i32
        %get3A_935 = arith.index_cast %add3A_934 : i32 to index
        %get3A_936 = arith.constant 48 : index
        %get3A_937 = tpu.vector_load %arg21[%get3A_935, %get3A_936] {strides = array<i32>} : memref<20x64xf32, #tpu.memory_space<vmem>>, vector<16xf32>,
        %add3A_938 = arith.addf %add3A_874, %get3A_937 : vector<16xf32>
        %mul3A_939 = arith.constant 5 : i32
        %mul3A_940 = arith.muli %scan3A_754, %mul3A_939 : i32
        %add3A_941 = arith.constant 2 : i32
        %add3A_942 = arith.addi %mul3A_940, %add3A_941 : i32
        %get3A_943 = arith.index_cast %add3A_942 : i32 to index
        %get3A_944 = arith.constant 48 : index
        %get3A_945 = tpu.vector_load %arg22[%get3A_943, %get3A_944] {strides = array<i32>} : memref<20x64xf32, #tpu.memory_space<vmem>>, vector<16xf32>,
        %add3A_946 = arith.addf %add3A_882, %get3A_945 : vector<16xf32>
        %mul3A_947 = arith.constant 5 : i32
        %mul3A_948 = arith.muli %scan3A_754, %mul3A_947 : i32
        %add3A_949 = arith.constant 3 : i32
        %add3A_950 = arith.addi %mul3A_948, %add3A_949 : i32
        %get3A_951 = arith.index_cast %add3A_950 : i32 to index
        %get3A_952 = arith.constant 0 : index
        %get3A_953 = tpu.vector_load %arg21[%get3A_951, %get3A_952] {strides = array<i32>} : memref<20x64xf32, #tpu.memory_space<vmem>>, vector<16xf32>,
        %add3A_954 = arith.addf %add3A_890, %get3A_953 : vector<16xf32>
        %mul3A_955 = arith.constant 5 : i32
        %mul3A_956 = arith.muli %scan3A_754, %mul3A_955 : i32
        %add3A_957 = arith.constant 3 : i32
        %add3A_958 = arith.addi %mul3A_956, %add3A_957 : i32
        %get3A_959 = arith.index_cast %add3A_958 : i32 to index
        %get3A_960 = arith.constant 0 : index
        %get3A_961 = tpu.vector_load %arg22[%get3A_959, %get3A_960] {strides = array<i32>} : memref<20x64xf32, #tpu.memory_space<vmem>>, vector<16xf32>,
        %add3A_962 = arith.addf %add3A_898, %get3A_961 : vector<16xf32>
        %mul3A_963 = arith.constant 5 : i32
        %mul3A_964 = arith.muli %scan3A_754, %mul3A_963 : i32
        %add3A_965 = arith.constant 3 : i32
        %add3A_966 = arith.addi %mul3A_964, %add3A_965 : i32
        %get3A_967 = arith.index_cast %add3A_966 : i32 to index
        %get3A_968 = arith.constant 16 : index
        %get3A_969 = tpu.vector_load %arg21[%get3A_967, %get3A_968] {strides = array<i32>} : memref<20x64xf32, #tpu.memory_space<vmem>>, vector<16xf32>,
        %add3A_970 = arith.addf %add3A_906, %get3A_969 : vector<16xf32>
        %mul3A_971 = arith.constant 5 : i32
        %mul3A_972 = arith.muli %scan3A_754, %mul3A_971 : i32
        %add3A_973 = arith.constant 3 : i32
        %add3A_974 = arith.addi %mul3A_972, %add3A_973 : i32
        %get3A_975 = arith.index_cast %add3A_974 : i32 to index
        %get3A_976 = arith.constant 16 : index
        %get3A_977 = tpu.vector_load %arg22[%get3A_975, %get3A_976] {strides = array<i32>} : memref<20x64xf32, #tpu.memory_space<vmem>>, vector<16xf32>,
        %add3A_978 = arith.addf %add3A_914, %get3A_977 : vector<16xf32>
        %mul3A_979 = arith.constant 5 : i32
        %mul3A_980 = arith.muli %scan3A_754, %mul3A_979 : i32
        %add3A_981 = arith.constant 3 : i32
        %add3A_982 = arith.addi %mul3A_980, %add3A_981 : i32
        %get3A_983 = arith.index_cast %add3A_982 : i32 to index
        %get3A_984 = arith.constant 32 : index
        %get3A_985 = tpu.vector_load %arg21[%get3A_983, %get3A_984] {strides = array<i32>} : memref<20x64xf32, #tpu.memory_space<vmem>>, vector<16xf32>,
        %add3A_986 = arith.addf %add3A_922, %get3A_985 : vector<16xf32>
        %mul3A_987 = arith.constant 5 : i32
        %mul3A_988 = arith.muli %scan3A_754, %mul3A_987 : i32
        %add3A_989 = arith.constant 3 : i32
        %add3A_990 = arith.addi %mul3A_988, %add3A_989 : i32
        %get3A_991 = arith.index_cast %add3A_990 : i32 to index
        %get3A_992 = arith.constant 32 : index
        %get3A_993 = tpu.vector_load %arg22[%get3A_991, %get3A_992] {strides = array<i32>} : memref<20x64xf32, #tpu.memory_space<vmem>>, vector<16xf32>,
        %add3A_994 = arith.addf %add3A_930, %get3A_993 : vector<16xf32>
        %mul3A_995 = arith.constant 5 : i32
        %mul3A_996 = arith.muli %scan3A_754, %mul3A_995 : i32
        %add3A_997 = arith.constant 3 : i32
        %add3A_998 = arith.addi %mul3A_996, %add3A_997 : i32
        %get3A_999 = arith.index_cast %add3A_998 : i32 to index
        %get3A_1000 = arith.constant 48 : index
        %get3A_1001 = tpu.vector_load %arg21[%get3A_999, %get3A_1000] {strides = array<i32>} : memref<20x64xf32, #tpu.memory_space<vmem>>, vector<16xf32>,
        %add3A_1002 = arith.addf %add3A_938, %get3A_1001 : vector<16xf32>
        %mul3A_1003 = arith.constant 5 : i32
        %mul3A_1004 = arith.muli %scan3A_754, %mul3A_1003 : i32
        %add3A_1005 = arith.constant 3 : i32
        %add3A_1006 = arith.addi %mul3A_1004, %add3A_1005 : i32
        %get3A_1007 = arith.index_cast %add3A_1006 : i32 to index
        %get3A_1008 = arith.constant 48 : index
        %get3A_1009 = tpu.vector_load %arg22[%get3A_1007, %get3A_1008] {strides = array<i32>} : memref<20x64xf32, #tpu.memory_space<vmem>>, vector<16xf32>,
        %add3A_1010 = arith.addf %add3A_946, %get3A_1009 : vector<16xf32>
        %mul3A_1011 = arith.constant 5 : i32
        %mul3A_1012 = arith.muli %scan3A_754, %mul3A_1011 : i32
        %add3A_1013 = arith.constant 4 : i32
        %add3A_1014 = arith.addi %mul3A_1012, %add3A_1013 : i32
        %get3A_1015 = arith.index_cast %add3A_1014 : i32 to index
        %get3A_1016 = arith.constant 0 : index
        %get3A_1017 = tpu.vector_load %arg21[%get3A_1015, %get3A_1016] {strides = array<i32>} : memref<20x64xf32, #tpu.memory_space<vmem>>, vector<16xf32>,
        %add3A_1018 = arith.addf %add3A_954, %get3A_1017 : vector<16xf32>
        %mul3A_1019 = arith.constant 5 : i32
        %mul3A_1020 = arith.muli %scan3A_754, %mul3A_1019 : i32
        %add3A_1021 = arith.constant 4 : i32
        %add3A_1022 = arith.addi %mul3A_1020, %add3A_1021 : i32
        %get3A_1023 = arith.index_cast %add3A_1022 : i32 to index
        %get3A_1024 = arith.constant 0 : index
        %get3A_1025 = tpu.vector_load %arg22[%get3A_1023, %get3A_1024] {strides = array<i32>} : memref<20x64xf32, #tpu.memory_space<vmem>>, vector<16xf32>,
        %add3A_1026 = arith.addf %add3A_962, %get3A_1025 : vector<16xf32>
        %mul3A_1027 = arith.constant 5 : i32
        %mul3A_1028 = arith.muli %scan3A_754, %mul3A_1027 : i32
        %add3A_1029 = arith.constant 4 : i32
        %add3A_1030 = arith.addi %mul3A_1028, %add3A_1029 : i32
        %get3A_1031 = arith.index_cast %add3A_1030 : i32 to index
        %get3A_1032 = arith.constant 16 : index
        %get3A_1033 = tpu.vector_load %arg21[%get3A_1031, %get3A_1032] {strides = array<i32>} : memref<20x64xf32, #tpu.memory_space<vmem>>, vector<16xf32>,
        %add3A_1034 = arith.addf %add3A_970, %get3A_1033 : vector<16xf32>
        %mul3A_1035 = arith.constant 5 : i32
        %mul3A_1036 = arith.muli %scan3A_754, %mul3A_1035 : i32
        %add3A_1037 = arith.constant 4 : i32
        %add3A_1038 = arith.addi %mul3A_1036, %add3A_1037 : i32
        %get3A_1039 = arith.index_cast %add3A_1038 : i32 to index
        %get3A_1040 = arith.constant 16 : index
        %get3A_1041 = tpu.vector_load %arg22[%get3A_1039, %get3A_1040] {strides = array<i32>} : memref<20x64xf32, #tpu.memory_space<vmem>>, vector<16xf32>,
        %add3A_1042 = arith.addf %add3A_978, %get3A_1041 : vector<16xf32>
        %mul3A_1043 = arith.constant 5 : i32
        %mul3A_1044 = arith.muli %scan3A_754, %mul3A_1043 : i32
        %add3A_1045 = arith.constant 4 : i32
        %add3A_1046 = arith.addi %mul3A_1044, %add3A_1045 : i32
        %get3A_1047 = arith.index_cast %add3A_1046 : i32 to index
        %get3A_1048 = arith.constant 32 : index
        %get3A_1049 = tpu.vector_load %arg21[%get3A_1047, %get3A_1048] {strides = array<i32>} : memref<20x64xf32, #tpu.memory_space<vmem>>, vector<16xf32>,
        %add3A_1050 = arith.addf %add3A_986, %get3A_1049 : vector<16xf32>
        %mul3A_1051 = arith.constant 5 : i32
        %mul3A_1052 = arith.muli %scan3A_754, %mul3A_1051 : i32
        %add3A_1053 = arith.constant 4 : i32
        %add3A_1054 = arith.addi %mul3A_1052, %add3A_1053 : i32
        %get3A_1055 = arith.index_cast %add3A_1054 : i32 to index
        %get3A_1056 = arith.constant 32 : index
        %get3A_1057 = tpu.vector_load %arg22[%get3A_1055, %get3A_1056] {strides = array<i32>} : memref<20x64xf32, #tpu.memory_space<vmem>>, vector<16xf32>,
        %add3A_1058 = arith.addf %add3A_994, %get3A_1057 : vector<16xf32>
        %mul3A_1059 = arith.constant 5 : i32
        %mul3A_1060 = arith.muli %scan3A_754, %mul3A_1059 : i32
        %add3A_1061 = arith.constant 4 : i32
        %add3A_1062 = arith.addi %mul3A_1060, %add3A_1061 : i32
        %get3A_1063 = arith.index_cast %add3A_1062 : i32 to index
        %get3A_1064 = arith.constant 48 : index
        %get3A_1065 = tpu.vector_load %arg21[%get3A_1063, %get3A_1064] {strides = array<i32>} : memref<20x64xf32, #tpu.memory_space<vmem>>, vector<16xf32>,
        %add3A_1066 = arith.addf %add3A_1002, %get3A_1065 : vector<16xf32>
        %mul3A_1067 = arith.constant 5 : i32
        %mul3A_1068 = arith.muli %scan3A_754, %mul3A_1067 : i32
        %add3A_1069 = arith.constant 4 : i32
        %add3A_1070 = arith.addi %mul3A_1068, %add3A_1069 : i32
        %get3A_1071 = arith.index_cast %add3A_1070 : i32 to index
        %get3A_1072 = arith.constant 48 : index
        %get3A_1073 = tpu.vector_load %arg22[%get3A_1071, %get3A_1072] {strides = array<i32>} : memref<20x64xf32, #tpu.memory_space<vmem>>, vector<16xf32>,
        %add3A_1074 = arith.addf %add3A_1010, %get3A_1073 : vector<16xf32>
        %scan3A_1075 = arith.constant 0 : i32
        %scan3A_1076 = arith.constant 20 : i32
        %scan3A_1077 = arith.addi %scan3A_1075, %scan3A_1076 : i32
        %scan3A_1078 = arith.constant 1 : i32
        %scan3A_1079:8 = scf.for %scan3A_1212 = %scan3A_1075 to %scan3A_1077 step %scan3A_1078 iter_args(%scan3A_1213 = %broadcast_in_dim3A_11, %scan3A_1214 = %broadcast_in_dim3A_11, %scan3A_1215 = %broadcast_in_dim3A_11, %scan3A_1216 = %broadcast_in_dim3A_11, %scan3A_1217 = %broadcast_in_dim3A_11, %scan3A_1218 = %broadcast_in_dim3A_11, %scan3A_1219 = %broadcast_in_dim3A_11, %scan3A_1220 = %broadcast_in_dim3A_11) -> (vector<16xf32>, vector<16xf32>, vector<16xf32>, vector<16xf32>, vector<16xf32>, vector<16xf32>, vector<16xf32>, vector<16xf32>)  : i32 {
          %get3A_1221 = arith.index_cast %scan3A_1212 : i32 to index
          %get3A_1222 = arith.constant 0 : index
          %get3A_1223 = tpu.vector_load %arg25[%get3A_1221, %get3A_1222] {strides = array<i32>} : memref<20x16xf32, #tpu.memory_space<vmem>>, vector<16xf32>,
          %mul3A_1224 = arith.constant 100 : i32
          %mul3A_1225 = arith.muli %scan3A_754, %mul3A_1224 : i32
          %mul3A_1226 = arith.constant 5 : i32
          %mul3A_1227 = arith.muli %scan3A_1212, %mul3A_1226 : i32
          %add3A_1228 = arith.addi %mul3A_1225, %mul3A_1227 : i32
          %get3A_1229 = arith.index_cast %add3A_1228 : i32 to index
          %get3A_1230 = arith.constant 0 : index
          %get3A_1231 = tpu.vector_load %arg23[%get3A_1229, %get3A_1230] {strides = array<i32>} : memref<400x64xf32, #tpu.memory_space<vmem>>, vector<16xf32>,
          %add3A_1232 = arith.constant 1 : i32
          %add3A_1233 = arith.addi %add3A_1228, %add3A_1232 : i32
          %get3A_1234 = arith.index_cast %add3A_1233 : i32 to index
          %get3A_1235 = arith.constant 0 : index
          %get3A_1236 = tpu.vector_load %arg23[%get3A_1234, %get3A_1235] {strides = array<i32>} : memref<400x64xf32, #tpu.memory_space<vmem>>, vector<16xf32>,
          %add3A_1237 = arith.addf %get3A_1231, %get3A_1236 : vector<16xf32>
          %add3A_1238 = arith.constant 2 : i32
          %add3A_1239 = arith.addi %add3A_1228, %add3A_1238 : i32
          %get3A_1240 = arith.index_cast %add3A_1239 : i32 to index
          %get3A_1241 = arith.constant 0 : index
          %get3A_1242 = tpu.vector_load %arg23[%get3A_1240, %get3A_1241] {strides = array<i32>} : memref<400x64xf32, #tpu.memory_space<vmem>>, vector<16xf32>,
          %add3A_1243 = arith.addf %add3A_1237, %get3A_1242 : vector<16xf32>
          %add3A_1244 = arith.constant 3 : i32
          %add3A_1245 = arith.addi %add3A_1228, %add3A_1244 : i32
          %get3A_1246 = arith.index_cast %add3A_1245 : i32 to index
          %get3A_1247 = arith.constant 0 : index
          %get3A_1248 = tpu.vector_load %arg23[%get3A_1246, %get3A_1247] {strides = array<i32>} : memref<400x64xf32, #tpu.memory_space<vmem>>, vector<16xf32>,
          %add3A_1249 = arith.addf %add3A_1243, %get3A_1248 : vector<16xf32>
          %add3A_1250 = arith.constant 4 : i32
          %add3A_1251 = arith.addi %add3A_1228, %add3A_1250 : i32
          %get3A_1252 = arith.index_cast %add3A_1251 : i32 to index
          %get3A_1253 = arith.constant 0 : index
          %get3A_1254 = tpu.vector_load %arg23[%get3A_1252, %get3A_1253] {strides = array<i32>} : memref<400x64xf32, #tpu.memory_space<vmem>>, vector<16xf32>,
          %add3A_1255 = arith.addf %add3A_1249, %get3A_1254 : vector<16xf32>
          %mul3A_1256 = arith.mulf %get3A_1223, %add3A_1255 : vector<16xf32>
          %add3A_1257 = arith.addf %scan3A_1213, %mul3A_1256 : vector<16xf32>
          %get3A_1258 = arith.index_cast %add3A_1228 : i32 to index
          %get3A_1259 = arith.constant 16 : index
          %get3A_1260 = tpu.vector_load %arg23[%get3A_1258, %get3A_1259] {strides = array<i32>} : memref<400x64xf32, #tpu.memory_space<vmem>>, vector<16xf32>,
          %add3A_1261 = arith.constant 1 : i32
          %add3A_1262 = arith.addi %add3A_1228, %add3A_1261 : i32
          %get3A_1263 = arith.index_cast %add3A_1262 : i32 to index
          %get3A_1264 = arith.constant 16 : index
          %get3A_1265 = tpu.vector_load %arg23[%get3A_1263, %get3A_1264] {strides = array<i32>} : memref<400x64xf32, #tpu.memory_space<vmem>>, vector<16xf32>,
          %add3A_1266 = arith.addf %get3A_1260, %get3A_1265 : vector<16xf32>
          %add3A_1267 = arith.constant 2 : i32
          %add3A_1268 = arith.addi %add3A_1228, %add3A_1267 : i32
          %get3A_1269 = arith.index_cast %add3A_1268 : i32 to index
          %get3A_1270 = arith.constant 16 : index
          %get3A_1271 = tpu.vector_load %arg23[%get3A_1269, %get3A_1270] {strides = array<i32>} : memref<400x64xf32, #tpu.memory_space<vmem>>, vector<16xf32>,
          %add3A_1272 = arith.addf %add3A_1266, %get3A_1271 : vector<16xf32>
          %add3A_1273 = arith.constant 3 : i32
          %add3A_1274 = arith.addi %add3A_1228, %add3A_1273 : i32
          %get3A_1275 = arith.index_cast %add3A_1274 : i32 to index
          %get3A_1276 = arith.constant 16 : index
          %get3A_1277 = tpu.vector_load %arg23[%get3A_1275, %get3A_1276] {strides = array<i32>} : memref<400x64xf32, #tpu.memory_space<vmem>>, vector<16xf32>,
          %add3A_1278 = arith.addf %add3A_1272, %get3A_1277 : vector<16xf32>
          %add3A_1279 = arith.constant 4 : i32
          %add3A_1280 = arith.addi %add3A_1228, %add3A_1279 : i32
          %get3A_1281 = arith.index_cast %add3A_1280 : i32 to index
          %get3A_1282 = arith.constant 16 : index
          %get3A_1283 = tpu.vector_load %arg23[%get3A_1281, %get3A_1282] {strides = array<i32>} : memref<400x64xf32, #tpu.memory_space<vmem>>, vector<16xf32>,
          %add3A_1284 = arith.addf %add3A_1278, %get3A_1283 : vector<16xf32>
          %mul3A_1285 = arith.mulf %get3A_1223, %add3A_1284 : vector<16xf32>
          %add3A_1286 = arith.addf %scan3A_1214, %mul3A_1285 : vector<16xf32>
          %get3A_1287 = arith.index_cast %add3A_1228 : i32 to index
          %get3A_1288 = arith.constant 32 : index
          %get3A_1289 = tpu.vector_load %arg23[%get3A_1287, %get3A_1288] {strides = array<i32>} : memref<400x64xf32, #tpu.memory_space<vmem>>, vector<16xf32>,
          %add3A_1290 = arith.constant 1 : i32
          %add3A_1291 = arith.addi %add3A_1228, %add3A_1290 : i32
          %get3A_1292 = arith.index_cast %add3A_1291 : i32 to index
          %get3A_1293 = arith.constant 32 : index
          %get3A_1294 = tpu.vector_load %arg23[%get3A_1292, %get3A_1293] {strides = array<i32>} : memref<400x64xf32, #tpu.memory_space<vmem>>, vector<16xf32>,
          %add3A_1295 = arith.addf %get3A_1289, %get3A_1294 : vector<16xf32>
          %add3A_1296 = arith.constant 2 : i32
          %add3A_1297 = arith.addi %add3A_1228, %add3A_1296 : i32
          %get3A_1298 = arith.index_cast %add3A_1297 : i32 to index
          %get3A_1299 = arith.constant 32 : index
          %get3A_1300 = tpu.vector_load %arg23[%get3A_1298, %get3A_1299] {strides = array<i32>} : memref<400x64xf32, #tpu.memory_space<vmem>>, vector<16xf32>,
          %add3A_1301 = arith.addf %add3A_1295, %get3A_1300 : vector<16xf32>
          %add3A_1302 = arith.constant 3 : i32
          %add3A_1303 = arith.addi %add3A_1228, %add3A_1302 : i32
          %get3A_1304 = arith.index_cast %add3A_1303 : i32 to index
          %get3A_1305 = arith.constant 32 : index
          %get3A_1306 = tpu.vector_load %arg23[%get3A_1304, %get3A_1305] {strides = array<i32>} : memref<400x64xf32, #tpu.memory_space<vmem>>, vector<16xf32>,
          %add3A_1307 = arith.addf %add3A_1301, %get3A_1306 : vector<16xf32>
          %add3A_1308 = arith.constant 4 : i32
          %add3A_1309 = arith.addi %add3A_1228, %add3A_1308 : i32
          %get3A_1310 = arith.index_cast %add3A_1309 : i32 to index
          %get3A_1311 = arith.constant 32 : index
          %get3A_1312 = tpu.vector_load %arg23[%get3A_1310, %get3A_1311] {strides = array<i32>} : memref<400x64xf32, #tpu.memory_space<vmem>>, vector<16xf32>,
          %add3A_1313 = arith.addf %add3A_1307, %get3A_1312 : vector<16xf32>
          %mul3A_1314 = arith.mulf %get3A_1223, %add3A_1313 : vector<16xf32>
          %add3A_1315 = arith.addf %scan3A_1215, %mul3A_1314 : vector<16xf32>
          %get3A_1316 = arith.index_cast %add3A_1228 : i32 to index
          %get3A_1317 = arith.constant 48 : index
          %get3A_1318 = tpu.vector_load %arg23[%get3A_1316, %get3A_1317] {strides = array<i32>} : memref<400x64xf32, #tpu.memory_space<vmem>>, vector<16xf32>,
          %add3A_1319 = arith.constant 1 : i32
          %add3A_1320 = arith.addi %add3A_1228, %add3A_1319 : i32
          %get3A_1321 = arith.index_cast %add3A_1320 : i32 to index
          %get3A_1322 = arith.constant 48 : index
          %get3A_1323 = tpu.vector_load %arg23[%get3A_1321, %get3A_1322] {strides = array<i32>} : memref<400x64xf32, #tpu.memory_space<vmem>>, vector<16xf32>,
          %add3A_1324 = arith.addf %get3A_1318, %get3A_1323 : vector<16xf32>
          %add3A_1325 = arith.constant 2 : i32
          %add3A_1326 = arith.addi %add3A_1228, %add3A_1325 : i32
          %get3A_1327 = arith.index_cast %add3A_1326 : i32 to index
          %get3A_1328 = arith.constant 48 : index
          %get3A_1329 = tpu.vector_load %arg23[%get3A_1327, %get3A_1328] {strides = array<i32>} : memref<400x64xf32, #tpu.memory_space<vmem>>, vector<16xf32>,
          %add3A_1330 = arith.addf %add3A_1324, %get3A_1329 : vector<16xf32>
          %add3A_1331 = arith.constant 3 : i32
          %add3A_1332 = arith.addi %add3A_1228, %add3A_1331 : i32
          %get3A_1333 = arith.index_cast %add3A_1332 : i32 to index
          %get3A_1334 = arith.constant 48 : index
          %get3A_1335 = tpu.vector_load %arg23[%get3A_1333, %get3A_1334] {strides = array<i32>} : memref<400x64xf32, #tpu.memory_space<vmem>>, vector<16xf32>,
          %add3A_1336 = arith.addf %add3A_1330, %get3A_1335 : vector<16xf32>
          %add3A_1337 = arith.constant 4 : i32
          %add3A_1338 = arith.addi %add3A_1228, %add3A_1337 : i32
          %get3A_1339 = arith.index_cast %add3A_1338 : i32 to index
          %get3A_1340 = arith.constant 48 : index
          %get3A_1341 = tpu.vector_load %arg23[%get3A_1339, %get3A_1340] {strides = array<i32>} : memref<400x64xf32, #tpu.memory_space<vmem>>, vector<16xf32>,
          %add3A_1342 = arith.addf %add3A_1336, %get3A_1341 : vector<16xf32>
          %mul3A_1343 = arith.mulf %get3A_1223, %add3A_1342 : vector<16xf32>
          %add3A_1344 = arith.addf %scan3A_1216, %mul3A_1343 : vector<16xf32>
          %get3A_1345 = arith.index_cast %add3A_1228 : i32 to index
          %get3A_1346 = arith.constant 0 : index
          %get3A_1347 = tpu.vector_load %arg24[%get3A_1345, %get3A_1346] {strides = array<i32>} : memref<400x64xf32, #tpu.memory_space<vmem>>, vector<16xf32>,
          %add3A_1348 = arith.constant 1 : i32
          %add3A_1349 = arith.addi %add3A_1228, %add3A_1348 : i32
          %get3A_1350 = arith.index_cast %add3A_1349 : i32 to index
          %get3A_1351 = arith.constant 0 : index
          %get3A_1352 = tpu.vector_load %arg24[%get3A_1350, %get3A_1351] {strides = array<i32>} : memref<400x64xf32, #tpu.memory_space<vmem>>, vector<16xf32>,
          %add3A_1353 = arith.addf %get3A_1347, %get3A_1352 : vector<16xf32>
          %add3A_1354 = arith.constant 2 : i32
          %add3A_1355 = arith.addi %add3A_1228, %add3A_1354 : i32
          %get3A_1356 = arith.index_cast %add3A_1355 : i32 to index
          %get3A_1357 = arith.constant 0 : index
          %get3A_1358 = tpu.vector_load %arg24[%get3A_1356, %get3A_1357] {strides = array<i32>} : memref<400x64xf32, #tpu.memory_space<vmem>>, vector<16xf32>,
          %add3A_1359 = arith.addf %add3A_1353, %get3A_1358 : vector<16xf32>
          %add3A_1360 = arith.constant 3 : i32
          %add3A_1361 = arith.addi %add3A_1228, %add3A_1360 : i32
          %get3A_1362 = arith.index_cast %add3A_1361 : i32 to index
          %get3A_1363 = arith.constant 0 : index
          %get3A_1364 = tpu.vector_load %arg24[%get3A_1362, %get3A_1363] {strides = array<i32>} : memref<400x64xf32, #tpu.memory_space<vmem>>, vector<16xf32>,
          %add3A_1365 = arith.addf %add3A_1359, %get3A_1364 : vector<16xf32>
          %add3A_1366 = arith.constant 4 : i32
          %add3A_1367 = arith.addi %add3A_1228, %add3A_1366 : i32
          %get3A_1368 = arith.index_cast %add3A_1367 : i32 to index
          %get3A_1369 = arith.constant 0 : index
          %get3A_1370 = tpu.vector_load %arg24[%get3A_1368, %get3A_1369] {strides = array<i32>} : memref<400x64xf32, #tpu.memory_space<vmem>>, vector<16xf32>,
          %add3A_1371 = arith.addf %add3A_1365, %get3A_1370 : vector<16xf32>
          %mul3A_1372 = arith.mulf %get3A_1223, %add3A_1371 : vector<16xf32>
          %add3A_1373 = arith.addf %scan3A_1217, %mul3A_1372 : vector<16xf32>
          %get3A_1374 = arith.index_cast %add3A_1228 : i32 to index
          %get3A_1375 = arith.constant 16 : index
          %get3A_1376 = tpu.vector_load %arg24[%get3A_1374, %get3A_1375] {strides = array<i32>} : memref<400x64xf32, #tpu.memory_space<vmem>>, vector<16xf32>,
          %add3A_1377 = arith.constant 1 : i32
          %add3A_1378 = arith.addi %add3A_1228, %add3A_1377 : i32
          %get3A_1379 = arith.index_cast %add3A_1378 : i32 to index
          %get3A_1380 = arith.constant 16 : index
          %get3A_1381 = tpu.vector_load %arg24[%get3A_1379, %get3A_1380] {strides = array<i32>} : memref<400x64xf32, #tpu.memory_space<vmem>>, vector<16xf32>,
          %add3A_1382 = arith.addf %get3A_1376, %get3A_1381 : vector<16xf32>
          %add3A_1383 = arith.constant 2 : i32
          %add3A_1384 = arith.addi %add3A_1228, %add3A_1383 : i32
          %get3A_1385 = arith.index_cast %add3A_1384 : i32 to index
          %get3A_1386 = arith.constant 16 : index
          %get3A_1387 = tpu.vector_load %arg24[%get3A_1385, %get3A_1386] {strides = array<i32>} : memref<400x64xf32, #tpu.memory_space<vmem>>, vector<16xf32>,
          %add3A_1388 = arith.addf %add3A_1382, %get3A_1387 : vector<16xf32>
          %add3A_1389 = arith.constant 3 : i32
          %add3A_1390 = arith.addi %add3A_1228, %add3A_1389 : i32
          %get3A_1391 = arith.index_cast %add3A_1390 : i32 to index
          %get3A_1392 = arith.constant 16 : index
          %get3A_1393 = tpu.vector_load %arg24[%get3A_1391, %get3A_1392] {strides = array<i32>} : memref<400x64xf32, #tpu.memory_space<vmem>>, vector<16xf32>,
          %add3A_1394 = arith.addf %add3A_1388, %get3A_1393 : vector<16xf32>
          %add3A_1395 = arith.constant 4 : i32
          %add3A_1396 = arith.addi %add3A_1228, %add3A_1395 : i32
          %get3A_1397 = arith.index_cast %add3A_1396 : i32 to index
          %get3A_1398 = arith.constant 16 : index
          %get3A_1399 = tpu.vector_load %arg24[%get3A_1397, %get3A_1398] {strides = array<i32>} : memref<400x64xf32, #tpu.memory_space<vmem>>, vector<16xf32>,
          %add3A_1400 = arith.addf %add3A_1394, %get3A_1399 : vector<16xf32>
          %mul3A_1401 = arith.mulf %get3A_1223, %add3A_1400 : vector<16xf32>
          %add3A_1402 = arith.addf %scan3A_1218, %mul3A_1401 : vector<16xf32>
          %get3A_1403 = arith.index_cast %add3A_1228 : i32 to index
          %get3A_1404 = arith.constant 32 : index
          %get3A_1405 = tpu.vector_load %arg24[%get3A_1403, %get3A_1404] {strides = array<i32>} : memref<400x64xf32, #tpu.memory_space<vmem>>, vector<16xf32>,
          %add3A_1406 = arith.constant 1 : i32
          %add3A_1407 = arith.addi %add3A_1228, %add3A_1406 : i32
          %get3A_1408 = arith.index_cast %add3A_1407 : i32 to index
          %get3A_1409 = arith.constant 32 : index
          %get3A_1410 = tpu.vector_load %arg24[%get3A_1408, %get3A_1409] {strides = array<i32>} : memref<400x64xf32, #tpu.memory_space<vmem>>, vector<16xf32>,
          %add3A_1411 = arith.addf %get3A_1405, %get3A_1410 : vector<16xf32>
          %add3A_1412 = arith.constant 2 : i32
          %add3A_1413 = arith.addi %add3A_1228, %add3A_1412 : i32
          %get3A_1414 = arith.index_cast %add3A_1413 : i32 to index
          %get3A_1415 = arith.constant 32 : index
          %get3A_1416 = tpu.vector_load %arg24[%get3A_1414, %get3A_1415] {strides = array<i32>} : memref<400x64xf32, #tpu.memory_space<vmem>>, vector<16xf32>,
          %add3A_1417 = arith.addf %add3A_1411, %get3A_1416 : vector<16xf32>
          %add3A_1418 = arith.constant 3 : i32
          %add3A_1419 = arith.addi %add3A_1228, %add3A_1418 : i32
          %get3A_1420 = arith.index_cast %add3A_1419 : i32 to index
          %get3A_1421 = arith.constant 32 : index
          %get3A_1422 = tpu.vector_load %arg24[%get3A_1420, %get3A_1421] {strides = array<i32>} : memref<400x64xf32, #tpu.memory_space<vmem>>, vector<16xf32>,
          %add3A_1423 = arith.addf %add3A_1417, %get3A_1422 : vector<16xf32>
          %add3A_1424 = arith.constant 4 : i32
          %add3A_1425 = arith.addi %add3A_1228, %add3A_1424 : i32
          %get3A_1426 = arith.index_cast %add3A_1425 : i32 to index
          %get3A_1427 = arith.constant 32 : index
          %get3A_1428 = tpu.vector_load %arg24[%get3A_1426, %get3A_1427] {strides = array<i32>} : memref<400x64xf32, #tpu.memory_space<vmem>>, vector<16xf32>,
          %add3A_1429 = arith.addf %add3A_1423, %get3A_1428 : vector<16xf32>
          %mul3A_1430 = arith.mulf %get3A_1223, %add3A_1429 : vector<16xf32>
          %add3A_1431 = arith.addf %scan3A_1219, %mul3A_1430 : vector<16xf32>
          %get3A_1432 = arith.index_cast %add3A_1228 : i32 to index
          %get3A_1433 = arith.constant 48 : index
          %get3A_1434 = tpu.vector_load %arg24[%get3A_1432, %get3A_1433] {strides = array<i32>} : memref<400x64xf32, #tpu.memory_space<vmem>>, vector<16xf32>,
          %add3A_1435 = arith.constant 1 : i32
          %add3A_1436 = arith.addi %add3A_1228, %add3A_1435 : i32
          %get3A_1437 = arith.index_cast %add3A_1436 : i32 to index
          %get3A_1438 = arith.constant 48 : index
          %get3A_1439 = tpu.vector_load %arg24[%get3A_1437, %get3A_1438] {strides = array<i32>} : memref<400x64xf32, #tpu.memory_space<vmem>>, vector<16xf32>,
          %add3A_1440 = arith.addf %get3A_1434, %get3A_1439 : vector<16xf32>
          %add3A_1441 = arith.constant 2 : i32
          %add3A_1442 = arith.addi %add3A_1228, %add3A_1441 : i32
          %get3A_1443 = arith.index_cast %add3A_1442 : i32 to index
          %get3A_1444 = arith.constant 48 : index
          %get3A_1445 = tpu.vector_load %arg24[%get3A_1443, %get3A_1444] {strides = array<i32>} : memref<400x64xf32, #tpu.memory_space<vmem>>, vector<16xf32>,
          %add3A_1446 = arith.addf %add3A_1440, %get3A_1445 : vector<16xf32>
          %add3A_1447 = arith.constant 3 : i32
          %add3A_1448 = arith.addi %add3A_1228, %add3A_1447 : i32
          %get3A_1449 = arith.index_cast %add3A_1448 : i32 to index
          %get3A_1450 = arith.constant 48 : index
          %get3A_1451 = tpu.vector_load %arg24[%get3A_1449, %get3A_1450] {strides = array<i32>} : memref<400x64xf32, #tpu.memory_space<vmem>>, vector<16xf32>,
          %add3A_1452 = arith.addf %add3A_1446, %get3A_1451 : vector<16xf32>
          %add3A_1453 = arith.constant 4 : i32
          %add3A_1454 = arith.addi %add3A_1228, %add3A_1453 : i32
          %get3A_1455 = arith.index_cast %add3A_1454 : i32 to index
          %get3A_1456 = arith.constant 48 : index
          %get3A_1457 = tpu.vector_load %arg24[%get3A_1455, %get3A_1456] {strides = array<i32>} : memref<400x64xf32, #tpu.memory_space<vmem>>, vector<16xf32>,
          %add3A_1458 = arith.addf %add3A_1452, %get3A_1457 : vector<16xf32>
          %mul3A_1459 = arith.mulf %get3A_1223, %add3A_1458 : vector<16xf32>
          %add3A_1460 = arith.addf %scan3A_1220, %mul3A_1459 : vector<16xf32>
          scf.yield %add3A_1257, %add3A_1286, %add3A_1315, %add3A_1344, %add3A_1373, %add3A_1402, %add3A_1431, %add3A_1460 : vector<16xf32>, vector<16xf32>, vector<16xf32>, vector<16xf32>, vector<16xf32>, vector<16xf32>, vector<16xf32>, vector<16xf32>
        }
        %scan3A_1080 = arith.constant 20 : i32
        %mul3A_1081 = arith.mulf %add3A_1018, %scan3A_1079#0 : vector<16xf32>
        %mul3A_1082 = arith.mulf %add3A_1034, %scan3A_1079#1 : vector<16xf32>
        %add3A_1083 = arith.addf %mul3A_1081, %mul3A_1082 : vector<16xf32>
        %mul3A_1084 = arith.mulf %add3A_1050, %scan3A_1079#2 : vector<16xf32>
        %add3A_1085 = arith.addf %add3A_1083, %mul3A_1084 : vector<16xf32>
        %mul3A_1086 = arith.mulf %add3A_1066, %scan3A_1079#3 : vector<16xf32>
        %add3A_1087 = arith.addf %add3A_1085, %mul3A_1086 : vector<16xf32>
        %reduce_sum3A = arith.constant true
        %reduce_sum3A_1088 = vector.broadcast %reduce_sum3A : i1 to vector<16xi1>
        %reduce_sum3A_1089 = tpu.scan <sum>, %add3A_1087 masked %reduce_sum3A_1088 : vector<16xf32>, vector<16xi1> -> vector<16xf32>
        %reduce_sum3A_1090 = vector.extract %reduce_sum3A_1089[15] : f32 from vector<16xf32>
        %mul3A_1091 = arith.mulf %add3A_1026, %scan3A_1079#0 : vector<16xf32>
        %mul3A_1092 = arith.mulf %add3A_1042, %scan3A_1079#1 : vector<16xf32>
        %add3A_1093 = arith.addf %mul3A_1091, %mul3A_1092 : vector<16xf32>
        %mul3A_1094 = arith.mulf %add3A_1058, %scan3A_1079#2 : vector<16xf32>
        %add3A_1095 = arith.addf %add3A_1093, %mul3A_1094 : vector<16xf32>
        %mul3A_1096 = arith.mulf %add3A_1074, %scan3A_1079#3 : vector<16xf32>
        %add3A_1097 = arith.addf %add3A_1095, %mul3A_1096 : vector<16xf32>
        %reduce_sum3A_1098 = arith.constant true
        %reduce_sum3A_1099 = vector.broadcast %reduce_sum3A_1098 : i1 to vector<16xi1>
        %reduce_sum3A_1100 = tpu.scan <sum>, %add3A_1097 masked %reduce_sum3A_1099 : vector<16xf32>, vector<16xi1> -> vector<16xf32>
        %reduce_sum3A_1101 = vector.extract %reduce_sum3A_1100[15] : f32 from vector<16xf32>
        %mul3A_1102 = arith.mulf %add3A_1018, %scan3A_1079#4 : vector<16xf32>
        %mul3A_1103 = arith.mulf %add3A_1034, %scan3A_1079#5 : vector<16xf32>
        %add3A_1104 = arith.addf %mul3A_1102, %mul3A_1103 : vector<16xf32>
        %mul3A_1105 = arith.mulf %add3A_1050, %scan3A_1079#6 : vector<16xf32>
        %add3A_1106 = arith.addf %add3A_1104, %mul3A_1105 : vector<16xf32>
        %mul3A_1107 = arith.mulf %add3A_1066, %scan3A_1079#7 : vector<16xf32>
        %add3A_1108 = arith.addf %add3A_1106, %mul3A_1107 : vector<16xf32>
        %reduce_sum3A_1109 = arith.constant true
        %reduce_sum3A_1110 = vector.broadcast %reduce_sum3A_1109 : i1 to vector<16xi1>
        %reduce_sum3A_1111 = tpu.scan <sum>, %add3A_1108 masked %reduce_sum3A_1110 : vector<16xf32>, vector<16xi1> -> vector<16xf32>
        %reduce_sum3A_1112 = vector.extract %reduce_sum3A_1111[15] : f32 from vector<16xf32>
        %mul3A_1113 = arith.mulf %add3A_1018, %add3A_1018 : vector<16xf32>
        %mul3A_1114 = arith.mulf %add3A_1034, %add3A_1034 : vector<16xf32>
        %add3A_1115 = arith.addf %mul3A_1113, %mul3A_1114 : vector<16xf32>
        %mul3A_1116 = arith.mulf %add3A_1050, %add3A_1050 : vector<16xf32>
        %add3A_1117 = arith.addf %add3A_1115, %mul3A_1116 : vector<16xf32>
        %mul3A_1118 = arith.mulf %add3A_1066, %add3A_1066 : vector<16xf32>
        %add3A_1119 = arith.addf %add3A_1117, %mul3A_1118 : vector<16xf32>
        %reduce_sum3A_1120 = arith.constant true
        %reduce_sum3A_1121 = vector.broadcast %reduce_sum3A_1120 : i1 to vector<16xi1>
        %reduce_sum3A_1122 = tpu.scan <sum>, %add3A_1119 masked %reduce_sum3A_1121 : vector<16xf32>, vector<16xi1> -> vector<16xf32>
        %reduce_sum3A_1123 = vector.extract %reduce_sum3A_1122[15] : f32 from vector<16xf32>
        %mul3A_1124 = arith.mulf %scan3A_1079#0, %scan3A_1079#0 : vector<16xf32>
        %mul3A_1125 = arith.mulf %scan3A_1079#1, %scan3A_1079#1 : vector<16xf32>
        %add3A_1126 = arith.addf %mul3A_1124, %mul3A_1125 : vector<16xf32>
        %mul3A_1127 = arith.mulf %scan3A_1079#2, %scan3A_1079#2 : vector<16xf32>
        %add3A_1128 = arith.addf %add3A_1126, %mul3A_1127 : vector<16xf32>
        %mul3A_1129 = arith.mulf %scan3A_1079#3, %scan3A_1079#3 : vector<16xf32>
        %add3A_1130 = arith.addf %add3A_1128, %mul3A_1129 : vector<16xf32>
        %reduce_sum3A_1131 = arith.constant true
        %reduce_sum3A_1132 = vector.broadcast %reduce_sum3A_1131 : i1 to vector<16xi1>
        %reduce_sum3A_1133 = tpu.scan <sum>, %add3A_1130 masked %reduce_sum3A_1132 : vector<16xf32>, vector<16xi1> -> vector<16xf32>
        %reduce_sum3A_1134 = vector.extract %reduce_sum3A_1133[15] : f32 from vector<16xf32>
        %mul3A_1135 = arith.mulf %add3A_1026, %add3A_1026 : vector<16xf32>
        %mul3A_1136 = arith.mulf %add3A_1042, %add3A_1042 : vector<16xf32>
        %add3A_1137 = arith.addf %mul3A_1135, %mul3A_1136 : vector<16xf32>
        %mul3A_1138 = arith.mulf %add3A_1058, %add3A_1058 : vector<16xf32>
        %add3A_1139 = arith.addf %add3A_1137, %mul3A_1138 : vector<16xf32>
        %mul3A_1140 = arith.mulf %add3A_1074, %add3A_1074 : vector<16xf32>
        %add3A_1141 = arith.addf %add3A_1139, %mul3A_1140 : vector<16xf32>
        %reduce_sum3A_1142 = arith.constant true
        %reduce_sum3A_1143 = vector.broadcast %reduce_sum3A_1142 : i1 to vector<16xi1>
        %reduce_sum3A_1144 = tpu.scan <sum>, %add3A_1141 masked %reduce_sum3A_1143 : vector<16xf32>, vector<16xi1> -> vector<16xf32>
        %reduce_sum3A_1145 = vector.extract %reduce_sum3A_1144[15] : f32 from vector<16xf32>
        %mul3A_1146 = arith.mulf %scan3A_1079#4, %scan3A_1079#4 : vector<16xf32>
        %mul3A_1147 = arith.mulf %scan3A_1079#5, %scan3A_1079#5 : vector<16xf32>
        %add3A_1148 = arith.addf %mul3A_1146, %mul3A_1147 : vector<16xf32>
        %mul3A_1149 = arith.mulf %scan3A_1079#6, %scan3A_1079#6 : vector<16xf32>
        %add3A_1150 = arith.addf %add3A_1148, %mul3A_1149 : vector<16xf32>
        %mul3A_1151 = arith.mulf %scan3A_1079#7, %scan3A_1079#7 : vector<16xf32>
        %add3A_1152 = arith.addf %add3A_1150, %mul3A_1151 : vector<16xf32>
        %reduce_sum3A_1153 = arith.constant true
        %reduce_sum3A_1154 = vector.broadcast %reduce_sum3A_1153 : i1 to vector<16xi1>
        %reduce_sum3A_1155 = tpu.scan <sum>, %add3A_1152 masked %reduce_sum3A_1154 : vector<16xf32>, vector<16xi1> -> vector<16xf32>
        %reduce_sum3A_1156 = vector.extract %reduce_sum3A_1155[15] : f32 from vector<16xf32>
        %neg3A = arith.constant 0.000000e+00 : f32
        %neg3A_1157 = arith.subf %neg3A, %reduce_sum3A_1090 : f32
        %mul3A_1158 = arith.constant 5.000000e-01 : f32
        %mul3A_1159 = arith.mulf %mul3A_1158, %reduce_sum3A_1101 : f32
        %mul3A_1160 = arith.constant 5.000000e-01 : f32
        %mul3A_1161 = arith.mulf %mul3A_1160, %reduce_sum3A_1112 : f32
        %broadcast_in_dim3A_1162 = vector.broadcast %mul3A_1161 : f32 to vector<16xf32>
        %select_n3A = arith.select %eq3A_10, %broadcast_in_dim3A_1162, %broadcast_in_dim3A_11 : vector<16xi1>, vector<16xf32>
        %broadcast_in_dim3A_1163 = vector.broadcast %mul3A_1159 : f32 to vector<16xf32>
        %select_n3A_1164 = arith.select %eq3A_7, %broadcast_in_dim3A_1163, %select_n3A : vector<16xi1>, vector<16xf32>
        %broadcast_in_dim3A_1165 = vector.broadcast %neg3A_1157 : f32 to vector<16xf32>
        %select_n3A_1166 = arith.select %eq3A_4, %broadcast_in_dim3A_1165, %select_n3A_1164 : vector<16xi1>, vector<16xf32>
        %mul3A_1167 = arith.mulf %reduce_sum3A_1123, %reduce_sum3A_1134 : f32
        %mul3A_1168 = arith.mulf %reduce_sum3A_1145, %reduce_sum3A_1134 : f32
        %mul3A_1169 = arith.mulf %reduce_sum3A_1123, %reduce_sum3A_1156 : f32
        %broadcast_in_dim3A_1170 = vector.broadcast %mul3A_1169 : f32 to vector<16xf32>
        %select_n3A_1171 = arith.select %eq3A_10, %broadcast_in_dim3A_1170, %broadcast_in_dim3A_13 : vector<16xi1>, vector<16xf32>
        %broadcast_in_dim3A_1172 = vector.broadcast %mul3A_1168 : f32 to vector<16xf32>
        %select_n3A_1173 = arith.select %eq3A_7, %broadcast_in_dim3A_1172, %select_n3A_1171 : vector<16xi1>, vector<16xf32>
        %broadcast_in_dim3A_1174 = vector.broadcast %mul3A_1167 : f32 to vector<16xf32>
        %select_n3A_1175 = arith.select %eq3A_4, %broadcast_in_dim3A_1174, %select_n3A_1173 : vector<16xi1>, vector<16xf32>
        %max3A = arith.constant 1.000000e-30 : f32
        %max3A_1176 = vector.broadcast %max3A : f32 to vector<16xf32>
        %max3A_1177 = arith.maximumf %select_n3A_1175, %max3A_1176 : vector<16xf32>
        %bitcast_convert_type3A = tpu.bitcast %max3A_1177 : vector<16xf32> -> vector<16xi32>
        %shift_right_arithmetic3A = arith.constant 1 : i32
        %shift_right_arithmetic3A_1178 = vector.broadcast %shift_right_arithmetic3A : i32 to vector<16xi32>
        %shift_right_arithmetic3A_1179 = arith.shrsi %bitcast_convert_type3A, %shift_right_arithmetic3A_1178 : vector<16xi32>
        %sub3A = arith.constant 1597463007 : i32
        %sub3A_1180 = vector.broadcast %sub3A : i32 to vector<16xi32>
        %sub3A_1181 = arith.subi %sub3A_1180, %shift_right_arithmetic3A_1179 : vector<16xi32>
        %bitcast_convert_type3A_1182 = tpu.bitcast %sub3A_1181 : vector<16xi32> -> vector<16xf32>
        %mul3A_1183 = arith.constant 5.000000e-01 : f32
        %mul3A_1184 = vector.broadcast %mul3A_1183 : f32 to vector<16xf32>
        %mul3A_1185 = arith.mulf %mul3A_1184, %max3A_1177 : vector<16xf32>
        %mul3A_1186 = arith.mulf %mul3A_1185, %bitcast_convert_type3A_1182 : vector<16xf32>
        %mul3A_1187 = arith.mulf %mul3A_1186, %bitcast_convert_type3A_1182 : vector<16xf32>
        %sub3A_1188 = arith.constant 1.500000e+00 : f32
        %sub3A_1189 = vector.broadcast %sub3A_1188 : f32 to vector<16xf32>
        %sub3A_1190 = arith.subf %sub3A_1189, %mul3A_1187 : vector<16xf32>
        %mul3A_1191 = arith.mulf %bitcast_convert_type3A_1182, %sub3A_1190 : vector<16xf32>
        %mul3A_1192 = arith.constant 5.000000e-01 : f32
        %mul3A_1193 = vector.broadcast %mul3A_1192 : f32 to vector<16xf32>
        %mul3A_1194 = arith.mulf %mul3A_1193, %max3A_1177 : vector<16xf32>
        %mul3A_1195 = arith.mulf %mul3A_1194, %mul3A_1191 : vector<16xf32>
        %mul3A_1196 = arith.mulf %mul3A_1195, %mul3A_1191 : vector<16xf32>
        %sub3A_1197 = arith.constant 1.500000e+00 : f32
        %sub3A_1198 = vector.broadcast %sub3A_1197 : f32 to vector<16xf32>
        %sub3A_1199 = arith.subf %sub3A_1198, %mul3A_1196 : vector<16xf32>
        %mul3A_1200 = arith.mulf %mul3A_1191, %sub3A_1199 : vector<16xf32>
        %mul3A_1201 = arith.constant 5.000000e-01 : f32
        %mul3A_1202 = vector.broadcast %mul3A_1201 : f32 to vector<16xf32>
        %mul3A_1203 = arith.mulf %mul3A_1202, %max3A_1177 : vector<16xf32>
        %mul3A_1204 = arith.mulf %mul3A_1203, %mul3A_1200 : vector<16xf32>
        %mul3A_1205 = arith.mulf %mul3A_1204, %mul3A_1200 : vector<16xf32>
        %sub3A_1206 = arith.constant 1.500000e+00 : f32
        %sub3A_1207 = vector.broadcast %sub3A_1206 : f32 to vector<16xf32>
        %sub3A_1208 = arith.subf %sub3A_1207, %mul3A_1205 : vector<16xf32>
        %mul3A_1209 = arith.mulf %mul3A_1200, %sub3A_1208 : vector<16xf32>
        %mul3A_1210 = arith.mulf %select_n3A_1166, %mul3A_1209 : vector<16xf32>
        %add3A_1211 = arith.addf %scan3A_755, %mul3A_1210 : vector<16xf32>
        scf.yield %add3A_1211 : vector<16xf32>
      }
      %scan3A_753 = arith.constant 4 : i32
      scf.yield %scan3A_752 : vector<16xf32>
    }
    %scan3A_230 = arith.constant 16 : i32
    %mul3A_231 = arith.constant 2.44140625E-4 : f32
    %mul3A_232 = vector.broadcast %mul3A_231 : f32 to vector<16xf32>
    %mul3A_233 = arith.mulf %scan3A_229, %mul3A_232 : vector<16xf32>
    %swap3A = arith.constant 0 : index
    %swap3A_234 = tpu.vector_load %arg26[%swap3A] {strides = array<i32>} : memref<16xf32, #tpu.memory_space<vmem>>, vector<16xf32>,
    tpu.vector_store %arg26[%swap3A], %mul3A_233 {strides = array<i32>} : memref<16xf32, #tpu.memory_space<vmem>>, vector<16xf32>,
    "tpu.region"() ({
      %run_scoped3A = tpu.sem_alloc : memref<!tpu.dma_semaphore, #tpu.memory_space<semaphore_mem>>
      %dma_start3A_235 = arith.constant 0 : i32
      %dma_start3A_236 = tpu.memref_slice %arg8[%add3A, %dma_start3A_235] : memref<32x16xf32, #tpu.memory_space<hbm>> -> memref<1x16xf32, #tpu.memory_space<hbm>>
      %dma_start3A_237 = tpu.memref_squeeze %dma_start3A_236 : memref<1x16xf32, #tpu.memory_space<hbm>> -> memref<16xf32, #tpu.memory_space<hbm>>
      %dma_start3A_238 = arith.constant 0 : i32
      %dma_start3A_239 = tpu.memref_slice %arg8[%add3A, %dma_start3A_238] : memref<32x16xf32, #tpu.memory_space<hbm>> -> memref<1x16xf32, #tpu.memory_space<hbm>>
      %dma_start3A_240 = tpu.memref_squeeze %dma_start3A_239 : memref<1x16xf32, #tpu.memory_space<hbm>> -> memref<16xf32, #tpu.memory_space<hbm>>
      tpu.enqueue_dma source(%arg26 : memref<16xf32, #tpu.memory_space<vmem>>) target(%dma_start3A_240 : memref<16xf32, #tpu.memory_space<hbm>>) target_semaphore(%run_scoped3A : memref<!tpu.dma_semaphore, #tpu.memory_space<semaphore_mem>>)
      %dma_wait3A_241 = arith.constant 0 : i32
      %dma_wait3A_242 = tpu.memref_slice %arg8[%add3A, %dma_wait3A_241] : memref<32x16xf32, #tpu.memory_space<hbm>> -> memref<1x16xf32, #tpu.memory_space<hbm>>
      %dma_wait3A_243 = tpu.memref_squeeze %dma_wait3A_242 : memref<1x16xf32, #tpu.memory_space<hbm>> -> memref<16xf32, #tpu.memory_space<hbm>>
      %dma_wait3A_244 = arith.constant 0 : i32
      %dma_wait3A_245 = tpu.memref_slice %arg8[%add3A, %dma_wait3A_244] : memref<32x16xf32, #tpu.memory_space<hbm>> -> memref<1x16xf32, #tpu.memory_space<hbm>>
      %dma_wait3A_246 = tpu.memref_squeeze %dma_wait3A_245 : memref<1x16xf32, #tpu.memory_space<hbm>> -> memref<16xf32, #tpu.memory_space<hbm>>
      tpu.wait_dma2 semaphore(%run_scoped3A : memref<!tpu.dma_semaphore, #tpu.memory_space<semaphore_mem>>) src(%arg26 : memref<16xf32, #tpu.memory_space<vmem>>) dst(%dma_wait3A_246 : memref<16xf32, #tpu.memory_space<hbm>>)
      tpu.yield
    }) : () -> ()
    return
  }
}

</mosaic_0001>

<sc_bundles>
// kernel: kernel.3.cloned.1.call-start
scs
__scs_entry_jumppad:
0x0: {  	(pc) =	sbr.rel $0x88, $3  }
0x1: {  	(tag) =	ssettag $0x0;
	lr =	simm.s32 $0x1  }
0x2: {  	[smem:$0x3F9B] =	sst lr;
	_ =	strace $0xD0000000  }
0x3: {  	_ = 	snop  }
0x4: {  	_ = 	snop  }
0x5: {  	_ = 	snop  }
0x6: {  	_ = 	snop  }
0x7: {  	_ = 	snop  }
__scs_overlays_trampoline_lowered:
0x8: {  	[smem:$0x3FAA] =	sst s0  }
0x9: {  	[smem:$0x3FAB] =	sst s1  }
0xa: {  	[smem:$0x3FAC] =	sst s2  }
0xb: {  	[smem:$0x3FAD] =	sst s3  }
0xc: {  	[smem:$0x3FAE] =	sst s4  }
0xd: {  	[smem:$0x3FAF] =	sst s5  }
0xe: {  	[smem:$0x3FB0] =	sst s6  }
0xf: {  	[smem:$0x3FB1] =	sst s7  }
0x10: {  	[smem:$0x3FB2] =	sst s8  }
0x11: {  	[smem:$0x3FB3] =	sst s9;
	s0 =	simm.s32 @!p0 $0x0  }
0x12: {  	s1 =	sld [smem:$0x3F99];
	s0 =	simm.s32 @p0 $0x1  }
0x13: {  	[smem:$0x3FB4] =	sst s0;
	s0 =	simm.s32 @!p1 $0x0  }
0x14: {  	s2 =	sld [smem:$0x3F98];
	s0 =	simm.s32 @p1 $0x1  }
0x15: {  	[smem:$0x3FB5] =	sst s0;
	s0 =	simm.s32 @!p2 $0x0  }
0x16: {  	s3 =	sld [smem:$0x3FDB];
	s0 =	simm.s32 @p2 $0x1  }
0x17: {  	s4 =	simm.s32 $0x1BF5;
	[smem:$0x3FB7] =	sst s0  }
0x18: {  	s0 =	sld [smem:$0x3F9A];
	_ =	swait.ge [sflag:s4], $0x0  }
0x19: {  	s7 =	sld [smem:$0x3F9B]  }
0x1a: {  	s8 =	sadd.s32 $0xFFFFE003, lr  }
0x1b: {  	s9 =	sadd.s32 $0xFFFFFEF7, lr;
	s5 =	simm.s32 $0xFFFFFFFF;
	p2 =	slt.u32 s8, $0xFFFFF086  }
0x1c: {  	p1 =	slt.u32 s9, $0xF7A;
	s5 =	simm.s32 @!p2 $0x0  }
0x1d: {  	s5 =	simm.s32 @p1 $0x1;
	p0 =	seq.s32 s7, s2  }
0x1e: {  	s7 =	smul.u32 @!p0 $0xF7A, s2;
	p2 =	seq.s32 @!p0 s5, $0x0  }
0x1f: {  	s9 =	smul.u32 $0xF7A, s1;
	s8 =	simm.s32 @!p0 $0x1BF5;
	p2 =	por !p2, p0  }
0x20: {  	[sflag:s8] =	ssyncset.s32 @!p0 $0xFFFFF086;
	s6 =	sadd.s32 @!p0 s3, s7;
	s7 =	simm.s32 @!p0 $0x108  }
0x21: {  	s3 =	sadd.s32 s3, s9;
	s6 =	sadd.s32 @!p0 $0x88, s6;
	s7 =	simm.s32 @p2 $0x1082  }
0x22: {  	[simem:s7], [sflag:s8] =	dma.local @!p0 [hbm:s6], $0xF7A  }
0x23: {  	s9 =	sor.u32 $0xD0000000, s2;
	s6 =	simm.s32 $0x108;
	_ =	swait.ge @!p0 [sflag:s8], $0x0  }
0x24: {  	s3 =	sadd.s32 $0x88, s3;
	s6 =	simm.s32 @!p1 $0x1082;
	[sflag:s4] =	ssyncset.s32 $0xFFFFF086  }
0x25: {  	[simem:s6], [sflag:s4] =	dma.local [hbm:s3], $0xF7A  }
0x26: {  	[smem:$0x3F9B] =	sst s1;
	(tag) =	ssettag s2;
	_ =	strace s9  }
0x27: {  	s1 =	sld [smem:$0x3FAB]  }
0x28: {  	s2 =	sld [smem:$0x3FAC]  }
0x29: {  	s4 =	sld [smem:$0x3FAE]  }
0x2a: {  	p0 =	seq.s32 s5, $0x0;
	s5 =	sld [smem:$0x3FAF]  }
0x2b: {  	s6 =	sld [smem:$0x3FB0]  }
0x2c: {  	s7 =	sld [smem:$0x3FB1]  }
0x2d: {  	s3 =	simm.s32 $0x108;
	s8 =	sld [smem:$0x3FB2]  }
0x2e: {  	s3 =	simm.s32 @!p0 $0x1082;
	s9 =	sld [smem:$0x3FB3]  }
0x2f: {  	lr =	sadd.s32 s0, s3;
	s0 =	sld [smem:$0x3FAA]  }
0x30: {  	s3 =	sld [smem:$0x3FAD]  }
0x31: {  	[smem:$0x3FB6] =	sst s10  }
0x32: {  	s10 =	sld [smem:$0x3FB4];
	_ =	sdelay $0x3  }
0x33: {  	p0 =	seq.s32 s10, $0x1;
	s10 =	sld [smem:$0x3FB6];
	_ =	sdelay $0x3  }
0x34: {  	[smem:$0x3FB6] =	sst s10  }
0x35: {  	s10 =	sld [smem:$0x3FB5];
	_ =	sdelay $0x3  }
0x36: {  	p1 =	seq.s32 s10, $0x1;
	s10 =	sld [smem:$0x3FB6];
	_ =	sdelay $0x3  }
0x37: {  	[smem:$0x3FB6] =	sst s10  }
0x38: {  	s10 =	sld [smem:$0x3FB7]  }
0x39: {  	_ = 	snop;
	(pc) =	sbr.ind lr, $3  }
0x3a: {  	_ = 	snop  }
0x3b: {  	_ = 	snop  }
0x3c: {  	p2 =	seq.s32 s10, $0x1;
	s10 =	sld [smem:$0x3FB6]  }
0x3d: {  	_ =	shalt  }
0x3e: {  	_ =	shalt  }
0x3f: {  	_ =	shalt  }
0x40: {  	_ =	shalt  }
0x41: {  	_ =	shalt  }
0x42: {  	_ =	shalt  }
0x43: {  	_ =	shalt  }
0x44: {  	_ =	shalt  }
0x45: {  	_ =	shalt  }
0x46: {  	_ =	shalt  }
0x47: {  	_ =	shalt  }
0x48: {  	_ =	shalt  }
0x49: {  	_ =	shalt  }
0x4a: {  	_ =	shalt  }
0x4b: {  	_ =	shalt  }
0x4c: {  	_ =	shalt  }
0x4d: {  	_ =	shalt  }
0x4e: {  	_ =	shalt  }
0x4f: {  	_ =	shalt  }
0x50: {  	_ =	shalt  }
0x51: {  	_ =	shalt  }
0x52: {  	_ =	shalt  }
0x53: {  	_ =	shalt  }
0x54: {  	_ =	shalt  }
0x55: {  	_ =	shalt  }
0x56: {  	_ =	shalt  }
0x57: {  	_ =	shalt  }
0x58: {  	_ =	shalt  }
0x59: {  	_ =	shalt  }
0x5a: {  	_ =	shalt  }
0x5b: {  	_ =	shalt  }
0x5c: {  	_ =	shalt  }
0x5d: {  	_ =	shalt  }
0x5e: {  	_ =	shalt  }
0x5f: {  	_ =	shalt  }
0x60: {  	_ =	shalt  }
0x61: {  	_ =	shalt  }
0x62: {  	_ =	shalt  }
0x63: {  	_ =	shalt  }
0x64: {  	_ =	shalt  }
0x65: {  	_ =	shalt  }
0x66: {  	_ =	shalt  }
0x67: {  	_ =	shalt  }
0x68: {  	_ =	shalt  }
0x69: {  	_ =	shalt  }
0x6a: {  	_ =	shalt  }
0x6b: {  	_ =	shalt  }
0x6c: {  	_ =	shalt  }
0x6d: {  	_ =	shalt  }
0x6e: {  	_ =	shalt  }
0x6f: {  	_ =	shalt  }
0x70: {  	_ =	shalt  }
0x71: {  	_ =	shalt  }
0x72: {  	_ =	shalt  }
0x73: {  	_ =	shalt  }
0x74: {  	_ =	shalt  }
0x75: {  	_ =	shalt  }
0x76: {  	_ =	shalt  }
0x77: {  	_ =	shalt  }
0x78: {  	_ =	shalt  }
0x79: {  	_ =	shalt  }
0x7a: {  	_ =	shalt  }
0x7b: {  	_ =	shalt  }
0x7c: {  	_ =	shalt  }
0x7d: {  	_ =	shalt  }
0x7e: {  	_ =	shalt  }
0x7f: {  	_ =	shalt  }
0x80: {  	_ =	shalt  }
0x81: {  	_ =	shalt  }
0x82: {  	_ =	shalt  }
0x83: {  	_ =	shalt  }
0x84: {  	_ =	shalt  }
0x85: {  	_ =	shalt  }
0x86: {  	_ =	shalt  }
0x87: {  	_ =	shalt  }
.Lfunc_end0:
.L_simem_size_0:
called_computation_lowered:
.L_overlay_start_0:
0x88: {  	s2 =	sld [smem:$0x3FD9]  }
0x89: {  	s3 =	sld [smem:$0x3FFE];
	_ =	sdelay $0x1  }
0x8a: {  	s1 =	srdreg.scid  }
0x8b: {  	s0 =	sand.u32 $0x1, s1  }
0x8c: {  	s16 =	sshll.u32 s0, $0xA;
	s2 =	sadd.s32 s3, s2  }
0x8d: {  	s2 =	sadd.s32 s2, s16  }
0x8e: {  	[smem:$0x3FC2] =	sst s2  }
0x8f: {  	_ = 	snop  }
0x90: {  	(tm) =	ssettm $0x1  }
0x91: {  	s17 =	sld [smem:$0x3FFB];
	_ =	sdelay $0x3  }
0x92: {  	_ =	strace s17  }
0x93: {  	s2 =	sld [smem:$0x3FFC];
	_ =	sdelay $0x3  }
0x94: {  	_ =	strace s2  }
0x95: {  	s2 =	sld [smem:$0x3FFD];
	_ =	sdelay $0x3  }
0x96: {  	_ =	strace s2  }
0x97: {  	_ =	strace $0x8FFFFFFF  }
0x98: {  	s18 =	sld [smem:$0x3FDB];
	_ =	sdelay $0x1  }
0x99: {  	s19 =	simm.s32 $_scs_section_size  }
0x9a: {  	s4 =	simm.s32 $_size__tile_overlayer_lowered;
	s5 =	simm.s32 $_tile_overlayer_lowered  }
0x9b: {  	s22 =	simm.s32 $0x1BFF;
	s21 =	sshll.u32 s5, $0x1;
	s2 =	sadd.s32 s19, s18  }
0x9c: {  	s6 =	simm.s32 $0x0;
	s20 =	sshll.u32 s4, $0x1;
	s4 =	sadd.s32 s21, s2  }
0x9d: {  	[timem:s6], [sflag:s22] =	dma.local [hbm:s4], s20  }
0x9e: {  	_ =	swait.ge [sflag:s22], s20  }
0x9f: {  	s3 =	ssub.s32 $0x0, s20;
	[sflag:s22] =	ssyncset.done $0x0  }
0xa0: {  	[sflag:s22] =	ssyncadd.s32 s3;
	_ =	sdelay $0x1  }
0xa1: {  	s23 =	simm.s32 $0x1B8B  }
0xa2: {  	_ =	swait.ge [sflag:s23], $0x1  }
0xa3: {  	[sflag:s23] =	ssyncset.done $0x0  }
0xa4: {  	s25 =	simm.s32 $0x1B8E;
	s24 =	sld [smem:$0x3FFE];
	[sflag:s23] =	ssyncadd.s32 $0xFFFFFFFF  }
0xa5: {  	s26 =	simm.s32 $execute0_lowered;
	[smem:$0x3FD2] =	sst s25  }
0xa6: {  	s4 =	sshll.u32 s26, $0x1;
	_ =	strace $0x80000046;
	[dreg:$0x1] =	wrdreg $0xFFFFFFFF  }
0xa7: {  	s28 =	simm.s32 $_size_execute0_lowered;
	s2 =	sadd.s32 s2, s4;
	[dreg:$0x0] =	wrdreg $0x0  }
0xa8: {  	s4 =	sshll.u32 s28, $0x1;
	[dreg:$0x2] =	wrdreg s2  }
0xa9: {  	[dreg:$0x3] =	wrdreg s4  }
0xaa: {  	[dreg:$0x4] =	wrdreg $0xC0  }
0xab: {  	_ =	task [dreg:s6], $0x5FFFF  }
0xac: {  	[dreg:$0x1] =	wrdreg $0xFFFFFFFF  }
0xad: {  	[dreg:$0x0] =	wrdreg $0x60  }
0xae: {  	[dreg:$0x2] =	wrdreg s24  }
0xaf: {  	[dreg:$0x3] =	wrdreg $0x9  }
0xb0: {  	_ =	task.clear_ibuf [dreg:s6], $0x4FFFF;
	_ =	strace $0x90000046  }
0xb1: {  	s29 =	simm.s32 $0x9;
	_ =	strace $0x80000048  }
0xb2: {  	_ =	swait.ge [sflag:s29], $0x1  }
0xb3: {  	[sflag:s29] =	ssyncadd.s32 $0xFFFFFFFF  }
0xb4: {  	_ =	strace $0x90000048  }
0xb5: {  	_ =	sfence  }
0xb6: {  	s30 =	sld [smem:$0x0];
	_ =	sdelay $0x2  }
0xb7: {  	s31 =	sshll.u32 s1, $0xD;
	s1 =	sshrl.u32 s1, $0x2  }
0xb8: {  	s3 =	sand.u32 $0x4000, s31;
	s1 =	sadd.s32 s1, s30  }
0xb9: {  	s0 =	sor.u32 s3, s0;
	s1 =	sshll.u32 s1, $0x11  }
0xba: {  	s0 =	sor.u32 s1, s0  }
0xbb: {  	s0 =	sadd.s32 $0x8F2B, s0  }
0xbc: {  	[sflag:s0] =	ssyncadd.remote.s32 $0x1  }
0xbd: {  	_ =	sfence.sel $0xFFFF  }
0xbe: {  	[dreg:$0x0] =	wrdreg $0xFFFFFFFF;
	(pc) =	sbr.abs _section_cstart, $3  }
0xbf: {  	[dreg:$0x1] =	wrdreg $0xFFFFFFFF  }
0xc0: {  	_ =	task.clear_ibuf [dreg:s6], $0x2FFFF;
	_ =	strace $0x9FFFFFFF  }
0xc1: {  	(tm) =	ssettm $0x7FFFFFFF  }
tec
execute0_lowered:
.L_overlay_start_1:
0x0: {  	(tag) =	ssettag $0x1  }
0x1: {  	s0 =	rddreg [dreg:$0x0]  }
0x2: {  	s2 =	simm.s32 $0x0;
	s1 =	srdreg.scid;
	s4 =	stileid.u32  }
0x3: {  	s28 =	simm.s32 $0x64;
	s13 =	simm.s32 $0x380;
	s14 =	simm.s32 $0x3A0  }
0x4: {  	s15 =	simm.s32 $0x3C0;
	s29 =	simm.s32 $0x4;
	[smem:$0x7FF] =	sst s2  }
0x5: {  	s3 =	sadd.s32 $0xF42E00, s0;
	s1 =	sand.u32 $0x1, s1;
	s6 =	sshll.u32 s4, $0x1  }
0x6: {  	s4 =	sadd.s32 $0x1BA00, s0;
	s5 =	sadd.s32 $0xDA00, s0;
	s7 =	sadd.s32 $0xA00, s0  }
0x7: {  	s10 =	sadd.s32 $0x1CA00, s0;
	_ =	strace $0x80000047;
	s8 =	sor.u32 s1, s6  }
0x8: {  	s6 =	sadd.s32 $0x1AA00, s0;
	[dreg:$0x2] =	wrdreg s10;
	s17 =	sshll.u32 s8, $0x7  }
0x9: {  	s1 =	ssub.s32 $0x2, s1;
	s9 =	sshll.u32 s8, $0x1;
	s18 =	sadd.s32 s4, s17  }
0xa: {  	s16 =	sshrl.u32 s1, $0x1;
	s11 =	sadd.s32 s6, s17;
	[dreg:$0x3] =	wrdreg s18  }
0xb: {  	s8 =	smul.u32 $0x680, s8;
	s26 =	sor.u32 $0x8, s17;
	[dreg:$0x4] =	wrdreg s11  }
0xc: {  	s0 =	sadd.s32 s9, s0;
	s30 =	sor.u32 $0xC, s17;
	[dreg:$0xb] =	wrdreg s26  }
0xd: {  	s1 =	ssub.s32 s1, s16;
	s20 =	sadd.s32 s5, s8;
	[dreg:$0xc] =	wrdreg s30  }
0xe: {  	s19 =	sor.u32 $0x4, s17;
	s8 =	sadd.s32 s7, s8;
	[dreg:$0x5] =	wrdreg s20  }
0xf: {  	s16 =	simm.s32 $0x560;
	s22 =	sadd.s32 s4, s19;
	[dreg:$0x6] =	wrdreg s8  }
0x10: {  	s21 =	smul.u32 $0xD, s19;
	s23 =	sadd.s32 s6, s19;
	[dreg:$0x7] =	wrdreg s22  }
0x11: {  	s0 =	sadd.s32 $0x1CC00, s0;
	s31 =	smax.u32 s1, $0x1;
	[dreg:$0x8] =	wrdreg s23  }
0x12: {  	s26 =	simm.s32 $0x1;
	s19 =	simm.s32 $0x2;
	[dreg:$0xd] =	wrdreg s0  }
0x13: {  	s18 =	simm.s32 $0xE1C0;
	s1 =	simm.s32 $0x0;
	[dreg:$0xe] =	wrdreg s31  }
0x14: {  	s22 =	simm.s32 $0x5;
	s23 =	simm.s32 $0x20;
	s24 =	sadd.s32 s5, s21  }
0x15: {  	s20 =	simm.s32 $0x3;
	s25 =	sadd.s32 s7, s21;
	[dreg:$0x9] =	wrdreg s24  }
0x16: {  	vm0 =	vcmask $0x300;
	vm1 =	vcmask $0x704;
	vm2 =	vcmask $0xB08;
	[dreg:$0xa] =	wrdreg s25;
	s24 =	simm.s32 $0x40;
	s25 =	simm.s32 $0x1E0  }
.LBB2_1:
0x17: {  	[dreg:$0xf] =	wrdreg s1  }
0x18: {  	s0 =	rddreg [dreg:$0x2];
	s12 =	simm.s32 $0x1AB00  }
0x19: {  	[tilespmem:s12], [sflag:$0x5] =	stream.linear.gather [hbm4b:s0+s2], $0x140, $0x38;
	[tilespmem:$0x1AC50] =	vst v63  }
0x1a: {  	_ =	swait.ge [sflag:s22], $0x140  }
0x1b: {  	[sflag:s22] =	ssyncset.done $0x0  }
0x1c: {  	s17 =	rddreg [dreg:$0x3];
	[sflag:s22] =	ssyncadd.s32 $0xFFFFFEC0  }
0x1d: {  	[tilespmem:s2], [sflag:$0x1] =	stream.linear.gather [hbm4b:s17+s2], $0x20, $0x38;
	[tilespmem:$0x1AC50] =	vst v63  }
0x1e: {  	s21 =	rddreg [dreg:$0x4]  }
0x1f: {  	[tilespmem:s23], [sflag:$0x1] =	stream.linear.gather [hbm4b:s21+s2], $0x20, $0x38;
	[tilespmem:$0x1AC50] =	vst v63  }
0x20: {  	s31 =	rddreg [dreg:$0x5]  }
0x21: {  	[tilespmem:s24], [sflag:$0x1] =	stream.linear.gather [hbm4b:s31+s2], $0x1A0, $0x38;
	[tilespmem:$0x1AC50] =	vst v63  }
0x22: {  	s1 =	rddreg [dreg:$0x6]  }
0x23: {  	[tilespmem:s25], [sflag:$0x1] =	stream.linear.gather [hbm4b:s1+s2], $0x1A0, $0x38;
	[tilespmem:$0x1AC50] =	vst v63  }
0x24: {  	_ =	swait.ge [sflag:s26], $0x20  }
0x25: {  	[sflag:s26] =	ssyncset.done $0x0  }
0x26: {  	[sflag:s26] =	ssyncadd.s32 $0xFFFFFFE0  }
0x27: {  	_ =	swait.ge [sflag:s26], $0x20  }
0x28: {  	[sflag:s26] =	ssyncset.done $0x0  }
0x29: {  	[sflag:s26] =	ssyncadd.s32 $0xFFFFFFE0  }
0x2a: {  	_ =	swait.ge [sflag:s26], $0x1A0  }
0x2b: {  	[sflag:s26] =	ssyncset.done $0x0  }
0x2c: {  	[sflag:s26] =	ssyncadd.s32 $0xFFFFFE60  }
0x2d: {  	_ =	swait.ge [sflag:s26], $0x1A0  }
0x2e: {  	[sflag:s26] =	ssyncset.done $0x0  }
0x2f: {  	s8 =	simm.s32 $0x1100;
	[sflag:s26] =	ssyncadd.s32 $0xFFFFFE60  }
0x30: {  	[tilespmem:s8], [sflag:$0x3] =	stream.indirect.gather [hbm4b:s3+s28], $0x40, s24, s28, $0xb8;
	[tilespmem:$0x1AC50] =	vst v63  }
0x31: {  	s9 =	simm.s32 $0x7500  }
0x32: {  	[tilespmem:s9], [sflag:$0x3] =	stream.indirect.gather [hbm4b:s3+s28], $0x40, s25, s28, $0xb8;
	[tilespmem:$0x1AC50] =	vst v63  }
0x33: {  	s10 =	simm.s32 $0x700  }
0x34: {  	[tilespmem:s10], [sflag:$0x3] =	stream.indirect.gather [hbm4b:s3+s22], $0x40, s2, s22, $0xb8;
	[tilespmem:$0x1AC50] =	vst v63  }
0x35: {  	s11 =	simm.s32 $0xC00  }
0x36: {  	[tilespmem:s11], [sflag:$0x3] =	stream.indirect.gather [hbm4b:s3+s22], $0x40, s23, s22, $0xb8;
	[tilespmem:$0x1AC50] =	vst v63  }
0x37: {  	s12 =	simm.s32 $0xA8;
	s17 =	simm.s32 $0x2A00  }
0x38: {  	[tilespmem:s17], [sflag:$0x3] =	stream.indirect.gather [hbm4b:s3+s28], $0x40, s12, s28, $0xb8;
	[tilespmem:$0x1AC50] =	vst v63  }
0x39: {  	s21 =	simm.s32 $0x248;
	s31 =	simm.s32 $0x8E00  }
0x3a: {  	[tilespmem:s31], [sflag:$0x3] =	stream.indirect.gather [hbm4b:s3+s28], $0x40, s21, s28, $0xb8;
	[tilespmem:$0x1AC50] =	vst v63  }
0x3b: {  	s8 =	simm.s32 $0x8;
	s9 =	simm.s32 $0x840  }
0x3c: {  	[tilespmem:s9], [sflag:$0x3] =	stream.indirect.gather [hbm4b:s3+s22], $0x40, s8, s22, $0xb8;
	[tilespmem:$0x1AC50] =	vst v63  }
0x3d: {  	s10 =	simm.s32 $0x28;
	s11 =	simm.s32 $0xD40  }
0x3e: {  	[tilespmem:s11], [sflag:$0x3] =	stream.indirect.gather [hbm4b:s3+s22], $0x40, s10, s22, $0xb8;
	[tilespmem:$0x1AC50] =	vst v63  }
0x3f: {  	s12 =	simm.s32 $0x110;
	s17 =	simm.s32 $0x4300  }
0x40: {  	[tilespmem:s17], [sflag:$0x3] =	stream.indirect.gather [hbm4b:s3+s28], $0x40, s12, s28, $0xb8;
	[tilespmem:$0x1AC50] =	vst v63  }
0x41: {  	s21 =	simm.s32 $0x2B0;
	s31 =	simm.s32 $0xA700  }
0x42: {  	[tilespmem:s31], [sflag:$0x3] =	stream.indirect.gather [hbm4b:s3+s28], $0x40, s21, s28, $0xb8;
	[tilespmem:$0x1AC50] =	vst v63  }
0x43: {  	s8 =	simm.s32 $0x10;
	s9 =	simm.s32 $0x980  }
0x44: {  	[tilespmem:s9], [sflag:$0x3] =	stream.indirect.gather [hbm4b:s3+s22], $0x40, s8, s22, $0xb8;
	[tilespmem:$0x1AC50] =	vst v63  }
0x45: {  	s10 =	simm.s32 $0x30;
	s11 =	simm.s32 $0xE80  }
0x46: {  	[tilespmem:s11], [sflag:$0x3] =	stream.indirect.gather [hbm4b:s3+s22], $0x40, s10, s22, $0xb8;
	[tilespmem:$0x1AC50] =	vst v63  }
0x47: {  	s12 =	simm.s32 $0x178;
	s17 =	simm.s32 $0x5C00  }
0x48: {  	[tilespmem:s17], [sflag:$0x3] =	stream.indirect.gather [hbm4b:s3+s28], $0x40, s12, s28, $0xb8;
	[tilespmem:$0x1AC50] =	vst v63  }
0x49: {  	s21 =	simm.s32 $0x318;
	s31 =	simm.s32 $0xC000  }
0x4a: {  	[tilespmem:s31], [sflag:$0x3] =	stream.indirect.gather [hbm4b:s3+s28], $0x40, s21, s28, $0xb8;
	[tilespmem:$0x1AC50] =	vst v63  }
0x4b: {  	s8 =	simm.s32 $0x18;
	s9 =	simm.s32 $0xAC0  }
0x4c: {  	[tilespmem:s9], [sflag:$0x3] =	stream.indirect.gather [hbm4b:s3+s22], $0x40, s8, s22, $0xb8;
	[tilespmem:$0x1AC50] =	vst v63  }
0x4d: {  	s10 =	simm.s32 $0x38;
	s11 =	simm.s32 $0xFC0  }
0x4e: {  	[tilespmem:s11], [sflag:$0x3] =	stream.indirect.gather [hbm4b:s3+s22], $0x40, s10, s22, $0xb8;
	[tilespmem:$0x1AC50] =	vst v63  }
0x4f: {  	s12 =	rddreg [dreg:$0x7]  }
0x50: {  	[tilespmem:s13], [sflag:$0x2] =	stream.linear.gather [hbm4b:s12+s2], $0x20, $0x38;
	[tilespmem:$0x1AC50] =	vst v63  }
0x51: {  	s17 =	rddreg [dreg:$0x8]  }
0x52: {  	[tilespmem:s14], [sflag:$0x2] =	stream.linear.gather [hbm4b:s17+s2], $0x20, $0x38;
	[tilespmem:$0x1AC50] =	vst v63  }
0x53: {  	s21 =	rddreg [dreg:$0x9]  }
0x54: {  	[tilespmem:s15], [sflag:$0x2] =	stream.linear.gather [hbm4b:s21+s2], $0x1A0, $0x38;
	[tilespmem:$0x1AC50] =	vst v63  }
0x55: {  	s30 =	simm.s32 $0x0;
	s31 =	rddreg [dreg:$0xa]  }
0x56: {  	v0 =	vimm.f32 $0.0e+00;
	[tilespmem:s16], [sflag:$0x2] =	stream.linear.gather [hbm4b:s31+s2], $0x1A0, $0x38;
	[tilespmem:$0x1AC50] =	vst v63  }
.LBB2_2:
0x57: {  	_ =	swait.ge [sflag:s19], $0x20  }
0x58: {  	[sflag:s19] =	ssyncset.done $0x0  }
0x59: {  	[sflag:s19] =	ssyncadd.s32 $0xFFFFFFE0  }
0x5a: {  	_ =	swait.ge [sflag:s19], $0x20  }
0x5b: {  	[sflag:s19] =	ssyncset.done $0x0  }
0x5c: {  	[sflag:s19] =	ssyncadd.s32 $0xFFFFFFE0  }
0x5d: {  	_ =	swait.ge [sflag:s19], $0x1A0  }
0x5e: {  	[sflag:s19] =	ssyncset.done $0x0  }
0x5f: {  	[sflag:s19] =	ssyncadd.s32 $0xFFFFFE60  }
0x60: {  	_ =	swait.ge [sflag:s19], $0x1A0  }
0x61: {  	[sflag:s19] =	ssyncset.done $0x0  }
0x62: {  	s0 =	simm.s32 $0xE300;
	[sflag:s19] =	ssyncadd.s32 $0xFFFFFE60  }
0x63: {  	[tilespmem:s0], [sflag:$0x4] =	stream.indirect.gather [hbm4b:s3+s28], $0x40, s15, s28, $0xb8;
	[tilespmem:$0x1AC50] =	vst v63  }
0x64: {  	s17 =	simm.s32 $0x14700  }
0x65: {  	[tilespmem:s17], [sflag:$0x4] =	stream.indirect.gather [hbm4b:s3+s28], $0x40, s16, s28, $0xb8;
	[tilespmem:$0x1AC50] =	vst v63  }
0x66: {  	s21 =	simm.s32 $0xD900  }
0x67: {  	[tilespmem:s21], [sflag:$0x4] =	stream.indirect.gather [hbm4b:s3+s22], $0x40, s13, s22, $0xb8;
	[tilespmem:$0x1AC50] =	vst v63  }
0x68: {  	s1 =	simm.s32 $0xDE00  }
0x69: {  	[tilespmem:s1], [sflag:$0x4] =	stream.indirect.gather [hbm4b:s3+s22], $0x40, s14, s22, $0xb8;
	[tilespmem:$0x1AC50] =	vst v63  }
0x6a: {  	s8 =	simm.s32 $0x428;
	s1 =	simm.s32 $0xFC00  }
0x6b: {  	[tilespmem:s1], [sflag:$0x4] =	stream.indirect.gather [hbm4b:s3+s28], $0x40, s8, s28, $0xb8;
	[tilespmem:$0x1AC50] =	vst v63  }
0x6c: {  	s9 =	simm.s32 $0x5C8;
	s10 =	simm.s32 $0x16000  }
0x6d: {  	[tilespmem:s10], [sflag:$0x4] =	stream.indirect.gather [hbm4b:s3+s28], $0x40, s9, s28, $0xb8;
	[tilespmem:$0x1AC50] =	vst v63  }
0x6e: {  	s11 =	simm.s32 $0x388;
	s12 =	simm.s32 $0xDA40  }
0x6f: {  	[tilespmem:s12], [sflag:$0x4] =	stream.indirect.gather [hbm4b:s3+s22], $0x40, s11, s22, $0xb8;
	[tilespmem:$0x1AC50] =	vst v63  }
0x70: {  	s17 =	simm.s32 $0x3A8;
	s21 =	simm.s32 $0xDF40  }
0x71: {  	[tilespmem:s21], [sflag:$0x4] =	stream.indirect.gather [hbm4b:s3+s22], $0x40, s17, s22, $0xb8;
	[tilespmem:$0x1AC50] =	vst v63  }
0x72: {  	s1 =	simm.s32 $0x490;
	s8 =	simm.s32 $0x11500  }
0x73: {  	[tilespmem:s8], [sflag:$0x4] =	stream.indirect.gather [hbm4b:s3+s28], $0x40, s1, s28, $0xb8;
	[tilespmem:$0x1AC50] =	vst v63  }
0x74: {  	s9 =	simm.s32 $0x630;
	s10 =	simm.s32 $0x17900  }
0x75: {  	[tilespmem:s10], [sflag:$0x4] =	stream.indirect.gather [hbm4b:s3+s28], $0x40, s9, s28, $0xb8;
	[tilespmem:$0x1AC50] =	vst v63  }
0x76: {  	s11 =	simm.s32 $0x390;
	s12 =	simm.s32 $0xDB80  }
0x77: {  	[tilespmem:s12], [sflag:$0x4] =	stream.indirect.gather [hbm4b:s3+s22], $0x40, s11, s22, $0xb8;
	[tilespmem:$0x1AC50] =	vst v63  }
0x78: {  	s17 =	simm.s32 $0x3B0;
	s21 =	simm.s32 $0xE080  }
0x79: {  	[tilespmem:s21], [sflag:$0x4] =	stream.indirect.gather [hbm4b:s3+s22], $0x40, s17, s22, $0xb8;
	[tilespmem:$0x1AC50] =	vst v63  }
0x7a: {  	s8 =	simm.s32 $0x4F8;
	s9 =	simm.s32 $0x12E00  }
0x7b: {  	[tilespmem:s9], [sflag:$0x4] =	stream.indirect.gather [hbm4b:s3+s28], $0x40, s8, s28, $0xb8;
	[tilespmem:$0x1AC50] =	vst v63  }
0x7c: {  	s10 =	simm.s32 $0x698;
	s11 =	simm.s32 $0x19200  }
0x7d: {  	[tilespmem:s11], [sflag:$0x4] =	stream.indirect.gather [hbm4b:s3+s28], $0x40, s10, s28, $0xb8;
	[tilespmem:$0x1AC50] =	vst v63  }
0x7e: {  	s12 =	simm.s32 $0x398;
	s17 =	simm.s32 $0xDCC0  }
0x7f: {  	[tilespmem:s17], [sflag:$0x4] =	stream.indirect.gather [hbm4b:s3+s22], $0x40, s12, s22, $0xb8;
	[tilespmem:$0x1AC50] =	vst v63  }
0x80: {  	s21 =	simm.s32 $0x3B8  }
0x81: {  	[tilespmem:s18], [sflag:$0x4] =	stream.indirect.gather [hbm4b:s3+s22], $0x40, s21, s22, $0xb8;
	[tilespmem:$0x1AC50] =	vst v63  }
0x82: {  	_ =	swait.ge [sflag:s20], $0x1900  }
0x83: {  	[sflag:s20] =	ssyncset.done $0x0  }
0x84: {  	[sflag:s20] =	ssyncadd.s32 $0xFFFFE700  }
0x85: {  	_ =	swait.ge [sflag:s20], $0x1900  }
0x86: {  	[sflag:s20] =	ssyncset.done $0x0  }
0x87: {  	[sflag:s20] =	ssyncadd.s32 $0xFFFFE700  }
0x88: {  	_ =	swait.ge [sflag:s20], $0x140  }
0x89: {  	[sflag:s20] =	ssyncset.done $0x0  }
0x8a: {  	[sflag:s20] =	ssyncadd.s32 $0xFFFFFEC0  }
0x8b: {  	_ =	swait.ge [sflag:s20], $0x140  }
0x8c: {  	[sflag:s20] =	ssyncset.done $0x0  }
0x8d: {  	[sflag:s20] =	ssyncadd.s32 $0xFFFFFEC0  }
0x8e: {  	_ =	swait.ge [sflag:s20], $0x1900  }
0x8f: {  	[sflag:s20] =	ssyncset.done $0x0  }
0x90: {  	[sflag:s20] =	ssyncadd.s32 $0xFFFFE700  }
0x91: {  	_ =	swait.ge [sflag:s20], $0x1900  }
0x92: {  	[sflag:s20] =	ssyncset.done $0x0  }
0x93: {  	[sflag:s20] =	ssyncadd.s32 $0xFFFFE700  }
0x94: {  	_ =	swait.ge [sflag:s20], $0x140  }
0x95: {  	[sflag:s20] =	ssyncset.done $0x0  }
0x96: {  	[sflag:s20] =	ssyncadd.s32 $0xFFFFFEC0  }
0x97: {  	_ =	swait.ge [sflag:s20], $0x140  }
0x98: {  	[sflag:s20] =	ssyncset.done $0x0  }
0x99: {  	[sflag:s20] =	ssyncadd.s32 $0xFFFFFEC0  }
0x9a: {  	_ =	swait.ge [sflag:s20], $0x1900  }
0x9b: {  	[sflag:s20] =	ssyncset.done $0x0  }
0x9c: {  	[sflag:s20] =	ssyncadd.s32 $0xFFFFE700  }
0x9d: {  	_ =	swait.ge [sflag:s20], $0x1900  }
0x9e: {  	[sflag:s20] =	ssyncset.done $0x0  }
0x9f: {  	[sflag:s20] =	ssyncadd.s32 $0xFFFFE700  }
0xa0: {  	_ =	swait.ge [sflag:s20], $0x140  }
0xa1: {  	[sflag:s20] =	ssyncset.done $0x0  }
0xa2: {  	[sflag:s20] =	ssyncadd.s32 $0xFFFFFEC0  }
0xa3: {  	_ =	swait.ge [sflag:s20], $0x140  }
0xa4: {  	[sflag:s20] =	ssyncset.done $0x0  }
0xa5: {  	[sflag:s20] =	ssyncadd.s32 $0xFFFFFEC0  }
0xa6: {  	_ =	swait.ge [sflag:s20], $0x1900  }
0xa7: {  	[sflag:s20] =	ssyncset.done $0x0  }
0xa8: {  	[sflag:s20] =	ssyncadd.s32 $0xFFFFE700  }
0xa9: {  	_ =	swait.ge [sflag:s20], $0x1900  }
0xaa: {  	[sflag:s20] =	ssyncset.done $0x0  }
0xab: {  	[sflag:s20] =	ssyncadd.s32 $0xFFFFE700  }
0xac: {  	_ =	swait.ge [sflag:s20], $0x140  }
0xad: {  	[sflag:s20] =	ssyncset.done $0x0  }
0xae: {  	[sflag:s20] =	ssyncadd.s32 $0xFFFFFEC0  }
0xaf: {  	_ =	swait.ge [sflag:s20], $0x140  }
0xb0: {  	s31 =	simm.s32 $0x0;
	[sflag:s20] =	ssyncset.done $0x0  }
0xb1: {  	s0 =	simm.s32 $0x1100;
	s1 =	simm.s32 $0x7500;
	[sflag:s20] =	ssyncadd.s32 $0xFFFFFEC0  }
.LBB2_3:
0xb2: {  	s9 =	smul.u32 $0x140, s31;
	_ =	sdelay $0x1  }
0xb3: {  	v1 =	vld [tilespmem:s9+$0x700];
	_ =	sdelay $0x4  }
0xb4: {  	[tilespmem:$0x1FEA0] =	vst v1;
	v1 =	vld [tilespmem:s9+$0xC00];
	_ =	sdelay $0x4  }
0xb5: {  	[tilespmem:$0x1FEB0] =	vst v1;
	v1 =	vld [tilespmem:s9+$0x710];
	_ =	sdelay $0x4  }
0xb6: {  	[tilespmem:$0x1FEC0] =	vst v1;
	v1 =	vld [tilespmem:s9+$0xC10];
	_ =	sdelay $0x4  }
0xb7: {  	[tilespmem:$0x1FED0] =	vst v1;
	v1 =	vld [tilespmem:s9+$0x720];
	_ =	sdelay $0x4  }
0xb8: {  	[tilespmem:$0x1FEE0] =	vst v1;
	v1 =	vld [tilespmem:s9+$0xC20];
	_ =	sdelay $0x4  }
0xb9: {  	[tilespmem:$0x1FEF0] =	vst v1;
	v1 =	vld [tilespmem:s9+$0x730];
	_ =	sdelay $0x4  }
0xba: {  	[tilespmem:$0x1FF00] =	vst v1;
	v1 =	vld [tilespmem:s9+$0xC30];
	_ =	sdelay $0x4  }
0xbb: {  	[tilespmem:$0x1FF10] =	vst v1;
	v1 =	vld [tilespmem:s9+$0xC60];
	_ =	sdelay $0x4  }
0xbc: {  	[tilespmem:$0x1FF20] =	vst v1;
	v1 =	vld [tilespmem:s9+$0x770];
	_ =	sdelay $0x4  }
0xbd: {  	[tilespmem:$0x1FF30] =	vst v1;
	v1 =	vld [tilespmem:s9+$0xC70];
	_ =	sdelay $0x4  }
0xbe: {  	[tilespmem:$0x1FF40] =	vst v1;
	v1 =	vld [tilespmem:s9+$0x780];
	_ =	sdelay $0x4  }
0xbf: {  	[tilespmem:$0x1FF50] =	vst v1;
	v1 =	vld [tilespmem:s9+$0xC80]  }
0xc0: {  	s8 =	simm.s32 $0x1AB00  }
0xc1: {  	v43 =	vld [tilespmem:s8+$0x0]  }
0xc2: {  	v38 =	vld [tilespmem:s9+$0x740]  }
0xc3: {  	v35 =	vld [tilespmem:s9+$0xC40]  }
0xc4: {  	[tilespmem:$0x1FF60] =	vst v1;
	v1 =	vld [tilespmem:s9+$0x790]  }
0xc5: {  	v36 =	vld [tilespmem:s9+$0x750]  }
0xc6: {  	v37 =	vld [tilespmem:s9+$0xC50]  }
0xc7: {  	v31 =	vld [tilespmem:s9+$0x760]  }
0xc8: {  	v23 =	vld [tilespmem:s9+$0xCB0]  }
0xc9: {  	[tilespmem:$0x1FF70] =	vst v1;
	v1 =	vld [tilespmem:s9+$0xC90]  }
0xca: {  	v24 =	vld [tilespmem:s9+$0x7C0]  }
0xcb: {  	v25 =	vld [tilespmem:s9+$0xCC0]  }
0xcc: {  	v26 =	vld [tilespmem:s9+$0x7D0]  }
0xcd: {  	v27 =	vld [tilespmem:s9+$0xCD0]  }
0xce: {  	[tilespmem:$0x1FF80] =	vst v1;
	v1 =	vld [tilespmem:s9+$0x7A0]  }
0xcf: {  	v28 =	vld [tilespmem:s9+$0x7E0]  }
0xd0: {  	v29 =	vld [tilespmem:s9+$0xCE0]  }
0xd1: {  	v30 =	vld [tilespmem:s9+$0x7F0]  }
0xd2: {  	v41 =	vmov s1;
	v32 =	vld [tilespmem:s9+$0x800]  }
0xd3: {  	[tilespmem:$0x1FF90] =	vst v1;
	v1 =	vld [tilespmem:s9+$0xCA0]  }
0xd4: {  	v42 =	vmov s0;
	v33 =	vld [tilespmem:s9+$0x810]  }
0xd5: {  	v34 =	vld [tilespmem:s9+$0x820]  }
0xd6: {  	s10 =	simm.s32 $0x130;
	v39 =	vld [tilespmem:s9+$0x830]  }
0xd7: {  	v40 =	vld.idx.msk [tilespmem:v41+s10+$0xFFFFFF40 ss:$0x1], $0xffff  }
0xd8: {  	[tilespmem:$0x1FFA0] =	vst v1;
	v1 =	vld [tilespmem:s9+$0x7B0]  }
0xd9: {  	v44 =	vld.idx.msk [tilespmem:v42+s10+$0xFFFFFED0 ss:$0x1], $0xffff  }
0xda: {  	v45 =	vld.idx.msk [tilespmem:v41+s10+$0xFFFFFF80 ss:$0x1], $0xffff  }
0xdb: {  	v46 =	vld.idx.msk [tilespmem:v42+s10+$0xFFFFFF10 ss:$0x1], $0xffff  }
0xdc: {  	v47 =	vld.idx.msk [tilespmem:v41+s10+$0xFFFFFFC0 ss:$0x1], $0xffff  }
0xdd: {  	[tilespmem:$0x1FFB0] =	vst v1;
	v1 =	vld [tilespmem:s9+$0xCF0]  }
0xde: {  	v48 =	vld.idx.msk [tilespmem:v42+s10+$0xFFFFFEE0 ss:$0x1], $0xffff  }
0xdf: {  	v49 =	vld.idx.msk [tilespmem:v41+s10+$0x0 ss:$0x1], $0xffff  }
0xe0: {  	v50 =	vld.idx.msk [tilespmem:v42+s10+$0xFFFFFF20 ss:$0x1], $0xffff  }
0xe1: {  	v51 =	vld.idx.msk [tilespmem:v42+s10+$0xFFFFFEF0 ss:$0x1], $0xffff  }
0xe2: {  	[tilespmem:$0x1FFC0] =	vst v1;
	v1 =	vld [tilespmem:s9+$0xD00]  }
0xe3: {  	v52 =	vld.idx.msk [tilespmem:v42+s10+$0xFFFFFF30 ss:$0x1], $0xffff  }
0xe4: {  	v53 =	vld.idx.msk [tilespmem:v42+s10+$0xFFFFFF00 ss:$0x1], $0xffff  }
0xe5: {  	v54 =	vld.idx.msk [tilespmem:v42+s10+$0xFFFFFF40 ss:$0x1], $0xffff  }
0xe6: {  	v55 =	vld.idx.msk [tilespmem:v41+s10+$0xFFFFFED0 ss:$0x1], $0xffff  }
0xe7: {  	[tilespmem:$0x1FFD0] =	vst v1;
	v1 =	vld [tilespmem:s9+$0xD10]  }
0xe8: {  	v56 =	vld.idx.msk [tilespmem:v41+s10+$0xFFFFFF10 ss:$0x1], $0xffff  }
0xe9: {  	v57 =	vld.idx.msk [tilespmem:v41+s10+$0xFFFFFEE0 ss:$0x1], $0xffff  }
0xea: {  	v58 =	vld.idx.msk [tilespmem:v41+s10+$0xFFFFFF20 ss:$0x1], $0xffff  }
0xeb: {  	v59 =	vld.idx.msk [tilespmem:v41+s10+$0xFFFFFEF0 ss:$0x1], $0xffff  }
0xec: {  	[tilespmem:$0x1FFE0] =	vst v1;
	v1 =	vld [tilespmem:s9+$0xD20]  }
0xed: {  	v60 =	vld.idx.msk [tilespmem:v41+s10+$0xFFFFFF30 ss:$0x1], $0xffff  }
0xee: {  	v61 =	vld.idx.msk [tilespmem:v42+s10+$0xFFFFFF50 ss:$0x1], $0xffff  }
0xef: {  	v62 =	vld.idx.msk [tilespmem:v42+s10+$0xFFFFFF60 ss:$0x1], $0xffff  }
0xf0: {  	v9 =	vld.idx.msk [tilespmem:v42+s10+$0xFFFFFF70 ss:$0x1], $0xffff  }
0xf1: {  	[tilespmem:$0x1FFF0] =	vst v1;
	v1 =	vld.idx.msk [tilespmem:v41+s10+$0xFFFFFF00 ss:$0x1], $0xffff  }
0xf2: {  	v63 =	vld.idx.msk [tilespmem:v42+s10+$0xFFFFFF80 ss:$0x1], $0xffff  }
0xf3: {  	v2 =	vld.idx.msk [tilespmem:v41+s10+$0xFFFFFF50 ss:$0x1], $0xffff  }
0xf4: {  	v3 =	vld.idx.msk [tilespmem:v41+s10+$0xFFFFFF60 ss:$0x1], $0xffff  }
0xf5: {  	v10 =	vld.idx.msk [tilespmem:v41+s10+$0xFFFFFF70 ss:$0x1], $0xffff  }
0xf6: {  	v4 =	vld.idx.msk [tilespmem:v42+s10+$0xFFFFFF90 ss:$0x1], $0xffff;
	v1 =	vadd.f32 v40, v1  }
0xf7: {  	v11 =	vld.idx.msk [tilespmem:v42+s10+$0xFFFFFFA0 ss:$0x1], $0xffff  }
0xf8: {  	v12 =	vld.idx.msk [tilespmem:v42+s10+$0xFFFFFFB0 ss:$0x1], $0xffff;
	v46 =	vadd.f32 v46, v44;
	v1 =	vadd.f32 v45, v1  }
0xf9: {  	v14 =	vld.idx.msk [tilespmem:v42+s10+$0xFFFFFFC0 ss:$0x1], $0xffff;
	v48 =	vadd.f32 v50, v48;
	v51 =	vadd.f32 v52, v51  }
0xfa: {  	v17 =	vld.idx.msk [tilespmem:v41+s10+$0xFFFFFF90 ss:$0x1], $0xffff;
	v13 =	vadd.f32 v54, v53;
	v1 =	vadd.f32 v47, v1  }
0xfb: {  	v5 =	vld.idx.msk [tilespmem:v41+s10+$0xFFFFFFA0 ss:$0x1], $0xffff;
	v15 =	vadd.f32 v56, v55;
	v16 =	vadd.f32 v58, v57  }
0xfc: {  	v18 =	vld.idx.msk [tilespmem:v41+s10+$0xFFFFFFB0 ss:$0x1], $0xffff;
	v46 =	vadd.f32 v61, v46;
	v1 =	vadd.f32 v49, v1  }
0xfd: {  	v19 =	vld.idx.msk [tilespmem:v42+s10+$0xFFFFFFD0 ss:$0x1], $0xffff;
	v48 =	vadd.f32 v62, v48;
	v51 =	vadd.f32 v9, v51  }
0xfe: {  	v6 =	vld.idx.msk [tilespmem:v42+s10+$0xFFFFFFE0 ss:$0x1], $0xffff;
	v52 =	vadd.f32 v63, v13;
	v2 =	vadd.f32 v2, v15;
	v1 =	vmul.f32 v1, v43  }
0xff: {  	v57 =	vld.idx.msk [tilespmem:v41+s10+$0xFFFFFFD0 ss:$0x1], $0xffff;
	v3 =	vadd.f32 v3, v16;
	v4 =	vadd.f32 v4, v46;
	v45 =	vimm.f32 $0.0e+00  }
0x100: {  	v55 =	vld.idx.msk [tilespmem:v41+s10+$0xFFFFFFE0 ss:$0x1], $0xffff;
	v44 =	vadd.f32 v1, v45;
	v1 =	vadd.f32 v60, v59  }
0x101: {  	v50 =	vimm.f32 $0.0e+00;
	v61 =	vld.idx.msk [tilespmem:v42+s10+$0xFFFFFFF0 ss:$0x1], $0xffff;
	v58 =	vadd.f32 v14, v52;
	v54 =	vadd.f32 v17, v2  }
0x102: {  	v53 =	vadd.f32 v5, v3;
	v46 =	vimm.f32 $0.0e+00;
	v60 =	vld.idx.msk [tilespmem:v42+s10+$0x0 ss:$0x1], $0xffff;
	v1 =	vadd.f32 v10, v1  }
0x103: {  	s21 =	simm.s32 $0x270;
	v56 =	vld.idx.msk [tilespmem:v41+s10+$0xFFFFFFF0 ss:$0x1], $0xffff;
	v47 =	vimm.f32 $0.0e+00;
	v49 =	vadd.f32 v11, v48;
	v59 =	vadd.f32 v12, v51  }
0x104: {  	v62 =	vld.idx.msk [tilespmem:v41+s21+$0xFFFFFF00 ss:$0x1], $0xffff;
	v48 =	vimm.f32 $0.0e+00;
	v52 =	vadd.f32 v18, v1;
	v1 =	vadd.f32 v19, v4  }
0x105: {  	v40 =	vld [tilespmem:s9+$0xD30];
	s9 =	simm.s32 $0xEC0;
	v63 =	vadd.f32 v6, v49;
	v49 =	vimm.f32 $0.0e+00;
	v51 =	vimm.f32 $0.0e+00  }
.LBB2_4:
0x106: {  	p0 =	sne.s32 s9, $0x63C0;
	v2 =	vld.idx.msk [tilespmem:v41+s21+$0xFFFFFF40 ss:$0x1], $0xffff;
	v1 =	vmul.f32 v1, v43;
	v3 =	vadd.f32 v61, v59  }
0x107: {  	v6 =	vadd.f32 v60, v58;
	v4 =	vld.idx.msk [tilespmem:v42+s21+$0xFFFFFED0 ss:$0x1], $0xffff;
	v5 =	vmul.f32 v63, v43  }
0x108: {  	v58 =	vld.idx.msk [tilespmem:v41+s21+$0xFFFFFF80 ss:$0x1], $0xffff;
	v45 =	vadd.f32 v1, v45;
	v1 =	vmul.f32 v3, v43;
	v3 =	vadd.f32 v57, v54  }
0x109: {  	v54 =	vld.idx.msk [tilespmem:v42+s21+$0xFFFFFF10 ss:$0x1], $0xffff;
	v51 =	vadd.f32 v5, v51;
	v5 =	vmul.f32 v6, v43;
	v6 =	vadd.f32 v55, v53  }
0x10a: {  	v53 =	vld.idx.msk [tilespmem:v41+s21+$0xFFFFFFC0 ss:$0x1], $0xffff;
	v50 =	vadd.f32 v1, v50;
	v1 =	vmul.f32 v3, v43;
	v3 =	vadd.f32 v56, v52  }
0x10b: {  	v52 =	vld.idx.msk [tilespmem:v42+s21+$0xFFFFFEE0 ss:$0x1], $0xffff;
	v49 =	vadd.f32 v5, v49;
	v5 =	vmul.f32 v6, v43  }
0x10c: {  	v2 =	vadd.f32 v2, v62;
	v6 =	vld.idx.msk [tilespmem:v41+s21+$0x0 ss:$0x1], $0xffff;
	v47 =	vadd.f32 v1, v47;
	v1 =	vmul.f32 v3, v43  }
0x10d: {  	v3 =	vld.idx.msk [tilespmem:v42+s21+$0xFFFFFF20 ss:$0x1], $0xffff;
	v48 =	vadd.f32 v5, v48  }
0x10e: {  	s8 =	sadd.s32 $0x10, s8;
	v2 =	vadd.f32 v58, v2;
	v5 =	vld.idx.msk [tilespmem:v42+s21+$0xFFFFFEF0 ss:$0x1], $0xffff;
	v46 =	vadd.f32 v1, v46  }
0x10f: {  	v1 =	vadd.f32 v54, v4;
	v43 =	vld [tilespmem:s8+$0x0]  }
0x110: {  	v2 =	vadd.f32 v53, v2;
	v4 =	vld.idx.msk [tilespmem:v42+s21+$0xFFFFFF30 ss:$0x1], $0xffff  }
0x111: {  	v53 =	vld.idx.msk [tilespmem:v42+s21+$0xFFFFFF00 ss:$0x1], $0xffff  }
0x112: {  	v2 =	vadd.f32 v6, v2;
	v54 =	vld.idx.msk [tilespmem:v42+s21+$0xFFFFFF40 ss:$0x1], $0xffff  }
0x113: {  	v3 =	vadd.f32 v3, v52;
	v6 =	vld.idx.msk [tilespmem:v41+s21+$0xFFFFFED0 ss:$0x1], $0xffff  }
0x114: {  	v52 =	vld.idx.msk [tilespmem:v41+s21+$0xFFFFFF10 ss:$0x1], $0xffff;
	v2 =	vmul.f32 v2, v43  }
0x115: {  	v55 =	vld.idx.msk [tilespmem:v41+s21+$0xFFFFFEE0 ss:$0x1], $0xffff  }
0x116: {  	v4 =	vadd.f32 v4, v5;
	v5 =	vld.idx.msk [tilespmem:v41+s21+$0xFFFFFF20 ss:$0x1], $0xffff;
	v44 =	vadd.f32 v2, v44  }
0x117: {  	v2 =	vld.idx.msk [tilespmem:v41+s21+$0xFFFFFEF0 ss:$0x1], $0xffff  }
0x118: {  	v53 =	vadd.f32 v54, v53;
	v54 =	vld.idx.msk [tilespmem:v41+s21+$0xFFFFFF30 ss:$0x1], $0xffff  }
0x119: {  	v56 =	vld.idx.msk [tilespmem:v42+s21+$0xFFFFFF50 ss:$0x1], $0xffff  }
0x11a: {  	v6 =	vadd.f32 v52, v6;
	v57 =	vld.idx.msk [tilespmem:v42+s21+$0xFFFFFF60 ss:$0x1], $0xffff  }
0x11b: {  	v52 =	vld.idx.msk [tilespmem:v42+s21+$0xFFFFFF70 ss:$0x1], $0xffff  }
0x11c: {  	v5 =	vadd.f32 v5, v55;
	v58 =	vld.idx.msk [tilespmem:v42+s21+$0xFFFFFF80 ss:$0x1], $0xffff  }
0x11d: {  	v55 =	vld.idx.msk [tilespmem:v41+s21+$0xFFFFFF50 ss:$0x1], $0xffff  }
0x11e: {  	v2 =	vadd.f32 v54, v2;
	v59 =	vld.idx.msk [tilespmem:v41+s21+$0xFFFFFF60 ss:$0x1], $0xffff  }
0x11f: {  	v1 =	vadd.f32 v56, v1;
	v54 =	vld.idx.msk [tilespmem:v41+s21+$0xFFFFFF70 ss:$0x1], $0xffff  }
0x120: {  	v3 =	vadd.f32 v57, v3;
	v56 =	vld.idx.msk [tilespmem:v42+s21+$0xFFFFFF90 ss:$0x1], $0xffff  }
0x121: {  	v4 =	vadd.f32 v52, v4;
	v57 =	vld.idx.msk [tilespmem:v42+s21+$0xFFFFFFA0 ss:$0x1], $0xffff  }
0x122: {  	v53 =	vadd.f32 v58, v53;
	v52 =	vld.idx.msk [tilespmem:v42+s21+$0xFFFFFFB0 ss:$0x1], $0xffff  }
0x123: {  	v6 =	vadd.f32 v55, v6;
	v58 =	vld.idx.msk [tilespmem:v42+s21+$0xFFFFFFC0 ss:$0x1], $0xffff  }
0x124: {  	v5 =	vadd.f32 v59, v5;
	v55 =	vld.idx.msk [tilespmem:v41+s21+$0xFFFFFF90 ss:$0x1], $0xffff  }
0x125: {  	v2 =	vadd.f32 v54, v2;
	v62 =	vld.idx.msk [tilespmem:v41+s21+$0xFFFFFFA0 ss:$0x1], $0xffff  }
0x126: {  	v1 =	vadd.f32 v56, v1;
	v56 =	vld.idx.msk [tilespmem:v41+s21+$0xFFFFFFB0 ss:$0x1], $0xffff  }
0x127: {  	v3 =	vadd.f32 v57, v3;
	v63 =	vld.idx.msk [tilespmem:v42+s21+$0xFFFFFFD0 ss:$0x1], $0xffff  }
0x128: {  	v59 =	vadd.f32 v52, v4;
	v7 =	vld.idx.msk [tilespmem:v42+s21+$0xFFFFFFE0 ss:$0x1], $0xffff  }
0x129: {  	v58 =	vadd.f32 v58, v53;
	v61 =	vld.idx.msk [tilespmem:v42+s21+$0xFFFFFFF0 ss:$0x1], $0xffff  }
.Ltmp0:
0x12a: {  	v54 =	vadd.f32 v55, v6;
	v60 =	vld.idx.msk [tilespmem:v42+s21+$0x0 ss:$0x1], $0xffff;
	(pc) =	sbr.rel @p0 .LBB2_4-.Ltmp0, $4  }
0x12b: {  	v53 =	vadd.f32 v62, v5;
	v57 =	vld.idx.msk [tilespmem:v41+s21+$0xFFFFFFD0 ss:$0x1], $0xffff  }
0x12c: {  	v52 =	vadd.f32 v56, v2;
	v55 =	vld.idx.msk [tilespmem:v41+s21+$0xFFFFFFE0 ss:$0x1], $0xffff  }
0x12d: {  	v1 =	vadd.f32 v63, v1;
	v56 =	vld.idx.msk [tilespmem:v41+s21+$0xFFFFFFF0 ss:$0x1], $0xffff;
	s21 =	sshra.s32 s9, $0x2  }
0x12e: {  	s9 =	sadd.s32 $0x500, s9;
	v63 =	vadd.f32 v7, v3;
	v62 =	vld.idx.msk [tilespmem:v41+s21+$0xFFFFFF00 ss:$0x1], $0xffff  }
0x12f: {  	_ =	sdelay $0x3  }
0x130: {  	v2 =	vld.idx.msk [tilespmem:v41+s21+$0xFFFFFF40 ss:$0x1], $0xffff  }
0x131: {  	v3 =	vld.idx.msk [tilespmem:v42+s21+$0xFFFFFED0 ss:$0x1], $0xffff  }
0x132: {  	v4 =	vld.idx.msk [tilespmem:v41+s21+$0xFFFFFF80 ss:$0x1], $0xffff  }
0x133: {  	v5 =	vld.idx.msk [tilespmem:v42+s21+$0xFFFFFF10 ss:$0x1], $0xffff  }
0x134: {  	v6 =	vld.idx.msk [tilespmem:v41+s21+$0xFFFFFFC0 ss:$0x1], $0xffff  }
0x135: {  	v7 =	vld.idx.msk [tilespmem:v42+s21+$0xFFFFFEE0 ss:$0x1], $0xffff  }
0x136: {  	v8 =	vld.idx.msk [tilespmem:v41+s21+$0x0 ss:$0x1], $0xffff  }
0x137: {  	v9 =	vld.idx.msk [tilespmem:v42+s21+$0xFFFFFF20 ss:$0x1], $0xffff  }
0x138: {  	v10 =	vld.idx.msk [tilespmem:v42+s21+$0xFFFFFEF0 ss:$0x1], $0xffff  }
0x139: {  	v12 =	vld.idx.msk [tilespmem:v42+s21+$0xFFFFFF30 ss:$0x1], $0xffff  }
0x13a: {  	v13 =	vld.idx.msk [tilespmem:v42+s21+$0xFFFFFF00 ss:$0x1], $0xffff  }
0x13b: {  	v14 =	vld.idx.msk [tilespmem:v42+s21+$0xFFFFFF40 ss:$0x1], $0xffff  }
0x13c: {  	v15 =	vld.idx.msk [tilespmem:v41+s21+$0xFFFFFED0 ss:$0x1], $0xffff  }
0x13d: {  	v16 =	vld.idx.msk [tilespmem:v41+s21+$0xFFFFFF10 ss:$0x1], $0xffff  }
0x13e: {  	v17 =	vld.idx.msk [tilespmem:v41+s21+$0xFFFFFEE0 ss:$0x1], $0xffff  }
0x13f: {  	v18 =	vld.idx.msk [tilespmem:v41+s21+$0xFFFFFF20 ss:$0x1], $0xffff  }
0x140: {  	v19 =	vld.idx.msk [tilespmem:v41+s21+$0xFFFFFEF0 ss:$0x1], $0xffff  }
0x141: {  	v20 =	vld.idx.msk [tilespmem:v41+s21+$0xFFFFFF30 ss:$0x1], $0xffff  }
0x142: {  	v21 =	vld.idx.msk [tilespmem:v42+s21+$0xFFFFFF50 ss:$0x1], $0xffff  }
0x143: {  	v22 =	vld.idx.msk [tilespmem:v42+s21+$0xFFFFFF60 ss:$0x1], $0xffff  }
0x144: {  	v59 =	vadd.f32 v61, v59;
	v61 =	vld.idx.msk [tilespmem:v42+s21+$0xFFFFFF70 ss:$0x1], $0xffff  }
0x145: {  	s8 =	sadd.s32 $0x10, s8;
	v1 =	vmul.f32 v1, v43;
	v58 =	vadd.f32 v60, v58;
	v60 =	vld.idx.msk [tilespmem:v42+s21+$0xFFFFFF80 ss:$0x1], $0xffff  }
0x146: {  	v11 =	vld [tilespmem:s8+$0x0]  }
0x147: {  	v54 =	vadd.f32 v57, v54;
	v57 =	vld.idx.msk [tilespmem:v41+s21+$0xFFFFFFB0 ss:$0x1], $0xffff;
	v1 =	vadd.f32 v1, v45;
	v45 =	vmul.f32 v63, v43  }
0x148: {  	v52 =	vadd.f32 v56, v52;
	v56 =	vld.idx.msk [tilespmem:v41+s21+$0xFFFFFF70 ss:$0x1], $0xffff  }
0x149: {  	v45 =	vadd.f32 v45, v51;
	v51 =	vadd.f32 v55, v53;
	v55 =	vld.idx.msk [tilespmem:v41+s21+$0xFFFFFF60 ss:$0x1], $0xffff  }
0x14a: {  	v2 =	vadd.f32 v2, v62;
	v62 =	vmul.f32 v59, v43;
	v59 =	vmul.f32 v54, v43;
	v54 =	vld.idx.msk [tilespmem:v42+s21+$0xFFFFFF90 ss:$0x1], $0xffff  }
0x14b: {  	v3 =	vadd.f32 v5, v3;
	v5 =	vld.idx.msk [tilespmem:v42+s21+$0xFFFFFFC0 ss:$0x1], $0xffff  }
0x14c: {  	v2 =	vadd.f32 v4, v2;
	v4 =	vld.idx.msk [tilespmem:v41+s21+$0xFFFFFF50 ss:$0x1], $0xffff  }
0x14d: {  	v7 =	vadd.f32 v9, v7;
	v47 =	vadd.f32 v59, v47;
	v59 =	vld.idx.msk [tilespmem:v42+s21+$0xFFFFFFD0 ss:$0x1], $0xffff  }
0x14e: {  	v63 =	vmul.f32 v58, v43;
	v58 =	vadd.f32 v20, v19;
	v3 =	vadd.f32 v21, v3;
	v21 =	vld.idx.msk [tilespmem:v41+s21+$0xFFFFFFD0 ss:$0x1], $0xffff  }
0x14f: {  	v50 =	vadd.f32 v62, v50;
	v7 =	vadd.f32 v22, v7;
	v22 =	vld.idx.msk [tilespmem:v41+s21+$0xFFFFFFE0 ss:$0x1], $0xffff  }
0x150: {  	v62 =	vmul.f32 v52, v43;
	v52 =	vadd.f32 v16, v15;
	v16 =	vadd.f32 v56, v58;
	v56 =	vld [tilespmem:$0x1FEE0]  }
0x151: {  	v51 =	vmul.f32 v51, v43;
	v2 =	vadd.f32 v6, v2;
	v6 =	vadd.f32 v63, v49;
	v49 =	vld.idx.msk [tilespmem:v42+s21+$0xFFFFFFB0 ss:$0x1], $0xffff  }
0x152: {  	v53 =	vadd.f32 v18, v17;
	v63 =	vadd.f32 v12, v10;
	v10 =	vld.idx.msk [tilespmem:v41+s21+$0xFFFFFF90 ss:$0x1], $0xffff  }
0x153: {  	v48 =	vadd.f32 v51, v48;
	v51 =	vld.idx.msk [tilespmem:v41+s21+$0xFFFFFFA0 ss:$0x1], $0xffff;
	v46 =	vadd.f32 v62, v46  }
0x154: {  	v62 =	vld.idx.msk [tilespmem:v42+s21+$0xFFFFFFF0 ss:$0x1], $0xffff;
	v3 =	vadd.f32 v54, v3;
	v2 =	vadd.f32 v8, v2  }
0x155: {  	v54 =	vld [tilespmem:$0x1FEC0];
	v9 =	vadd.f32 v61, v63;
	v4 =	vadd.f32 v4, v52  }
0x156: {  	v8 =	vld.idx.msk [tilespmem:v42+s21+$0xFFFFFFA0 ss:$0x1], $0xffff;
	v3 =	vadd.f32 v59, v3;
	v2 =	vmul.f32 v2, v11;
	v12 =	vadd.f32 $0.0e+00, v56  }
0x157: {  	v58 =	vld [tilespmem:$0x1FF00];
	v9 =	vadd.f32 v49, v9;
	v4 =	vadd.f32 v10, v4  }
0x158: {  	v41 =	vld.idx.msk [tilespmem:v41+s21+$0xFFFFFFF0 ss:$0x1], $0xffff;
	v43 =	vadd.f32 v2, v44;
	v2 =	vadd.f32 v14, v13  }
0x159: {  	v61 =	vld.idx.msk [tilespmem:v42+s21+$0xFFFFFFE0 ss:$0x1], $0xffff;
	v14 =	vadd.f32 v55, v53;
	v44 =	vadd.f32 v57, v16  }
0x15a: {  	v59 =	vld [tilespmem:$0x1FF10];
	v3 =	vmul.f32 v3, v11;
	v10 =	vadd.f32 $0.0e+00, v54;
	v12 =	vadd.f32 v31, v12  }
0x15b: {  	v63 =	vld.idx.msk [tilespmem:v42+s21+$0x0 ss:$0x1], $0xffff;
	v7 =	vadd.f32 v8, v7;
	v9 =	vadd.f32 v62, v9  }
0x15c: {  	v53 =	vld [tilespmem:$0x1FEB0];
	v1 =	vadd.f32 v3, v1;
	v3 =	vadd.f32 v21, v4  }
0x15d: {  	v57 =	vld [tilespmem:$0x1FEF0];
	v2 =	vadd.f32 v60, v2;
	v42 =	vadd.f32 v51, v14  }
0x15e: {  	v31 =	vld [tilespmem:$0x1FF90];
	v10 =	vadd.f32 v36, v10;
	v14 =	vadd.f32 $0.0e+00, v58  }
0x15f: {  	v62 =	vld [tilespmem:$0x1FF40];
	v15 =	vadd.f32 $0.0e+00, v59;
	v7 =	vadd.f32 v61, v7  }
0x160: {  	v21 =	vld [tilespmem:$0x1FF70];
	v51 =	vmul.f32 v9, v11;
	v3 =	vmul.f32 v3, v11;
	v2 =	vadd.f32 v5, v2  }
0x161: {  	v49 =	vadd.f32 v22, v42;
	v5 =	vadd.f32 v41, v44  }
0x162: {  	v60 =	vld [tilespmem:$0x1FF20];
	v8 =	vadd.f32 v51, v50;
	v3 =	vadd.f32 v3, v47  }
0x163: {  	v55 =	vld [tilespmem:$0x1FED0];
	v9 =	vadd.f32 $0.0e+00, v53;
	v13 =	vadd.f32 $0.0e+00, v57  }
0x164: {  	v61 =	vld [tilespmem:$0x1FF30];
	v7 =	vmul.f32 v7, v11;
	v12 =	vadd.f32 v31, v12;
	v2 =	vadd.f32 v63, v2  }
0x165: {  	v4 =	vmul.f32 v49, v11;
	v15 =	vadd.f32 v62, v15;
	v10 =	vadd.f32 v21, v10  }
0x166: {  	v20 =	vld [tilespmem:$0x1FF60];
	v5 =	vmul.f32 v5, v11;
	v7 =	vadd.f32 v7, v45;
	v9 =	vadd.f32 v35, v9  }
0x167: {  	v52 =	vld [tilespmem:$0x1FEA0];
	v13 =	vadd.f32 v60, v13;
	v12 =	vadd.f32 v28, v12  }
0x168: {  	v36 =	vld [tilespmem:$0x1FFB0];
	v4 =	vadd.f32 v4, v48;
	v5 =	vadd.f32 v5, v46  }
0x169: {  	v22 =	vld [tilespmem:$0x1FF80];
	v2 =	vmul.f32 v2, v11;
	v11 =	vadd.f32 $0.0e+00, v55;
	v14 =	vadd.f32 v61, v14  }
0x16a: {  	v41 =	vld [tilespmem:$0x1FFD0];
	v15 =	vadd.f32 v23, v15;
	v10 =	vadd.f32 v26, v10  }
0x16b: {  	v35 =	vld [tilespmem:$0x1FFA0];
	v9 =	vadd.f32 v20, v9;
	v12 =	vadd.f32 v34, v12  }
0x16c: {  	v63 =	vld [tilespmem:$0x1FF50];
	v2 =	vadd.f32 v2, v6;
	v6 =	vadd.f32 $0.0e+00, v52  }
0x16d: {  	v11 =	vadd.f32 v37, v11;
	v14 =	vadd.f32 v36, v14  }
0x16e: {  	v10 =	vadd.f32 v33, v10;
	v9 =	vadd.f32 v25, v9;
	v44 =	vmul.f32 v8, v12  }
0x16f: {  	v42 =	vld [tilespmem:$0x1FFE0];
	v52 =	vmul.f32 v5, v12;
	v6 =	vadd.f32 v38, v6;
	v11 =	vadd.f32 v22, v11  }
0x170: {  	v46 =	vld [tilespmem:$0x1FFF0];
	v56 =	vmul.f32 v12, v12;
	v13 =	vadd.f32 v35, v13;
	v14 =	vadd.f32 v30, v14  }
0x171: {  	v50 =	vmul.f32 v4, v10;
	v9 =	vadd.f32 v41, v9;
	v6 =	vadd.f32 v63, v6  }
0x172: {  	v37 =	vld [tilespmem:$0x1FFC0];
	v4 =	vmul.f32 v4, v4;
	v11 =	vadd.f32 v27, v11;
	v13 =	vadd.f32 v29, v13  }
0x173: {  	v14 =	vadd.f32 v39, v14;
	v39 =	vmul.f32 v7, v10;
	v10 =	vmul.f32 v10, v10  }
0x174: {  	v47 =	vmul.f32 v1, v9;
	v9 =	vmul.f32 v9, v9;
	v6 =	vadd.f32 v24, v6  }
0x175: {  	v11 =	vadd.f32 v42, v11;
	v45 =	vmul.f32 v2, v14;
	v13 =	vadd.f32 v46, v13  }
0x176: {  	v54 =	vmul.f32 v43, v14;
	v57 =	vmul.f32 v14, v14;
	v6 =	vadd.f32 v32, v6  }
0x177: {  	v15 =	vadd.f32 v37, v15;
	v48 =	vmul.f32 v7, v11;
	v51 =	vmul.f32 v8, v13  }
0x178: {  	v7 =	vmul.f32 v7, v7;
	v38 =	vmul.f32 v1, v6  }
0x179: {  	v15 =	vadd.f32 v40, v15;
	v58 =	vmul.f32 v11, v11;
	v49 =	vmul.f32 v3, v6  }
0x17a: {  	v19 =	vadd.f32 v48, v47;
	v6 =	vmul.f32 v6, v6;
	v16 =	vadd.f32 v39, v38  }
0x17b: {  	v1 =	vmul.f32 v1, v1;
	v59 =	vadd.f32 v58, v9;
	v17 =	vadd.f32 v50, v49  }
0x17c: {  	v8 =	vmul.f32 v8, v8;
	v19 =	vadd.f32 v51, v19;
	v16 =	vadd.f32 v44, v16  }
0x17d: {  	v53 =	vmul.f32 v2, v15;
	v6 =	vadd.f32 v10, v6;
	v1 =	vadd.f32 v7, v1  }
0x17e: {  	v60 =	vmul.f32 v13, v13;
	v17 =	vadd.f32 v52, v17;
	v16 =	vadd.f32 v45, v16  }
0x17f: {  	v3 =	vmul.f32 v3, v3;
	v55 =	vadd.f32 v53, v19;
	v6 =	vadd.f32 v56, v6  }
0x180: {  	v2 =	vmul.f32 v2, v2;
	v1 =	vadd.f32 v8, v1;
	v17 =	vadd.f32 v54, v17;
	(xrf2) =	vadd.scan.msk.f32 $0xffff, v16  }
0x181: {  	v61 =	vmul.f32 v5, v5;
	v3 =	vadd.f32 v4, v3;
	v6 =	vadd.f32 v57, v6;
	(xrf2) =	vadd.scan.msk.f32 $0xffff, v55  }
0x182: {  	v62 =	vmul.f32 v15, v15;
	v1 =	vadd.f32 v2, v1;
	v2 =	vadd.f32 v60, v59;
	(xrf2) =	vadd.scan.msk.f32 $0xffff, v17  }
0x183: {  	v63 =	vmul.f32 v43, v43;
	v3 =	vadd.f32 v61, v3;
	(xrf2) =	vadd.scan.msk.f32 $0xffff, v6  }
0x184: {  	(xrf2) =	vadd.scan.msk.f32 $0xffff, v1;
	v1 =	vadd.f32 v62, v2  }
0x185: {  	v2 =	vadd.f32 v63, v3  }
0x186: {  	(xrf2) =	vadd.scan.msk.f32 $0xffff, v1  }
0x187: {  	(xrf2) =	vadd.scan.msk.f32 $0xffff, v2;
	_ =	sdelay $0x2  }
0x188: {  	v1, _, _ =	vpop (xrf2)  }
0x189: {  	v2, _, _ =	vpop (xrf2);
	(v2sf) =	vpush v1, $0xF  }
0x18a: {  	v1, _, _ =	vpop (xrf2);
	(v2sf) =	vpush v2, $0xF  }
0x18b: {  	v2, _, _ =	vpop (xrf2);
	(v2sf) =	vpush v1, $0xF  }
0x18c: {  	v1, _, _ =	vpop (xrf2);
	(v2sf) =	vpush v2, $0xF  }
0x18d: {  	(v2sf) =	vpush v1, $0xF  }
0x18e: {  	v1, _, _ =	vpop (xrf2)  }
0x18f: {  	(v2sf) =	vpush v1, $0xF;
	v1, _, _ =	vpop (xrf2)  }
0x190: {  	(v2sf) =	vpush v1, $0xF;
	_ =	sdelay $0x7  }
0x191: {  	s8 =	spop (v2sf)  }
0x192: {  	s9 =	spop (v2sf)  }
0x193: {  	s10 =	spop (v2sf)  }
0x194: {  	s21 =	spop (v2sf)  }
0x195: {  	s11 =	spop (v2sf)  }
0x196: {  	s12 =	smul.f32 s11, s21  }
0x197: {  	s17 =	spop (v2sf)  }
0x198: {  	s11 =	smul.f32 s11, s17;
	s17 =	spop (v2sf);
	v1 =	vmov s12  }
0x199: {  	s17 =	smul.f32 s17, s21;
	v1 =	vnsel vm0, $0x3F800000, v1  }
0x19a: {  	v1 =	vsel vm1, s11, v1  }
0x19b: {  	v1 =	vsel vm2, s17, v1  }
0x19c: {  	v1 =	vmax.f32 v1, $1.000000000e-30  }
0x19d: {  	v2 =	vshra.s32 v1, $0x1;
	v1 =	vmul.f32 $5.000000000e-01, v1  }
0x19e: {  	v2 =	vsub.s32 $0x5F3759DF, v2  }
0x19f: {  	v3 =	vmul.f32 v2, v1;
	_ =	sdelay $0x1  }
0x1a0: {  	v3 =	vmul.f32 v2, v3;
	_ =	sdelay $0x1  }
0x1a1: {  	v3 =	vsub.f32 $1.500000000e+00, v3;
	_ =	sdelay $0x1  }
0x1a2: {  	v2 =	vmul.f32 v2, v3;
	_ =	sdelay $0x1  }
0x1a3: {  	v3 =	vmul.f32 v2, v1;
	_ =	sdelay $0x1  }
0x1a4: {  	v3 =	vmul.f32 v3, v2;
	_ =	sdelay $0x1  }
0x1a5: {  	v3 =	vsub.f32 $1.500000000e+00, v3;
	_ =	sdelay $0x1  }
0x1a6: {  	v2 =	vmul.f32 v3, v2;
	_ =	sdelay $0x1  }
0x1a7: {  	v1 =	vmul.f32 v2, v1;
	_ =	sdelay $0x1  }
0x1a8: {  	s8 =	ssub.f32 $0.0e+00, s8;
	v1 =	vmul.f32 v1, v2;
	_ =	sdelay $0x1  }
0x1a9: {  	s31 =	sadd.s32 $0x1, s31;
	s9 =	smul.f32 $5.000000000e-01, s9;
	v3 =	vmov s8;
	v1 =	vsub.f32 $1.500000000e+00, v1  }
0x1aa: {  	p0 =	sne.s32 s31, $0x4;
	s21 =	smul.f32 $5.000000000e-01, s10;
	v3 =	vnsel vm0, $0x0, v3  }
.Ltmp1:
0x1ab: {  	v1 =	vmul.f32 v1, v2;
	v2 =	vsel vm1, s9, v3;
	(pc) =	sbr.rel @p0 .LBB2_3-.Ltmp1, $3  }
0x1ac: {  	v2 =	vsel vm2, s21, v2  }
0x1ad: {  	v1 =	vmul.f32 v1, v2;
	_ =	sdelay $0x1  }
0x1ae: {  	s0 =	sadd.s32 $0x1900, s0;
	s1 =	sadd.s32 $0x1900, s1;
	v0 =	vadd.f32 v1, v0  }
0x1af: {  	p0 =	seq.s32 s30, $0xF  }
.Ltmp2:
0x1b0: {  	_ = 	snop;
	(pc) =	sbr.rel @p0 .LBB2_8-.Ltmp2, $1  }
0x1b1: {  	_ =	sdelay $0x3  }
0x1b2: {  	s0 =	sshll.u32 s30, $0x3;
	s1 =	rddreg [dreg:$0xb]  }
0x1b3: {  	s1 =	sadd.s32 s0, s1  }
0x1b4: {  	s8 =	sadd.s32 s4, s1  }
0x1b5: {  	[tilespmem:s2], [sflag:$0x1] =	stream.linear.gather [hbm4b:s8+s2], $0x20, $0x38;
	[tilespmem:$0x1AC50] =	vst v63  }
0x1b6: {  	s21 =	sadd.s32 s6, s1;
	s1 =	smul.u32 $0xD, s1  }
0x1b7: {  	[tilespmem:s23], [sflag:$0x1] =	stream.linear.gather [hbm4b:s21+s2], $0x20, $0x38;
	[tilespmem:$0x1AC50] =	vst v63  }
0x1b8: {  	s31 =	sadd.s32 s5, s1  }
0x1b9: {  	[tilespmem:s24], [sflag:$0x1] =	stream.linear.gather [hbm4b:s31+s2], $0x1A0, $0x38;
	[tilespmem:$0x1AC50] =	vst v63  }
0x1ba: {  	s1 =	sadd.s32 s7, s1  }
0x1bb: {  	[tilespmem:s25], [sflag:$0x1] =	stream.linear.gather [hbm4b:s1+s2], $0x1A0, $0x38;
	[tilespmem:$0x1AC50] =	vst v63  }
0x1bc: {  	_ =	swait.ge [sflag:s26], $0x20  }
0x1bd: {  	[sflag:s26] =	ssyncset.done $0x0  }
0x1be: {  	[sflag:s26] =	ssyncadd.s32 $0xFFFFFFE0  }
0x1bf: {  	_ =	swait.ge [sflag:s26], $0x20  }
0x1c0: {  	[sflag:s26] =	ssyncset.done $0x0  }
0x1c1: {  	[sflag:s26] =	ssyncadd.s32 $0xFFFFFFE0  }
0x1c2: {  	_ =	swait.ge [sflag:s26], $0x1A0  }
0x1c3: {  	[sflag:s26] =	ssyncset.done $0x0  }
0x1c4: {  	[sflag:s26] =	ssyncadd.s32 $0xFFFFFE60  }
0x1c5: {  	_ =	swait.ge [sflag:s26], $0x1A0  }
0x1c6: {  	[sflag:s26] =	ssyncset.done $0x0  }
0x1c7: {  	s8 =	simm.s32 $0x1100;
	[sflag:s26] =	ssyncadd.s32 $0xFFFFFE60  }
0x1c8: {  	[tilespmem:s8], [sflag:$0x3] =	stream.indirect.gather [hbm4b:s3+s28], $0x40, s24, s28, $0xb8;
	[tilespmem:$0x1AC50] =	vst v63  }
0x1c9: {  	s9 =	simm.s32 $0x7500  }
0x1ca: {  	[tilespmem:s9], [sflag:$0x3] =	stream.indirect.gather [hbm4b:s3+s28], $0x40, s25, s28, $0xb8;
	[tilespmem:$0x1AC50] =	vst v63  }
0x1cb: {  	s10 =	simm.s32 $0x700  }
0x1cc: {  	[tilespmem:s10], [sflag:$0x3] =	stream.indirect.gather [hbm4b:s3+s22], $0x40, s2, s22, $0xb8;
	[tilespmem:$0x1AC50] =	vst v63  }
0x1cd: {  	s11 =	simm.s32 $0xC00  }
0x1ce: {  	[tilespmem:s11], [sflag:$0x3] =	stream.indirect.gather [hbm4b:s3+s22], $0x40, s23, s22, $0xb8;
	[tilespmem:$0x1AC50] =	vst v63  }
0x1cf: {  	s12 =	simm.s32 $0xA8;
	s17 =	simm.s32 $0x2A00  }
0x1d0: {  	[tilespmem:s17], [sflag:$0x3] =	stream.indirect.gather [hbm4b:s3+s28], $0x40, s12, s28, $0xb8;
	[tilespmem:$0x1AC50] =	vst v63  }
0x1d1: {  	s21 =	simm.s32 $0x248;
	s31 =	simm.s32 $0x8E00  }
0x1d2: {  	[tilespmem:s31], [sflag:$0x3] =	stream.indirect.gather [hbm4b:s3+s28], $0x40, s21, s28, $0xb8;
	[tilespmem:$0x1AC50] =	vst v63  }
0x1d3: {  	s8 =	simm.s32 $0x8;
	s9 =	simm.s32 $0x840  }
0x1d4: {  	[tilespmem:s9], [sflag:$0x3] =	stream.indirect.gather [hbm4b:s3+s22], $0x40, s8, s22, $0xb8;
	[tilespmem:$0x1AC50] =	vst v63  }
0x1d5: {  	s10 =	simm.s32 $0x28;
	s11 =	simm.s32 $0xD40  }
0x1d6: {  	[tilespmem:s11], [sflag:$0x3] =	stream.indirect.gather [hbm4b:s3+s22], $0x40, s10, s22, $0xb8;
	[tilespmem:$0x1AC50] =	vst v63  }
0x1d7: {  	s12 =	simm.s32 $0x110;
	s17 =	simm.s32 $0x4300  }
0x1d8: {  	[tilespmem:s17], [sflag:$0x3] =	stream.indirect.gather [hbm4b:s3+s28], $0x40, s12, s28, $0xb8;
	[tilespmem:$0x1AC50] =	vst v63  }
0x1d9: {  	s21 =	simm.s32 $0x2B0;
	s31 =	simm.s32 $0xA700  }
0x1da: {  	[tilespmem:s31], [sflag:$0x3] =	stream.indirect.gather [hbm4b:s3+s28], $0x40, s21, s28, $0xb8;
	[tilespmem:$0x1AC50] =	vst v63  }
0x1db: {  	s8 =	simm.s32 $0x10;
	s9 =	simm.s32 $0x980  }
0x1dc: {  	[tilespmem:s9], [sflag:$0x3] =	stream.indirect.gather [hbm4b:s3+s22], $0x40, s8, s22, $0xb8;
	[tilespmem:$0x1AC50] =	vst v63  }
0x1dd: {  	s10 =	simm.s32 $0x30;
	s11 =	simm.s32 $0xE80  }
0x1de: {  	[tilespmem:s11], [sflag:$0x3] =	stream.indirect.gather [hbm4b:s3+s22], $0x40, s10, s22, $0xb8;
	[tilespmem:$0x1AC50] =	vst v63  }
0x1df: {  	s12 =	simm.s32 $0x178;
	s17 =	simm.s32 $0x5C00  }
0x1e0: {  	[tilespmem:s17], [sflag:$0x3] =	stream.indirect.gather [hbm4b:s3+s28], $0x40, s12, s28, $0xb8;
	[tilespmem:$0x1AC50] =	vst v63  }
0x1e1: {  	s21 =	simm.s32 $0x318;
	s31 =	simm.s32 $0xC000  }
0x1e2: {  	[tilespmem:s31], [sflag:$0x3] =	stream.indirect.gather [hbm4b:s3+s28], $0x40, s21, s28, $0xb8;
	[tilespmem:$0x1AC50] =	vst v63  }
0x1e3: {  	s9 =	simm.s32 $0x18;
	s10 =	simm.s32 $0xAC0;
	s17 =	rddreg [dreg:$0xc]  }
0x1e4: {  	[tilespmem:s10], [sflag:$0x3] =	stream.indirect.gather [hbm4b:s3+s22], $0x40, s9, s22, $0xb8;
	[tilespmem:$0x1AC50] =	vst v63  }
0x1e5: {  	s11 =	simm.s32 $0x38;
	s12 =	simm.s32 $0xFC0;
	s0 =	sadd.s32 s0, s17  }
0x1e6: {  	[tilespmem:s12], [sflag:$0x3] =	stream.indirect.gather [hbm4b:s3+s22], $0x40, s11, s22, $0xb8;
	[tilespmem:$0x1AC50] =	vst v63  }
0x1e7: {  	s1 =	sadd.s32 s4, s0  }
0x1e8: {  	[tilespmem:s13], [sflag:$0x2] =	stream.linear.gather [hbm4b:s1+s2], $0x20, $0x38;
	[tilespmem:$0x1AC50] =	vst v63  }
0x1e9: {  	s21 =	sadd.s32 s6, s0;
	s0 =	smul.u32 $0xD, s0  }
0x1ea: {  	[tilespmem:s14], [sflag:$0x2] =	stream.linear.gather [hbm4b:s21+s2], $0x20, $0x38;
	[tilespmem:$0x1AC50] =	vst v63  }
0x1eb: {  	s31 =	sadd.s32 s5, s0  }
0x1ec: {  	[tilespmem:s15], [sflag:$0x2] =	stream.linear.gather [hbm4b:s31+s2], $0x1A0, $0x38;
	[tilespmem:$0x1AC50] =	vst v63  }
0x1ed: {  	s0 =	sadd.s32 s7, s0  }
0x1ee: {  	[tilespmem:s16], [sflag:$0x2] =	stream.linear.gather [hbm4b:s0+s2], $0x1A0, $0x38;
	[tilespmem:$0x1AC50] =	vst v63  }
.LBB2_8:
0x1ef: {  	_ =	swait.ge [sflag:s29], $0x1900  }
0x1f0: {  	[sflag:s29] =	ssyncset.done $0x0  }
0x1f1: {  	[sflag:s29] =	ssyncadd.s32 $0xFFFFE700  }
0x1f2: {  	_ =	swait.ge [sflag:s29], $0x1900  }
0x1f3: {  	[sflag:s29] =	ssyncset.done $0x0  }
0x1f4: {  	[sflag:s29] =	ssyncadd.s32 $0xFFFFE700  }
0x1f5: {  	_ =	swait.ge [sflag:s29], $0x140  }
0x1f6: {  	[sflag:s29] =	ssyncset.done $0x0  }
0x1f7: {  	[sflag:s29] =	ssyncadd.s32 $0xFFFFFEC0  }
0x1f8: {  	_ =	swait.ge [sflag:s29], $0x140  }
0x1f9: {  	[sflag:s29] =	ssyncset.done $0x0  }
0x1fa: {  	[sflag:s29] =	ssyncadd.s32 $0xFFFFFEC0  }
0x1fb: {  	_ =	swait.ge [sflag:s29], $0x1900  }
0x1fc: {  	[sflag:s29] =	ssyncset.done $0x0  }
0x1fd: {  	[sflag:s29] =	ssyncadd.s32 $0xFFFFE700  }
0x1fe: {  	_ =	swait.ge [sflag:s29], $0x1900  }
0x1ff: {  	[sflag:s29] =	ssyncset.done $0x0  }
0x200: {  	[sflag:s29] =	ssyncadd.s32 $0xFFFFE700  }
0x201: {  	_ =	swait.ge [sflag:s29], $0x140  }
0x202: {  	[sflag:s29] =	ssyncset.done $0x0  }
0x203: {  	[sflag:s29] =	ssyncadd.s32 $0xFFFFFEC0  }
0x204: {  	_ =	swait.ge [sflag:s29], $0x140  }
0x205: {  	[sflag:s29] =	ssyncset.done $0x0  }
0x206: {  	[sflag:s29] =	ssyncadd.s32 $0xFFFFFEC0  }
0x207: {  	_ =	swait.ge [sflag:s29], $0x1900  }
0x208: {  	[sflag:s29] =	ssyncset.done $0x0  }
0x209: {  	[sflag:s29] =	ssyncadd.s32 $0xFFFFE700  }
0x20a: {  	_ =	swait.ge [sflag:s29], $0x1900  }
0x20b: {  	[sflag:s29] =	ssyncset.done $0x0  }
0x20c: {  	[sflag:s29] =	ssyncadd.s32 $0xFFFFE700  }
0x20d: {  	_ =	swait.ge [sflag:s29], $0x140  }
0x20e: {  	[sflag:s29] =	ssyncset.done $0x0  }
0x20f: {  	[sflag:s29] =	ssyncadd.s32 $0xFFFFFEC0  }
0x210: {  	_ =	swait.ge [sflag:s29], $0x140  }
0x211: {  	[sflag:s29] =	ssyncset.done $0x0  }
0x212: {  	[sflag:s29] =	ssyncadd.s32 $0xFFFFFEC0  }
0x213: {  	_ =	swait.ge [sflag:s29], $0x1900  }
0x214: {  	[sflag:s29] =	ssyncset.done $0x0  }
0x215: {  	[sflag:s29] =	ssyncadd.s32 $0xFFFFE700  }
0x216: {  	_ =	swait.ge [sflag:s29], $0x1900  }
0x217: {  	[sflag:s29] =	ssyncset.done $0x0  }
0x218: {  	[sflag:s29] =	ssyncadd.s32 $0xFFFFE700  }
0x219: {  	_ =	swait.ge [sflag:s29], $0x140  }
0x21a: {  	[sflag:s29] =	ssyncset.done $0x0  }
0x21b: {  	[sflag:s29] =	ssyncadd.s32 $0xFFFFFEC0  }
0x21c: {  	_ =	swait.ge [sflag:s29], $0x140  }
0x21d: {  	s31 =	simm.s32 $0x0;
	[sflag:s29] =	ssyncset.done $0x0  }
0x21e: {  	s0 =	simm.s32 $0xE300;
	s1 =	simm.s32 $0x14700;
	[sflag:s29] =	ssyncadd.s32 $0xFFFFFEC0  }
.LBB2_9:
0x21f: {  	s9 =	smul.u32 $0x140, s31;
	_ =	sdelay $0x1  }
0x220: {  	v1 =	vld [tilespmem:s9+$0xD900];
	_ =	sdelay $0x4  }
0x221: {  	[tilespmem:$0x1FD40] =	vst v1;
	v1 =	vld [tilespmem:s9+$0xDE00];
	_ =	sdelay $0x4  }
0x222: {  	[tilespmem:$0x1FD50] =	vst v1;
	v1 =	vld [tilespmem:s9+$0xD910];
	_ =	sdelay $0x4  }
0x223: {  	[tilespmem:$0x1FD60] =	vst v1;
	v1 =	vld [tilespmem:s9+$0xDE10];
	_ =	sdelay $0x4  }
0x224: {  	[tilespmem:$0x1FD70] =	vst v1;
	v1 =	vld [tilespmem:s9+$0xD920];
	_ =	sdelay $0x4  }
0x225: {  	[tilespmem:$0x1FD80] =	vst v1;
	v1 =	vld [tilespmem:s9+$0xDE20];
	_ =	sdelay $0x4  }
0x226: {  	[tilespmem:$0x1FD90] =	vst v1;
	v1 =	vld [tilespmem:s9+$0xD930];
	_ =	sdelay $0x4  }
0x227: {  	[tilespmem:$0x1FDA0] =	vst v1;
	v1 =	vld [tilespmem:s9+$0xDE30];
	_ =	sdelay $0x4  }
0x228: {  	[tilespmem:$0x1FDB0] =	vst v1;
	v1 =	vld [tilespmem:s9+$0xDE60];
	_ =	sdelay $0x4  }
0x229: {  	[tilespmem:$0x1FDC0] =	vst v1;
	v1 =	vld [tilespmem:s9+$0xD970];
	_ =	sdelay $0x4  }
0x22a: {  	[tilespmem:$0x1FDD0] =	vst v1;
	v1 =	vld [tilespmem:s9+$0xDE70];
	_ =	sdelay $0x4  }
0x22b: {  	[tilespmem:$0x1FDE0] =	vst v1;
	v1 =	vld [tilespmem:s9+$0xD980];
	_ =	sdelay $0x4  }
0x22c: {  	[tilespmem:$0x1FDF0] =	vst v1;
	v1 =	vld [tilespmem:s9+$0xDE80]  }
0x22d: {  	s8 =	simm.s32 $0x1AB00  }
0x22e: {  	v43 =	vld [tilespmem:s8+$0x0]  }
0x22f: {  	v38 =	vld [tilespmem:s9+$0xD940]  }
0x230: {  	v35 =	vld [tilespmem:s9+$0xDE40]  }
0x231: {  	[tilespmem:$0x1FE00] =	vst v1;
	v1 =	vld [tilespmem:s9+$0xD990]  }
0x232: {  	v36 =	vld [tilespmem:s9+$0xD950]  }
0x233: {  	v37 =	vld [tilespmem:s9+$0xDE50]  }
0x234: {  	v31 =	vld [tilespmem:s9+$0xD960]  }
0x235: {  	v23 =	vld [tilespmem:s9+$0xDEB0]  }
0x236: {  	[tilespmem:$0x1FE10] =	vst v1;
	v1 =	vld [tilespmem:s9+$0xDE90]  }
0x237: {  	v24 =	vld [tilespmem:s9+$0xD9C0]  }
0x238: {  	v25 =	vld [tilespmem:s9+$0xDEC0]  }
0x239: {  	v26 =	vld [tilespmem:s9+$0xD9D0]  }
0x23a: {  	v27 =	vld [tilespmem:s9+$0xDED0]  }
0x23b: {  	[tilespmem:$0x1FE20] =	vst v1;
	v1 =	vld [tilespmem:s9+$0xD9A0]  }
0x23c: {  	v28 =	vld [tilespmem:s9+$0xD9E0]  }
0x23d: {  	v29 =	vld [tilespmem:s9+$0xDEE0]  }
0x23e: {  	v30 =	vld [tilespmem:s9+$0xD9F0]  }
0x23f: {  	v41 =	vmov s1;
	v32 =	vld [tilespmem:s9+$0xDA00]  }
0x240: {  	[tilespmem:$0x1FE30] =	vst v1;
	v1 =	vld [tilespmem:s9+$0xDEA0]  }
0x241: {  	v42 =	vmov s0;
	v33 =	vld [tilespmem:s9+$0xDA10]  }
0x242: {  	v34 =	vld [tilespmem:s9+$0xDA20]  }
0x243: {  	s10 =	simm.s32 $0x130;
	v39 =	vld [tilespmem:s9+$0xDA30]  }
0x244: {  	v40 =	vld.idx.msk [tilespmem:v41+s10+$0xFFFFFF40 ss:$0x1], $0xffff  }
0x245: {  	[tilespmem:$0x1FE40] =	vst v1;
	v1 =	vld [tilespmem:s9+$0xD9B0]  }
0x246: {  	v44 =	vld.idx.msk [tilespmem:v42+s10+$0xFFFFFED0 ss:$0x1], $0xffff  }
0x247: {  	v45 =	vld.idx.msk [tilespmem:v41+s10+$0xFFFFFF80 ss:$0x1], $0xffff  }
0x248: {  	v46 =	vld.idx.msk [tilespmem:v42+s10+$0xFFFFFF10 ss:$0x1], $0xffff  }
0x249: {  	v47 =	vld.idx.msk [tilespmem:v41+s10+$0xFFFFFFC0 ss:$0x1], $0xffff  }
0x24a: {  	[tilespmem:$0x1FE50] =	vst v1;
	v1 =	vld [tilespmem:s9+$0xDEF0]  }
0x24b: {  	v48 =	vld.idx.msk [tilespmem:v42+s10+$0xFFFFFEE0 ss:$0x1], $0xffff  }
0x24c: {  	v49 =	vld.idx.msk [tilespmem:v41+s10+$0x0 ss:$0x1], $0xffff  }
0x24d: {  	v50 =	vld.idx.msk [tilespmem:v42+s10+$0xFFFFFF20 ss:$0x1], $0xffff  }
0x24e: {  	v51 =	vld.idx.msk [tilespmem:v42+s10+$0xFFFFFEF0 ss:$0x1], $0xffff  }
0x24f: {  	[tilespmem:$0x1FE60] =	vst v1;
	v1 =	vld [tilespmem:s9+$0xDF00]  }
0x250: {  	v52 =	vld.idx.msk [tilespmem:v42+s10+$0xFFFFFF30 ss:$0x1], $0xffff  }
0x251: {  	v53 =	vld.idx.msk [tilespmem:v42+s10+$0xFFFFFF00 ss:$0x1], $0xffff  }
0x252: {  	v54 =	vld.idx.msk [tilespmem:v42+s10+$0xFFFFFF40 ss:$0x1], $0xffff  }
0x253: {  	v55 =	vld.idx.msk [tilespmem:v41+s10+$0xFFFFFED0 ss:$0x1], $0xffff  }
0x254: {  	[tilespmem:$0x1FE70] =	vst v1;
	v1 =	vld [tilespmem:s9+$0xDF10]  }
0x255: {  	v56 =	vld.idx.msk [tilespmem:v41+s10+$0xFFFFFF10 ss:$0x1], $0xffff  }
0x256: {  	v57 =	vld.idx.msk [tilespmem:v41+s10+$0xFFFFFEE0 ss:$0x1], $0xffff  }
0x257: {  	v58 =	vld.idx.msk [tilespmem:v41+s10+$0xFFFFFF20 ss:$0x1], $0xffff  }
0x258: {  	v59 =	vld.idx.msk [tilespmem:v41+s10+$0xFFFFFEF0 ss:$0x1], $0xffff  }
0x259: {  	[tilespmem:$0x1FE80] =	vst v1;
	v1 =	vld [tilespmem:s9+$0xDF20]  }
0x25a: {  	v60 =	vld.idx.msk [tilespmem:v41+s10+$0xFFFFFF30 ss:$0x1], $0xffff  }
0x25b: {  	v61 =	vld.idx.msk [tilespmem:v42+s10+$0xFFFFFF50 ss:$0x1], $0xffff  }
0x25c: {  	v62 =	vld.idx.msk [tilespmem:v42+s10+$0xFFFFFF60 ss:$0x1], $0xffff  }
0x25d: {  	v9 =	vld.idx.msk [tilespmem:v42+s10+$0xFFFFFF70 ss:$0x1], $0xffff  }
0x25e: {  	[tilespmem:$0x1FE90] =	vst v1;
	v1 =	vld.idx.msk [tilespmem:v41+s10+$0xFFFFFF00 ss:$0x1], $0xffff  }
0x25f: {  	v63 =	vld.idx.msk [tilespmem:v42+s10+$0xFFFFFF80 ss:$0x1], $0xffff  }
0x260: {  	v2 =	vld.idx.msk [tilespmem:v41+s10+$0xFFFFFF50 ss:$0x1], $0xffff  }
0x261: {  	v3 =	vld.idx.msk [tilespmem:v41+s10+$0xFFFFFF60 ss:$0x1], $0xffff  }
0x262: {  	v10 =	vld.idx.msk [tilespmem:v41+s10+$0xFFFFFF70 ss:$0x1], $0xffff  }
0x263: {  	v4 =	vld.idx.msk [tilespmem:v42+s10+$0xFFFFFF90 ss:$0x1], $0xffff;
	v1 =	vadd.f32 v40, v1  }
0x264: {  	v11 =	vld.idx.msk [tilespmem:v42+s10+$0xFFFFFFA0 ss:$0x1], $0xffff  }
0x265: {  	v12 =	vld.idx.msk [tilespmem:v42+s10+$0xFFFFFFB0 ss:$0x1], $0xffff;
	v46 =	vadd.f32 v46, v44;
	v1 =	vadd.f32 v45, v1  }
0x266: {  	v14 =	vld.idx.msk [tilespmem:v42+s10+$0xFFFFFFC0 ss:$0x1], $0xffff;
	v48 =	vadd.f32 v50, v48;
	v51 =	vadd.f32 v52, v51  }
0x267: {  	v17 =	vld.idx.msk [tilespmem:v41+s10+$0xFFFFFF90 ss:$0x1], $0xffff;
	v13 =	vadd.f32 v54, v53;
	v1 =	vadd.f32 v47, v1  }
0x268: {  	v5 =	vld.idx.msk [tilespmem:v41+s10+$0xFFFFFFA0 ss:$0x1], $0xffff;
	v15 =	vadd.f32 v56, v55;
	v16 =	vadd.f32 v58, v57  }
0x269: {  	v18 =	vld.idx.msk [tilespmem:v41+s10+$0xFFFFFFB0 ss:$0x1], $0xffff;
	v46 =	vadd.f32 v61, v46;
	v1 =	vadd.f32 v49, v1  }
0x26a: {  	v19 =	vld.idx.msk [tilespmem:v42+s10+$0xFFFFFFD0 ss:$0x1], $0xffff;
	v48 =	vadd.f32 v62, v48;
	v51 =	vadd.f32 v9, v51  }
0x26b: {  	v6 =	vld.idx.msk [tilespmem:v42+s10+$0xFFFFFFE0 ss:$0x1], $0xffff;
	v52 =	vadd.f32 v63, v13;
	v2 =	vadd.f32 v2, v15;
	v1 =	vmul.f32 v1, v43  }
0x26c: {  	v57 =	vld.idx.msk [tilespmem:v41+s10+$0xFFFFFFD0 ss:$0x1], $0xffff;
	v3 =	vadd.f32 v3, v16;
	v4 =	vadd.f32 v4, v46;
	v45 =	vimm.f32 $0.0e+00  }
0x26d: {  	v55 =	vld.idx.msk [tilespmem:v41+s10+$0xFFFFFFE0 ss:$0x1], $0xffff;
	v44 =	vadd.f32 v1, v45;
	v1 =	vadd.f32 v60, v59  }
0x26e: {  	v50 =	vimm.f32 $0.0e+00;
	v61 =	vld.idx.msk [tilespmem:v42+s10+$0xFFFFFFF0 ss:$0x1], $0xffff;
	v58 =	vadd.f32 v14, v52;
	v54 =	vadd.f32 v17, v2  }
0x26f: {  	v53 =	vadd.f32 v5, v3;
	v46 =	vimm.f32 $0.0e+00;
	v60 =	vld.idx.msk [tilespmem:v42+s10+$0x0 ss:$0x1], $0xffff;
	v1 =	vadd.f32 v10, v1  }
0x270: {  	s21 =	simm.s32 $0x270;
	v56 =	vld.idx.msk [tilespmem:v41+s10+$0xFFFFFFF0 ss:$0x1], $0xffff;
	v47 =	vimm.f32 $0.0e+00;
	v49 =	vadd.f32 v11, v48;
	v59 =	vadd.f32 v12, v51  }
0x271: {  	v62 =	vld.idx.msk [tilespmem:v41+s21+$0xFFFFFF00 ss:$0x1], $0xffff;
	v48 =	vimm.f32 $0.0e+00;
	v52 =	vadd.f32 v18, v1;
	v1 =	vadd.f32 v19, v4  }
0x272: {  	v40 =	vld [tilespmem:s9+$0xDF30];
	s9 =	simm.s32 $0xEC0;
	v63 =	vadd.f32 v6, v49;
	v49 =	vimm.f32 $0.0e+00;
	v51 =	vimm.f32 $0.0e+00  }
.LBB2_10:
0x273: {  	p0 =	sne.s32 s9, $0x63C0;
	v2 =	vld.idx.msk [tilespmem:v41+s21+$0xFFFFFF40 ss:$0x1], $0xffff;
	v1 =	vmul.f32 v1, v43;
	v3 =	vadd.f32 v61, v59  }
0x274: {  	v6 =	vadd.f32 v60, v58;
	v4 =	vld.idx.msk [tilespmem:v42+s21+$0xFFFFFED0 ss:$0x1], $0xffff;
	v5 =	vmul.f32 v63, v43  }
0x275: {  	v58 =	vld.idx.msk [tilespmem:v41+s21+$0xFFFFFF80 ss:$0x1], $0xffff;
	v45 =	vadd.f32 v1, v45;
	v1 =	vmul.f32 v3, v43;
	v3 =	vadd.f32 v57, v54  }
0x276: {  	v54 =	vld.idx.msk [tilespmem:v42+s21+$0xFFFFFF10 ss:$0x1], $0xffff;
	v51 =	vadd.f32 v5, v51;
	v5 =	vmul.f32 v6, v43;
	v6 =	vadd.f32 v55, v53  }
0x277: {  	v53 =	vld.idx.msk [tilespmem:v41+s21+$0xFFFFFFC0 ss:$0x1], $0xffff;
	v50 =	vadd.f32 v1, v50;
	v1 =	vmul.f32 v3, v43;
	v3 =	vadd.f32 v56, v52  }
0x278: {  	v52 =	vld.idx.msk [tilespmem:v42+s21+$0xFFFFFEE0 ss:$0x1], $0xffff;
	v49 =	vadd.f32 v5, v49;
	v5 =	vmul.f32 v6, v43  }
0x279: {  	v2 =	vadd.f32 v2, v62;
	v6 =	vld.idx.msk [tilespmem:v41+s21+$0x0 ss:$0x1], $0xffff;
	v47 =	vadd.f32 v1, v47;
	v1 =	vmul.f32 v3, v43  }
0x27a: {  	v3 =	vld.idx.msk [tilespmem:v42+s21+$0xFFFFFF20 ss:$0x1], $0xffff;
	v48 =	vadd.f32 v5, v48  }
0x27b: {  	s8 =	sadd.s32 $0x10, s8;
	v2 =	vadd.f32 v58, v2;
	v5 =	vld.idx.msk [tilespmem:v42+s21+$0xFFFFFEF0 ss:$0x1], $0xffff;
	v46 =	vadd.f32 v1, v46  }
0x27c: {  	v1 =	vadd.f32 v54, v4;
	v43 =	vld [tilespmem:s8+$0x0]  }
0x27d: {  	v2 =	vadd.f32 v53, v2;
	v4 =	vld.idx.msk [tilespmem:v42+s21+$0xFFFFFF30 ss:$0x1], $0xffff  }
0x27e: {  	v53 =	vld.idx.msk [tilespmem:v42+s21+$0xFFFFFF00 ss:$0x1], $0xffff  }
0x27f: {  	v2 =	vadd.f32 v6, v2;
	v54 =	vld.idx.msk [tilespmem:v42+s21+$0xFFFFFF40 ss:$0x1], $0xffff  }
0x280: {  	v3 =	vadd.f32 v3, v52;
	v6 =	vld.idx.msk [tilespmem:v41+s21+$0xFFFFFED0 ss:$0x1], $0xffff  }
0x281: {  	v52 =	vld.idx.msk [tilespmem:v41+s21+$0xFFFFFF10 ss:$0x1], $0xffff;
	v2 =	vmul.f32 v2, v43  }
0x282: {  	v55 =	vld.idx.msk [tilespmem:v41+s21+$0xFFFFFEE0 ss:$0x1], $0xffff  }
0x283: {  	v4 =	vadd.f32 v4, v5;
	v5 =	vld.idx.msk [tilespmem:v41+s21+$0xFFFFFF20 ss:$0x1], $0xffff;
	v44 =	vadd.f32 v2, v44  }
0x284: {  	v2 =	vld.idx.msk [tilespmem:v41+s21+$0xFFFFFEF0 ss:$0x1], $0xffff  }
0x285: {  	v53 =	vadd.f32 v54, v53;
	v54 =	vld.idx.msk [tilespmem:v41+s21+$0xFFFFFF30 ss:$0x1], $0xffff  }
0x286: {  	v56 =	vld.idx.msk [tilespmem:v42+s21+$0xFFFFFF50 ss:$0x1], $0xffff  }
0x287: {  	v6 =	vadd.f32 v52, v6;
	v57 =	vld.idx.msk [tilespmem:v42+s21+$0xFFFFFF60 ss:$0x1], $0xffff  }
0x288: {  	v52 =	vld.idx.msk [tilespmem:v42+s21+$0xFFFFFF70 ss:$0x1], $0xffff  }
0x289: {  	v5 =	vadd.f32 v5, v55;
	v58 =	vld.idx.msk [tilespmem:v42+s21+$0xFFFFFF80 ss:$0x1], $0xffff  }
0x28a: {  	v55 =	vld.idx.msk [tilespmem:v41+s21+$0xFFFFFF50 ss:$0x1], $0xffff  }
0x28b: {  	v2 =	vadd.f32 v54, v2;
	v59 =	vld.idx.msk [tilespmem:v41+s21+$0xFFFFFF60 ss:$0x1], $0xffff  }
0x28c: {  	v1 =	vadd.f32 v56, v1;
	v54 =	vld.idx.msk [tilespmem:v41+s21+$0xFFFFFF70 ss:$0x1], $0xffff  }
0x28d: {  	v3 =	vadd.f32 v57, v3;
	v56 =	vld.idx.msk [tilespmem:v42+s21+$0xFFFFFF90 ss:$0x1], $0xffff  }
0x28e: {  	v4 =	vadd.f32 v52, v4;
	v57 =	vld.idx.msk [tilespmem:v42+s21+$0xFFFFFFA0 ss:$0x1], $0xffff  }
0x28f: {  	v53 =	vadd.f32 v58, v53;
	v52 =	vld.idx.msk [tilespmem:v42+s21+$0xFFFFFFB0 ss:$0x1], $0xffff  }
0x290: {  	v6 =	vadd.f32 v55, v6;
	v58 =	vld.idx.msk [tilespmem:v42+s21+$0xFFFFFFC0 ss:$0x1], $0xffff  }
0x291: {  	v5 =	vadd.f32 v59, v5;
	v55 =	vld.idx.msk [tilespmem:v41+s21+$0xFFFFFF90 ss:$0x1], $0xffff  }
0x292: {  	v2 =	vadd.f32 v54, v2;
	v62 =	vld.idx.msk [tilespmem:v41+s21+$0xFFFFFFA0 ss:$0x1], $0xffff  }
0x293: {  	v1 =	vadd.f32 v56, v1;
	v56 =	vld.idx.msk [tilespmem:v41+s21+$0xFFFFFFB0 ss:$0x1], $0xffff  }
0x294: {  	v3 =	vadd.f32 v57, v3;
	v63 =	vld.idx.msk [tilespmem:v42+s21+$0xFFFFFFD0 ss:$0x1], $0xffff  }
0x295: {  	v59 =	vadd.f32 v52, v4;
	v7 =	vld.idx.msk [tilespmem:v42+s21+$0xFFFFFFE0 ss:$0x1], $0xffff  }
0x296: {  	v58 =	vadd.f32 v58, v53;
	v61 =	vld.idx.msk [tilespmem:v42+s21+$0xFFFFFFF0 ss:$0x1], $0xffff  }
.Ltmp3:
0x297: {  	v54 =	vadd.f32 v55, v6;
	v60 =	vld.idx.msk [tilespmem:v42+s21+$0x0 ss:$0x1], $0xffff;
	(pc) =	sbr.rel @p0 .LBB2_10-.Ltmp3, $4  }
0x298: {  	v53 =	vadd.f32 v62, v5;
	v57 =	vld.idx.msk [tilespmem:v41+s21+$0xFFFFFFD0 ss:$0x1], $0xffff  }
0x299: {  	v52 =	vadd.f32 v56, v2;
	v55 =	vld.idx.msk [tilespmem:v41+s21+$0xFFFFFFE0 ss:$0x1], $0xffff  }
0x29a: {  	v1 =	vadd.f32 v63, v1;
	v56 =	vld.idx.msk [tilespmem:v41+s21+$0xFFFFFFF0 ss:$0x1], $0xffff;
	s21 =	sshra.s32 s9, $0x2  }
0x29b: {  	s9 =	sadd.s32 $0x500, s9;
	v63 =	vadd.f32 v7, v3;
	v62 =	vld.idx.msk [tilespmem:v41+s21+$0xFFFFFF00 ss:$0x1], $0xffff  }
0x29c: {  	_ =	sdelay $0x3  }
0x29d: {  	v2 =	vld.idx.msk [tilespmem:v41+s21+$0xFFFFFF40 ss:$0x1], $0xffff  }
0x29e: {  	v3 =	vld.idx.msk [tilespmem:v42+s21+$0xFFFFFED0 ss:$0x1], $0xffff  }
0x29f: {  	v4 =	vld.idx.msk [tilespmem:v41+s21+$0xFFFFFF80 ss:$0x1], $0xffff  }
0x2a0: {  	v5 =	vld.idx.msk [tilespmem:v42+s21+$0xFFFFFF10 ss:$0x1], $0xffff  }
0x2a1: {  	v6 =	vld.idx.msk [tilespmem:v41+s21+$0xFFFFFFC0 ss:$0x1], $0xffff  }
0x2a2: {  	v7 =	vld.idx.msk [tilespmem:v42+s21+$0xFFFFFEE0 ss:$0x1], $0xffff  }
0x2a3: {  	v8 =	vld.idx.msk [tilespmem:v41+s21+$0x0 ss:$0x1], $0xffff  }
0x2a4: {  	v9 =	vld.idx.msk [tilespmem:v42+s21+$0xFFFFFF20 ss:$0x1], $0xffff  }
0x2a5: {  	v10 =	vld.idx.msk [tilespmem:v42+s21+$0xFFFFFEF0 ss:$0x1], $0xffff  }
0x2a6: {  	v12 =	vld.idx.msk [tilespmem:v42+s21+$0xFFFFFF30 ss:$0x1], $0xffff  }
0x2a7: {  	v13 =	vld.idx.msk [tilespmem:v42+s21+$0xFFFFFF00 ss:$0x1], $0xffff  }
0x2a8: {  	v14 =	vld.idx.msk [tilespmem:v42+s21+$0xFFFFFF40 ss:$0x1], $0xffff  }
0x2a9: {  	v15 =	vld.idx.msk [tilespmem:v41+s21+$0xFFFFFED0 ss:$0x1], $0xffff  }
0x2aa: {  	v16 =	vld.idx.msk [tilespmem:v41+s21+$0xFFFFFF10 ss:$0x1], $0xffff  }
0x2ab: {  	v17 =	vld.idx.msk [tilespmem:v41+s21+$0xFFFFFEE0 ss:$0x1], $0xffff  }
0x2ac: {  	v18 =	vld.idx.msk [tilespmem:v41+s21+$0xFFFFFF20 ss:$0x1], $0xffff  }
0x2ad: {  	v19 =	vld.idx.msk [tilespmem:v41+s21+$0xFFFFFEF0 ss:$0x1], $0xffff  }
0x2ae: {  	v20 =	vld.idx.msk [tilespmem:v41+s21+$0xFFFFFF30 ss:$0x1], $0xffff  }
0x2af: {  	v21 =	vld.idx.msk [tilespmem:v42+s21+$0xFFFFFF50 ss:$0x1], $0xffff  }
0x2b0: {  	v22 =	vld.idx.msk [tilespmem:v42+s21+$0xFFFFFF60 ss:$0x1], $0xffff  }
0x2b1: {  	v59 =	vadd.f32 v61, v59;
	v61 =	vld.idx.msk [tilespmem:v42+s21+$0xFFFFFF70 ss:$0x1], $0xffff  }
0x2b2: {  	s8 =	sadd.s32 $0x10, s8;
	v1 =	vmul.f32 v1, v43;
	v58 =	vadd.f32 v60, v58;
	v60 =	vld.idx.msk [tilespmem:v42+s21+$0xFFFFFF80 ss:$0x1], $0xffff  }
0x2b3: {  	v11 =	vld [tilespmem:s8+$0x0]  }
0x2b4: {  	v54 =	vadd.f32 v57, v54;
	v57 =	vld.idx.msk [tilespmem:v41+s21+$0xFFFFFFB0 ss:$0x1], $0xffff;
	v1 =	vadd.f32 v1, v45;
	v45 =	vmul.f32 v63, v43  }
0x2b5: {  	v52 =	vadd.f32 v56, v52;
	v56 =	vld.idx.msk [tilespmem:v41+s21+$0xFFFFFF70 ss:$0x1], $0xffff  }
0x2b6: {  	v45 =	vadd.f32 v45, v51;
	v51 =	vadd.f32 v55, v53;
	v55 =	vld.idx.msk [tilespmem:v41+s21+$0xFFFFFF60 ss:$0x1], $0xffff  }
0x2b7: {  	v2 =	vadd.f32 v2, v62;
	v62 =	vmul.f32 v59, v43;
	v59 =	vmul.f32 v54, v43;
	v54 =	vld.idx.msk [tilespmem:v42+s21+$0xFFFFFF90 ss:$0x1], $0xffff  }
0x2b8: {  	v3 =	vadd.f32 v5, v3;
	v5 =	vld.idx.msk [tilespmem:v42+s21+$0xFFFFFFC0 ss:$0x1], $0xffff  }
0x2b9: {  	v2 =	vadd.f32 v4, v2;
	v4 =	vld.idx.msk [tilespmem:v41+s21+$0xFFFFFF50 ss:$0x1], $0xffff  }
0x2ba: {  	v7 =	vadd.f32 v9, v7;
	v47 =	vadd.f32 v59, v47;
	v59 =	vld.idx.msk [tilespmem:v42+s21+$0xFFFFFFD0 ss:$0x1], $0xffff  }
0x2bb: {  	v63 =	vmul.f32 v58, v43;
	v58 =	vadd.f32 v20, v19;
	v3 =	vadd.f32 v21, v3;
	v21 =	vld.idx.msk [tilespmem:v41+s21+$0xFFFFFFD0 ss:$0x1], $0xffff  }
0x2bc: {  	v50 =	vadd.f32 v62, v50;
	v7 =	vadd.f32 v22, v7;
	v22 =	vld.idx.msk [tilespmem:v41+s21+$0xFFFFFFE0 ss:$0x1], $0xffff  }
0x2bd: {  	v62 =	vmul.f32 v52, v43;
	v52 =	vadd.f32 v16, v15;
	v16 =	vadd.f32 v56, v58;
	v56 =	vld [tilespmem:$0x1FD80]  }
0x2be: {  	v51 =	vmul.f32 v51, v43;
	v2 =	vadd.f32 v6, v2;
	v6 =	vadd.f32 v63, v49;
	v49 =	vld.idx.msk [tilespmem:v42+s21+$0xFFFFFFB0 ss:$0x1], $0xffff  }
0x2bf: {  	v53 =	vadd.f32 v18, v17;
	v63 =	vadd.f32 v12, v10;
	v10 =	vld.idx.msk [tilespmem:v41+s21+$0xFFFFFF90 ss:$0x1], $0xffff  }
0x2c0: {  	v48 =	vadd.f32 v51, v48;
	v51 =	vld.idx.msk [tilespmem:v41+s21+$0xFFFFFFA0 ss:$0x1], $0xffff;
	v46 =	vadd.f32 v62, v46  }
0x2c1: {  	v62 =	vld.idx.msk [tilespmem:v42+s21+$0xFFFFFFF0 ss:$0x1], $0xffff;
	v3 =	vadd.f32 v54, v3;
	v2 =	vadd.f32 v8, v2  }
0x2c2: {  	v54 =	vld [tilespmem:$0x1FD60];
	v9 =	vadd.f32 v61, v63;
	v4 =	vadd.f32 v4, v52  }
0x2c3: {  	v8 =	vld.idx.msk [tilespmem:v42+s21+$0xFFFFFFA0 ss:$0x1], $0xffff;
	v3 =	vadd.f32 v59, v3;
	v2 =	vmul.f32 v2, v11;
	v12 =	vadd.f32 $0.0e+00, v56  }
0x2c4: {  	v58 =	vld [tilespmem:$0x1FDA0];
	v9 =	vadd.f32 v49, v9;
	v4 =	vadd.f32 v10, v4  }
0x2c5: {  	v41 =	vld.idx.msk [tilespmem:v41+s21+$0xFFFFFFF0 ss:$0x1], $0xffff;
	v43 =	vadd.f32 v2, v44;
	v2 =	vadd.f32 v14, v13  }
0x2c6: {  	v61 =	vld.idx.msk [tilespmem:v42+s21+$0xFFFFFFE0 ss:$0x1], $0xffff;
	v14 =	vadd.f32 v55, v53;
	v44 =	vadd.f32 v57, v16  }
0x2c7: {  	v59 =	vld [tilespmem:$0x1FDB0];
	v3 =	vmul.f32 v3, v11;
	v10 =	vadd.f32 $0.0e+00, v54;
	v12 =	vadd.f32 v31, v12  }
0x2c8: {  	v63 =	vld.idx.msk [tilespmem:v42+s21+$0x0 ss:$0x1], $0xffff;
	v7 =	vadd.f32 v8, v7;
	v9 =	vadd.f32 v62, v9  }
0x2c9: {  	v53 =	vld [tilespmem:$0x1FD50];
	v1 =	vadd.f32 v3, v1;
	v3 =	vadd.f32 v21, v4  }
0x2ca: {  	v57 =	vld [tilespmem:$0x1FD90];
	v2 =	vadd.f32 v60, v2;
	v42 =	vadd.f32 v51, v14  }
0x2cb: {  	v31 =	vld [tilespmem:$0x1FE30];
	v10 =	vadd.f32 v36, v10;
	v14 =	vadd.f32 $0.0e+00, v58  }
0x2cc: {  	v62 =	vld [tilespmem:$0x1FDE0];
	v15 =	vadd.f32 $0.0e+00, v59;
	v7 =	vadd.f32 v61, v7  }
0x2cd: {  	v21 =	vld [tilespmem:$0x1FE10];
	v51 =	vmul.f32 v9, v11;
	v3 =	vmul.f32 v3, v11;
	v2 =	vadd.f32 v5, v2  }
0x2ce: {  	v49 =	vadd.f32 v22, v42;
	v5 =	vadd.f32 v41, v44  }
0x2cf: {  	v60 =	vld [tilespmem:$0x1FDC0];
	v8 =	vadd.f32 v51, v50;
	v3 =	vadd.f32 v3, v47  }
0x2d0: {  	v55 =	vld [tilespmem:$0x1FD70];
	v9 =	vadd.f32 $0.0e+00, v53;
	v13 =	vadd.f32 $0.0e+00, v57  }
0x2d1: {  	v61 =	vld [tilespmem:$0x1FDD0];
	v7 =	vmul.f32 v7, v11;
	v12 =	vadd.f32 v31, v12;
	v2 =	vadd.f32 v63, v2  }
0x2d2: {  	v4 =	vmul.f32 v49, v11;
	v15 =	vadd.f32 v62, v15;
	v10 =	vadd.f32 v21, v10  }
0x2d3: {  	v20 =	vld [tilespmem:$0x1FE00];
	v5 =	vmul.f32 v5, v11;
	v7 =	vadd.f32 v7, v45;
	v9 =	vadd.f32 v35, v9  }
0x2d4: {  	v52 =	vld [tilespmem:$0x1FD40];
	v13 =	vadd.f32 v60, v13;
	v12 =	vadd.f32 v28, v12  }
0x2d5: {  	v36 =	vld [tilespmem:$0x1FE50];
	v4 =	vadd.f32 v4, v48;
	v5 =	vadd.f32 v5, v46  }
0x2d6: {  	v22 =	vld [tilespmem:$0x1FE20];
	v2 =	vmul.f32 v2, v11;
	v11 =	vadd.f32 $0.0e+00, v55;
	v14 =	vadd.f32 v61, v14  }
0x2d7: {  	v41 =	vld [tilespmem:$0x1FE70];
	v15 =	vadd.f32 v23, v15;
	v10 =	vadd.f32 v26, v10  }
0x2d8: {  	v35 =	vld [tilespmem:$0x1FE40];
	v9 =	vadd.f32 v20, v9;
	v12 =	vadd.f32 v34, v12  }
0x2d9: {  	v63 =	vld [tilespmem:$0x1FDF0];
	v2 =	vadd.f32 v2, v6;
	v6 =	vadd.f32 $0.0e+00, v52  }
0x2da: {  	v11 =	vadd.f32 v37, v11;
	v14 =	vadd.f32 v36, v14  }
0x2db: {  	v10 =	vadd.f32 v33, v10;
	v9 =	vadd.f32 v25, v9;
	v44 =	vmul.f32 v8, v12  }
0x2dc: {  	v42 =	vld [tilespmem:$0x1FE80];
	v52 =	vmul.f32 v5, v12;
	v6 =	vadd.f32 v38, v6;
	v11 =	vadd.f32 v22, v11  }
0x2dd: {  	v46 =	vld [tilespmem:$0x1FE90];
	v56 =	vmul.f32 v12, v12;
	v13 =	vadd.f32 v35, v13;
	v14 =	vadd.f32 v30, v14  }
0x2de: {  	v50 =	vmul.f32 v4, v10;
	v9 =	vadd.f32 v41, v9;
	v6 =	vadd.f32 v63, v6  }
0x2df: {  	v37 =	vld [tilespmem:$0x1FE60];
	v4 =	vmul.f32 v4, v4;
	v11 =	vadd.f32 v27, v11;
	v13 =	vadd.f32 v29, v13  }
0x2e0: {  	v14 =	vadd.f32 v39, v14;
	v39 =	vmul.f32 v7, v10;
	v10 =	vmul.f32 v10, v10  }
0x2e1: {  	v47 =	vmul.f32 v1, v9;
	v9 =	vmul.f32 v9, v9;
	v6 =	vadd.f32 v24, v6  }
0x2e2: {  	v11 =	vadd.f32 v42, v11;
	v45 =	vmul.f32 v2, v14;
	v13 =	vadd.f32 v46, v13  }
0x2e3: {  	v54 =	vmul.f32 v43, v14;
	v57 =	vmul.f32 v14, v14;
	v6 =	vadd.f32 v32, v6  }
0x2e4: {  	v15 =	vadd.f32 v37, v15;
	v48 =	vmul.f32 v7, v11;
	v51 =	vmul.f32 v8, v13  }
0x2e5: {  	v7 =	vmul.f32 v7, v7;
	v38 =	vmul.f32 v1, v6  }
0x2e6: {  	v15 =	vadd.f32 v40, v15;
	v58 =	vmul.f32 v11, v11;
	v49 =	vmul.f32 v3, v6  }
0x2e7: {  	v19 =	vadd.f32 v48, v47;
	v6 =	vmul.f32 v6, v6;
	v16 =	vadd.f32 v39, v38  }
0x2e8: {  	v1 =	vmul.f32 v1, v1;
	v59 =	vadd.f32 v58, v9;
	v17 =	vadd.f32 v50, v49  }
0x2e9: {  	v8 =	vmul.f32 v8, v8;
	v19 =	vadd.f32 v51, v19;
	v16 =	vadd.f32 v44, v16  }
0x2ea: {  	v53 =	vmul.f32 v2, v15;
	v6 =	vadd.f32 v10, v6;
	v1 =	vadd.f32 v7, v1  }
0x2eb: {  	v60 =	vmul.f32 v13, v13;
	v17 =	vadd.f32 v52, v17;
	v16 =	vadd.f32 v45, v16  }
0x2ec: {  	v3 =	vmul.f32 v3, v3;
	v55 =	vadd.f32 v53, v19;
	v6 =	vadd.f32 v56, v6  }
0x2ed: {  	v2 =	vmul.f32 v2, v2;
	v1 =	vadd.f32 v8, v1;
	v17 =	vadd.f32 v54, v17;
	(xrf2) =	vadd.scan.msk.f32 $0xffff, v16  }
0x2ee: {  	v61 =	vmul.f32 v5, v5;
	v3 =	vadd.f32 v4, v3;
	v6 =	vadd.f32 v57, v6;
	(xrf2) =	vadd.scan.msk.f32 $0xffff, v55  }
0x2ef: {  	v62 =	vmul.f32 v15, v15;
	v1 =	vadd.f32 v2, v1;
	v2 =	vadd.f32 v60, v59;
	(xrf2) =	vadd.scan.msk.f32 $0xffff, v17  }
0x2f0: {  	v63 =	vmul.f32 v43, v43;
	v3 =	vadd.f32 v61, v3;
	(xrf2) =	vadd.scan.msk.f32 $0xffff, v6  }
0x2f1: {  	(xrf2) =	vadd.scan.msk.f32 $0xffff, v1;
	v1 =	vadd.f32 v62, v2  }
0x2f2: {  	v2 =	vadd.f32 v63, v3  }
0x2f3: {  	(xrf2) =	vadd.scan.msk.f32 $0xffff, v1  }
0x2f4: {  	(xrf2) =	vadd.scan.msk.f32 $0xffff, v2;
	_ =	sdelay $0x2  }
0x2f5: {  	v1, _, _ =	vpop (xrf2)  }
0x2f6: {  	v2, _, _ =	vpop (xrf2);
	(v2sf) =	vpush v1, $0xF  }
0x2f7: {  	v1, _, _ =	vpop (xrf2);
	(v2sf) =	vpush v2, $0xF  }
0x2f8: {  	v2, _, _ =	vpop (xrf2);
	(v2sf) =	vpush v1, $0xF  }
0x2f9: {  	v1, _, _ =	vpop (xrf2);
	(v2sf) =	vpush v2, $0xF  }
0x2fa: {  	(v2sf) =	vpush v1, $0xF  }
0x2fb: {  	v1, _, _ =	vpop (xrf2)  }
0x2fc: {  	(v2sf) =	vpush v1, $0xF;
	v1, _, _ =	vpop (xrf2)  }
0x2fd: {  	(v2sf) =	vpush v1, $0xF;
	_ =	sdelay $0x7  }
0x2fe: {  	s8 =	spop (v2sf)  }
0x2ff: {  	s9 =	spop (v2sf)  }
0x300: {  	s10 =	spop (v2sf)  }
0x301: {  	s11 =	spop (v2sf)  }
0x302: {  	s12 =	spop (v2sf)  }
0x303: {  	s17 =	smul.f32 s12, s11  }
0x304: {  	s21 =	spop (v2sf)  }
0x305: {  	s12 =	smul.f32 s12, s21;
	s21 =	spop (v2sf);
	v1 =	vmov s17  }
0x306: {  	s11 =	smul.f32 s21, s11;
	v1 =	vnsel vm0, $0x3F800000, v1  }
0x307: {  	v1 =	vsel vm1, s12, v1  }
0x308: {  	v1 =	vsel vm2, s11, v1  }
0x309: {  	v1 =	vmax.f32 v1, $1.000000000e-30  }
0x30a: {  	v2 =	vshra.s32 v1, $0x1;
	v1 =	vmul.f32 $5.000000000e-01, v1  }
0x30b: {  	v2 =	vsub.s32 $0x5F3759DF, v2  }
0x30c: {  	v3 =	vmul.f32 v2, v1;
	_ =	sdelay $0x1  }
0x30d: {  	v3 =	vmul.f32 v2, v3;
	_ =	sdelay $0x1  }
0x30e: {  	v3 =	vsub.f32 $1.500000000e+00, v3;
	_ =	sdelay $0x1  }
0x30f: {  	v2 =	vmul.f32 v2, v3;
	_ =	sdelay $0x1  }
0x310: {  	v3 =	vmul.f32 v2, v1;
	_ =	sdelay $0x1  }
0x311: {  	v3 =	vmul.f32 v3, v2;
	_ =	sdelay $0x1  }
0x312: {  	v3 =	vsub.f32 $1.500000000e+00, v3;
	_ =	sdelay $0x1  }
0x313: {  	v2 =	vmul.f32 v3, v2;
	_ =	sdelay $0x1  }
0x314: {  	v1 =	vmul.f32 v2, v1;
	_ =	sdelay $0x1  }
0x315: {  	s8 =	ssub.f32 $0.0e+00, s8;
	v1 =	vmul.f32 v1, v2;
	_ =	sdelay $0x1  }
0x316: {  	s31 =	sadd.s32 $0x1, s31;
	s9 =	smul.f32 $5.000000000e-01, s9;
	v3 =	vmov s8;
	v1 =	vsub.f32 $1.500000000e+00, v1  }
0x317: {  	p0 =	sne.s32 s31, $0x4;
	s21 =	smul.f32 $5.000000000e-01, s10;
	v3 =	vnsel vm0, $0x0, v3  }
.Ltmp4:
0x318: {  	v1 =	vmul.f32 v1, v2;
	v2 =	vsel vm1, s9, v3;
	(pc) =	sbr.rel @p0 .LBB2_9-.Ltmp4, $3  }
0x319: {  	v2 =	vsel vm2, s21, v2  }
0x31a: {  	v1 =	vmul.f32 v1, v2;
	_ =	sdelay $0x1  }
0x31b: {  	s0 =	sadd.s32 $0x1900, s0;
	s1 =	sadd.s32 $0x1900, s1;
	v0 =	vadd.f32 v1, v0  }
0x31c: {  	s30 =	sadd.s32 $0x1, s30  }
0x31d: {  	p0 =	sne.s32 s30, $0x10  }
.Ltmp5:
0x31e: {  	_ = 	snop;
	(pc) =	sbr.rel @p0 .LBB2_2-.Ltmp5, $1  }
0x31f: {  	_ =	sdelay $0x3  }
0x320: {  	v0 =	vmul.f32 $2.441406250e-04, v0;
	_ =	sdelay $0x1  }
0x321: {  	s0 =	rddreg [dreg:$0xd];
	s1 =	simm.s32 $0x1AC40;
	[tilespmem:$0x1AC40] =	vst v0  }
0x322: {  	[hbm4b:s0+s2] =	stream.linear.scatter [tilespmem:s1], [sflag:$0x5], $0x10, $0x38;
	[tilespmem:$0x1AC50] =	vst v63  }
0x323: {  	_ =	swait.ge [sflag:s22], $0x10  }
0x324: {  	s30 =	rddreg [dreg:$0xf]  }
0x325: {  	s31 =	rddreg [dreg:$0xe];
	s1 =	sadd.s32 $0x1, s30  }
0x326: {  	p0 =	sne.s32 s1, s31  }
.Ltmp6:
0x327: {  	_ = 	snop;
	(pc) =	sbr.rel @p0 .LBB2_1-.Ltmp6, $3  }
0x328: {  	_ =	sdelay $0x1  }
0x329: {  	[sflag:s22] =	ssyncset.done $0x0  }
0x32a: {  	[sflag:s22] =	ssyncadd.s32 $0xFFFFFFF0  }
0x32b: {  	_ =	sfence.sel $0x180000  }
0x32c: {  	[bflag:$0x0] =	sbarrier.arrive $0xFFFF  }
0x32d: {  	_ =	strace $0x90000047  }
0x32e: {  	s0 =	stileid.u32;
	[bflag:$0x2] =	sbarrier.arrive $0xFFFF  }
0x32f: {  	p0 =	sne.s32 s0, $0x0;
	s0 =	rddreg [dreg:$0x1]  }
0x330: {  	s0 =	sadd.s32 @!p0 $0x100000, s0  }
0x331: {  	[sflag:s0] =	ssyncadd.tile.s32 @!p0 $0x1;
	_ =	shalt  }
.Lfunc_end2:
_tile_overlayer_lowered:
.L_overlay_start_2:
0x332: {  	(tag) =	ssettag $0x2  }
0x333: {  	s0 =	rddreg [dreg:$0x0];
	s2 =	stileid.u32  }
0x334: {  	s1 =	rddreg [dreg:$0x1];
	p0 =	sne.s32 s2, $0x0  }
0x335: {  	s3 =	rddreg [dreg:$0x2];
	[bflag:$0x3] =	sbarrier.arrive $0xFFFF;
	s2 =	simm.s32 @!p0 $0x1C05  }
0x336: {  	[timem:s3], [sflag:s2] =	dma.local @!p0 [hbm:s0], s1  }
0x337: {  	s0 =	simm.s32 @!p0 $0x5  }
0x338: {  	_ =	swait.ge @!p0 [sflag:s0], s1  }
0x339: {  	s1 =	ssub.s32 @!p0 $0x0, s1;
	[sflag:s0] =	ssyncset.done @!p0 $0x0  }
0x33a: {  	[sflag:s0] =	ssyncadd.s32 @!p0 s1  }
0x33b: {  	[bflag:$0x3] =	sbarrier.arrive $0xFFFF  }
0x33c: {  	_ =	shalt  }

</sc_bundles>
